<compile_context>
chip_gen: v7x
topology: tpu7x:2x2x1
jax: 0.10.2.dev20260603
libtpu: 0.0.44.dev20260713+nightly
codegen_flags: <defaults>
</compile_context>

<pallas_src>
import functools

import jax
import jax.numpy as jnp
import numpy as np
from jax import lax
from jax.experimental import pallas as pl
from jax.experimental.pallas import tpu as pltpu
from jax.experimental.pallas import tpu_sc as plsc

_B = 4
_N = 2048
_TOP = 21
_NBR = 20
_KATT = 16
_D = 128
_PC = 128
_PCS = 16
_BLK = 256
_IDXW = 32

def _mm(a, b):
    return jnp.dot(a.astype(jnp.bfloat16), b.astype(jnp.bfloat16),
                   preferred_element_type=jnp.float32)


def _r(x):
    return x.astype(jnp.bfloat16).astype(jnp.float32)


_SC_NC, _SC_NS = 2, 16
_NW = _SC_NC * _SC_NS
_CH = 128


def _topk_body(xyzT_ref, vert_ref, idx_ref):
    b = pl.program_id(0)
    va = xyzT_ref[0]
    vb = vert_ref[0]
    va0, va1, va2 = va[0:1, :], va[1:2, :], va[2:3, :]
    vb0, vb1, vb2 = vb[:, 0:1], vb[:, 1:2], vb[:, 2:3]
    inner = (_r(vb0) * _r(va0) + _r(vb1) * _r(va1)
             + _r(vb2) * _r(va2))
    qa = va0 * va0 + va1 * va1 + va2 * va2
    qb = vb0 * vb0 + vb1 * vb1 + vb2 * vb2
    d = -2.0 * inner + qa + qb
    iota = lax.broadcasted_iota(
        jnp.int32, (_BLK, _N), 1).astype(jnp.float32)
    fn = jnp.float32(_N)
    cols = []
    for _ in range(_TOP):
        m = jnp.min(d, axis=1, keepdims=True)
        cand = jnp.where(d == m, iota, fn)
        i = jnp.min(cand, axis=1, keepdims=True)
        cols.append(i)
        d = jnp.where(iota == i, jnp.inf, d)
    idx = jnp.concatenate(cols, axis=1).astype(jnp.int32)
    idx = jnp.concatenate(
        [idx, jnp.zeros((_BLK, _IDXW - _TOP), jnp.int32)], axis=1)
    idx_ref[0] = idx + b * _N


def _topk(xyz, vertices, nb):
    return pl.pallas_call(
        _topk_body,
        grid=(nb, _N // _BLK),
        in_specs=[
            pl.BlockSpec((1, 3, _N), lambda b, n: (b, 0, 0)),
            pl.BlockSpec((1, _BLK, 3), lambda b, n: (b, n, 0)),
        ],
        out_specs=pl.BlockSpec((1, _BLK, _IDXW), lambda b, n: (b, n, 0)),
        out_shape=jax.ShapeDtypeStruct((nb, _N, _IDXW), jnp.int32),
    )(xyz, vertices)


def _sc_gather(tables, idx_flat, ns=2):
    nt = len(tables)
    rows = idx_flat.shape[0]
    per_w = rows // _NW
    n_ch = per_w // _CH
    mesh = plsc.VectorSubcoreMesh(core_axis_name="c", subcore_axis_name="s")
    out_type = [jax.ShapeDtypeStruct((rows, t.shape[1]), t.dtype)
                for t in tables]
    assert n_ch % ns == 0
    scratch = ([pltpu.VMEM((per_w,), jnp.int32)]
               + [pltpu.VMEM((_CH, t.shape[1]), jnp.float32)
                  for t in tables for _ in range(ns)]
               + [pltpu.SemaphoreType.DMA] * (2 * ns))

    @functools.partial(pl.kernel, mesh=mesh, out_type=out_type,
                       scratch_types=scratch)
    def gath(idx_hbm, *rest):
        tabs = rest[:nt]
        outs = rest[nt:2 * nt]
        idx_v = rest[2 * nt]
        bufs = rest[2 * nt + 1:2 * nt + 1 + ns * nt]
        gsem = rest[-2 * ns:-ns]
        ssem = rest[-ns:]
        wid = lax.axis_index("s") * _SC_NC + lax.axis_index("c")
        base = wid * per_w
        pltpu.sync_copy(idx_hbm.at[pl.ds(base, per_w)], idx_v)

        def body(p, carry):
            gh, sh = [], []
            for s in range(ns):
                c = ns * p + s
                ix = idx_v.at[pl.ds(c * _CH, _CH)]
                gh.append([pltpu.async_copy(tabs[t].at[ix],
                                            bufs[ns * t + s], gsem[s])
                           for t in range(nt)])
            for s in range(ns):
                c = ns * p + s
                off = base + c * _CH
                for t in range(nt):
                    gh[s][t].wait()
                    sh.append(pltpu.async_copy(
                        bufs[ns * t + s], outs[t].at[pl.ds(off, _CH)],
                        ssem[s]))
            for h in sh:
                h.wait()
            return carry

        lax.fori_loop(0, n_ch // ns, body, 0)

    res = gath(idx_flat, *tables)
    return res if isinstance(res, (list, tuple)) else [res]


def _conv1_body(nbr_ref, vert_ref, dir0_ref, w1_ref, b1_ref,
                cen_ref, supp_ref, ndn_ref):
    vert = vert_ref[0]
    d0 = dir0_ref[...]
    n0 = jnp.sqrt(jnp.sum(d0 * d0, axis=0, keepdims=True))
    d0p = jnp.concatenate(
        [d0 / jnp.maximum(n0, 1e-12),
         jnp.zeros((_PC - 3, _D), jnp.float32)], axis=0)
    en = _NBR * _BLK
    nbrf = nbr_ref[1:_TOP].reshape(_NBR, _BLK, _PC).reshape(en, _PC)
    vertf = jnp.broadcast_to(vert[None], (_NBR, _BLK, _PC)).reshape(en, _PC)
    diff = nbrf - vertf
    nrm = jnp.sqrt(jnp.sum(diff * diff, axis=1, keepdims=True))
    ndn = diff / jnp.maximum(nrm, 1e-12)
    ndn_ref[...] = ndn[:, :_PCS].reshape(_NBR, 1, _BLK, _PCS)
    th = jnp.maximum(_mm(ndn, d0p), 0.0)
    acc = None
    for j in range(_NBR):
        acc = (th[j * _BLK:(j + 1) * _BLK] if acc is None
               else jnp.maximum(acc, th[j * _BLK:(j + 1) * _BLK]))
    fm = jnp.maximum(acc, 0.0)
    fo = _mm(fm, w1_ref[...]) + b1_ref[...]
    cen_ref[0] = fo[:, :_D]
    supp_ref[0] = fo[:, _D:]


def _conv1(nbr, vert_pad, dir0, w1, b1r, nb):
    blkmap = lambda b, n: (b, n, 0)
    return pl.pallas_call(
        _conv1_body,
        grid=(nb, _N // _BLK),
        in_specs=[
            pl.BlockSpec((_TOP, 1, _BLK, _PC), lambda b, n: (0, b, n, 0)),
            pl.BlockSpec((1, _BLK, _PC), blkmap),
            pl.BlockSpec((3, _D), lambda b, n: (0, 0)),
            pl.BlockSpec((_D, 2 * _D), lambda b, n: (0, 0)),
            pl.BlockSpec((1, 2 * _D), lambda b, n: (0, 0)),
        ],
        out_specs=[
            pl.BlockSpec((1, _BLK, _D), blkmap),
            pl.BlockSpec((1, _BLK, _D), blkmap),
            pl.BlockSpec((_NBR, 1, _BLK, _PCS), lambda b, n: (0, b, n, 0)),
        ],
        out_shape=[
            jax.ShapeDtypeStruct((nb, _N, _D), jnp.float32),
            jax.ShapeDtypeStruct((nb, _N, _D), jnp.float32),
            jax.ShapeDtypeStruct((_NBR, nb, _N, _PCS), jnp.float32),
        ],
    )(nbr, vert_pad, dir0, w1, b1r)


def _conv2_body(ndn_ref, sn_ref, cen_ref, dir1_ref, fc1w_ref, fc1b_ref,
                wq_ref, wk_ref, wv_ref, q_ref, kv_ref, fm2_ref):
    d1 = dir1_ref[...]
    n1 = jnp.sqrt(jnp.sum(d1 * d1, axis=0, keepdims=True))
    d1p = jnp.concatenate(
        [d1 / jnp.maximum(n1, 1e-12),
         jnp.zeros((_PCS - 3, _D), jnp.float32)], axis=0)
    en = _NBR * _BLK
    ndnf = ndn_ref[...].reshape(_NBR, _BLK, _PCS).reshape(en, _PCS)
    snf = sn_ref[...].reshape(_NBR, _BLK, _D).reshape(en, _D)
    a = jnp.maximum(_mm(ndnf, d1p), 0.0) * snf
    acc = None
    for j in range(_NBR):
        acc = (a[j * _BLK:(j + 1) * _BLK] if acc is None
               else jnp.maximum(acc, a[j * _BLK:(j + 1) * _BLK]))
    fm2 = jnp.maximum(cen_ref[0] + acc, 0.0)
    x = _mm(fm2, fc1w_ref[...]) + fc1b_ref[...]
    q_ref[0] = _mm(x, wq_ref[...])
    kv_ref[0] = jnp.concatenate(
        [_mm(x, wk_ref[...]), _mm(x, wv_ref[...])], axis=1)
    fm2_ref[0] = fm2


def _conv2(ndn, sn, cen, dir1, fc1_w, fc1br, wq, wk, wv, nb):
    blkmap = lambda b, n: (b, n, 0)
    wmap = lambda b, n: (0, 0)
    od = jax.ShapeDtypeStruct((nb, _N, _D), jnp.float32)
    return pl.pallas_call(
        _conv2_body,
        grid=(nb, _N // _BLK),
        in_specs=[
            pl.BlockSpec((_NBR, 1, _BLK, _PCS), lambda b, n: (0, b, n, 0)),
            pl.BlockSpec((_NBR, 1, _BLK, _D), lambda b, n: (0, b, n, 0)),
            pl.BlockSpec((1, _BLK, _D), blkmap),
            pl.BlockSpec((3, _D), wmap),
            pl.BlockSpec((_D, _D), wmap),
            pl.BlockSpec((1, _D), wmap),
            pl.BlockSpec((_D, _D), wmap),
            pl.BlockSpec((_D, _D), wmap),
            pl.BlockSpec((_D, _D), wmap),
        ],
        out_specs=[pl.BlockSpec((1, _BLK, _D), blkmap),
                   pl.BlockSpec((1, _BLK, 2 * _D), blkmap),
                   pl.BlockSpec((1, _BLK, _D), blkmap)],
        out_shape=[od, jax.ShapeDtypeStruct((nb, _N, 2 * _D), jnp.float32),
                   od],
    )(ndn, sn, cen, dir1, fc1_w, fc1br, wq, wk, wv)


def _attn_body(nbr_ref, vert_ref, q_ref, kv_ref, fm2_ref,
               fcd1_ref, fcd1b_ref, fcd2_ref, fcd2b_ref,
               fcg1_ref, fcg1b_ref, fcg2_ref, fcg2b_ref,
               fc2w_ref, fc2b_ref, out_ref):
    vert = vert_ref[0]
    fd1p = jnp.concatenate(
        [fcd1_ref[...], jnp.zeros((_PC - 3, _D), jnp.float32)], axis=0)
    q = q_ref[0]
    scale = 1.0 / np.sqrt(float(_D))
    ek = _KATT * _BLK
    knnf = nbr_ref[0:_KATT].reshape(_KATT, _BLK, _PC).reshape(ek, _PC)
    vertf = jnp.broadcast_to(vert[None], (_KATT, _BLK, _PC)).reshape(ek, _PC)
    qf = jnp.broadcast_to(q[None], (_KATT, _BLK, _D)).reshape(ek, _D)
    kvf = kv_ref[...].reshape(_KATT, _BLK, 2 * _D).reshape(ek, 2 * _D)
    kkf = kvf[:, :_D]
    vvf = kvf[:, _D:]
    rel = vertf - knnf
    h = jnp.maximum(_mm(rel, fd1p) + fcd1b_ref[...], 0.0)
    pos = _mm(h, fcd2_ref[...]) + fcd2b_ref[...]
    t = qf - kkf + pos
    g = jnp.maximum(_mm(t, fcg1_ref[...]) + fcg1b_ref[...], 0.0)
    z = (_mm(g, fcg2_ref[...]) + fcg2b_ref[...]) * scale
    pv = vvf + pos
    zs = [z[j * _BLK:(j + 1) * _BLK] for j in range(_KATT)]
    m = None
    for j in range(_KATT):
        m = zs[j] if m is None else jnp.maximum(m, zs[j])
    es, s = [], None
    for j in range(_KATT):
        e = jnp.exp(zs[j] - m)
        es.append(e)
        s = e if s is None else s + e
    res = None
    for j in range(_KATT):
        c = (es[j] / s) * pv[j * _BLK:(j + 1) * _BLK]
        res = c if res is None else res + c
    out_ref[0] = (_mm(res, fc2w_ref[...])
                  + fc2b_ref[...] + fm2_ref[0])


def _attn(nbr, vert_pad, q, kv, fm2,
          fcd1, fcd1br, fcd2, fcd2br, fcg1, fcg1br, fcg2, fcg2br,
          fc2_w, fc2br, nb):
    blkmap = lambda b, n: (b, n, 0)
    wmap = lambda b, n: (0, 0)
    return pl.pallas_call(
        _attn_body,
        grid=(nb, _N // _BLK),
        in_specs=[
            pl.BlockSpec((_TOP, 1, _BLK, _PC), lambda b, n: (0, b, n, 0)),
            pl.BlockSpec((1, _BLK, _PC), blkmap),
            pl.BlockSpec((1, _BLK, _D), blkmap),
            pl.BlockSpec((_KATT, 1, _BLK, 2 * _D),
                         lambda b, n: (0, b, n, 0)),
            pl.BlockSpec((1, _BLK, _D), blkmap),
            pl.BlockSpec((3, _D), wmap),
            pl.BlockSpec((1, _D), wmap),
            pl.BlockSpec((_D, _D), wmap),
            pl.BlockSpec((1, _D), wmap),
            pl.BlockSpec((_D, _D), wmap),
            pl.BlockSpec((1, _D), wmap),
            pl.BlockSpec((_D, _D), wmap),
            pl.BlockSpec((1, _D), wmap),
            pl.BlockSpec((_D, _D), wmap),
            pl.BlockSpec((1, _D), wmap),
        ],
        out_specs=pl.BlockSpec((1, _BLK, _D), blkmap),
        out_shape=jax.ShapeDtypeStruct((nb, _N, _D), jnp.float32),
    )(nbr, vert_pad, q, kv, fm2,
      fcd1, fcd1br, fcd2, fcd2br, fcg1, fcg1br, fcg2, fcg2br,
      fc2_w, fc2br)


def kernel(xyz, dir0, w1, b1, dir1, fc1_w, fc1_b, fc2_w, fc2_b,
           fcd1_w, fcd1_b, fcd2_w, fcd2_b, fcg1_w, fcg1_b, fcg2_w, fcg2_b,
           wq, wk, wv):
    vertices = jnp.transpose(xyz, (0, 2, 1))
    vert_pad = jnp.pad(vertices, ((0, 0), (0, 0), (0, _PC - 3)))
    w1b = w1.astype(jnp.bfloat16)
    fc1wb = fc1_w.astype(jnp.bfloat16)
    wqb, wkb, wvb = (wq.astype(jnp.bfloat16), wk.astype(jnp.bfloat16),
                     wv.astype(jnp.bfloat16))
    b1r, fc1br = b1.reshape(1, -1), fc1_b.reshape(1, -1)

    nh = 2
    outs = []
    for h in range(_B // nh):
        sl = slice(h * nh, (h + 1) * nh)
        xyz_h, vert_h, vp_h = xyz[sl], vertices[sl], vert_pad[sl]

        idx = _topk(xyz_h, vert_h, nh)

        idx21 = jnp.transpose(idx[:, :, :_TOP], (2, 0, 1)).reshape(-1)
        (nbr_flat,) = _sc_gather([vp_h.reshape(nh * _N, _PC)], idx21, ns=3)
        nbr = nbr_flat.reshape(_TOP, nh, _N, _PC)

        cen, supp, ndn = _conv1(nbr, vp_h, dir0, w1b, b1r, nh)

        idx20 = jnp.transpose(idx[:, :, 1:_TOP], (2, 0, 1)).reshape(-1)
        (sn_flat,) = _sc_gather([supp.reshape(nh * _N, _D)], idx20, ns=4)
        sn = sn_flat.reshape(_NBR, nh, _N, _D)

        q, kvx, fm2 = _conv2(ndn, sn, cen, dir1, fc1wb, fc1br,
                             wqb, wkb, wvb, nh)

        idx16 = jnp.transpose(idx[:, :, :_KATT], (2, 0, 1)).reshape(-1)
        (kvf,) = _sc_gather([kvx.reshape(nh * _N, 2 * _D)], idx16, ns=2)
        kv = kvf.reshape(_KATT, nh, _N, 2 * _D)

        outs.append(_attn(
            nbr, vp_h, q, kv, fm2,
            fcd1_w, fcd1_b.reshape(1, -1),
            fcd2_w.astype(jnp.bfloat16), fcd2_b.reshape(1, -1),
            fcg1_w.astype(jnp.bfloat16), fcg1_b.reshape(1, -1),
            fcg2_w.astype(jnp.bfloat16), fcg2_b.reshape(1, -1),
            fc2_w.astype(jnp.bfloat16), fc2_b.reshape(1, -1), nh))
    out = jnp.concatenate(outs, axis=0)
    return jnp.transpose(out, (0, 2, 1))

# --- scband reference (transcript-rebuilt; emitter-appended) ---
"""Pipeline reference for scband-attn-gcn3-d-40827959116599 (READ-ONLY COPY).

The authoritative reference and input builder live on the scoring server;
editing this copy changes nothing except your own understanding.
"""

import jax, jax.numpy as jnp
import numpy as np

SUPPORT = 1
NEIGHBOR = 20
KERNEL = 128
D_MODEL = 128
ATTN_K = 16
BS = 4
N = 2048


def _l2norm(x, axis):
    n = jnp.sqrt(jnp.sum(x * x, axis=axis, keepdims=True))
    return x / jnp.maximum(n, 1e-12)


def _index_points(points, idx):
    # points: (B, V, C), idx: (B, S, K) or (B, S) -> gathered points
    return jax.vmap(lambda p, i: p[i])(points, idx)


def setup_inputs(seed: int = 0) -> dict:
    key = jax.random.key(seed)
    ks = jax.random.split(key, 20)

    def u(k, shape, stdv):
        return jax.random.uniform(k, shape, jnp.float32, -stdv, stdv)

    stdv0 = 1.0 / np.sqrt(SUPPORT * KERNEL)
    stdv1 = 1.0 / np.sqrt(KERNEL * (SUPPORT + 1))
    stdv_l = 1.0 / np.sqrt(D_MODEL)
    stdv_c = 1.0 / np.sqrt(3.0)
    return {
        'xyz': jax.random.normal(ks[0], (BS, 3, N), jnp.float32),
        'dir0': u(ks[1], (3, SUPPORT * KERNEL), stdv0),
        'w1': u(ks[2], (KERNEL, (SUPPORT + 1) * KERNEL), stdv1),
        'b1': u(ks[3], ((SUPPORT + 1) * KERNEL,), stdv1),
        'dir1': u(ks[4], (3, SUPPORT * KERNEL), stdv1),
        'fc1_w': u(ks[5], (KERNEL, D_MODEL), stdv_l),
        'fc1_b': u(ks[6], (D_MODEL,), stdv_l),
        'fc2_w': u(ks[7], (D_MODEL, KERNEL), stdv_l),
        'fc2_b': u(ks[8], (KERNEL,), stdv_l),
        'fcd1_w': u(ks[9], (3, D_MODEL), stdv_c),
        'fcd1_b': u(ks[10], (D_MODEL,), stdv_c),
        'fcd2_w': u(ks[11], (D_MODEL, D_MODEL), stdv_l),
        'fcd2_b': u(ks[12], (D_MODEL,), stdv_l),
        'fcg1_w': u(ks[13], (D_MODEL, D_MODEL), stdv_l),
        'fcg1_b': u(ks[14], (D_MODEL,), stdv_l),
        'fcg2_w': u(ks[15], (D_MODEL, D_MODEL), stdv_l),
        'fcg2_b': u(ks[16], (D_MODEL,), stdv_l),
        'wq': u(ks[17], (D_MODEL, D_MODEL), stdv_l),
        'wk': u(ks[18], (D_MODEL, D_MODEL), stdv_l),
        'wv': u(ks[19], (D_MODEL, D_MODEL), stdv_l),
    }


def reference(xyz, dir0, w1, b1, dir1, fc1_w, fc1_b, fc2_w, fc2_b,
              fcd1_w, fcd1_b, fcd2_w, fcd2_b, fcg1_w, fcg1_b, fcg2_w, fcg2_b,
              wq, wk, wv):
    vertices = jnp.transpose(xyz, (0, 2, 1))  # (bs, N, 3)
    bs, v, _ = vertices.shape
    # pairwise squared distances
    inner = jnp.einsum('bnc,bmc->bnm', vertices, vertices)
    quad = jnp.sum(vertices ** 2, axis=2)
    dist = -2.0 * inner + quad[:, None, :] + quad[:, :, None]
    # kNN for graph conv (exclude self)
    _, nidx = jax.lax.top_k(-dist, NEIGHBOR + 1)
    nidx = nidx[:, :, 1:]  # (bs, v, NEIGHBOR)
    neighbors = _index_points(vertices, nidx)  # (bs, v, n, 3)
    ndn = _l2norm(neighbors - vertices[:, :, None, :], axis=-1)
    # ConvSurface
    theta0 = jax.nn.relu(ndn @ _l2norm(dir0, axis=0))
    theta0 = theta0.reshape(bs, v, NEIGHBOR, SUPPORT, KERNEL)
    fm = jnp.sum(jnp.max(theta0, axis=2), axis=2)  # (bs, v, 128)
    fm = jax.nn.relu(fm)
    # ConvLayer 128 -> 128
    theta1 = jax.nn.relu(ndn @ _l2norm(dir1, axis=0)).reshape(bs, v, NEIGHBOR, -1)
    fo = fm @ w1 + b1
    center = fo[:, :, :KERNEL]
    supp = fo[:, :, KERNEL:]
    supp_n = _index_points(supp, nidx)
    act = (theta1 * supp_n).reshape(bs, v, NEIGHBOR, SUPPORT, KERNEL)
    act = jnp.sum(jnp.max(act, axis=2), axis=2)
    fm = jax.nn.relu(center + act)
    # TransformerBlock (point transformer style, k = ATTN_K)
    knn_idx = jnp.argsort(dist, axis=-1)[:, :, :ATTN_K]
    knn_xyz = _index_points(vertices, knn_idx)  # (bs, v, k, 3)
    pre = fm
    x = fm @ fc1_w + fc1_b
    q = x @ wq
    kk = _index_points(x @ wk, knn_idx)
    vv = _index_points(x @ wv, knn_idx)
    rel = vertices[:, :, None, :] - knn_xyz
    pos_enc = jax.nn.relu(rel @ fcd1_w + fcd1_b) @ fcd2_w + fcd2_b
    attn = jax.nn.relu((q[:, :, None, :] - kk + pos_enc) @ fcg1_w + fcg1_b) @ fcg2_w + fcg2_b
    attn = jax.nn.softmax(attn / np.sqrt(D_MODEL), axis=-2)
    res = jnp.einsum('bmnf,bmnf->bmf', attn, vv + pos_enc)
    res = res @ fc2_w + fc2_b + pre
    return jnp.transpose(res, (0, 2, 1))  # (bs, out_dim, N)

if __name__ == "__main__":
    import jax
    _d = setup_inputs()
    print(jax.jit(kernel)(*tuple(_d.values())))

</pallas_src>

<mosaic_0001>
#map = affine_map<(d0, d1) -> (0)>
#map1 = affine_map<(d0, d1) -> (0, 0)>
module attributes {stable_mosaic.version = 14 : i64} {
  func.func @gath(%arg0: i32, %arg1: i32, %arg2: memref<86016xi32, #tpu.memory_space<hbm>>, %arg3: memref<4096x128xf32, #tpu.memory_space<hbm>>, %arg4: memref<86016x128xf32, #tpu.memory_space<hbm>>, %arg5: memref<2688xi32, #tpu.memory_space<vmem>>, %arg6: memref<128x128xf32, #tpu.memory_space<vmem>>, %arg7: memref<128x128xf32, #tpu.memory_space<vmem>>, %arg8: memref<128x128xf32, #tpu.memory_space<vmem>>, %arg9: memref<!tpu.dma_semaphore, #tpu.memory_space<semaphore_mem>>, %arg10: memref<!tpu.dma_semaphore, #tpu.memory_space<semaphore_mem>>, %arg11: memref<!tpu.dma_semaphore, #tpu.memory_space<semaphore_mem>>, %arg12: memref<!tpu.dma_semaphore, #tpu.memory_space<semaphore_mem>>, %arg13: memref<!tpu.dma_semaphore, #tpu.memory_space<semaphore_mem>>, %arg14: memref<!tpu.dma_semaphore, #tpu.memory_space<semaphore_mem>>) attributes {dimension_semantics = [#tpu.dimension_semantics<core_parallel>, #tpu.dimension_semantics<subcore_parallel>], iteration_bounds = array<i64: 2, 16>, scalar_prefetch = 0 : i64, scratch_operands = 10 : i64, tpu.core_type = #tpu.core_type<sc_vector_subcore>, window_params = [{transform_indices = #map}, {transform_indices = #map1}, {transform_indices = #map1}]} {
    %mul3A = arith.constant 2 : i32
    %mul3A_0 = arith.muli %arg1, %mul3A : i32
    %add3A = arith.addi %mul3A_0, %arg0 : i32
    %mul3A_1 = arith.constant 2688 : i32
    %mul3A_2 = arith.muli %add3A, %mul3A_1 : i32
    "tpu.region"() ({
      %run_scoped3A = tpu.sem_alloc : memref<!tpu.dma_semaphore, #tpu.memory_space<semaphore_mem>>
      %dma_start3A = tpu.memref_slice %arg2[%mul3A_2] : memref<86016xi32, #tpu.memory_space<hbm>> -> memref<2688xi32, #tpu.memory_space<hbm>>
      %dma_start3A_8 = tpu.memref_slice %arg2[%mul3A_2] : memref<86016xi32, #tpu.memory_space<hbm>> -> memref<2688xi32, #tpu.memory_space<hbm>>
      tpu.enqueue_dma source(%dma_start3A_8 : memref<2688xi32, #tpu.memory_space<hbm>>) target(%arg5 : memref<2688xi32, #tpu.memory_space<vmem>>) target_semaphore(%run_scoped3A : memref<!tpu.dma_semaphore, #tpu.memory_space<semaphore_mem>>)
      %dma_wait3A = tpu.memref_slice %arg2[%mul3A_2] : memref<86016xi32, #tpu.memory_space<hbm>> -> memref<2688xi32, #tpu.memory_space<hbm>>
      %dma_wait3A_9 = tpu.memref_slice %arg2[%mul3A_2] : memref<86016xi32, #tpu.memory_space<hbm>> -> memref<2688xi32, #tpu.memory_space<hbm>>
      tpu.wait_dma2 semaphore(%run_scoped3A : memref<!tpu.dma_semaphore, #tpu.memory_space<semaphore_mem>>) src(%dma_wait3A_9 : memref<2688xi32, #tpu.memory_space<hbm>>) dst(%arg5 : memref<2688xi32, #tpu.memory_space<vmem>>)
      tpu.yield
    }) : () -> ()
    %scan3A = arith.constant 0 : i32
    %scan3A_3 = arith.constant 0 : i32
    %scan3A_4 = arith.constant 7 : i32
    %scan3A_5 = arith.addi %scan3A_3, %scan3A_4 : i32
    %scan3A_6 = arith.constant 1 : i32
    scf.for %scan3A_8 = %scan3A_3 to %scan3A_5 step %scan3A_6  : i32 {
      %mul3A_9 = arith.constant 3 : i32
      %mul3A_10 = arith.muli %mul3A_9, %scan3A_8 : i32
      %add3A_11 = arith.constant 0 : i32
      %add3A_12 = arith.addi %mul3A_10, %add3A_11 : i32
      %mul3A_13 = arith.constant 128 : i32
      %mul3A_14 = arith.muli %add3A_12, %mul3A_13 : i32
      %dma_start3A = tpu.memref_slice %arg5[%mul3A_14] : memref<2688xi32, #tpu.memory_space<vmem>> -> memref<128xi32, #tpu.memory_space<vmem>>
      %dma_start3A_15 = arith.constant 0 : i32
      %dma_start3A_16 = arith.constant 0 : i32
      %dma_start3A_17 = tpu.memref_slice %arg3[%dma_start3A_15, %dma_start3A_16] : memref<4096x128xf32, #tpu.memory_space<hbm>> -> memref<4096x128xf32, #tpu.memory_space<hbm>>
      tpu.enqueue_indirect_dma source(%dma_start3A_17 : memref<4096x128xf32, #tpu.memory_space<hbm>>) target(%arg6 : memref<128x128xf32, #tpu.memory_space<vmem>>) offsets(%dma_start3A : memref<128xi32, #tpu.memory_space<vmem>>) semaphore(%arg9 : memref<!tpu.dma_semaphore, #tpu.memory_space<semaphore_mem>>)
      %mul3A_18 = arith.constant 3 : i32
      %mul3A_19 = arith.muli %mul3A_18, %scan3A_8 : i32
      %add3A_20 = arith.constant 1 : i32
      %add3A_21 = arith.addi %mul3A_19, %add3A_20 : i32
      %mul3A_22 = arith.constant 128 : i32
      %mul3A_23 = arith.muli %add3A_21, %mul3A_22 : i32
      %dma_start3A_24 = tpu.memref_slice %arg5[%mul3A_23] : memref<2688xi32, #tpu.memory_space<vmem>> -> memref<128xi32, #tpu.memory_space<vmem>>
      %dma_start3A_25 = arith.constant 0 : i32
      %dma_start3A_26 = arith.constant 0 : i32
      %dma_start3A_27 = tpu.memref_slice %arg3[%dma_start3A_25, %dma_start3A_26] : memref<4096x128xf32, #tpu.memory_space<hbm>> -> memref<4096x128xf32, #tpu.memory_space<hbm>>
      tpu.enqueue_indirect_dma source(%dma_start3A_27 : memref<4096x128xf32, #tpu.memory_space<hbm>>) target(%arg7 : memref<128x128xf32, #tpu.memory_space<vmem>>) offsets(%dma_start3A_24 : memref<128xi32, #tpu.memory_space<vmem>>) semaphore(%arg10 : memref<!tpu.dma_semaphore, #tpu.memory_space<semaphore_mem>>)
      %mul3A_28 = arith.constant 3 : i32
      %mul3A_29 = arith.muli %mul3A_28, %scan3A_8 : i32
      %add3A_30 = arith.constant 2 : i32
      %add3A_31 = arith.addi %mul3A_29, %add3A_30 : i32
      %mul3A_32 = arith.constant 128 : i32
      %mul3A_33 = arith.muli %add3A_31, %mul3A_32 : i32
      %dma_start3A_34 = tpu.memref_slice %arg5[%mul3A_33] : memref<2688xi32, #tpu.memory_space<vmem>> -> memref<128xi32, #tpu.memory_space<vmem>>
      %dma_start3A_35 = arith.constant 0 : i32
      %dma_start3A_36 = arith.constant 0 : i32
      %dma_start3A_37 = tpu.memref_slice %arg3[%dma_start3A_35, %dma_start3A_36] : memref<4096x128xf32, #tpu.memory_space<hbm>> -> memref<4096x128xf32, #tpu.memory_space<hbm>>
      tpu.enqueue_indirect_dma source(%dma_start3A_37 : memref<4096x128xf32, #tpu.memory_space<hbm>>) target(%arg8 : memref<128x128xf32, #tpu.memory_space<vmem>>) offsets(%dma_start3A_34 : memref<128xi32, #tpu.memory_space<vmem>>) semaphore(%arg11 : memref<!tpu.dma_semaphore, #tpu.memory_space<semaphore_mem>>)
      %mul3A_38 = arith.constant 3 : i32
      %mul3A_39 = arith.muli %mul3A_38, %scan3A_8 : i32
      %add3A_40 = arith.constant 0 : i32
      %add3A_41 = arith.addi %mul3A_39, %add3A_40 : i32
      %mul3A_42 = arith.constant 128 : i32
      %mul3A_43 = arith.muli %add3A_41, %mul3A_42 : i32
      %add3A_44 = arith.addi %mul3A_2, %mul3A_43 : i32
      %dma_wait3A = tpu.memref_slice %arg5[%mul3A_14] : memref<2688xi32, #tpu.memory_space<vmem>> -> memref<128xi32, #tpu.memory_space<vmem>>
      %dma_wait3A_45 = arith.constant 0 : i32
      %dma_wait3A_46 = arith.constant 0 : i32
      %dma_wait3A_47 = tpu.memref_slice %arg3[%dma_wait3A_45, %dma_wait3A_46] : memref<4096x128xf32, #tpu.memory_space<hbm>> -> memref<4096x128xf32, #tpu.memory_space<hbm>>
      tpu.wait_indirect_dma semaphore(%arg9 : memref<!tpu.dma_semaphore, #tpu.memory_space<semaphore_mem>>) src(%dma_wait3A_47 : memref<4096x128xf32, #tpu.memory_space<hbm>>) dst(%arg6 : memref<128x128xf32, #tpu.memory_space<vmem>>)
      %dma_start3A_48 = arith.constant 0 : i32
      %dma_start3A_49 = tpu.memref_slice %arg4[%add3A_44, %dma_start3A_48] : memref<86016x128xf32, #tpu.memory_space<hbm>> -> memref<128x128xf32, #tpu.memory_space<hbm>>
      %dma_start3A_50 = arith.constant 0 : i32
      %dma_start3A_51 = tpu.memref_slice %arg4[%add3A_44, %dma_start3A_50] : memref<86016x128xf32, #tpu.memory_space<hbm>> -> memref<128x128xf32, #tpu.memory_space<hbm>>
      tpu.enqueue_dma source(%arg6 : memref<128x128xf32, #tpu.memory_space<vmem>>) target(%dma_start3A_51 : memref<128x128xf32, #tpu.memory_space<hbm>>) target_semaphore(%arg12 : memref<!tpu.dma_semaphore, #tpu.memory_space<semaphore_mem>>)
      %mul3A_52 = arith.constant 3 : i32
      %mul3A_53 = arith.muli %mul3A_52, %scan3A_8 : i32
      %add3A_54 = arith.constant 1 : i32
      %add3A_55 = arith.addi %mul3A_53, %add3A_54 : i32
      %mul3A_56 = arith.constant 128 : i32
      %mul3A_57 = arith.muli %add3A_55, %mul3A_56 : i32
      %add3A_58 = arith.addi %mul3A_2, %mul3A_57 : i32
      %dma_wait3A_59 = tpu.memref_slice %arg5[%mul3A_23] : memref<2688xi32, #tpu.memory_space<vmem>> -> memref<128xi32, #tpu.memory_space<vmem>>
      %dma_wait3A_60 = arith.constant 0 : i32
      %dma_wait3A_61 = arith.constant 0 : i32
      %dma_wait3A_62 = tpu.memref_slice %arg3[%dma_wait3A_60, %dma_wait3A_61] : memref<4096x128xf32, #tpu.memory_space<hbm>> -> memref<4096x128xf32, #tpu.memory_space<hbm>>
      tpu.wait_indirect_dma semaphore(%arg10 : memref<!tpu.dma_semaphore, #tpu.memory_space<semaphore_mem>>) src(%dma_wait3A_62 : memref<4096x128xf32, #tpu.memory_space<hbm>>) dst(%arg7 : memref<128x128xf32, #tpu.memory_space<vmem>>)
      %dma_start3A_63 = arith.constant 0 : i32
      %dma_start3A_64 = tpu.memref_slice %arg4[%add3A_58, %dma_start3A_63] : memref<86016x128xf32, #tpu.memory_space<hbm>> -> memref<128x128xf32, #tpu.memory_space<hbm>>
      %dma_start3A_65 = arith.constant 0 : i32
      %dma_start3A_66 = tpu.memref_slice %arg4[%add3A_58, %dma_start3A_65] : memref<86016x128xf32, #tpu.memory_space<hbm>> -> memref<128x128xf32, #tpu.memory_space<hbm>>
      tpu.enqueue_dma source(%arg7 : memref<128x128xf32, #tpu.memory_space<vmem>>) target(%dma_start3A_66 : memref<128x128xf32, #tpu.memory_space<hbm>>) target_semaphore(%arg13 : memref<!tpu.dma_semaphore, #tpu.memory_space<semaphore_mem>>)
      %mul3A_67 = arith.constant 3 : i32
      %mul3A_68 = arith.muli %mul3A_67, %scan3A_8 : i32
      %add3A_69 = arith.constant 2 : i32
      %add3A_70 = arith.addi %mul3A_68, %add3A_69 : i32
      %mul3A_71 = arith.constant 128 : i32
      %mul3A_72 = arith.muli %add3A_70, %mul3A_71 : i32
      %add3A_73 = arith.addi %mul3A_2, %mul3A_72 : i32
      %dma_wait3A_74 = tpu.memref_slice %arg5[%mul3A_33] : memref<2688xi32, #tpu.memory_space<vmem>> -> memref<128xi32, #tpu.memory_space<vmem>>
      %dma_wait3A_75 = arith.constant 0 : i32
      %dma_wait3A_76 = arith.constant 0 : i32
      %dma_wait3A_77 = tpu.memref_slice %arg3[%dma_wait3A_75, %dma_wait3A_76] : memref<4096x128xf32, #tpu.memory_space<hbm>> -> memref<4096x128xf32, #tpu.memory_space<hbm>>
      tpu.wait_indirect_dma semaphore(%arg11 : memref<!tpu.dma_semaphore, #tpu.memory_space<semaphore_mem>>) src(%dma_wait3A_77 : memref<4096x128xf32, #tpu.memory_space<hbm>>) dst(%arg8 : memref<128x128xf32, #tpu.memory_space<vmem>>)
      %dma_start3A_78 = arith.constant 0 : i32
      %dma_start3A_79 = tpu.memref_slice %arg4[%add3A_73, %dma_start3A_78] : memref<86016x128xf32, #tpu.memory_space<hbm>> -> memref<128x128xf32, #tpu.memory_space<hbm>>
      %dma_start3A_80 = arith.constant 0 : i32
      %dma_start3A_81 = tpu.memref_slice %arg4[%add3A_73, %dma_start3A_80] : memref<86016x128xf32, #tpu.memory_space<hbm>> -> memref<128x128xf32, #tpu.memory_space<hbm>>
      tpu.enqueue_dma source(%arg8 : memref<128x128xf32, #tpu.memory_space<vmem>>) target(%dma_start3A_81 : memref<128x128xf32, #tpu.memory_space<hbm>>) target_semaphore(%arg14 : memref<!tpu.dma_semaphore, #tpu.memory_space<semaphore_mem>>)
      %dma_wait3A_82 = arith.constant 0 : i32
      %dma_wait3A_83 = tpu.memref_slice %arg4[%add3A_44, %dma_wait3A_82] : memref<86016x128xf32, #tpu.memory_space<hbm>> -> memref<128x128xf32, #tpu.memory_space<hbm>>
      %dma_wait3A_84 = arith.constant 0 : i32
      %dma_wait3A_85 = tpu.memref_slice %arg4[%add3A_44, %dma_wait3A_84] : memref<86016x128xf32, #tpu.memory_space<hbm>> -> memref<128x128xf32, #tpu.memory_space<hbm>>
      tpu.wait_dma2 semaphore(%arg12 : memref<!tpu.dma_semaphore, #tpu.memory_space<semaphore_mem>>) src(%arg6 : memref<128x128xf32, #tpu.memory_space<vmem>>) dst(%dma_wait3A_85 : memref<128x128xf32, #tpu.memory_space<hbm>>)
      %dma_wait3A_86 = arith.constant 0 : i32
      %dma_wait3A_87 = tpu.memref_slice %arg4[%add3A_58, %dma_wait3A_86] : memref<86016x128xf32, #tpu.memory_space<hbm>> -> memref<128x128xf32, #tpu.memory_space<hbm>>
      %dma_wait3A_88 = arith.constant 0 : i32
      %dma_wait3A_89 = tpu.memref_slice %arg4[%add3A_58, %dma_wait3A_88] : memref<86016x128xf32, #tpu.memory_space<hbm>> -> memref<128x128xf32, #tpu.memory_space<hbm>>
      tpu.wait_dma2 semaphore(%arg13 : memref<!tpu.dma_semaphore, #tpu.memory_space<semaphore_mem>>) src(%arg7 : memref<128x128xf32, #tpu.memory_space<vmem>>) dst(%dma_wait3A_89 : memref<128x128xf32, #tpu.memory_space<hbm>>)
      %dma_wait3A_90 = arith.constant 0 : i32
      %dma_wait3A_91 = tpu.memref_slice %arg4[%add3A_73, %dma_wait3A_90] : memref<86016x128xf32, #tpu.memory_space<hbm>> -> memref<128x128xf32, #tpu.memory_space<hbm>>
      %dma_wait3A_92 = arith.constant 0 : i32
      %dma_wait3A_93 = tpu.memref_slice %arg4[%add3A_73, %dma_wait3A_92] : memref<86016x128xf32, #tpu.memory_space<hbm>> -> memref<128x128xf32, #tpu.memory_space<hbm>>
      tpu.wait_dma2 semaphore(%arg14 : memref<!tpu.dma_semaphore, #tpu.memory_space<semaphore_mem>>) src(%arg8 : memref<128x128xf32, #tpu.memory_space<vmem>>) dst(%dma_wait3A_93 : memref<128x128xf32, #tpu.memory_space<hbm>>)
    }
    %scan3A_7 = arith.constant 7 : i32
    return
  }
}

#map = affine_map<(d0, d1) -> (0)>
#map1 = affine_map<(d0, d1) -> (0, 0)>
module attributes {stable_mosaic.version = 14 : i64} {
  func.func @gath(%arg0: i32, %arg1: i32, %arg2: memref<86016xi32, #tpu.memory_space<hbm>>, %arg3: memref<4096x128xf32, #tpu.memory_space<hbm>>, %arg4: memref<86016x128xf32, #tpu.memory_space<hbm>>, %arg5: memref<2688xi32, #tpu.memory_space<vmem>>, %arg6: memref<128x128xf32, #tpu.memory_space<vmem>>, %arg7: memref<128x128xf32, #tpu.memory_space<vmem>>, %arg8: memref<128x128xf32, #tpu.memory_space<vmem>>, %arg9: memref<!tpu.dma_semaphore, #tpu.memory_space<semaphore_mem>>, %arg10: memref<!tpu.dma_semaphore, #tpu.memory_space<semaphore_mem>>, %arg11: memref<!tpu.dma_semaphore, #tpu.memory_space<semaphore_mem>>, %arg12: memref<!tpu.dma_semaphore, #tpu.memory_space<semaphore_mem>>, %arg13: memref<!tpu.dma_semaphore, #tpu.memory_space<semaphore_mem>>, %arg14: memref<!tpu.dma_semaphore, #tpu.memory_space<semaphore_mem>>) attributes {dimension_semantics = [#tpu.dimension_semantics<core_parallel>, #tpu.dimension_semantics<subcore_parallel>], iteration_bounds = array<i64: 2, 16>, scalar_prefetch = 0 : i64, scratch_operands = 10 : i64, tpu.core_type = #tpu.core_type<sc_vector_subcore>, window_params = [{transform_indices = #map}, {transform_indices = #map1}, {transform_indices = #map1}]} {
    %mul3A = arith.constant 2 : i32
    %mul3A_0 = arith.muli %arg1, %mul3A : i32
    %add3A = arith.addi %mul3A_0, %arg0 : i32
    %mul3A_1 = arith.constant 2688 : i32
    %mul3A_2 = arith.muli %add3A, %mul3A_1 : i32
    "tpu.region"() ({
      %run_scoped3A = tpu.sem_alloc : memref<!tpu.dma_semaphore, #tpu.memory_space<semaphore_mem>>
      %dma_start3A = tpu.memref_slice %arg2[%mul3A_2] : memref<86016xi32, #tpu.memory_space<hbm>> -> memref<2688xi32, #tpu.memory_space<hbm>>
      %dma_start3A_8 = tpu.memref_slice %arg2[%mul3A_2] : memref<86016xi32, #tpu.memory_space<hbm>> -> memref<2688xi32, #tpu.memory_space<hbm>>
      tpu.enqueue_dma source(%dma_start3A_8 : memref<2688xi32, #tpu.memory_space<hbm>>) target(%arg5 : memref<2688xi32, #tpu.memory_space<vmem>>) target_semaphore(%run_scoped3A : memref<!tpu.dma_semaphore, #tpu.memory_space<semaphore_mem>>)
      %dma_wait3A = tpu.memref_slice %arg2[%mul3A_2] : memref<86016xi32, #tpu.memory_space<hbm>> -> memref<2688xi32, #tpu.memory_space<hbm>>
      %dma_wait3A_9 = tpu.memref_slice %arg2[%mul3A_2] : memref<86016xi32, #tpu.memory_space<hbm>> -> memref<2688xi32, #tpu.memory_space<hbm>>
      tpu.wait_dma2 semaphore(%run_scoped3A : memref<!tpu.dma_semaphore, #tpu.memory_space<semaphore_mem>>) src(%dma_wait3A_9 : memref<2688xi32, #tpu.memory_space<hbm>>) dst(%arg5 : memref<2688xi32, #tpu.memory_space<vmem>>)
      tpu.yield
    }) : () -> ()
    %scan3A = arith.constant 0 : i32
    %scan3A_3 = arith.constant 0 : i32
    %scan3A_4 = arith.constant 7 : i32
    %scan3A_5 = arith.addi %scan3A_3, %scan3A_4 : i32
    %scan3A_6 = arith.constant 1 : i32
    scf.for %scan3A_8 = %scan3A_3 to %scan3A_5 step %scan3A_6  : i32 {
      %mul3A_9 = arith.constant 3 : i32
      %mul3A_10 = arith.muli %mul3A_9, %scan3A_8 : i32
      %add3A_11 = arith.constant 0 : i32
      %add3A_12 = arith.addi %mul3A_10, %add3A_11 : i32
      %mul3A_13 = arith.constant 128 : i32
      %mul3A_14 = arith.muli %add3A_12, %mul3A_13 : i32
      %dma_start3A = tpu.memref_slice %arg5[%mul3A_14] : memref<2688xi32, #tpu.memory_space<vmem>> -> memref<128xi32, #tpu.memory_space<vmem>>
      %dma_start3A_15 = arith.constant 0 : i32
      %dma_start3A_16 = arith.constant 0 : i32
      %dma_start3A_17 = tpu.memref_slice %arg3[%dma_start3A_15, %dma_start3A_16] : memref<4096x128xf32, #tpu.memory_space<hbm>> -> memref<4096x128xf32, #tpu.memory_space<hbm>>
      tpu.enqueue_indirect_dma source(%dma_start3A_17 : memref<4096x128xf32, #tpu.memory_space<hbm>>) target(%arg6 : memref<128x128xf32, #tpu.memory_space<vmem>>) offsets(%dma_start3A : memref<128xi32, #tpu.memory_space<vmem>>) semaphore(%arg9 : memref<!tpu.dma_semaphore, #tpu.memory_space<semaphore_mem>>)
      %mul3A_18 = arith.constant 3 : i32
      %mul3A_19 = arith.muli %mul3A_18, %scan3A_8 : i32
      %add3A_20 = arith.constant 1 : i32
      %add3A_21 = arith.addi %mul3A_19, %add3A_20 : i32
      %mul3A_22 = arith.constant 128 : i32
      %mul3A_23 = arith.muli %add3A_21, %mul3A_22 : i32
      %dma_start3A_24 = tpu.memref_slice %arg5[%mul3A_23] : memref<2688xi32, #tpu.memory_space<vmem>> -> memref<128xi32, #tpu.memory_space<vmem>>
      %dma_start3A_25 = arith.constant 0 : i32
      %dma_start3A_26 = arith.constant 0 : i32
      %dma_start3A_27 = tpu.memref_slice %arg3[%dma_start3A_25, %dma_start3A_26] : memref<4096x128xf32, #tpu.memory_space<hbm>> -> memref<4096x128xf32, #tpu.memory_space<hbm>>
      tpu.enqueue_indirect_dma source(%dma_start3A_27 : memref<4096x128xf32, #tpu.memory_space<hbm>>) target(%arg7 : memref<128x128xf32, #tpu.memory_space<vmem>>) offsets(%dma_start3A_24 : memref<128xi32, #tpu.memory_space<vmem>>) semaphore(%arg10 : memref<!tpu.dma_semaphore, #tpu.memory_space<semaphore_mem>>)
      %mul3A_28 = arith.constant 3 : i32
      %mul3A_29 = arith.muli %mul3A_28, %scan3A_8 : i32
      %add3A_30 = arith.constant 2 : i32
      %add3A_31 = arith.addi %mul3A_29, %add3A_30 : i32
      %mul3A_32 = arith.constant 128 : i32
      %mul3A_33 = arith.muli %add3A_31, %mul3A_32 : i32
      %dma_start3A_34 = tpu.memref_slice %arg5[%mul3A_33] : memref<2688xi32, #tpu.memory_space<vmem>> -> memref<128xi32, #tpu.memory_space<vmem>>
      %dma_start3A_35 = arith.constant 0 : i32
      %dma_start3A_36 = arith.constant 0 : i32
      %dma_start3A_37 = tpu.memref_slice %arg3[%dma_start3A_35, %dma_start3A_36] : memref<4096x128xf32, #tpu.memory_space<hbm>> -> memref<4096x128xf32, #tpu.memory_space<hbm>>
      tpu.enqueue_indirect_dma source(%dma_start3A_37 : memref<4096x128xf32, #tpu.memory_space<hbm>>) target(%arg8 : memref<128x128xf32, #tpu.memory_space<vmem>>) offsets(%dma_start3A_34 : memref<128xi32, #tpu.memory_space<vmem>>) semaphore(%arg11 : memref<!tpu.dma_semaphore, #tpu.memory_space<semaphore_mem>>)
      %mul3A_38 = arith.constant 3 : i32
      %mul3A_39 = arith.muli %mul3A_38, %scan3A_8 : i32
      %add3A_40 = arith.constant 0 : i32
      %add3A_41 = arith.addi %mul3A_39, %add3A_40 : i32
      %mul3A_42 = arith.constant 128 : i32
      %mul3A_43 = arith.muli %add3A_41, %mul3A_42 : i32
      %add3A_44 = arith.addi %mul3A_2, %mul3A_43 : i32
      %dma_wait3A = tpu.memref_slice %arg5[%mul3A_14] : memref<2688xi32, #tpu.memory_space<vmem>> -> memref<128xi32, #tpu.memory_space<vmem>>
      %dma_wait3A_45 = arith.constant 0 : i32
      %dma_wait3A_46 = arith.constant 0 : i32
      %dma_wait3A_47 = tpu.memref_slice %arg3[%dma_wait3A_45, %dma_wait3A_46] : memref<4096x128xf32, #tpu.memory_space<hbm>> -> memref<4096x128xf32, #tpu.memory_space<hbm>>
      tpu.wait_indirect_dma semaphore(%arg9 : memref<!tpu.dma_semaphore, #tpu.memory_space<semaphore_mem>>) src(%dma_wait3A_47 : memref<4096x128xf32, #tpu.memory_space<hbm>>) dst(%arg6 : memref<128x128xf32, #tpu.memory_space<vmem>>)
      %dma_start3A_48 = arith.constant 0 : i32
      %dma_start3A_49 = tpu.memref_slice %arg4[%add3A_44, %dma_start3A_48] : memref<86016x128xf32, #tpu.memory_space<hbm>> -> memref<128x128xf32, #tpu.memory_space<hbm>>
      %dma_start3A_50 = arith.constant 0 : i32
      %dma_start3A_51 = tpu.memref_slice %arg4[%add3A_44, %dma_start3A_50] : memref<86016x128xf32, #tpu.memory_space<hbm>> -> memref<128x128xf32, #tpu.memory_space<hbm>>
      tpu.enqueue_dma source(%arg6 : memref<128x128xf32, #tpu.memory_space<vmem>>) target(%dma_start3A_51 : memref<128x128xf32, #tpu.memory_space<hbm>>) target_semaphore(%arg12 : memref<!tpu.dma_semaphore, #tpu.memory_space<semaphore_mem>>)
      %mul3A_52 = arith.constant 3 : i32
      %mul3A_53 = arith.muli %mul3A_52, %scan3A_8 : i32
      %add3A_54 = arith.constant 1 : i32
      %add3A_55 = arith.addi %mul3A_53, %add3A_54 : i32
      %mul3A_56 = arith.constant 128 : i32
      %mul3A_57 = arith.muli %add3A_55, %mul3A_56 : i32
      %add3A_58 = arith.addi %mul3A_2, %mul3A_57 : i32
      %dma_wait3A_59 = tpu.memref_slice %arg5[%mul3A_23] : memref<2688xi32, #tpu.memory_space<vmem>> -> memref<128xi32, #tpu.memory_space<vmem>>
      %dma_wait3A_60 = arith.constant 0 : i32
      %dma_wait3A_61 = arith.constant 0 : i32
      %dma_wait3A_62 = tpu.memref_slice %arg3[%dma_wait3A_60, %dma_wait3A_61] : memref<4096x128xf32, #tpu.memory_space<hbm>> -> memref<4096x128xf32, #tpu.memory_space<hbm>>
      tpu.wait_indirect_dma semaphore(%arg10 : memref<!tpu.dma_semaphore, #tpu.memory_space<semaphore_mem>>) src(%dma_wait3A_62 : memref<4096x128xf32, #tpu.memory_space<hbm>>) dst(%arg7 : memref<128x128xf32, #tpu.memory_space<vmem>>)
      %dma_start3A_63 = arith.constant 0 : i32
      %dma_start3A_64 = tpu.memref_slice %arg4[%add3A_58, %dma_start3A_63] : memref<86016x128xf32, #tpu.memory_space<hbm>> -> memref<128x128xf32, #tpu.memory_space<hbm>>
      %dma_start3A_65 = arith.constant 0 : i32
      %dma_start3A_66 = tpu.memref_slice %arg4[%add3A_58, %dma_start3A_65] : memref<86016x128xf32, #tpu.memory_space<hbm>> -> memref<128x128xf32, #tpu.memory_space<hbm>>
      tpu.enqueue_dma source(%arg7 : memref<128x128xf32, #tpu.memory_space<vmem>>) target(%dma_start3A_66 : memref<128x128xf32, #tpu.memory_space<hbm>>) target_semaphore(%arg13 : memref<!tpu.dma_semaphore, #tpu.memory_space<semaphore_mem>>)
      %mul3A_67 = arith.constant 3 : i32
      %mul3A_68 = arith.muli %mul3A_67, %scan3A_8 : i32
      %add3A_69 = arith.constant 2 : i32
      %add3A_70 = arith.addi %mul3A_68, %add3A_69 : i32
      %mul3A_71 = arith.constant 128 : i32
      %mul3A_72 = arith.muli %add3A_70, %mul3A_71 : i32
      %add3A_73 = arith.addi %mul3A_2, %mul3A_72 : i32
      %dma_wait3A_74 = tpu.memref_slice %arg5[%mul3A_33] : memref<2688xi32, #tpu.memory_space<vmem>> -> memref<128xi32, #tpu.memory_space<vmem>>
      %dma_wait3A_75 = arith.constant 0 : i32
      %dma_wait3A_76 = arith.constant 0 : i32
      %dma_wait3A_77 = tpu.memref_slice %arg3[%dma_wait3A_75, %dma_wait3A_76] : memref<4096x128xf32, #tpu.memory_space<hbm>> -> memref<4096x128xf32, #tpu.memory_space<hbm>>
      tpu.wait_indirect_dma semaphore(%arg11 : memref<!tpu.dma_semaphore, #tpu.memory_space<semaphore_mem>>) src(%dma_wait3A_77 : memref<4096x128xf32, #tpu.memory_space<hbm>>) dst(%arg8 : memref<128x128xf32, #tpu.memory_space<vmem>>)
      %dma_start3A_78 = arith.constant 0 : i32
      %dma_start3A_79 = tpu.memref_slice %arg4[%add3A_73, %dma_start3A_78] : memref<86016x128xf32, #tpu.memory_space<hbm>> -> memref<128x128xf32, #tpu.memory_space<hbm>>
      %dma_start3A_80 = arith.constant 0 : i32
      %dma_start3A_81 = tpu.memref_slice %arg4[%add3A_73, %dma_start3A_80] : memref<86016x128xf32, #tpu.memory_space<hbm>> -> memref<128x128xf32, #tpu.memory_space<hbm>>
      tpu.enqueue_dma source(%arg8 : memref<128x128xf32, #tpu.memory_space<vmem>>) target(%dma_start3A_81 : memref<128x128xf32, #tpu.memory_space<hbm>>) target_semaphore(%arg14 : memref<!tpu.dma_semaphore, #tpu.memory_space<semaphore_mem>>)
      %dma_wait3A_82 = arith.constant 0 : i32
      %dma_wait3A_83 = tpu.memref_slice %arg4[%add3A_44, %dma_wait3A_82] : memref<86016x128xf32, #tpu.memory_space<hbm>> -> memref<128x128xf32, #tpu.memory_space<hbm>>
      %dma_wait3A_84 = arith.constant 0 : i32
      %dma_wait3A_85 = tpu.memref_slice %arg4[%add3A_44, %dma_wait3A_84] : memref<86016x128xf32, #tpu.memory_space<hbm>> -> memref<128x128xf32, #tpu.memory_space<hbm>>
      tpu.wait_dma2 semaphore(%arg12 : memref<!tpu.dma_semaphore, #tpu.memory_space<semaphore_mem>>) src(%arg6 : memref<128x128xf32, #tpu.memory_space<vmem>>) dst(%dma_wait3A_85 : memref<128x128xf32, #tpu.memory_space<hbm>>)
      %dma_wait3A_86 = arith.constant 0 : i32
      %dma_wait3A_87 = tpu.memref_slice %arg4[%add3A_58, %dma_wait3A_86] : memref<86016x128xf32, #tpu.memory_space<hbm>> -> memref<128x128xf32, #tpu.memory_space<hbm>>
      %dma_wait3A_88 = arith.constant 0 : i32
      %dma_wait3A_89 = tpu.memref_slice %arg4[%add3A_58, %dma_wait3A_88] : memref<86016x128xf32, #tpu.memory_space<hbm>> -> memref<128x128xf32, #tpu.memory_space<hbm>>
      tpu.wait_dma2 semaphore(%arg13 : memref<!tpu.dma_semaphore, #tpu.memory_space<semaphore_mem>>) src(%arg7 : memref<128x128xf32, #tpu.memory_space<vmem>>) dst(%dma_wait3A_89 : memref<128x128xf32, #tpu.memory_space<hbm>>)
      %dma_wait3A_90 = arith.constant 0 : i32
      %dma_wait3A_91 = tpu.memref_slice %arg4[%add3A_73, %dma_wait3A_90] : memref<86016x128xf32, #tpu.memory_space<hbm>> -> memref<128x128xf32, #tpu.memory_space<hbm>>
      %dma_wait3A_92 = arith.constant 0 : i32
      %dma_wait3A_93 = tpu.memref_slice %arg4[%add3A_73, %dma_wait3A_92] : memref<86016x128xf32, #tpu.memory_space<hbm>> -> memref<128x128xf32, #tpu.memory_space<hbm>>
      tpu.wait_dma2 semaphore(%arg14 : memref<!tpu.dma_semaphore, #tpu.memory_space<semaphore_mem>>) src(%arg8 : memref<128x128xf32, #tpu.memory_space<vmem>>) dst(%dma_wait3A_93 : memref<128x128xf32, #tpu.memory_space<hbm>>)
    }
    %scan3A_7 = arith.constant 7 : i32
    return
  }
}

#map = affine_map<(d0, d1) -> (0)>
#map1 = affine_map<(d0, d1) -> (0, 0)>
module attributes {stable_mosaic.version = 14 : i64} {
  func.func @gath(%arg0: i32, %arg1: i32, %arg2: memref<81920xi32, #tpu.memory_space<hbm>>, %arg3: memref<4096x128xf32, #tpu.memory_space<hbm>>, %arg4: memref<81920x128xf32, #tpu.memory_space<hbm>>, %arg5: memref<2560xi32, #tpu.memory_space<vmem>>, %arg6: memref<128x128xf32, #tpu.memory_space<vmem>>, %arg7: memref<128x128xf32, #tpu.memory_space<vmem>>, %arg8: memref<128x128xf32, #tpu.memory_space<vmem>>, %arg9: memref<128x128xf32, #tpu.memory_space<vmem>>, %arg10: memref<!tpu.dma_semaphore, #tpu.memory_space<semaphore_mem>>, %arg11: memref<!tpu.dma_semaphore, #tpu.memory_space<semaphore_mem>>, %arg12: memref<!tpu.dma_semaphore, #tpu.memory_space<semaphore_mem>>, %arg13: memref<!tpu.dma_semaphore, #tpu.memory_space<semaphore_mem>>, %arg14: memref<!tpu.dma_semaphore, #tpu.memory_space<semaphore_mem>>, %arg15: memref<!tpu.dma_semaphore, #tpu.memory_space<semaphore_mem>>, %arg16: memref<!tpu.dma_semaphore, #tpu.memory_space<semaphore_mem>>, %arg17: memref<!tpu.dma_semaphore, #tpu.memory_space<semaphore_mem>>) attributes {dimension_semantics = [#tpu.dimension_semantics<core_parallel>, #tpu.dimension_semantics<subcore_parallel>], iteration_bounds = array<i64: 2, 16>, scalar_prefetch = 0 : i64, scratch_operands = 13 : i64, tpu.core_type = #tpu.core_type<sc_vector_subcore>, window_params = [{transform_indices = #map}, {transform_indices = #map1}, {transform_indices = #map1}]} {
    %mul3A = arith.constant 2 : i32
    %mul3A_0 = arith.muli %arg1, %mul3A : i32
    %add3A = arith.addi %mul3A_0, %arg0 : i32
    %mul3A_1 = arith.constant 2560 : i32
    %mul3A_2 = arith.muli %add3A, %mul3A_1 : i32
    "tpu.region"() ({
      %run_scoped3A = tpu.sem_alloc : memref<!tpu.dma_semaphore, #tpu.memory_space<semaphore_mem>>
      %dma_start3A = tpu.memref_slice %arg2[%mul3A_2] : memref<81920xi32, #tpu.memory_space<hbm>> -> memref<2560xi32, #tpu.memory_space<hbm>>
      %dma_start3A_8 = tpu.memref_slice %arg2[%mul3A_2] : memref<81920xi32, #tpu.memory_space<hbm>> -> memref<2560xi32, #tpu.memory_space<hbm>>
      tpu.enqueue_dma source(%dma_start3A_8 : memref<2560xi32, #tpu.memory_space<hbm>>) target(%arg5 : memref<2560xi32, #tpu.memory_space<vmem>>) target_semaphore(%run_scoped3A : memref<!tpu.dma_semaphore, #tpu.memory_space<semaphore_mem>>)
      %dma_wait3A = tpu.memref_slice %arg2[%mul3A_2] : memref<81920xi32, #tpu.memory_space<hbm>> -> memref<2560xi32, #tpu.memory_space<hbm>>
      %dma_wait3A_9 = tpu.memref_slice %arg2[%mul3A_2] : memref<81920xi32, #tpu.memory_space<hbm>> -> memref<2560xi32, #tpu.memory_space<hbm>>
      tpu.wait_dma2 semaphore(%run_scoped3A : memref<!tpu.dma_semaphore, #tpu.memory_space<semaphore_mem>>) src(%dma_wait3A_9 : memref<2560xi32, #tpu.memory_space<hbm>>) dst(%arg5 : memref<2560xi32, #tpu.memory_space<vmem>>)
      tpu.yield
    }) : () -> ()
    %scan3A = arith.constant 0 : i32
    %scan3A_3 = arith.constant 0 : i32
    %scan3A_4 = arith.constant 5 : i32
    %scan3A_5 = arith.addi %scan3A_3, %scan3A_4 : i32
    %scan3A_6 = arith.constant 1 : i32
    scf.for %scan3A_8 = %scan3A_3 to %scan3A_5 step %scan3A_6  : i32 {
      %mul3A_9 = arith.constant 4 : i32
      %mul3A_10 = arith.muli %mul3A_9, %scan3A_8 : i32
      %add3A_11 = arith.constant 0 : i32
      %add3A_12 = arith.addi %mul3A_10, %add3A_11 : i32
      %mul3A_13 = arith.constant 128 : i32
      %mul3A_14 = arith.muli %add3A_12, %mul3A_13 : i32
      %dma_start3A = tpu.memref_slice %arg5[%mul3A_14] : memref<2560xi32, #tpu.memory_space<vmem>> -> memref<128xi32, #tpu.memory_space<vmem>>
      %dma_start3A_15 = arith.constant 0 : i32
      %dma_start3A_16 = arith.constant 0 : i32
      %dma_start3A_17 = tpu.memref_slice %arg3[%dma_start3A_15, %dma_start3A_16] : memref<4096x128xf32, #tpu.memory_space<hbm>> -> memref<4096x128xf32, #tpu.memory_space<hbm>>
      tpu.enqueue_indirect_dma source(%dma_start3A_17 : memref<4096x128xf32, #tpu.memory_space<hbm>>) target(%arg6 : memref<128x128xf32, #tpu.memory_space<vmem>>) offsets(%dma_start3A : memref<128xi32, #tpu.memory_space<vmem>>) semaphore(%arg10 : memref<!tpu.dma_semaphore, #tpu.memory_space<semaphore_mem>>)
      %mul3A_18 = arith.constant 4 : i32
      %mul3A_19 = arith.muli %mul3A_18, %scan3A_8 : i32
      %add3A_20 = arith.constant 1 : i32
      %add3A_21 = arith.addi %mul3A_19, %add3A_20 : i32
      %mul3A_22 = arith.constant 128 : i32
      %mul3A_23 = arith.muli %add3A_21, %mul3A_22 : i32
      %dma_start3A_24 = tpu.memref_slice %arg5[%mul3A_23] : memref<2560xi32, #tpu.memory_space<vmem>> -> memref<128xi32, #tpu.memory_space<vmem>>
      %dma_start3A_25 = arith.constant 0 : i32
      %dma_start3A_26 = arith.constant 0 : i32
      %dma_start3A_27 = tpu.memref_slice %arg3[%dma_start3A_25, %dma_start3A_26] : memref<4096x128xf32, #tpu.memory_space<hbm>> -> memref<4096x128xf32, #tpu.memory_space<hbm>>
      tpu.enqueue_indirect_dma source(%dma_start3A_27 : memref<4096x128xf32, #tpu.memory_space<hbm>>) target(%arg7 : memref<128x128xf32, #tpu.memory_space<vmem>>) offsets(%dma_start3A_24 : memref<128xi32, #tpu.memory_space<vmem>>) semaphore(%arg11 : memref<!tpu.dma_semaphore, #tpu.memory_space<semaphore_mem>>)
      %mul3A_28 = arith.constant 4 : i32
      %mul3A_29 = arith.muli %mul3A_28, %scan3A_8 : i32
      %add3A_30 = arith.constant 2 : i32
      %add3A_31 = arith.addi %mul3A_29, %add3A_30 : i32
      %mul3A_32 = arith.constant 128 : i32
      %mul3A_33 = arith.muli %add3A_31, %mul3A_32 : i32
      %dma_start3A_34 = tpu.memref_slice %arg5[%mul3A_33] : memref<2560xi32, #tpu.memory_space<vmem>> -> memref<128xi32, #tpu.memory_space<vmem>>
      %dma_start3A_35 = arith.constant 0 : i32
      %dma_start3A_36 = arith.constant 0 : i32
      %dma_start3A_37 = tpu.memref_slice %arg3[%dma_start3A_35, %dma_start3A_36] : memref<4096x128xf32, #tpu.memory_space<hbm>> -> memref<4096x128xf32, #tpu.memory_space<hbm>>
      tpu.enqueue_indirect_dma source(%dma_start3A_37 : memref<4096x128xf32, #tpu.memory_space<hbm>>) target(%arg8 : memref<128x128xf32, #tpu.memory_space<vmem>>) offsets(%dma_start3A_34 : memref<128xi32, #tpu.memory_space<vmem>>) semaphore(%arg12 : memref<!tpu.dma_semaphore, #tpu.memory_space<semaphore_mem>>)
      %mul3A_38 = arith.constant 4 : i32
      %mul3A_39 = arith.muli %mul3A_38, %scan3A_8 : i32
      %add3A_40 = arith.constant 3 : i32
      %add3A_41 = arith.addi %mul3A_39, %add3A_40 : i32
      %mul3A_42 = arith.constant 128 : i32
      %mul3A_43 = arith.muli %add3A_41, %mul3A_42 : i32
      %dma_start3A_44 = tpu.memref_slice %arg5[%mul3A_43] : memref<2560xi32, #tpu.memory_space<vmem>> -> memref<128xi32, #tpu.memory_space<vmem>>
      %dma_start3A_45 = arith.constant 0 : i32
      %dma_start3A_46 = arith.constant 0 : i32
      %dma_start3A_47 = tpu.memref_slice %arg3[%dma_start3A_45, %dma_start3A_46] : memref<4096x128xf32, #tpu.memory_space<hbm>> -> memref<4096x128xf32, #tpu.memory_space<hbm>>
      tpu.enqueue_indirect_dma source(%dma_start3A_47 : memref<4096x128xf32, #tpu.memory_space<hbm>>) target(%arg9 : memref<128x128xf32, #tpu.memory_space<vmem>>) offsets(%dma_start3A_44 : memref<128xi32, #tpu.memory_space<vmem>>) semaphore(%arg13 : memref<!tpu.dma_semaphore, #tpu.memory_space<semaphore_mem>>)
      %mul3A_48 = arith.constant 4 : i32
      %mul3A_49 = arith.muli %mul3A_48, %scan3A_8 : i32
      %add3A_50 = arith.constant 0 : i32
      %add3A_51 = arith.addi %mul3A_49, %add3A_50 : i32
      %mul3A_52 = arith.constant 128 : i32
      %mul3A_53 = arith.muli %add3A_51, %mul3A_52 : i32
      %add3A_54 = arith.addi %mul3A_2, %mul3A_53 : i32
      %dma_wait3A = tpu.memref_slice %arg5[%mul3A_14] : memref<2560xi32, #tpu.memory_space<vmem>> -> memref<128xi32, #tpu.memory_space<vmem>>
      %dma_wait3A_55 = arith.constant 0 : i32
      %dma_wait3A_56 = arith.constant 0 : i32
      %dma_wait3A_57 = tpu.memref_slice %arg3[%dma_wait3A_55, %dma_wait3A_56] : memref<4096x128xf32, #tpu.memory_space<hbm>> -> memref<4096x128xf32, #tpu.memory_space<hbm>>
      tpu.wait_indirect_dma semaphore(%arg10 : memref<!tpu.dma_semaphore, #tpu.memory_space<semaphore_mem>>) src(%dma_wait3A_57 : memref<4096x128xf32, #tpu.memory_space<hbm>>) dst(%arg6 : memref<128x128xf32, #tpu.memory_space<vmem>>)
      %dma_start3A_58 = arith.constant 0 : i32
      %dma_start3A_59 = tpu.memref_slice %arg4[%add3A_54, %dma_start3A_58] : memref<81920x128xf32, #tpu.memory_space<hbm>> -> memref<128x128xf32, #tpu.memory_space<hbm>>
      %dma_start3A_60 = arith.constant 0 : i32
      %dma_start3A_61 = tpu.memref_slice %arg4[%add3A_54, %dma_start3A_60] : memref<81920x128xf32, #tpu.memory_space<hbm>> -> memref<128x128xf32, #tpu.memory_space<hbm>>
      tpu.enqueue_dma source(%arg6 : memref<128x128xf32, #tpu.memory_space<vmem>>) target(%dma_start3A_61 : memref<128x128xf32, #tpu.memory_space<hbm>>) target_semaphore(%arg14 : memref<!tpu.dma_semaphore, #tpu.memory_space<semaphore_mem>>)
      %mul3A_62 = arith.constant 4 : i32
      %mul3A_63 = arith.muli %mul3A_62, %scan3A_8 : i32
      %add3A_64 = arith.constant 1 : i32
      %add3A_65 = arith.addi %mul3A_63, %add3A_64 : i32
      %mul3A_66 = arith.constant 128 : i32
      %mul3A_67 = arith.muli %add3A_65, %mul3A_66 : i32
      %add3A_68 = arith.addi %mul3A_2, %mul3A_67 : i32
      %dma_wait3A_69 = tpu.memref_slice %arg5[%mul3A_23] : memref<2560xi32, #tpu.memory_space<vmem>> -> memref<128xi32, #tpu.memory_space<vmem>>
      %dma_wait3A_70 = arith.constant 0 : i32
      %dma_wait3A_71 = arith.constant 0 : i32
      %dma_wait3A_72 = tpu.memref_slice %arg3[%dma_wait3A_70, %dma_wait3A_71] : memref<4096x128xf32, #tpu.memory_space<hbm>> -> memref<4096x128xf32, #tpu.memory_space<hbm>>
      tpu.wait_indirect_dma semaphore(%arg11 : memref<!tpu.dma_semaphore, #tpu.memory_space<semaphore_mem>>) src(%dma_wait3A_72 : memref<4096x128xf32, #tpu.memory_space<hbm>>) dst(%arg7 : memref<128x128xf32, #tpu.memory_space<vmem>>)
      %dma_start3A_73 = arith.constant 0 : i32
      %dma_start3A_74 = tpu.memref_slice %arg4[%add3A_68, %dma_start3A_73] : memref<81920x128xf32, #tpu.memory_space<hbm>> -> memref<128x128xf32, #tpu.memory_space<hbm>>
      %dma_start3A_75 = arith.constant 0 : i32
      %dma_start3A_76 = tpu.memref_slice %arg4[%add3A_68, %dma_start3A_75] : memref<81920x128xf32, #tpu.memory_space<hbm>> -> memref<128x128xf32, #tpu.memory_space<hbm>>
      tpu.enqueue_dma source(%arg7 : memref<128x128xf32, #tpu.memory_space<vmem>>) target(%dma_start3A_76 : memref<128x128xf32, #tpu.memory_space<hbm>>) target_semaphore(%arg15 : memref<!tpu.dma_semaphore, #tpu.memory_space<semaphore_mem>>)
      %mul3A_77 = arith.constant 4 : i32
      %mul3A_78 = arith.muli %mul3A_77, %scan3A_8 : i32
      %add3A_79 = arith.constant 2 : i32
      %add3A_80 = arith.addi %mul3A_78, %add3A_79 : i32
      %mul3A_81 = arith.constant 128 : i32
      %mul3A_82 = arith.muli %add3A_80, %mul3A_81 : i32
      %add3A_83 = arith.addi %mul3A_2, %mul3A_82 : i32
      %dma_wait3A_84 = tpu.memref_slice %arg5[%mul3A_33] : memref<2560xi32, #tpu.memory_space<vmem>> -> memref<128xi32, #tpu.memory_space<vmem>>
      %dma_wait3A_85 = arith.constant 0 : i32
      %dma_wait3A_86 = arith.constant 0 : i32
      %dma_wait3A_87 = tpu.memref_slice %arg3[%dma_wait3A_85, %dma_wait3A_86] : memref<4096x128xf32, #tpu.memory_space<hbm>> -> memref<4096x128xf32, #tpu.memory_space<hbm>>
      tpu.wait_indirect_dma semaphore(%arg12 : memref<!tpu.dma_semaphore, #tpu.memory_space<semaphore_mem>>) src(%dma_wait3A_87 : memref<4096x128xf32, #tpu.memory_space<hbm>>) dst(%arg8 : memref<128x128xf32, #tpu.memory_space<vmem>>)
      %dma_start3A_88 = arith.constant 0 : i32
      %dma_start3A_89 = tpu.memref_slice %arg4[%add3A_83, %dma_start3A_88] : memref<81920x128xf32, #tpu.memory_space<hbm>> -> memref<128x128xf32, #tpu.memory_space<hbm>>
      %dma_start3A_90 = arith.constant 0 : i32
      %dma_start3A_91 = tpu.memref_slice %arg4[%add3A_83, %dma_start3A_90] : memref<81920x128xf32, #tpu.memory_space<hbm>> -> memref<128x128xf32, #tpu.memory_space<hbm>>
      tpu.enqueue_dma source(%arg8 : memref<128x128xf32, #tpu.memory_space<vmem>>) target(%dma_start3A_91 : memref<128x128xf32, #tpu.memory_space<hbm>>) target_semaphore(%arg16 : memref<!tpu.dma_semaphore, #tpu.memory_space<semaphore_mem>>)
      %mul3A_92 = arith.constant 4 : i32
      %mul3A_93 = arith.muli %mul3A_92, %scan3A_8 : i32
      %add3A_94 = arith.constant 3 : i32
      %add3A_95 = arith.addi %mul3A_93, %add3A_94 : i32
      %mul3A_96 = arith.constant 128 : i32
      %mul3A_97 = arith.muli %add3A_95, %mul3A_96 : i32
      %add3A_98 = arith.addi %mul3A_2, %mul3A_97 : i32
      %dma_wait3A_99 = tpu.memref_slice %arg5[%mul3A_43] : memref<2560xi32, #tpu.memory_space<vmem>> -> memref<128xi32, #tpu.memory_space<vmem>>
      %dma_wait3A_100 = arith.constant 0 : i32
      %dma_wait3A_101 = arith.constant 0 : i32
      %dma_wait3A_102 = tpu.memref_slice %arg3[%dma_wait3A_100, %dma_wait3A_101] : memref<4096x128xf32, #tpu.memory_space<hbm>> -> memref<4096x128xf32, #tpu.memory_space<hbm>>
      tpu.wait_indirect_dma semaphore(%arg13 : memref<!tpu.dma_semaphore, #tpu.memory_space<semaphore_mem>>) src(%dma_wait3A_102 : memref<4096x128xf32, #tpu.memory_space<hbm>>) dst(%arg9 : memref<128x128xf32, #tpu.memory_space<vmem>>)
      %dma_start3A_103 = arith.constant 0 : i32
      %dma_start3A_104 = tpu.memref_slice %arg4[%add3A_98, %dma_start3A_103] : memref<81920x128xf32, #tpu.memory_space<hbm>> -> memref<128x128xf32, #tpu.memory_space<hbm>>
      %dma_start3A_105 = arith.constant 0 : i32
      %dma_start3A_106 = tpu.memref_slice %arg4[%add3A_98, %dma_start3A_105] : memref<81920x128xf32, #tpu.memory_space<hbm>> -> memref<128x128xf32, #tpu.memory_space<hbm>>
      tpu.enqueue_dma source(%arg9 : memref<128x128xf32, #tpu.memory_space<vmem>>) target(%dma_start3A_106 : memref<128x128xf32, #tpu.memory_space<hbm>>) target_semaphore(%arg17 : memref<!tpu.dma_semaphore, #tpu.memory_space<semaphore_mem>>)
      %dma_wait3A_107 = arith.constant 0 : i32
      %dma_wait3A_108 = tpu.memref_slice %arg4[%add3A_54, %dma_wait3A_107] : memref<81920x128xf32, #tpu.memory_space<hbm>> -> memref<128x128xf32, #tpu.memory_space<hbm>>
      %dma_wait3A_109 = arith.constant 0 : i32
      %dma_wait3A_110 = tpu.memref_slice %arg4[%add3A_54, %dma_wait3A_109] : memref<81920x128xf32, #tpu.memory_space<hbm>> -> memref<128x128xf32, #tpu.memory_space<hbm>>
      tpu.wait_dma2 semaphore(%arg14 : memref<!tpu.dma_semaphore, #tpu.memory_space<semaphore_mem>>) src(%arg6 : memref<128x128xf32, #tpu.memory_space<vmem>>) dst(%dma_wait3A_110 : memref<128x128xf32, #tpu.memory_space<hbm>>)
      %dma_wait3A_111 = arith.constant 0 : i32
      %dma_wait3A_112 = tpu.memref_slice %arg4[%add3A_68, %dma_wait3A_111] : memref<81920x128xf32, #tpu.memory_space<hbm>> -> memref<128x128xf32, #tpu.memory_space<hbm>>
      %dma_wait3A_113 = arith.constant 0 : i32
      %dma_wait3A_114 = tpu.memref_slice %arg4[%add3A_68, %dma_wait3A_113] : memref<81920x128xf32, #tpu.memory_space<hbm>> -> memref<128x128xf32, #tpu.memory_space<hbm>>
      tpu.wait_dma2 semaphore(%arg15 : memref<!tpu.dma_semaphore, #tpu.memory_space<semaphore_mem>>) src(%arg7 : memref<128x128xf32, #tpu.memory_space<vmem>>) dst(%dma_wait3A_114 : memref<128x128xf32, #tpu.memory_space<hbm>>)
      %dma_wait3A_115 = arith.constant 0 : i32
      %dma_wait3A_116 = tpu.memref_slice %arg4[%add3A_83, %dma_wait3A_115] : memref<81920x128xf32, #tpu.memory_space<hbm>> -> memref<128x128xf32, #tpu.memory_space<hbm>>
      %dma_wait3A_117 = arith.constant 0 : i32
      %dma_wait3A_118 = tpu.memref_slice %arg4[%add3A_83, %dma_wait3A_117] : memref<81920x128xf32, #tpu.memory_space<hbm>> -> memref<128x128xf32, #tpu.memory_space<hbm>>
      tpu.wait_dma2 semaphore(%arg16 : memref<!tpu.dma_semaphore, #tpu.memory_space<semaphore_mem>>) src(%arg8 : memref<128x128xf32, #tpu.memory_space<vmem>>) dst(%dma_wait3A_118 : memref<128x128xf32, #tpu.memory_space<hbm>>)
      %dma_wait3A_119 = arith.constant 0 : i32
      %dma_wait3A_120 = tpu.memref_slice %arg4[%add3A_98, %dma_wait3A_119] : memref<81920x128xf32, #tpu.memory_space<hbm>> -> memref<128x128xf32, #tpu.memory_space<hbm>>
      %dma_wait3A_121 = arith.constant 0 : i32
      %dma_wait3A_122 = tpu.memref_slice %arg4[%add3A_98, %dma_wait3A_121] : memref<81920x128xf32, #tpu.memory_space<hbm>> -> memref<128x128xf32, #tpu.memory_space<hbm>>
      tpu.wait_dma2 semaphore(%arg17 : memref<!tpu.dma_semaphore, #tpu.memory_space<semaphore_mem>>) src(%arg9 : memref<128x128xf32, #tpu.memory_space<vmem>>) dst(%dma_wait3A_122 : memref<128x128xf32, #tpu.memory_space<hbm>>)
    }
    %scan3A_7 = arith.constant 5 : i32
    return
  }
}

#map = affine_map<(d0, d1) -> (0)>
#map1 = affine_map<(d0, d1) -> (0, 0)>
module attributes {stable_mosaic.version = 14 : i64} {
  func.func @gath(%arg0: i32, %arg1: i32, %arg2: memref<81920xi32, #tpu.memory_space<hbm>>, %arg3: memref<4096x128xf32, #tpu.memory_space<hbm>>, %arg4: memref<81920x128xf32, #tpu.memory_space<hbm>>, %arg5: memref<2560xi32, #tpu.memory_space<vmem>>, %arg6: memref<128x128xf32, #tpu.memory_space<vmem>>, %arg7: memref<128x128xf32, #tpu.memory_space<vmem>>, %arg8: memref<128x128xf32, #tpu.memory_space<vmem>>, %arg9: memref<128x128xf32, #tpu.memory_space<vmem>>, %arg10: memref<!tpu.dma_semaphore, #tpu.memory_space<semaphore_mem>>, %arg11: memref<!tpu.dma_semaphore, #tpu.memory_space<semaphore_mem>>, %arg12: memref<!tpu.dma_semaphore, #tpu.memory_space<semaphore_mem>>, %arg13: memref<!tpu.dma_semaphore, #tpu.memory_space<semaphore_mem>>, %arg14: memref<!tpu.dma_semaphore, #tpu.memory_space<semaphore_mem>>, %arg15: memref<!tpu.dma_semaphore, #tpu.memory_space<semaphore_mem>>, %arg16: memref<!tpu.dma_semaphore, #tpu.memory_space<semaphore_mem>>, %arg17: memref<!tpu.dma_semaphore, #tpu.memory_space<semaphore_mem>>) attributes {dimension_semantics = [#tpu.dimension_semantics<core_parallel>, #tpu.dimension_semantics<subcore_parallel>], iteration_bounds = array<i64: 2, 16>, scalar_prefetch = 0 : i64, scratch_operands = 13 : i64, tpu.core_type = #tpu.core_type<sc_vector_subcore>, window_params = [{transform_indices = #map}, {transform_indices = #map1}, {transform_indices = #map1}]} {
    %mul3A = arith.constant 2 : i32
    %mul3A_0 = arith.muli %arg1, %mul3A : i32
    %add3A = arith.addi %mul3A_0, %arg0 : i32
    %mul3A_1 = arith.constant 2560 : i32
    %mul3A_2 = arith.muli %add3A, %mul3A_1 : i32
    "tpu.region"() ({
      %run_scoped3A = tpu.sem_alloc : memref<!tpu.dma_semaphore, #tpu.memory_space<semaphore_mem>>
      %dma_start3A = tpu.memref_slice %arg2[%mul3A_2] : memref<81920xi32, #tpu.memory_space<hbm>> -> memref<2560xi32, #tpu.memory_space<hbm>>
      %dma_start3A_8 = tpu.memref_slice %arg2[%mul3A_2] : memref<81920xi32, #tpu.memory_space<hbm>> -> memref<2560xi32, #tpu.memory_space<hbm>>
      tpu.enqueue_dma source(%dma_start3A_8 : memref<2560xi32, #tpu.memory_space<hbm>>) target(%arg5 : memref<2560xi32, #tpu.memory_space<vmem>>) target_semaphore(%run_scoped3A : memref<!tpu.dma_semaphore, #tpu.memory_space<semaphore_mem>>)
      %dma_wait3A = tpu.memref_slice %arg2[%mul3A_2] : memref<81920xi32, #tpu.memory_space<hbm>> -> memref<2560xi32, #tpu.memory_space<hbm>>
      %dma_wait3A_9 = tpu.memref_slice %arg2[%mul3A_2] : memref<81920xi32, #tpu.memory_space<hbm>> -> memref<2560xi32, #tpu.memory_space<hbm>>
      tpu.wait_dma2 semaphore(%run_scoped3A : memref<!tpu.dma_semaphore, #tpu.memory_space<semaphore_mem>>) src(%dma_wait3A_9 : memref<2560xi32, #tpu.memory_space<hbm>>) dst(%arg5 : memref<2560xi32, #tpu.memory_space<vmem>>)
      tpu.yield
    }) : () -> ()
    %scan3A = arith.constant 0 : i32
    %scan3A_3 = arith.constant 0 : i32
    %scan3A_4 = arith.constant 5 : i32
    %scan3A_5 = arith.addi %scan3A_3, %scan3A_4 : i32
    %scan3A_6 = arith.constant 1 : i32
    scf.for %scan3A_8 = %scan3A_3 to %scan3A_5 step %scan3A_6  : i32 {
      %mul3A_9 = arith.constant 4 : i32
      %mul3A_10 = arith.muli %mul3A_9, %scan3A_8 : i32
      %add3A_11 = arith.constant 0 : i32
      %add3A_12 = arith.addi %mul3A_10, %add3A_11 : i32
      %mul3A_13 = arith.constant 128 : i32
      %mul3A_14 = arith.muli %add3A_12, %mul3A_13 : i32
      %dma_start3A = tpu.memref_slice %arg5[%mul3A_14] : memref<2560xi32, #tpu.memory_space<vmem>> -> memref<128xi32, #tpu.memory_space<vmem>>
      %dma_start3A_15 = arith.constant 0 : i32
      %dma_start3A_16 = arith.constant 0 : i32
      %dma_start3A_17 = tpu.memref_slice %arg3[%dma_start3A_15, %dma_start3A_16] : memref<4096x128xf32, #tpu.memory_space<hbm>> -> memref<4096x128xf32, #tpu.memory_space<hbm>>
      tpu.enqueue_indirect_dma source(%dma_start3A_17 : memref<4096x128xf32, #tpu.memory_space<hbm>>) target(%arg6 : memref<128x128xf32, #tpu.memory_space<vmem>>) offsets(%dma_start3A : memref<128xi32, #tpu.memory_space<vmem>>) semaphore(%arg10 : memref<!tpu.dma_semaphore, #tpu.memory_space<semaphore_mem>>)
      %mul3A_18 = arith.constant 4 : i32
      %mul3A_19 = arith.muli %mul3A_18, %scan3A_8 : i32
      %add3A_20 = arith.constant 1 : i32
      %add3A_21 = arith.addi %mul3A_19, %add3A_20 : i32
      %mul3A_22 = arith.constant 128 : i32
      %mul3A_23 = arith.muli %add3A_21, %mul3A_22 : i32
      %dma_start3A_24 = tpu.memref_slice %arg5[%mul3A_23] : memref<2560xi32, #tpu.memory_space<vmem>> -> memref<128xi32, #tpu.memory_space<vmem>>
      %dma_start3A_25 = arith.constant 0 : i32
      %dma_start3A_26 = arith.constant 0 : i32
      %dma_start3A_27 = tpu.memref_slice %arg3[%dma_start3A_25, %dma_start3A_26] : memref<4096x128xf32, #tpu.memory_space<hbm>> -> memref<4096x128xf32, #tpu.memory_space<hbm>>
      tpu.enqueue_indirect_dma source(%dma_start3A_27 : memref<4096x128xf32, #tpu.memory_space<hbm>>) target(%arg7 : memref<128x128xf32, #tpu.memory_space<vmem>>) offsets(%dma_start3A_24 : memref<128xi32, #tpu.memory_space<vmem>>) semaphore(%arg11 : memref<!tpu.dma_semaphore, #tpu.memory_space<semaphore_mem>>)
      %mul3A_28 = arith.constant 4 : i32
      %mul3A_29 = arith.muli %mul3A_28, %scan3A_8 : i32
      %add3A_30 = arith.constant 2 : i32
      %add3A_31 = arith.addi %mul3A_29, %add3A_30 : i32
      %mul3A_32 = arith.constant 128 : i32
      %mul3A_33 = arith.muli %add3A_31, %mul3A_32 : i32
      %dma_start3A_34 = tpu.memref_slice %arg5[%mul3A_33] : memref<2560xi32, #tpu.memory_space<vmem>> -> memref<128xi32, #tpu.memory_space<vmem>>
      %dma_start3A_35 = arith.constant 0 : i32
      %dma_start3A_36 = arith.constant 0 : i32
      %dma_start3A_37 = tpu.memref_slice %arg3[%dma_start3A_35, %dma_start3A_36] : memref<4096x128xf32, #tpu.memory_space<hbm>> -> memref<4096x128xf32, #tpu.memory_space<hbm>>
      tpu.enqueue_indirect_dma source(%dma_start3A_37 : memref<4096x128xf32, #tpu.memory_space<hbm>>) target(%arg8 : memref<128x128xf32, #tpu.memory_space<vmem>>) offsets(%dma_start3A_34 : memref<128xi32, #tpu.memory_space<vmem>>) semaphore(%arg12 : memref<!tpu.dma_semaphore, #tpu.memory_space<semaphore_mem>>)
      %mul3A_38 = arith.constant 4 : i32
      %mul3A_39 = arith.muli %mul3A_38, %scan3A_8 : i32
      %add3A_40 = arith.constant 3 : i32
      %add3A_41 = arith.addi %mul3A_39, %add3A_40 : i32
      %mul3A_42 = arith.constant 128 : i32
      %mul3A_43 = arith.muli %add3A_41, %mul3A_42 : i32
      %dma_start3A_44 = tpu.memref_slice %arg5[%mul3A_43] : memref<2560xi32, #tpu.memory_space<vmem>> -> memref<128xi32, #tpu.memory_space<vmem>>
      %dma_start3A_45 = arith.constant 0 : i32
      %dma_start3A_46 = arith.constant 0 : i32
      %dma_start3A_47 = tpu.memref_slice %arg3[%dma_start3A_45, %dma_start3A_46] : memref<4096x128xf32, #tpu.memory_space<hbm>> -> memref<4096x128xf32, #tpu.memory_space<hbm>>
      tpu.enqueue_indirect_dma source(%dma_start3A_47 : memref<4096x128xf32, #tpu.memory_space<hbm>>) target(%arg9 : memref<128x128xf32, #tpu.memory_space<vmem>>) offsets(%dma_start3A_44 : memref<128xi32, #tpu.memory_space<vmem>>) semaphore(%arg13 : memref<!tpu.dma_semaphore, #tpu.memory_space<semaphore_mem>>)
      %mul3A_48 = arith.constant 4 : i32
      %mul3A_49 = arith.muli %mul3A_48, %scan3A_8 : i32
      %add3A_50 = arith.constant 0 : i32
      %add3A_51 = arith.addi %mul3A_49, %add3A_50 : i32
      %mul3A_52 = arith.constant 128 : i32
      %mul3A_53 = arith.muli %add3A_51, %mul3A_52 : i32
      %add3A_54 = arith.addi %mul3A_2, %mul3A_53 : i32
      %dma_wait3A = tpu.memref_slice %arg5[%mul3A_14] : memref<2560xi32, #tpu.memory_space<vmem>> -> memref<128xi32, #tpu.memory_space<vmem>>
      %dma_wait3A_55 = arith.constant 0 : i32
      %dma_wait3A_56 = arith.constant 0 : i32
      %dma_wait3A_57 = tpu.memref_slice %arg3[%dma_wait3A_55, %dma_wait3A_56] : memref<4096x128xf32, #tpu.memory_space<hbm>> -> memref<4096x128xf32, #tpu.memory_space<hbm>>
      tpu.wait_indirect_dma semaphore(%arg10 : memref<!tpu.dma_semaphore, #tpu.memory_space<semaphore_mem>>) src(%dma_wait3A_57 : memref<4096x128xf32, #tpu.memory_space<hbm>>) dst(%arg6 : memref<128x128xf32, #tpu.memory_space<vmem>>)
      %dma_start3A_58 = arith.constant 0 : i32
      %dma_start3A_59 = tpu.memref_slice %arg4[%add3A_54, %dma_start3A_58] : memref<81920x128xf32, #tpu.memory_space<hbm>> -> memref<128x128xf32, #tpu.memory_space<hbm>>
      %dma_start3A_60 = arith.constant 0 : i32
      %dma_start3A_61 = tpu.memref_slice %arg4[%add3A_54, %dma_start3A_60] : memref<81920x128xf32, #tpu.memory_space<hbm>> -> memref<128x128xf32, #tpu.memory_space<hbm>>
      tpu.enqueue_dma source(%arg6 : memref<128x128xf32, #tpu.memory_space<vmem>>) target(%dma_start3A_61 : memref<128x128xf32, #tpu.memory_space<hbm>>) target_semaphore(%arg14 : memref<!tpu.dma_semaphore, #tpu.memory_space<semaphore_mem>>)
      %mul3A_62 = arith.constant 4 : i32
      %mul3A_63 = arith.muli %mul3A_62, %scan3A_8 : i32
      %add3A_64 = arith.constant 1 : i32
      %add3A_65 = arith.addi %mul3A_63, %add3A_64 : i32
      %mul3A_66 = arith.constant 128 : i32
      %mul3A_67 = arith.muli %add3A_65, %mul3A_66 : i32
      %add3A_68 = arith.addi %mul3A_2, %mul3A_67 : i32
      %dma_wait3A_69 = tpu.memref_slice %arg5[%mul3A_23] : memref<2560xi32, #tpu.memory_space<vmem>> -> memref<128xi32, #tpu.memory_space<vmem>>
      %dma_wait3A_70 = arith.constant 0 : i32
      %dma_wait3A_71 = arith.constant 0 : i32
      %dma_wait3A_72 = tpu.memref_slice %arg3[%dma_wait3A_70, %dma_wait3A_71] : memref<4096x128xf32, #tpu.memory_space<hbm>> -> memref<4096x128xf32, #tpu.memory_space<hbm>>
      tpu.wait_indirect_dma semaphore(%arg11 : memref<!tpu.dma_semaphore, #tpu.memory_space<semaphore_mem>>) src(%dma_wait3A_72 : memref<4096x128xf32, #tpu.memory_space<hbm>>) dst(%arg7 : memref<128x128xf32, #tpu.memory_space<vmem>>)
      %dma_start3A_73 = arith.constant 0 : i32
      %dma_start3A_74 = tpu.memref_slice %arg4[%add3A_68, %dma_start3A_73] : memref<81920x128xf32, #tpu.memory_space<hbm>> -> memref<128x128xf32, #tpu.memory_space<hbm>>
      %dma_start3A_75 = arith.constant 0 : i32
      %dma_start3A_76 = tpu.memref_slice %arg4[%add3A_68, %dma_start3A_75] : memref<81920x128xf32, #tpu.memory_space<hbm>> -> memref<128x128xf32, #tpu.memory_space<hbm>>
      tpu.enqueue_dma source(%arg7 : memref<128x128xf32, #tpu.memory_space<vmem>>) target(%dma_start3A_76 : memref<128x128xf32, #tpu.memory_space<hbm>>) target_semaphore(%arg15 : memref<!tpu.dma_semaphore, #tpu.memory_space<semaphore_mem>>)
      %mul3A_77 = arith.constant 4 : i32
      %mul3A_78 = arith.muli %mul3A_77, %scan3A_8 : i32
      %add3A_79 = arith.constant 2 : i32
      %add3A_80 = arith.addi %mul3A_78, %add3A_79 : i32
      %mul3A_81 = arith.constant 128 : i32
      %mul3A_82 = arith.muli %add3A_80, %mul3A_81 : i32
      %add3A_83 = arith.addi %mul3A_2, %mul3A_82 : i32
      %dma_wait3A_84 = tpu.memref_slice %arg5[%mul3A_33] : memref<2560xi32, #tpu.memory_space<vmem>> -> memref<128xi32, #tpu.memory_space<vmem>>
      %dma_wait3A_85 = arith.constant 0 : i32
      %dma_wait3A_86 = arith.constant 0 : i32
      %dma_wait3A_87 = tpu.memref_slice %arg3[%dma_wait3A_85, %dma_wait3A_86] : memref<4096x128xf32, #tpu.memory_space<hbm>> -> memref<4096x128xf32, #tpu.memory_space<hbm>>
      tpu.wait_indirect_dma semaphore(%arg12 : memref<!tpu.dma_semaphore, #tpu.memory_space<semaphore_mem>>) src(%dma_wait3A_87 : memref<4096x128xf32, #tpu.memory_space<hbm>>) dst(%arg8 : memref<128x128xf32, #tpu.memory_space<vmem>>)
      %dma_start3A_88 = arith.constant 0 : i32
      %dma_start3A_89 = tpu.memref_slice %arg4[%add3A_83, %dma_start3A_88] : memref<81920x128xf32, #tpu.memory_space<hbm>> -> memref<128x128xf32, #tpu.memory_space<hbm>>
      %dma_start3A_90 = arith.constant 0 : i32
      %dma_start3A_91 = tpu.memref_slice %arg4[%add3A_83, %dma_start3A_90] : memref<81920x128xf32, #tpu.memory_space<hbm>> -> memref<128x128xf32, #tpu.memory_space<hbm>>
      tpu.enqueue_dma source(%arg8 : memref<128x128xf32, #tpu.memory_space<vmem>>) target(%dma_start3A_91 : memref<128x128xf32, #tpu.memory_space<hbm>>) target_semaphore(%arg16 : memref<!tpu.dma_semaphore, #tpu.memory_space<semaphore_mem>>)
      %mul3A_92 = arith.constant 4 : i32
      %mul3A_93 = arith.muli %mul3A_92, %scan3A_8 : i32
      %add3A_94 = arith.constant 3 : i32
      %add3A_95 = arith.addi %mul3A_93, %add3A_94 : i32
      %mul3A_96 = arith.constant 128 : i32
      %mul3A_97 = arith.muli %add3A_95, %mul3A_96 : i32
      %add3A_98 = arith.addi %mul3A_2, %mul3A_97 : i32
      %dma_wait3A_99 = tpu.memref_slice %arg5[%mul3A_43] : memref<2560xi32, #tpu.memory_space<vmem>> -> memref<128xi32, #tpu.memory_space<vmem>>
      %dma_wait3A_100 = arith.constant 0 : i32
      %dma_wait3A_101 = arith.constant 0 : i32
      %dma_wait3A_102 = tpu.memref_slice %arg3[%dma_wait3A_100, %dma_wait3A_101] : memref<4096x128xf32, #tpu.memory_space<hbm>> -> memref<4096x128xf32, #tpu.memory_space<hbm>>
      tpu.wait_indirect_dma semaphore(%arg13 : memref<!tpu.dma_semaphore, #tpu.memory_space<semaphore_mem>>) src(%dma_wait3A_102 : memref<4096x128xf32, #tpu.memory_space<hbm>>) dst(%arg9 : memref<128x128xf32, #tpu.memory_space<vmem>>)
      %dma_start3A_103 = arith.constant 0 : i32
      %dma_start3A_104 = tpu.memref_slice %arg4[%add3A_98, %dma_start3A_103] : memref<81920x128xf32, #tpu.memory_space<hbm>> -> memref<128x128xf32, #tpu.memory_space<hbm>>
      %dma_start3A_105 = arith.constant 0 : i32
      %dma_start3A_106 = tpu.memref_slice %arg4[%add3A_98, %dma_start3A_105] : memref<81920x128xf32, #tpu.memory_space<hbm>> -> memref<128x128xf32, #tpu.memory_space<hbm>>
      tpu.enqueue_dma source(%arg9 : memref<128x128xf32, #tpu.memory_space<vmem>>) target(%dma_start3A_106 : memref<128x128xf32, #tpu.memory_space<hbm>>) target_semaphore(%arg17 : memref<!tpu.dma_semaphore, #tpu.memory_space<semaphore_mem>>)
      %dma_wait3A_107 = arith.constant 0 : i32
      %dma_wait3A_108 = tpu.memref_slice %arg4[%add3A_54, %dma_wait3A_107] : memref<81920x128xf32, #tpu.memory_space<hbm>> -> memref<128x128xf32, #tpu.memory_space<hbm>>
      %dma_wait3A_109 = arith.constant 0 : i32
      %dma_wait3A_110 = tpu.memref_slice %arg4[%add3A_54, %dma_wait3A_109] : memref<81920x128xf32, #tpu.memory_space<hbm>> -> memref<128x128xf32, #tpu.memory_space<hbm>>
      tpu.wait_dma2 semaphore(%arg14 : memref<!tpu.dma_semaphore, #tpu.memory_space<semaphore_mem>>) src(%arg6 : memref<128x128xf32, #tpu.memory_space<vmem>>) dst(%dma_wait3A_110 : memref<128x128xf32, #tpu.memory_space<hbm>>)
      %dma_wait3A_111 = arith.constant 0 : i32
      %dma_wait3A_112 = tpu.memref_slice %arg4[%add3A_68, %dma_wait3A_111] : memref<81920x128xf32, #tpu.memory_space<hbm>> -> memref<128x128xf32, #tpu.memory_space<hbm>>
      %dma_wait3A_113 = arith.constant 0 : i32
      %dma_wait3A_114 = tpu.memref_slice %arg4[%add3A_68, %dma_wait3A_113] : memref<81920x128xf32, #tpu.memory_space<hbm>> -> memref<128x128xf32, #tpu.memory_space<hbm>>
      tpu.wait_dma2 semaphore(%arg15 : memref<!tpu.dma_semaphore, #tpu.memory_space<semaphore_mem>>) src(%arg7 : memref<128x128xf32, #tpu.memory_space<vmem>>) dst(%dma_wait3A_114 : memref<128x128xf32, #tpu.memory_space<hbm>>)
      %dma_wait3A_115 = arith.constant 0 : i32
      %dma_wait3A_116 = tpu.memref_slice %arg4[%add3A_83, %dma_wait3A_115] : memref<81920x128xf32, #tpu.memory_space<hbm>> -> memref<128x128xf32, #tpu.memory_space<hbm>>
      %dma_wait3A_117 = arith.constant 0 : i32
      %dma_wait3A_118 = tpu.memref_slice %arg4[%add3A_83, %dma_wait3A_117] : memref<81920x128xf32, #tpu.memory_space<hbm>> -> memref<128x128xf32, #tpu.memory_space<hbm>>
      tpu.wait_dma2 semaphore(%arg16 : memref<!tpu.dma_semaphore, #tpu.memory_space<semaphore_mem>>) src(%arg8 : memref<128x128xf32, #tpu.memory_space<vmem>>) dst(%dma_wait3A_118 : memref<128x128xf32, #tpu.memory_space<hbm>>)
      %dma_wait3A_119 = arith.constant 0 : i32
      %dma_wait3A_120 = tpu.memref_slice %arg4[%add3A_98, %dma_wait3A_119] : memref<81920x128xf32, #tpu.memory_space<hbm>> -> memref<128x128xf32, #tpu.memory_space<hbm>>
      %dma_wait3A_121 = arith.constant 0 : i32
      %dma_wait3A_122 = tpu.memref_slice %arg4[%add3A_98, %dma_wait3A_121] : memref<81920x128xf32, #tpu.memory_space<hbm>> -> memref<128x128xf32, #tpu.memory_space<hbm>>
      tpu.wait_dma2 semaphore(%arg17 : memref<!tpu.dma_semaphore, #tpu.memory_space<semaphore_mem>>) src(%arg9 : memref<128x128xf32, #tpu.memory_space<vmem>>) dst(%dma_wait3A_122 : memref<128x128xf32, #tpu.memory_space<hbm>>)
    }
    %scan3A_7 = arith.constant 5 : i32
    return
  }
}

#map = affine_map<(d0, d1) -> (0)>
#map1 = affine_map<(d0, d1) -> (0, 0)>
module attributes {stable_mosaic.version = 14 : i64} {
  func.func @gath(%arg0: i32, %arg1: i32, %arg2: memref<65536xi32, #tpu.memory_space<hbm>>, %arg3: memref<4096x256xf32, #tpu.memory_space<hbm>>, %arg4: memref<65536x256xf32, #tpu.memory_space<hbm>>, %arg5: memref<2048xi32, #tpu.memory_space<vmem>>, %arg6: memref<128x256xf32, #tpu.memory_space<vmem>>, %arg7: memref<128x256xf32, #tpu.memory_space<vmem>>, %arg8: memref<!tpu.dma_semaphore, #tpu.memory_space<semaphore_mem>>, %arg9: memref<!tpu.dma_semaphore, #tpu.memory_space<semaphore_mem>>, %arg10: memref<!tpu.dma_semaphore, #tpu.memory_space<semaphore_mem>>, %arg11: memref<!tpu.dma_semaphore, #tpu.memory_space<semaphore_mem>>) attributes {dimension_semantics = [#tpu.dimension_semantics<core_parallel>, #tpu.dimension_semantics<subcore_parallel>], iteration_bounds = array<i64: 2, 16>, scalar_prefetch = 0 : i64, scratch_operands = 7 : i64, tpu.core_type = #tpu.core_type<sc_vector_subcore>, window_params = [{transform_indices = #map}, {transform_indices = #map1}, {transform_indices = #map1}]} {
    %mul3A = arith.constant 2 : i32
    %mul3A_0 = arith.muli %arg1, %mul3A : i32
    %add3A = arith.addi %mul3A_0, %arg0 : i32
    %mul3A_1 = arith.constant 2048 : i32
    %mul3A_2 = arith.muli %add3A, %mul3A_1 : i32
    "tpu.region"() ({
      %run_scoped3A = tpu.sem_alloc : memref<!tpu.dma_semaphore, #tpu.memory_space<semaphore_mem>>
      %dma_start3A = tpu.memref_slice %arg2[%mul3A_2] : memref<65536xi32, #tpu.memory_space<hbm>> -> memref<2048xi32, #tpu.memory_space<hbm>>
      %dma_start3A_8 = tpu.memref_slice %arg2[%mul3A_2] : memref<65536xi32, #tpu.memory_space<hbm>> -> memref<2048xi32, #tpu.memory_space<hbm>>
      tpu.enqueue_dma source(%dma_start3A_8 : memref<2048xi32, #tpu.memory_space<hbm>>) target(%arg5 : memref<2048xi32, #tpu.memory_space<vmem>>) target_semaphore(%run_scoped3A : memref<!tpu.dma_semaphore, #tpu.memory_space<semaphore_mem>>)
      %dma_wait3A = tpu.memref_slice %arg2[%mul3A_2] : memref<65536xi32, #tpu.memory_space<hbm>> -> memref<2048xi32, #tpu.memory_space<hbm>>
      %dma_wait3A_9 = tpu.memref_slice %arg2[%mul3A_2] : memref<65536xi32, #tpu.memory_space<hbm>> -> memref<2048xi32, #tpu.memory_space<hbm>>
      tpu.wait_dma2 semaphore(%run_scoped3A : memref<!tpu.dma_semaphore, #tpu.memory_space<semaphore_mem>>) src(%dma_wait3A_9 : memref<2048xi32, #tpu.memory_space<hbm>>) dst(%arg5 : memref<2048xi32, #tpu.memory_space<vmem>>)
      tpu.yield
    }) : () -> ()
    %scan3A = arith.constant 0 : i32
    %scan3A_3 = arith.constant 0 : i32
    %scan3A_4 = arith.constant 8 : i32
    %scan3A_5 = arith.addi %scan3A_3, %scan3A_4 : i32
    %scan3A_6 = arith.constant 1 : i32
    scf.for %scan3A_8 = %scan3A_3 to %scan3A_5 step %scan3A_6  : i32 {
      %mul3A_9 = arith.constant 2 : i32
      %mul3A_10 = arith.muli %mul3A_9, %scan3A_8 : i32
      %add3A_11 = arith.constant 0 : i32
      %add3A_12 = arith.addi %mul3A_10, %add3A_11 : i32
      %mul3A_13 = arith.constant 128 : i32
      %mul3A_14 = arith.muli %add3A_12, %mul3A_13 : i32
      %dma_start3A = tpu.memref_slice %arg5[%mul3A_14] : memref<2048xi32, #tpu.memory_space<vmem>> -> memref<128xi32, #tpu.memory_space<vmem>>
      %dma_start3A_15 = arith.constant 0 : i32
      %dma_start3A_16 = arith.constant 0 : i32
      %dma_start3A_17 = tpu.memref_slice %arg3[%dma_start3A_15, %dma_start3A_16] : memref<4096x256xf32, #tpu.memory_space<hbm>> -> memref<4096x256xf32, #tpu.memory_space<hbm>>
      tpu.enqueue_indirect_dma source(%dma_start3A_17 : memref<4096x256xf32, #tpu.memory_space<hbm>>) target(%arg6 : memref<128x256xf32, #tpu.memory_space<vmem>>) offsets(%dma_start3A : memref<128xi32, #tpu.memory_space<vmem>>) semaphore(%arg8 : memref<!tpu.dma_semaphore, #tpu.memory_space<semaphore_mem>>)
      %mul3A_18 = arith.constant 2 : i32
      %mul3A_19 = arith.muli %mul3A_18, %scan3A_8 : i32
      %add3A_20 = arith.constant 1 : i32
      %add3A_21 = arith.addi %mul3A_19, %add3A_20 : i32
      %mul3A_22 = arith.constant 128 : i32
      %mul3A_23 = arith.muli %add3A_21, %mul3A_22 : i32
      %dma_start3A_24 = tpu.memref_slice %arg5[%mul3A_23] : memref<2048xi32, #tpu.memory_space<vmem>> -> memref<128xi32, #tpu.memory_space<vmem>>
      %dma_start3A_25 = arith.constant 0 : i32
      %dma_start3A_26 = arith.constant 0 : i32
      %dma_start3A_27 = tpu.memref_slice %arg3[%dma_start3A_25, %dma_start3A_26] : memref<4096x256xf32, #tpu.memory_space<hbm>> -> memref<4096x256xf32, #tpu.memory_space<hbm>>
      tpu.enqueue_indirect_dma source(%dma_start3A_27 : memref<4096x256xf32, #tpu.memory_space<hbm>>) target(%arg7 : memref<128x256xf32, #tpu.memory_space<vmem>>) offsets(%dma_start3A_24 : memref<128xi32, #tpu.memory_space<vmem>>) semaphore(%arg9 : memref<!tpu.dma_semaphore, #tpu.memory_space<semaphore_mem>>)
      %mul3A_28 = arith.constant 2 : i32
      %mul3A_29 = arith.muli %mul3A_28, %scan3A_8 : i32
      %add3A_30 = arith.constant 0 : i32
      %add3A_31 = arith.addi %mul3A_29, %add3A_30 : i32
      %mul3A_32 = arith.constant 128 : i32
      %mul3A_33 = arith.muli %add3A_31, %mul3A_32 : i32
      %add3A_34 = arith.addi %mul3A_2, %mul3A_33 : i32
      %dma_wait3A = tpu.memref_slice %arg5[%mul3A_14] : memref<2048xi32, #tpu.memory_space<vmem>> -> memref<128xi32, #tpu.memory_space<vmem>>
      %dma_wait3A_35 = arith.constant 0 : i32
      %dma_wait3A_36 = arith.constant 0 : i32
      %dma_wait3A_37 = tpu.memref_slice %arg3[%dma_wait3A_35, %dma_wait3A_36] : memref<4096x256xf32, #tpu.memory_space<hbm>> -> memref<4096x256xf32, #tpu.memory_space<hbm>>
      tpu.wait_indirect_dma semaphore(%arg8 : memref<!tpu.dma_semaphore, #tpu.memory_space<semaphore_mem>>) src(%dma_wait3A_37 : memref<4096x256xf32, #tpu.memory_space<hbm>>) dst(%arg6 : memref<128x256xf32, #tpu.memory_space<vmem>>)
      %dma_start3A_38 = arith.constant 0 : i32
      %dma_start3A_39 = tpu.memref_slice %arg4[%add3A_34, %dma_start3A_38] : memref<65536x256xf32, #tpu.memory_space<hbm>> -> memref<128x256xf32, #tpu.memory_space<hbm>>
      %dma_start3A_40 = arith.constant 0 : i32
      %dma_start3A_41 = tpu.memref_slice %arg4[%add3A_34, %dma_start3A_40] : memref<65536x256xf32, #tpu.memory_space<hbm>> -> memref<128x256xf32, #tpu.memory_space<hbm>>
      tpu.enqueue_dma source(%arg6 : memref<128x256xf32, #tpu.memory_space<vmem>>) target(%dma_start3A_41 : memref<128x256xf32, #tpu.memory_space<hbm>>) target_semaphore(%arg10 : memref<!tpu.dma_semaphore, #tpu.memory_space<semaphore_mem>>)
      %mul3A_42 = arith.constant 2 : i32
      %mul3A_43 = arith.muli %mul3A_42, %scan3A_8 : i32
      %add3A_44 = arith.constant 1 : i32
      %add3A_45 = arith.addi %mul3A_43, %add3A_44 : i32
      %mul3A_46 = arith.constant 128 : i32
      %mul3A_47 = arith.muli %add3A_45, %mul3A_46 : i32
      %add3A_48 = arith.addi %mul3A_2, %mul3A_47 : i32
      %dma_wait3A_49 = tpu.memref_slice %arg5[%mul3A_23] : memref<2048xi32, #tpu.memory_space<vmem>> -> memref<128xi32, #tpu.memory_space<vmem>>
      %dma_wait3A_50 = arith.constant 0 : i32
      %dma_wait3A_51 = arith.constant 0 : i32
      %dma_wait3A_52 = tpu.memref_slice %arg3[%dma_wait3A_50, %dma_wait3A_51] : memref<4096x256xf32, #tpu.memory_space<hbm>> -> memref<4096x256xf32, #tpu.memory_space<hbm>>
      tpu.wait_indirect_dma semaphore(%arg9 : memref<!tpu.dma_semaphore, #tpu.memory_space<semaphore_mem>>) src(%dma_wait3A_52 : memref<4096x256xf32, #tpu.memory_space<hbm>>) dst(%arg7 : memref<128x256xf32, #tpu.memory_space<vmem>>)
      %dma_start3A_53 = arith.constant 0 : i32
      %dma_start3A_54 = tpu.memref_slice %arg4[%add3A_48, %dma_start3A_53] : memref<65536x256xf32, #tpu.memory_space<hbm>> -> memref<128x256xf32, #tpu.memory_space<hbm>>
      %dma_start3A_55 = arith.constant 0 : i32
      %dma_start3A_56 = tpu.memref_slice %arg4[%add3A_48, %dma_start3A_55] : memref<65536x256xf32, #tpu.memory_space<hbm>> -> memref<128x256xf32, #tpu.memory_space<hbm>>
      tpu.enqueue_dma source(%arg7 : memref<128x256xf32, #tpu.memory_space<vmem>>) target(%dma_start3A_56 : memref<128x256xf32, #tpu.memory_space<hbm>>) target_semaphore(%arg11 : memref<!tpu.dma_semaphore, #tpu.memory_space<semaphore_mem>>)
      %dma_wait3A_57 = arith.constant 0 : i32
      %dma_wait3A_58 = tpu.memref_slice %arg4[%add3A_34, %dma_wait3A_57] : memref<65536x256xf32, #tpu.memory_space<hbm>> -> memref<128x256xf32, #tpu.memory_space<hbm>>
      %dma_wait3A_59 = arith.constant 0 : i32
      %dma_wait3A_60 = tpu.memref_slice %arg4[%add3A_34, %dma_wait3A_59] : memref<65536x256xf32, #tpu.memory_space<hbm>> -> memref<128x256xf32, #tpu.memory_space<hbm>>
      tpu.wait_dma2 semaphore(%arg10 : memref<!tpu.dma_semaphore, #tpu.memory_space<semaphore_mem>>) src(%arg6 : memref<128x256xf32, #tpu.memory_space<vmem>>) dst(%dma_wait3A_60 : memref<128x256xf32, #tpu.memory_space<hbm>>)
      %dma_wait3A_61 = arith.constant 0 : i32
      %dma_wait3A_62 = tpu.memref_slice %arg4[%add3A_48, %dma_wait3A_61] : memref<65536x256xf32, #tpu.memory_space<hbm>> -> memref<128x256xf32, #tpu.memory_space<hbm>>
      %dma_wait3A_63 = arith.constant 0 : i32
      %dma_wait3A_64 = tpu.memref_slice %arg4[%add3A_48, %dma_wait3A_63] : memref<65536x256xf32, #tpu.memory_space<hbm>> -> memref<128x256xf32, #tpu.memory_space<hbm>>
      tpu.wait_dma2 semaphore(%arg11 : memref<!tpu.dma_semaphore, #tpu.memory_space<semaphore_mem>>) src(%arg7 : memref<128x256xf32, #tpu.memory_space<vmem>>) dst(%dma_wait3A_64 : memref<128x256xf32, #tpu.memory_space<hbm>>)
    }
    %scan3A_7 = arith.constant 8 : i32
    return
  }
}

#map = affine_map<(d0, d1) -> (0)>
#map1 = affine_map<(d0, d1) -> (0, 0)>
module attributes {stable_mosaic.version = 14 : i64} {
  func.func @gath(%arg0: i32, %arg1: i32, %arg2: memref<65536xi32, #tpu.memory_space<hbm>>, %arg3: memref<4096x256xf32, #tpu.memory_space<hbm>>, %arg4: memref<65536x256xf32, #tpu.memory_space<hbm>>, %arg5: memref<2048xi32, #tpu.memory_space<vmem>>, %arg6: memref<128x256xf32, #tpu.memory_space<vmem>>, %arg7: memref<128x256xf32, #tpu.memory_space<vmem>>, %arg8: memref<!tpu.dma_semaphore, #tpu.memory_space<semaphore_mem>>, %arg9: memref<!tpu.dma_semaphore, #tpu.memory_space<semaphore_mem>>, %arg10: memref<!tpu.dma_semaphore, #tpu.memory_space<semaphore_mem>>, %arg11: memref<!tpu.dma_semaphore, #tpu.memory_space<semaphore_mem>>) attributes {dimension_semantics = [#tpu.dimension_semantics<core_parallel>, #tpu.dimension_semantics<subcore_parallel>], iteration_bounds = array<i64: 2, 16>, scalar_prefetch = 0 : i64, scratch_operands = 7 : i64, tpu.core_type = #tpu.core_type<sc_vector_subcore>, window_params = [{transform_indices = #map}, {transform_indices = #map1}, {transform_indices = #map1}]} {
    %mul3A = arith.constant 2 : i32
    %mul3A_0 = arith.muli %arg1, %mul3A : i32
    %add3A = arith.addi %mul3A_0, %arg0 : i32
    %mul3A_1 = arith.constant 2048 : i32
    %mul3A_2 = arith.muli %add3A, %mul3A_1 : i32
    "tpu.region"() ({
      %run_scoped3A = tpu.sem_alloc : memref<!tpu.dma_semaphore, #tpu.memory_space<semaphore_mem>>
      %dma_start3A = tpu.memref_slice %arg2[%mul3A_2] : memref<65536xi32, #tpu.memory_space<hbm>> -> memref<2048xi32, #tpu.memory_space<hbm>>
      %dma_start3A_8 = tpu.memref_slice %arg2[%mul3A_2] : memref<65536xi32, #tpu.memory_space<hbm>> -> memref<2048xi32, #tpu.memory_space<hbm>>
      tpu.enqueue_dma source(%dma_start3A_8 : memref<2048xi32, #tpu.memory_space<hbm>>) target(%arg5 : memref<2048xi32, #tpu.memory_space<vmem>>) target_semaphore(%run_scoped3A : memref<!tpu.dma_semaphore, #tpu.memory_space<semaphore_mem>>)
      %dma_wait3A = tpu.memref_slice %arg2[%mul3A_2] : memref<65536xi32, #tpu.memory_space<hbm>> -> memref<2048xi32, #tpu.memory_space<hbm>>
      %dma_wait3A_9 = tpu.memref_slice %arg2[%mul3A_2] : memref<65536xi32, #tpu.memory_space<hbm>> -> memref<2048xi32, #tpu.memory_space<hbm>>
      tpu.wait_dma2 semaphore(%run_scoped3A : memref<!tpu.dma_semaphore, #tpu.memory_space<semaphore_mem>>) src(%dma_wait3A_9 : memref<2048xi32, #tpu.memory_space<hbm>>) dst(%arg5 : memref<2048xi32, #tpu.memory_space<vmem>>)
      tpu.yield
    }) : () -> ()
    %scan3A = arith.constant 0 : i32
    %scan3A_3 = arith.constant 0 : i32
    %scan3A_4 = arith.constant 8 : i32
    %scan3A_5 = arith.addi %scan3A_3, %scan3A_4 : i32
    %scan3A_6 = arith.constant 1 : i32
    scf.for %scan3A_8 = %scan3A_3 to %scan3A_5 step %scan3A_6  : i32 {
      %mul3A_9 = arith.constant 2 : i32
      %mul3A_10 = arith.muli %mul3A_9, %scan3A_8 : i32
      %add3A_11 = arith.constant 0 : i32
      %add3A_12 = arith.addi %mul3A_10, %add3A_11 : i32
      %mul3A_13 = arith.constant 128 : i32
      %mul3A_14 = arith.muli %add3A_12, %mul3A_13 : i32
      %dma_start3A = tpu.memref_slice %arg5[%mul3A_14] : memref<2048xi32, #tpu.memory_space<vmem>> -> memref<128xi32, #tpu.memory_space<vmem>>
      %dma_start3A_15 = arith.constant 0 : i32
      %dma_start3A_16 = arith.constant 0 : i32
      %dma_start3A_17 = tpu.memref_slice %arg3[%dma_start3A_15, %dma_start3A_16] : memref<4096x256xf32, #tpu.memory_space<hbm>> -> memref<4096x256xf32, #tpu.memory_space<hbm>>
      tpu.enqueue_indirect_dma source(%dma_start3A_17 : memref<4096x256xf32, #tpu.memory_space<hbm>>) target(%arg6 : memref<128x256xf32, #tpu.memory_space<vmem>>) offsets(%dma_start3A : memref<128xi32, #tpu.memory_space<vmem>>) semaphore(%arg8 : memref<!tpu.dma_semaphore, #tpu.memory_space<semaphore_mem>>)
      %mul3A_18 = arith.constant 2 : i32
      %mul3A_19 = arith.muli %mul3A_18, %scan3A_8 : i32
      %add3A_20 = arith.constant 1 : i32
      %add3A_21 = arith.addi %mul3A_19, %add3A_20 : i32
      %mul3A_22 = arith.constant 128 : i32
      %mul3A_23 = arith.muli %add3A_21, %mul3A_22 : i32
      %dma_start3A_24 = tpu.memref_slice %arg5[%mul3A_23] : memref<2048xi32, #tpu.memory_space<vmem>> -> memref<128xi32, #tpu.memory_space<vmem>>
      %dma_start3A_25 = arith.constant 0 : i32
      %dma_start3A_26 = arith.constant 0 : i32
      %dma_start3A_27 = tpu.memref_slice %arg3[%dma_start3A_25, %dma_start3A_26] : memref<4096x256xf32, #tpu.memory_space<hbm>> -> memref<4096x256xf32, #tpu.memory_space<hbm>>
      tpu.enqueue_indirect_dma source(%dma_start3A_27 : memref<4096x256xf32, #tpu.memory_space<hbm>>) target(%arg7 : memref<128x256xf32, #tpu.memory_space<vmem>>) offsets(%dma_start3A_24 : memref<128xi32, #tpu.memory_space<vmem>>) semaphore(%arg9 : memref<!tpu.dma_semaphore, #tpu.memory_space<semaphore_mem>>)
      %mul3A_28 = arith.constant 2 : i32
      %mul3A_29 = arith.muli %mul3A_28, %scan3A_8 : i32
      %add3A_30 = arith.constant 0 : i32
      %add3A_31 = arith.addi %mul3A_29, %add3A_30 : i32
      %mul3A_32 = arith.constant 128 : i32
      %mul3A_33 = arith.muli %add3A_31, %mul3A_32 : i32
      %add3A_34 = arith.addi %mul3A_2, %mul3A_33 : i32
      %dma_wait3A = tpu.memref_slice %arg5[%mul3A_14] : memref<2048xi32, #tpu.memory_space<vmem>> -> memref<128xi32, #tpu.memory_space<vmem>>
      %dma_wait3A_35 = arith.constant 0 : i32
      %dma_wait3A_36 = arith.constant 0 : i32
      %dma_wait3A_37 = tpu.memref_slice %arg3[%dma_wait3A_35, %dma_wait3A_36] : memref<4096x256xf32, #tpu.memory_space<hbm>> -> memref<4096x256xf32, #tpu.memory_space<hbm>>
      tpu.wait_indirect_dma semaphore(%arg8 : memref<!tpu.dma_semaphore, #tpu.memory_space<semaphore_mem>>) src(%dma_wait3A_37 : memref<4096x256xf32, #tpu.memory_space<hbm>>) dst(%arg6 : memref<128x256xf32, #tpu.memory_space<vmem>>)
      %dma_start3A_38 = arith.constant 0 : i32
      %dma_start3A_39 = tpu.memref_slice %arg4[%add3A_34, %dma_start3A_38] : memref<65536x256xf32, #tpu.memory_space<hbm>> -> memref<128x256xf32, #tpu.memory_space<hbm>>
      %dma_start3A_40 = arith.constant 0 : i32
      %dma_start3A_41 = tpu.memref_slice %arg4[%add3A_34, %dma_start3A_40] : memref<65536x256xf32, #tpu.memory_space<hbm>> -> memref<128x256xf32, #tpu.memory_space<hbm>>
      tpu.enqueue_dma source(%arg6 : memref<128x256xf32, #tpu.memory_space<vmem>>) target(%dma_start3A_41 : memref<128x256xf32, #tpu.memory_space<hbm>>) target_semaphore(%arg10 : memref<!tpu.dma_semaphore, #tpu.memory_space<semaphore_mem>>)
      %mul3A_42 = arith.constant 2 : i32
      %mul3A_43 = arith.muli %mul3A_42, %scan3A_8 : i32
      %add3A_44 = arith.constant 1 : i32
      %add3A_45 = arith.addi %mul3A_43, %add3A_44 : i32
      %mul3A_46 = arith.constant 128 : i32
      %mul3A_47 = arith.muli %add3A_45, %mul3A_46 : i32
      %add3A_48 = arith.addi %mul3A_2, %mul3A_47 : i32
      %dma_wait3A_49 = tpu.memref_slice %arg5[%mul3A_23] : memref<2048xi32, #tpu.memory_space<vmem>> -> memref<128xi32, #tpu.memory_space<vmem>>
      %dma_wait3A_50 = arith.constant 0 : i32
      %dma_wait3A_51 = arith.constant 0 : i32
      %dma_wait3A_52 = tpu.memref_slice %arg3[%dma_wait3A_50, %dma_wait3A_51] : memref<4096x256xf32, #tpu.memory_space<hbm>> -> memref<4096x256xf32, #tpu.memory_space<hbm>>
      tpu.wait_indirect_dma semaphore(%arg9 : memref<!tpu.dma_semaphore, #tpu.memory_space<semaphore_mem>>) src(%dma_wait3A_52 : memref<4096x256xf32, #tpu.memory_space<hbm>>) dst(%arg7 : memref<128x256xf32, #tpu.memory_space<vmem>>)
      %dma_start3A_53 = arith.constant 0 : i32
      %dma_start3A_54 = tpu.memref_slice %arg4[%add3A_48, %dma_start3A_53] : memref<65536x256xf32, #tpu.memory_space<hbm>> -> memref<128x256xf32, #tpu.memory_space<hbm>>
      %dma_start3A_55 = arith.constant 0 : i32
      %dma_start3A_56 = tpu.memref_slice %arg4[%add3A_48, %dma_start3A_55] : memref<65536x256xf32, #tpu.memory_space<hbm>> -> memref<128x256xf32, #tpu.memory_space<hbm>>
      tpu.enqueue_dma source(%arg7 : memref<128x256xf32, #tpu.memory_space<vmem>>) target(%dma_start3A_56 : memref<128x256xf32, #tpu.memory_space<hbm>>) target_semaphore(%arg11 : memref<!tpu.dma_semaphore, #tpu.memory_space<semaphore_mem>>)
      %dma_wait3A_57 = arith.constant 0 : i32
      %dma_wait3A_58 = tpu.memref_slice %arg4[%add3A_34, %dma_wait3A_57] : memref<65536x256xf32, #tpu.memory_space<hbm>> -> memref<128x256xf32, #tpu.memory_space<hbm>>
      %dma_wait3A_59 = arith.constant 0 : i32
      %dma_wait3A_60 = tpu.memref_slice %arg4[%add3A_34, %dma_wait3A_59] : memref<65536x256xf32, #tpu.memory_space<hbm>> -> memref<128x256xf32, #tpu.memory_space<hbm>>
      tpu.wait_dma2 semaphore(%arg10 : memref<!tpu.dma_semaphore, #tpu.memory_space<semaphore_mem>>) src(%arg6 : memref<128x256xf32, #tpu.memory_space<vmem>>) dst(%dma_wait3A_60 : memref<128x256xf32, #tpu.memory_space<hbm>>)
      %dma_wait3A_61 = arith.constant 0 : i32
      %dma_wait3A_62 = tpu.memref_slice %arg4[%add3A_48, %dma_wait3A_61] : memref<65536x256xf32, #tpu.memory_space<hbm>> -> memref<128x256xf32, #tpu.memory_space<hbm>>
      %dma_wait3A_63 = arith.constant 0 : i32
      %dma_wait3A_64 = tpu.memref_slice %arg4[%add3A_48, %dma_wait3A_63] : memref<65536x256xf32, #tpu.memory_space<hbm>> -> memref<128x256xf32, #tpu.memory_space<hbm>>
      tpu.wait_dma2 semaphore(%arg11 : memref<!tpu.dma_semaphore, #tpu.memory_space<semaphore_mem>>) src(%arg7 : memref<128x256xf32, #tpu.memory_space<vmem>>) dst(%dma_wait3A_64 : memref<128x256xf32, #tpu.memory_space<hbm>>)
    }
    %scan3A_7 = arith.constant 8 : i32
    return
  }
}

module attributes {stable_mosaic.version = 14 : i64} {
  func.func @_topk_body(%arg0: i32, %arg1: i32, %arg2: memref<1x3x2048xf32, #tpu.memory_space<vmem>>, %arg3: memref<1x256x3xf32, #tpu.memory_space<vmem>>, %arg4: memref<1x256x32xi32, #tpu.memory_space<vmem>>) attributes {dimension_semantics = [#tpu.dimension_semantics<arbitrary>, #tpu.dimension_semantics<arbitrary>], iteration_bounds = array<i64: 2, 8>, scalar_prefetch = 0 : i64, scratch_operands = 0 : i64, tpu.core_type = #tpu.core_type<tc>, window_params = [{transform_indices = @transform_0, window_bounds = array<i64: 1, 3, 2048>}, {transform_indices = @transform_1, window_bounds = array<i64: 1, 256, 3>}, {transform_indices = @transform_2, window_bounds = array<i64: 1, 256, 32>}]} {
    %get3A = arith.constant 0 : index
    %get3A_0 = arith.constant 0 : index
    %get3A_1 = arith.constant 0 : index
    %get3A_2 = vector.load %arg2[%get3A, %get3A_0, %get3A_1] : memref<1x3x2048xf32, #tpu.memory_space<vmem>>, vector<1x3x2048xf32>
    %get3A_3 = vector.shape_cast %get3A_2 : vector<1x3x2048xf32> to vector<3x2048xf32>
    %get3A_4 = arith.constant 0 : index
    %get3A_5 = arith.constant 0 : index
    %get3A_6 = arith.constant 0 : index
    %get3A_7 = vector.load %arg3[%get3A_4, %get3A_5, %get3A_6] : memref<1x256x3xf32, #tpu.memory_space<vmem>>, vector<1x256x3xf32>
    %get3A_8 = vector.shape_cast %get3A_7 : vector<1x256x3xf32> to vector<256x3xf32>
    %slice3A = vector.extract_strided_slice %get3A_3 {offsets = [0, 0], sizes = [1, 2048], strides = [1, 1]} : vector<3x2048xf32> to vector<1x2048xf32>
    %slice3A_9 = vector.extract_strided_slice %get3A_3 {offsets = [1, 0], sizes = [1, 2048], strides = [1, 1]} : vector<3x2048xf32> to vector<1x2048xf32>
    %slice3A_10 = vector.extract_strided_slice %get3A_3 {offsets = [2, 0], sizes = [1, 2048], strides = [1, 1]} : vector<3x2048xf32> to vector<1x2048xf32>
    %slice3A_11 = vector.extract_strided_slice %get3A_8 {offsets = [0, 0], sizes = [256, 1], strides = [1, 1]} : vector<256x3xf32> to vector<256x1xf32>
    %slice3A_12 = vector.extract_strided_slice %get3A_8 {offsets = [0, 1], sizes = [256, 1], strides = [1, 1]} : vector<256x3xf32> to vector<256x1xf32>
    %slice3A_13 = vector.extract_strided_slice %get3A_8 {offsets = [0, 2], sizes = [256, 1], strides = [1, 1]} : vector<256x3xf32> to vector<256x1xf32>
    %convert_element_type3A = arith.truncf %slice3A_11 : vector<256x1xf32> to vector<256x1xbf16>
    %convert_element_type3A_14 = arith.extf %convert_element_type3A : vector<256x1xbf16> to vector<256x1xf32>
    %convert_element_type3A_15 = arith.truncf %slice3A : vector<1x2048xf32> to vector<1x2048xbf16>
    %convert_element_type3A_16 = arith.extf %convert_element_type3A_15 : vector<1x2048xbf16> to vector<1x2048xf32>
    %mul3A = vector.broadcast %convert_element_type3A_14 : vector<256x1xf32> to vector<256x2048xf32>
    %mul3A_17 = vector.broadcast %convert_element_type3A_16 : vector<1x2048xf32> to vector<256x2048xf32>
    %mul3A_18 = arith.mulf %mul3A, %mul3A_17 : vector<256x2048xf32>
    %convert_element_type3A_19 = arith.truncf %slice3A_12 : vector<256x1xf32> to vector<256x1xbf16>
    %convert_element_type3A_20 = arith.extf %convert_element_type3A_19 : vector<256x1xbf16> to vector<256x1xf32>
    %convert_element_type3A_21 = arith.truncf %slice3A_9 : vector<1x2048xf32> to vector<1x2048xbf16>
    %convert_element_type3A_22 = arith.extf %convert_element_type3A_21 : vector<1x2048xbf16> to vector<1x2048xf32>
    %mul3A_23 = vector.broadcast %convert_element_type3A_20 : vector<256x1xf32> to vector<256x2048xf32>
    %mul3A_24 = vector.broadcast %convert_element_type3A_22 : vector<1x2048xf32> to vector<256x2048xf32>
    %mul3A_25 = arith.mulf %mul3A_23, %mul3A_24 : vector<256x2048xf32>
    %add3A = arith.addf %mul3A_18, %mul3A_25 : vector<256x2048xf32>
    %convert_element_type3A_26 = arith.truncf %slice3A_13 : vector<256x1xf32> to vector<256x1xbf16>
    %convert_element_type3A_27 = arith.extf %convert_element_type3A_26 : vector<256x1xbf16> to vector<256x1xf32>
    %convert_element_type3A_28 = arith.truncf %slice3A_10 : vector<1x2048xf32> to vector<1x2048xbf16>
    %convert_element_type3A_29 = arith.extf %convert_element_type3A_28 : vector<1x2048xbf16> to vector<1x2048xf32>
    %mul3A_30 = vector.broadcast %convert_element_type3A_27 : vector<256x1xf32> to vector<256x2048xf32>
    %mul3A_31 = vector.broadcast %convert_element_type3A_29 : vector<1x2048xf32> to vector<256x2048xf32>
    %mul3A_32 = arith.mulf %mul3A_30, %mul3A_31 : vector<256x2048xf32>
    %add3A_33 = arith.addf %add3A, %mul3A_32 : vector<256x2048xf32>
    %mul3A_34 = arith.mulf %slice3A, %slice3A : vector<1x2048xf32>
    %mul3A_35 = arith.mulf %slice3A_9, %slice3A_9 : vector<1x2048xf32>
    %add3A_36 = arith.addf %mul3A_34, %mul3A_35 : vector<1x2048xf32>
    %mul3A_37 = arith.mulf %slice3A_10, %slice3A_10 : vector<1x2048xf32>
    %add3A_38 = arith.addf %add3A_36, %mul3A_37 : vector<1x2048xf32>
    %mul3A_39 = arith.mulf %slice3A_11, %slice3A_11 : vector<256x1xf32>
    %mul3A_40 = arith.mulf %slice3A_12, %slice3A_12 : vector<256x1xf32>
    %add3A_41 = arith.addf %mul3A_39, %mul3A_40 : vector<256x1xf32>
    %mul3A_42 = arith.mulf %slice3A_13, %slice3A_13 : vector<256x1xf32>
    %add3A_43 = arith.addf %add3A_41, %mul3A_42 : vector<256x1xf32>
    %mul3A_44 = arith.constant -2.000000e+00 : f32
    %mul3A_45 = vector.broadcast %mul3A_44 : f32 to vector<256x2048xf32>
    %mul3A_46 = arith.mulf %mul3A_45, %add3A_33 : vector<256x2048xf32>
    %add3A_47 = vector.broadcast %add3A_38 : vector<1x2048xf32> to vector<256x2048xf32>
    %add3A_48 = arith.addf %mul3A_46, %add3A_47 : vector<256x2048xf32>
    %add3A_49 = vector.broadcast %add3A_43 : vector<256x1xf32> to vector<256x2048xf32>
    %add3A_50 = arith.addf %add3A_48, %add3A_49 : vector<256x2048xf32>
    %iota3A = tpu.iota {dimensions = array<i32: 1>} : vector<256x2048xi32>
    %convert_element_type3A_51 = arith.sitofp %iota3A : vector<256x2048xi32> to vector<256x2048xf32>
    %reduce_min3A = arith.constant dense<0x7F800000> : vector<256xf32>
    %reduce_min3A_52 = vector.multi_reduction <minimumf>, %add3A_50, %reduce_min3A [1] : vector<256x2048xf32> to vector<256xf32>
    %broadcast_in_dim3A = vector.shape_cast %reduce_min3A_52 : vector<256xf32> to vector<256x1xf32>
    %eq3A = vector.broadcast %broadcast_in_dim3A : vector<256x1xf32> to vector<256x2048xf32>
    %eq3A_53 = arith.cmpf oeq, %add3A_50, %eq3A : vector<256x2048xf32>
    %jit3A = arith.constant 2.048000e+03 : f32
    %broadcast_in_dim3A_54 = vector.broadcast %jit3A : f32 to vector<256x2048xf32>
    %select_n3A = arith.select %eq3A_53, %convert_element_type3A_51, %broadcast_in_dim3A_54 : vector<256x2048xi1>, vector<256x2048xf32>
    %reduce_min3A_55 = arith.constant dense<0x7F800000> : vector<256xf32>
    %reduce_min3A_56 = vector.multi_reduction <minimumf>, %select_n3A, %reduce_min3A_55 [1] : vector<256x2048xf32> to vector<256xf32>
    %broadcast_in_dim3A_57 = vector.shape_cast %reduce_min3A_56 : vector<256xf32> to vector<256x1xf32>
    %eq3A_58 = vector.broadcast %broadcast_in_dim3A_57 : vector<256x1xf32> to vector<256x2048xf32>
    %eq3A_59 = arith.cmpf oeq, %convert_element_type3A_51, %eq3A_58 : vector<256x2048xf32>
    %jit3A_60 = arith.constant 0x7F800000 : f32
    %broadcast_in_dim3A_61 = vector.broadcast %jit3A_60 : f32 to vector<256x2048xf32>
    %select_n3A_62 = arith.select %eq3A_59, %broadcast_in_dim3A_61, %add3A_50 : vector<256x2048xi1>, vector<256x2048xf32>
    %reduce_min3A_63 = arith.constant dense<0x7F800000> : vector<256xf32>
    %reduce_min3A_64 = vector.multi_reduction <minimumf>, %select_n3A_62, %reduce_min3A_63 [1] : vector<256x2048xf32> to vector<256xf32>
    %broadcast_in_dim3A_65 = vector.shape_cast %reduce_min3A_64 : vector<256xf32> to vector<256x1xf32>
    %eq3A_66 = vector.broadcast %broadcast_in_dim3A_65 : vector<256x1xf32> to vector<256x2048xf32>
    %eq3A_67 = arith.cmpf oeq, %select_n3A_62, %eq3A_66 : vector<256x2048xf32>
    %jit3A_68 = arith.constant 2.048000e+03 : f32
    %broadcast_in_dim3A_69 = vector.broadcast %jit3A_68 : f32 to vector<256x2048xf32>
    %select_n3A_70 = arith.select %eq3A_67, %convert_element_type3A_51, %broadcast_in_dim3A_69 : vector<256x2048xi1>, vector<256x2048xf32>
    %reduce_min3A_71 = arith.constant dense<0x7F800000> : vector<256xf32>
    %reduce_min3A_72 = vector.multi_reduction <minimumf>, %select_n3A_70, %reduce_min3A_71 [1] : vector<256x2048xf32> to vector<256xf32>
    %broadcast_in_dim3A_73 = vector.shape_cast %reduce_min3A_72 : vector<256xf32> to vector<256x1xf32>
    %eq3A_74 = vector.broadcast %broadcast_in_dim3A_73 : vector<256x1xf32> to vector<256x2048xf32>
    %eq3A_75 = arith.cmpf oeq, %convert_element_type3A_51, %eq3A_74 : vector<256x2048xf32>
    %jit3A_76 = arith.constant 0x7F800000 : f32
    %broadcast_in_dim3A_77 = vector.broadcast %jit3A_76 : f32 to vector<256x2048xf32>
    %select_n3A_78 = arith.select %eq3A_75, %broadcast_in_dim3A_77, %select_n3A_62 : vector<256x2048xi1>, vector<256x2048xf32>
    %reduce_min3A_79 = arith.constant dense<0x7F800000> : vector<256xf32>
    %reduce_min3A_80 = vector.multi_reduction <minimumf>, %select_n3A_78, %reduce_min3A_79 [1] : vector<256x2048xf32> to vector<256xf32>
    %broadcast_in_dim3A_81 = vector.shape_cast %reduce_min3A_80 : vector<256xf32> to vector<256x1xf32>
    %eq3A_82 = vector.broadcast %broadcast_in_dim3A_81 : vector<256x1xf32> to vector<256x2048xf32>
    %eq3A_83 = arith.cmpf oeq, %select_n3A_78, %eq3A_82 : vector<256x2048xf32>
    %jit3A_84 = arith.constant 2.048000e+03 : f32
    %broadcast_in_dim3A_85 = vector.broadcast %jit3A_84 : f32 to vector<256x2048xf32>
    %select_n3A_86 = arith.select %eq3A_83, %convert_element_type3A_51, %broadcast_in_dim3A_85 : vector<256x2048xi1>, vector<256x2048xf32>
    %reduce_min3A_87 = arith.constant dense<0x7F800000> : vector<256xf32>
    %reduce_min3A_88 = vector.multi_reduction <minimumf>, %select_n3A_86, %reduce_min3A_87 [1] : vector<256x2048xf32> to vector<256xf32>
    %broadcast_in_dim3A_89 = vector.shape_cast %reduce_min3A_88 : vector<256xf32> to vector<256x1xf32>
    %eq3A_90 = vector.broadcast %broadcast_in_dim3A_89 : vector<256x1xf32> to vector<256x2048xf32>
    %eq3A_91 = arith.cmpf oeq, %convert_element_type3A_51, %eq3A_90 : vector<256x2048xf32>
    %jit3A_92 = arith.constant 0x7F800000 : f32
    %broadcast_in_dim3A_93 = vector.broadcast %jit3A_92 : f32 to vector<256x2048xf32>
    %select_n3A_94 = arith.select %eq3A_91, %broadcast_in_dim3A_93, %select_n3A_78 : vector<256x2048xi1>, vector<256x2048xf32>
    %reduce_min3A_95 = arith.constant dense<0x7F800000> : vector<256xf32>
    %reduce_min3A_96 = vector.multi_reduction <minimumf>, %select_n3A_94, %reduce_min3A_95 [1] : vector<256x2048xf32> to vector<256xf32>
    %broadcast_in_dim3A_97 = vector.shape_cast %reduce_min3A_96 : vector<256xf32> to vector<256x1xf32>
    %eq3A_98 = vector.broadcast %broadcast_in_dim3A_97 : vector<256x1xf32> to vector<256x2048xf32>
    %eq3A_99 = arith.cmpf oeq, %select_n3A_94, %eq3A_98 : vector<256x2048xf32>
    %jit3A_100 = arith.constant 2.048000e+03 : f32
    %broadcast_in_dim3A_101 = vector.broadcast %jit3A_100 : f32 to vector<256x2048xf32>
    %select_n3A_102 = arith.select %eq3A_99, %convert_element_type3A_51, %broadcast_in_dim3A_101 : vector<256x2048xi1>, vector<256x2048xf32>
    %reduce_min3A_103 = arith.constant dense<0x7F800000> : vector<256xf32>
    %reduce_min3A_104 = vector.multi_reduction <minimumf>, %select_n3A_102, %reduce_min3A_103 [1] : vector<256x2048xf32> to vector<256xf32>
    %broadcast_in_dim3A_105 = vector.shape_cast %reduce_min3A_104 : vector<256xf32> to vector<256x1xf32>
    %eq3A_106 = vector.broadcast %broadcast_in_dim3A_105 : vector<256x1xf32> to vector<256x2048xf32>
    %eq3A_107 = arith.cmpf oeq, %convert_element_type3A_51, %eq3A_106 : vector<256x2048xf32>
    %jit3A_108 = arith.constant 0x7F800000 : f32
    %broadcast_in_dim3A_109 = vector.broadcast %jit3A_108 : f32 to vector<256x2048xf32>
    %select_n3A_110 = arith.select %eq3A_107, %broadcast_in_dim3A_109, %select_n3A_94 : vector<256x2048xi1>, vector<256x2048xf32>
    %reduce_min3A_111 = arith.constant dense<0x7F800000> : vector<256xf32>
    %reduce_min3A_112 = vector.multi_reduction <minimumf>, %select_n3A_110, %reduce_min3A_111 [1] : vector<256x2048xf32> to vector<256xf32>
    %broadcast_in_dim3A_113 = vector.shape_cast %reduce_min3A_112 : vector<256xf32> to vector<256x1xf32>
    %eq3A_114 = vector.broadcast %broadcast_in_dim3A_113 : vector<256x1xf32> to vector<256x2048xf32>
    %eq3A_115 = arith.cmpf oeq, %select_n3A_110, %eq3A_114 : vector<256x2048xf32>
    %jit3A_116 = arith.constant 2.048000e+03 : f32
    %broadcast_in_dim3A_117 = vector.broadcast %jit3A_116 : f32 to vector<256x2048xf32>
    %select_n3A_118 = arith.select %eq3A_115, %convert_element_type3A_51, %broadcast_in_dim3A_117 : vector<256x2048xi1>, vector<256x2048xf32>
    %reduce_min3A_119 = arith.constant dense<0x7F800000> : vector<256xf32>
    %reduce_min3A_120 = vector.multi_reduction <minimumf>, %select_n3A_118, %reduce_min3A_119 [1] : vector<256x2048xf32> to vector<256xf32>
    %broadcast_in_dim3A_121 = vector.shape_cast %reduce_min3A_120 : vector<256xf32> to vector<256x1xf32>
    %eq3A_122 = vector.broadcast %broadcast_in_dim3A_121 : vector<256x1xf32> to vector<256x2048xf32>
    %eq3A_123 = arith.cmpf oeq, %convert_element_type3A_51, %eq3A_122 : vector<256x2048xf32>
    %jit3A_124 = arith.constant 0x7F800000 : f32
    %broadcast_in_dim3A_125 = vector.broadcast %jit3A_124 : f32 to vector<256x2048xf32>
    %select_n3A_126 = arith.select %eq3A_123, %broadcast_in_dim3A_125, %select_n3A_110 : vector<256x2048xi1>, vector<256x2048xf32>
    %reduce_min3A_127 = arith.constant dense<0x7F800000> : vector<256xf32>
    %reduce_min3A_128 = vector.multi_reduction <minimumf>, %select_n3A_126, %reduce_min3A_127 [1] : vector<256x2048xf32> to vector<256xf32>
    %broadcast_in_dim3A_129 = vector.shape_cast %reduce_min3A_128 : vector<256xf32> to vector<256x1xf32>
    %eq3A_130 = vector.broadcast %broadcast_in_dim3A_129 : vector<256x1xf32> to vector<256x2048xf32>
    %eq3A_131 = arith.cmpf oeq, %select_n3A_126, %eq3A_130 : vector<256x2048xf32>
    %jit3A_132 = arith.constant 2.048000e+03 : f32
    %broadcast_in_dim3A_133 = vector.broadcast %jit3A_132 : f32 to vector<256x2048xf32>
    %select_n3A_134 = arith.select %eq3A_131, %convert_element_type3A_51, %broadcast_in_dim3A_133 : vector<256x2048xi1>, vector<256x2048xf32>
    %reduce_min3A_135 = arith.constant dense<0x7F800000> : vector<256xf32>
    %reduce_min3A_136 = vector.multi_reduction <minimumf>, %select_n3A_134, %reduce_min3A_135 [1] : vector<256x2048xf32> to vector<256xf32>
    %broadcast_in_dim3A_137 = vector.shape_cast %reduce_min3A_136 : vector<256xf32> to vector<256x1xf32>
    %eq3A_138 = vector.broadcast %broadcast_in_dim3A_137 : vector<256x1xf32> to vector<256x2048xf32>
    %eq3A_139 = arith.cmpf oeq, %convert_element_type3A_51, %eq3A_138 : vector<256x2048xf32>
    %jit3A_140 = arith.constant 0x7F800000 : f32
    %broadcast_in_dim3A_141 = vector.broadcast %jit3A_140 : f32 to vector<256x2048xf32>
    %select_n3A_142 = arith.select %eq3A_139, %broadcast_in_dim3A_141, %select_n3A_126 : vector<256x2048xi1>, vector<256x2048xf32>
    %reduce_min3A_143 = arith.constant dense<0x7F800000> : vector<256xf32>
    %reduce_min3A_144 = vector.multi_reduction <minimumf>, %select_n3A_142, %reduce_min3A_143 [1] : vector<256x2048xf32> to vector<256xf32>
    %broadcast_in_dim3A_145 = vector.shape_cast %reduce_min3A_144 : vector<256xf32> to vector<256x1xf32>
    %eq3A_146 = vector.broadcast %broadcast_in_dim3A_145 : vector<256x1xf32> to vector<256x2048xf32>
    %eq3A_147 = arith.cmpf oeq, %select_n3A_142, %eq3A_146 : vector<256x2048xf32>
    %jit3A_148 = arith.constant 2.048000e+03 : f32
    %broadcast_in_dim3A_149 = vector.broadcast %jit3A_148 : f32 to vector<256x2048xf32>
    %select_n3A_150 = arith.select %eq3A_147, %convert_element_type3A_51, %broadcast_in_dim3A_149 : vector<256x2048xi1>, vector<256x2048xf32>
    %reduce_min3A_151 = arith.constant dense<0x7F800000> : vector<256xf32>
    %reduce_min3A_152 = vector.multi_reduction <minimumf>, %select_n3A_150, %reduce_min3A_151 [1] : vector<256x2048xf32> to vector<256xf32>
    %broadcast_in_dim3A_153 = vector.shape_cast %reduce_min3A_152 : vector<256xf32> to vector<256x1xf32>
    %eq3A_154 = vector.broadcast %broadcast_in_dim3A_153 : vector<256x1xf32> to vector<256x2048xf32>
    %eq3A_155 = arith.cmpf oeq, %convert_element_type3A_51, %eq3A_154 : vector<256x2048xf32>
    %jit3A_156 = arith.constant 0x7F800000 : f32
    %broadcast_in_dim3A_157 = vector.broadcast %jit3A_156 : f32 to vector<256x2048xf32>
    %select_n3A_158 = arith.select %eq3A_155, %broadcast_in_dim3A_157, %select_n3A_142 : vector<256x2048xi1>, vector<256x2048xf32>
    %reduce_min3A_159 = arith.constant dense<0x7F800000> : vector<256xf32>
    %reduce_min3A_160 = vector.multi_reduction <minimumf>, %select_n3A_158, %reduce_min3A_159 [1] : vector<256x2048xf32> to vector<256xf32>
    %broadcast_in_dim3A_161 = vector.shape_cast %reduce_min3A_160 : vector<256xf32> to vector<256x1xf32>
    %eq3A_162 = vector.broadcast %broadcast_in_dim3A_161 : vector<256x1xf32> to vector<256x2048xf32>
    %eq3A_163 = arith.cmpf oeq, %select_n3A_158, %eq3A_162 : vector<256x2048xf32>
    %jit3A_164 = arith.constant 2.048000e+03 : f32
    %broadcast_in_dim3A_165 = vector.broadcast %jit3A_164 : f32 to vector<256x2048xf32>
    %select_n3A_166 = arith.select %eq3A_163, %convert_element_type3A_51, %broadcast_in_dim3A_165 : vector<256x2048xi1>, vector<256x2048xf32>
    %reduce_min3A_167 = arith.constant dense<0x7F800000> : vector<256xf32>
    %reduce_min3A_168 = vector.multi_reduction <minimumf>, %select_n3A_166, %reduce_min3A_167 [1] : vector<256x2048xf32> to vector<256xf32>
    %broadcast_in_dim3A_169 = vector.shape_cast %reduce_min3A_168 : vector<256xf32> to vector<256x1xf32>
    %eq3A_170 = vector.broadcast %broadcast_in_dim3A_169 : vector<256x1xf32> to vector<256x2048xf32>
    %eq3A_171 = arith.cmpf oeq, %convert_element_type3A_51, %eq3A_170 : vector<256x2048xf32>
    %jit3A_172 = arith.constant 0x7F800000 : f32
    %broadcast_in_dim3A_173 = vector.broadcast %jit3A_172 : f32 to vector<256x2048xf32>
    %select_n3A_174 = arith.select %eq3A_171, %broadcast_in_dim3A_173, %select_n3A_158 : vector<256x2048xi1>, vector<256x2048xf32>
    %reduce_min3A_175 = arith.constant dense<0x7F800000> : vector<256xf32>
    %reduce_min3A_176 = vector.multi_reduction <minimumf>, %select_n3A_174, %reduce_min3A_175 [1] : vector<256x2048xf32> to vector<256xf32>
    %broadcast_in_dim3A_177 = vector.shape_cast %reduce_min3A_176 : vector<256xf32> to vector<256x1xf32>
    %eq3A_178 = vector.broadcast %broadcast_in_dim3A_177 : vector<256x1xf32> to vector<256x2048xf32>
    %eq3A_179 = arith.cmpf oeq, %select_n3A_174, %eq3A_178 : vector<256x2048xf32>
    %jit3A_180 = arith.constant 2.048000e+03 : f32
    %broadcast_in_dim3A_181 = vector.broadcast %jit3A_180 : f32 to vector<256x2048xf32>
    %select_n3A_182 = arith.select %eq3A_179, %convert_element_type3A_51, %broadcast_in_dim3A_181 : vector<256x2048xi1>, vector<256x2048xf32>
    %reduce_min3A_183 = arith.constant dense<0x7F800000> : vector<256xf32>
    %reduce_min3A_184 = vector.multi_reduction <minimumf>, %select_n3A_182, %reduce_min3A_183 [1] : vector<256x2048xf32> to vector<256xf32>
    %broadcast_in_dim3A_185 = vector.shape_cast %reduce_min3A_184 : vector<256xf32> to vector<256x1xf32>
    %eq3A_186 = vector.broadcast %broadcast_in_dim3A_185 : vector<256x1xf32> to vector<256x2048xf32>
    %eq3A_187 = arith.cmpf oeq, %convert_element_type3A_51, %eq3A_186 : vector<256x2048xf32>
    %jit3A_188 = arith.constant 0x7F800000 : f32
    %broadcast_in_dim3A_189 = vector.broadcast %jit3A_188 : f32 to vector<256x2048xf32>
    %select_n3A_190 = arith.select %eq3A_187, %broadcast_in_dim3A_189, %select_n3A_174 : vector<256x2048xi1>, vector<256x2048xf32>
    %reduce_min3A_191 = arith.constant dense<0x7F800000> : vector<256xf32>
    %reduce_min3A_192 = vector.multi_reduction <minimumf>, %select_n3A_190, %reduce_min3A_191 [1] : vector<256x2048xf32> to vector<256xf32>
    %broadcast_in_dim3A_193 = vector.shape_cast %reduce_min3A_192 : vector<256xf32> to vector<256x1xf32>
    %eq3A_194 = vector.broadcast %broadcast_in_dim3A_193 : vector<256x1xf32> to vector<256x2048xf32>
    %eq3A_195 = arith.cmpf oeq, %select_n3A_190, %eq3A_194 : vector<256x2048xf32>
    %jit3A_196 = arith.constant 2.048000e+03 : f32
    %broadcast_in_dim3A_197 = vector.broadcast %jit3A_196 : f32 to vector<256x2048xf32>
    %select_n3A_198 = arith.select %eq3A_195, %convert_element_type3A_51, %broadcast_in_dim3A_197 : vector<256x2048xi1>, vector<256x2048xf32>
    %reduce_min3A_199 = arith.constant dense<0x7F800000> : vector<256xf32>
    %reduce_min3A_200 = vector.multi_reduction <minimumf>, %select_n3A_198, %reduce_min3A_199 [1] : vector<256x2048xf32> to vector<256xf32>
    %broadcast_in_dim3A_201 = vector.shape_cast %reduce_min3A_200 : vector<256xf32> to vector<256x1xf32>
    %eq3A_202 = vector.broadcast %broadcast_in_dim3A_201 : vector<256x1xf32> to vector<256x2048xf32>
    %eq3A_203 = arith.cmpf oeq, %convert_element_type3A_51, %eq3A_202 : vector<256x2048xf32>
    %jit3A_204 = arith.constant 0x7F800000 : f32
    %broadcast_in_dim3A_205 = vector.broadcast %jit3A_204 : f32 to vector<256x2048xf32>
    %select_n3A_206 = arith.select %eq3A_203, %broadcast_in_dim3A_205, %select_n3A_190 : vector<256x2048xi1>, vector<256x2048xf32>
    %reduce_min3A_207 = arith.constant dense<0x7F800000> : vector<256xf32>
    %reduce_min3A_208 = vector.multi_reduction <minimumf>, %select_n3A_206, %reduce_min3A_207 [1] : vector<256x2048xf32> to vector<256xf32>
    %broadcast_in_dim3A_209 = vector.shape_cast %reduce_min3A_208 : vector<256xf32> to vector<256x1xf32>
    %eq3A_210 = vector.broadcast %broadcast_in_dim3A_209 : vector<256x1xf32> to vector<256x2048xf32>
    %eq3A_211 = arith.cmpf oeq, %select_n3A_206, %eq3A_210 : vector<256x2048xf32>
    %jit3A_212 = arith.constant 2.048000e+03 : f32
    %broadcast_in_dim3A_213 = vector.broadcast %jit3A_212 : f32 to vector<256x2048xf32>
    %select_n3A_214 = arith.select %eq3A_211, %convert_element_type3A_51, %broadcast_in_dim3A_213 : vector<256x2048xi1>, vector<256x2048xf32>
    %reduce_min3A_215 = arith.constant dense<0x7F800000> : vector<256xf32>
    %reduce_min3A_216 = vector.multi_reduction <minimumf>, %select_n3A_214, %reduce_min3A_215 [1] : vector<256x2048xf32> to vector<256xf32>
    %broadcast_in_dim3A_217 = vector.shape_cast %reduce_min3A_216 : vector<256xf32> to vector<256x1xf32>
    %eq3A_218 = vector.broadcast %broadcast_in_dim3A_217 : vector<256x1xf32> to vector<256x2048xf32>
    %eq3A_219 = arith.cmpf oeq, %convert_element_type3A_51, %eq3A_218 : vector<256x2048xf32>
    %jit3A_220 = arith.constant 0x7F800000 : f32
    %broadcast_in_dim3A_221 = vector.broadcast %jit3A_220 : f32 to vector<256x2048xf32>
    %select_n3A_222 = arith.select %eq3A_219, %broadcast_in_dim3A_221, %select_n3A_206 : vector<256x2048xi1>, vector<256x2048xf32>
    %reduce_min3A_223 = arith.constant dense<0x7F800000> : vector<256xf32>
    %reduce_min3A_224 = vector.multi_reduction <minimumf>, %select_n3A_222, %reduce_min3A_223 [1] : vector<256x2048xf32> to vector<256xf32>
    %broadcast_in_dim3A_225 = vector.shape_cast %reduce_min3A_224 : vector<256xf32> to vector<256x1xf32>
    %eq3A_226 = vector.broadcast %broadcast_in_dim3A_225 : vector<256x1xf32> to vector<256x2048xf32>
    %eq3A_227 = arith.cmpf oeq, %select_n3A_222, %eq3A_226 : vector<256x2048xf32>
    %jit3A_228 = arith.constant 2.048000e+03 : f32
    %broadcast_in_dim3A_229 = vector.broadcast %jit3A_228 : f32 to vector<256x2048xf32>
    %select_n3A_230 = arith.select %eq3A_227, %convert_element_type3A_51, %broadcast_in_dim3A_229 : vector<256x2048xi1>, vector<256x2048xf32>
    %reduce_min3A_231 = arith.constant dense<0x7F800000> : vector<256xf32>
    %reduce_min3A_232 = vector.multi_reduction <minimumf>, %select_n3A_230, %reduce_min3A_231 [1] : vector<256x2048xf32> to vector<256xf32>
    %broadcast_in_dim3A_233 = vector.shape_cast %reduce_min3A_232 : vector<256xf32> to vector<256x1xf32>
    %eq3A_234 = vector.broadcast %broadcast_in_dim3A_233 : vector<256x1xf32> to vector<256x2048xf32>
    %eq3A_235 = arith.cmpf oeq, %convert_element_type3A_51, %eq3A_234 : vector<256x2048xf32>
    %jit3A_236 = arith.constant 0x7F800000 : f32
    %broadcast_in_dim3A_237 = vector.broadcast %jit3A_236 : f32 to vector<256x2048xf32>
    %select_n3A_238 = arith.select %eq3A_235, %broadcast_in_dim3A_237, %select_n3A_222 : vector<256x2048xi1>, vector<256x2048xf32>
    %reduce_min3A_239 = arith.constant dense<0x7F800000> : vector<256xf32>
    %reduce_min3A_240 = vector.multi_reduction <minimumf>, %select_n3A_238, %reduce_min3A_239 [1] : vector<256x2048xf32> to vector<256xf32>
    %broadcast_in_dim3A_241 = vector.shape_cast %reduce_min3A_240 : vector<256xf32> to vector<256x1xf32>
    %eq3A_242 = vector.broadcast %broadcast_in_dim3A_241 : vector<256x1xf32> to vector<256x2048xf32>
    %eq3A_243 = arith.cmpf oeq, %select_n3A_238, %eq3A_242 : vector<256x2048xf32>
    %jit3A_244 = arith.constant 2.048000e+03 : f32
    %broadcast_in_dim3A_245 = vector.broadcast %jit3A_244 : f32 to vector<256x2048xf32>
    %select_n3A_246 = arith.select %eq3A_243, %convert_element_type3A_51, %broadcast_in_dim3A_245 : vector<256x2048xi1>, vector<256x2048xf32>
    %reduce_min3A_247 = arith.constant dense<0x7F800000> : vector<256xf32>
    %reduce_min3A_248 = vector.multi_reduction <minimumf>, %select_n3A_246, %reduce_min3A_247 [1] : vector<256x2048xf32> to vector<256xf32>
    %broadcast_in_dim3A_249 = vector.shape_cast %reduce_min3A_248 : vector<256xf32> to vector<256x1xf32>
    %eq3A_250 = vector.broadcast %broadcast_in_dim3A_249 : vector<256x1xf32> to vector<256x2048xf32>
    %eq3A_251 = arith.cmpf oeq, %convert_element_type3A_51, %eq3A_250 : vector<256x2048xf32>
    %jit3A_252 = arith.constant 0x7F800000 : f32
    %broadcast_in_dim3A_253 = vector.broadcast %jit3A_252 : f32 to vector<256x2048xf32>
    %select_n3A_254 = arith.select %eq3A_251, %broadcast_in_dim3A_253, %select_n3A_238 : vector<256x2048xi1>, vector<256x2048xf32>
    %reduce_min3A_255 = arith.constant dense<0x7F800000> : vector<256xf32>
    %reduce_min3A_256 = vector.multi_reduction <minimumf>, %select_n3A_254, %reduce_min3A_255 [1] : vector<256x2048xf32> to vector<256xf32>
    %broadcast_in_dim3A_257 = vector.shape_cast %reduce_min3A_256 : vector<256xf32> to vector<256x1xf32>
    %eq3A_258 = vector.broadcast %broadcast_in_dim3A_257 : vector<256x1xf32> to vector<256x2048xf32>
    %eq3A_259 = arith.cmpf oeq, %select_n3A_254, %eq3A_258 : vector<256x2048xf32>
    %jit3A_260 = arith.constant 2.048000e+03 : f32
    %broadcast_in_dim3A_261 = vector.broadcast %jit3A_260 : f32 to vector<256x2048xf32>
    %select_n3A_262 = arith.select %eq3A_259, %convert_element_type3A_51, %broadcast_in_dim3A_261 : vector<256x2048xi1>, vector<256x2048xf32>
    %reduce_min3A_263 = arith.constant dense<0x7F800000> : vector<256xf32>
    %reduce_min3A_264 = vector.multi_reduction <minimumf>, %select_n3A_262, %reduce_min3A_263 [1] : vector<256x2048xf32> to vector<256xf32>
    %broadcast_in_dim3A_265 = vector.shape_cast %reduce_min3A_264 : vector<256xf32> to vector<256x1xf32>
    %eq3A_266 = vector.broadcast %broadcast_in_dim3A_265 : vector<256x1xf32> to vector<256x2048xf32>
    %eq3A_267 = arith.cmpf oeq, %convert_element_type3A_51, %eq3A_266 : vector<256x2048xf32>
    %jit3A_268 = arith.constant 0x7F800000 : f32
    %broadcast_in_dim3A_269 = vector.broadcast %jit3A_268 : f32 to vector<256x2048xf32>
    %select_n3A_270 = arith.select %eq3A_267, %broadcast_in_dim3A_269, %select_n3A_254 : vector<256x2048xi1>, vector<256x2048xf32>
    %reduce_min3A_271 = arith.constant dense<0x7F800000> : vector<256xf32>
    %reduce_min3A_272 = vector.multi_reduction <minimumf>, %select_n3A_270, %reduce_min3A_271 [1] : vector<256x2048xf32> to vector<256xf32>
    %broadcast_in_dim3A_273 = vector.shape_cast %reduce_min3A_272 : vector<256xf32> to vector<256x1xf32>
    %eq3A_274 = vector.broadcast %broadcast_in_dim3A_273 : vector<256x1xf32> to vector<256x2048xf32>
    %eq3A_275 = arith.cmpf oeq, %select_n3A_270, %eq3A_274 : vector<256x2048xf32>
    %jit3A_276 = arith.constant 2.048000e+03 : f32
    %broadcast_in_dim3A_277 = vector.broadcast %jit3A_276 : f32 to vector<256x2048xf32>
    %select_n3A_278 = arith.select %eq3A_275, %convert_element_type3A_51, %broadcast_in_dim3A_277 : vector<256x2048xi1>, vector<256x2048xf32>
    %reduce_min3A_279 = arith.constant dense<0x7F800000> : vector<256xf32>
    %reduce_min3A_280 = vector.multi_reduction <minimumf>, %select_n3A_278, %reduce_min3A_279 [1] : vector<256x2048xf32> to vector<256xf32>
    %broadcast_in_dim3A_281 = vector.shape_cast %reduce_min3A_280 : vector<256xf32> to vector<256x1xf32>
    %eq3A_282 = vector.broadcast %broadcast_in_dim3A_281 : vector<256x1xf32> to vector<256x2048xf32>
    %eq3A_283 = arith.cmpf oeq, %convert_element_type3A_51, %eq3A_282 : vector<256x2048xf32>
    %jit3A_284 = arith.constant 0x7F800000 : f32
    %broadcast_in_dim3A_285 = vector.broadcast %jit3A_284 : f32 to vector<256x2048xf32>
    %select_n3A_286 = arith.select %eq3A_283, %broadcast_in_dim3A_285, %select_n3A_270 : vector<256x2048xi1>, vector<256x2048xf32>
    %reduce_min3A_287 = arith.constant dense<0x7F800000> : vector<256xf32>
    %reduce_min3A_288 = vector.multi_reduction <minimumf>, %select_n3A_286, %reduce_min3A_287 [1] : vector<256x2048xf32> to vector<256xf32>
    %broadcast_in_dim3A_289 = vector.shape_cast %reduce_min3A_288 : vector<256xf32> to vector<256x1xf32>
    %eq3A_290 = vector.broadcast %broadcast_in_dim3A_289 : vector<256x1xf32> to vector<256x2048xf32>
    %eq3A_291 = arith.cmpf oeq, %select_n3A_286, %eq3A_290 : vector<256x2048xf32>
    %jit3A_292 = arith.constant 2.048000e+03 : f32
    %broadcast_in_dim3A_293 = vector.broadcast %jit3A_292 : f32 to vector<256x2048xf32>
    %select_n3A_294 = arith.select %eq3A_291, %convert_element_type3A_51, %broadcast_in_dim3A_293 : vector<256x2048xi1>, vector<256x2048xf32>
    %reduce_min3A_295 = arith.constant dense<0x7F800000> : vector<256xf32>
    %reduce_min3A_296 = vector.multi_reduction <minimumf>, %select_n3A_294, %reduce_min3A_295 [1] : vector<256x2048xf32> to vector<256xf32>
    %broadcast_in_dim3A_297 = vector.shape_cast %reduce_min3A_296 : vector<256xf32> to vector<256x1xf32>
    %eq3A_298 = vector.broadcast %broadcast_in_dim3A_297 : vector<256x1xf32> to vector<256x2048xf32>
    %eq3A_299 = arith.cmpf oeq, %convert_element_type3A_51, %eq3A_298 : vector<256x2048xf32>
    %jit3A_300 = arith.constant 0x7F800000 : f32
    %broadcast_in_dim3A_301 = vector.broadcast %jit3A_300 : f32 to vector<256x2048xf32>
    %select_n3A_302 = arith.select %eq3A_299, %broadcast_in_dim3A_301, %select_n3A_286 : vector<256x2048xi1>, vector<256x2048xf32>
    %reduce_min3A_303 = arith.constant dense<0x7F800000> : vector<256xf32>
    %reduce_min3A_304 = vector.multi_reduction <minimumf>, %select_n3A_302, %reduce_min3A_303 [1] : vector<256x2048xf32> to vector<256xf32>
    %broadcast_in_dim3A_305 = vector.shape_cast %reduce_min3A_304 : vector<256xf32> to vector<256x1xf32>
    %eq3A_306 = vector.broadcast %broadcast_in_dim3A_305 : vector<256x1xf32> to vector<256x2048xf32>
    %eq3A_307 = arith.cmpf oeq, %select_n3A_302, %eq3A_306 : vector<256x2048xf32>
    %jit3A_308 = arith.constant 2.048000e+03 : f32
    %broadcast_in_dim3A_309 = vector.broadcast %jit3A_308 : f32 to vector<256x2048xf32>
    %select_n3A_310 = arith.select %eq3A_307, %convert_element_type3A_51, %broadcast_in_dim3A_309 : vector<256x2048xi1>, vector<256x2048xf32>
    %reduce_min3A_311 = arith.constant dense<0x7F800000> : vector<256xf32>
    %reduce_min3A_312 = vector.multi_reduction <minimumf>, %select_n3A_310, %reduce_min3A_311 [1] : vector<256x2048xf32> to vector<256xf32>
    %broadcast_in_dim3A_313 = vector.shape_cast %reduce_min3A_312 : vector<256xf32> to vector<256x1xf32>
    %eq3A_314 = vector.broadcast %broadcast_in_dim3A_313 : vector<256x1xf32> to vector<256x2048xf32>
    %eq3A_315 = arith.cmpf oeq, %convert_element_type3A_51, %eq3A_314 : vector<256x2048xf32>
    %jit3A_316 = arith.constant 0x7F800000 : f32
    %broadcast_in_dim3A_317 = vector.broadcast %jit3A_316 : f32 to vector<256x2048xf32>
    %select_n3A_318 = arith.select %eq3A_315, %broadcast_in_dim3A_317, %select_n3A_302 : vector<256x2048xi1>, vector<256x2048xf32>
    %reduce_min3A_319 = arith.constant dense<0x7F800000> : vector<256xf32>
    %reduce_min3A_320 = vector.multi_reduction <minimumf>, %select_n3A_318, %reduce_min3A_319 [1] : vector<256x2048xf32> to vector<256xf32>
    %broadcast_in_dim3A_321 = vector.shape_cast %reduce_min3A_320 : vector<256xf32> to vector<256x1xf32>
    %eq3A_322 = vector.broadcast %broadcast_in_dim3A_321 : vector<256x1xf32> to vector<256x2048xf32>
    %eq3A_323 = arith.cmpf oeq, %select_n3A_318, %eq3A_322 : vector<256x2048xf32>
    %jit3A_324 = arith.constant 2.048000e+03 : f32
    %broadcast_in_dim3A_325 = vector.broadcast %jit3A_324 : f32 to vector<256x2048xf32>
    %select_n3A_326 = arith.select %eq3A_323, %convert_element_type3A_51, %broadcast_in_dim3A_325 : vector<256x2048xi1>, vector<256x2048xf32>
    %reduce_min3A_327 = arith.constant dense<0x7F800000> : vector<256xf32>
    %reduce_min3A_328 = vector.multi_reduction <minimumf>, %select_n3A_326, %reduce_min3A_327 [1] : vector<256x2048xf32> to vector<256xf32>
    %broadcast_in_dim3A_329 = vector.shape_cast %reduce_min3A_328 : vector<256xf32> to vector<256x1xf32>
    %eq3A_330 = vector.broadcast %broadcast_in_dim3A_329 : vector<256x1xf32> to vector<256x2048xf32>
    %eq3A_331 = arith.cmpf oeq, %convert_element_type3A_51, %eq3A_330 : vector<256x2048xf32>
    %jit3A_332 = arith.constant 0x7F800000 : f32
    %broadcast_in_dim3A_333 = vector.broadcast %jit3A_332 : f32 to vector<256x2048xf32>
    %select_n3A_334 = arith.select %eq3A_331, %broadcast_in_dim3A_333, %select_n3A_318 : vector<256x2048xi1>, vector<256x2048xf32>
    %reduce_min3A_335 = arith.constant dense<0x7F800000> : vector<256xf32>
    %reduce_min3A_336 = vector.multi_reduction <minimumf>, %select_n3A_334, %reduce_min3A_335 [1] : vector<256x2048xf32> to vector<256xf32>
    %broadcast_in_dim3A_337 = vector.shape_cast %reduce_min3A_336 : vector<256xf32> to vector<256x1xf32>
    %eq3A_338 = vector.broadcast %broadcast_in_dim3A_337 : vector<256x1xf32> to vector<256x2048xf32>
    %eq3A_339 = arith.cmpf oeq, %select_n3A_334, %eq3A_338 : vector<256x2048xf32>
    %jit3A_340 = arith.constant 2.048000e+03 : f32
    %broadcast_in_dim3A_341 = vector.broadcast %jit3A_340 : f32 to vector<256x2048xf32>
    %select_n3A_342 = arith.select %eq3A_339, %convert_element_type3A_51, %broadcast_in_dim3A_341 : vector<256x2048xi1>, vector<256x2048xf32>
    %reduce_min3A_343 = arith.constant dense<0x7F800000> : vector<256xf32>
    %reduce_min3A_344 = vector.multi_reduction <minimumf>, %select_n3A_342, %reduce_min3A_343 [1] : vector<256x2048xf32> to vector<256xf32>
    %broadcast_in_dim3A_345 = vector.shape_cast %reduce_min3A_344 : vector<256xf32> to vector<256x1xf32>
    %eq3A_346 = vector.broadcast %broadcast_in_dim3A_345 : vector<256x1xf32> to vector<256x2048xf32>
    %eq3A_347 = arith.cmpf oeq, %convert_element_type3A_51, %eq3A_346 : vector<256x2048xf32>
    %jit3A_348 = arith.constant 0x7F800000 : f32
    %broadcast_in_dim3A_349 = vector.broadcast %jit3A_348 : f32 to vector<256x2048xf32>
    %select_n3A_350 = arith.select %eq3A_347, %broadcast_in_dim3A_349, %select_n3A_334 : vector<256x2048xi1>, vector<256x2048xf32>
    %reduce_min3A_351 = arith.constant dense<0x7F800000> : vector<256xf32>
    %reduce_min3A_352 = vector.multi_reduction <minimumf>, %select_n3A_350, %reduce_min3A_351 [1] : vector<256x2048xf32> to vector<256xf32>
    %broadcast_in_dim3A_353 = vector.shape_cast %reduce_min3A_352 : vector<256xf32> to vector<256x1xf32>
    %eq3A_354 = vector.broadcast %broadcast_in_dim3A_353 : vector<256x1xf32> to vector<256x2048xf32>
    %eq3A_355 = arith.cmpf oeq, %select_n3A_350, %eq3A_354 : vector<256x2048xf32>
    %jit3A_356 = arith.constant 2.048000e+03 : f32
    %broadcast_in_dim3A_357 = vector.broadcast %jit3A_356 : f32 to vector<256x2048xf32>
    %select_n3A_358 = arith.select %eq3A_355, %convert_element_type3A_51, %broadcast_in_dim3A_357 : vector<256x2048xi1>, vector<256x2048xf32>
    %reduce_min3A_359 = arith.constant dense<0x7F800000> : vector<256xf32>
    %reduce_min3A_360 = vector.multi_reduction <minimumf>, %select_n3A_358, %reduce_min3A_359 [1] : vector<256x2048xf32> to vector<256xf32>
    %broadcast_in_dim3A_361 = vector.shape_cast %reduce_min3A_360 : vector<256xf32> to vector<256x1xf32>
    %eq3A_362 = vector.broadcast %broadcast_in_dim3A_361 : vector<256x1xf32> to vector<256x2048xf32>
    %eq3A_363 = arith.cmpf oeq, %convert_element_type3A_51, %eq3A_362 : vector<256x2048xf32>
    %jit3A_364 = arith.constant 0x7F800000 : f32
    %broadcast_in_dim3A_365 = vector.broadcast %jit3A_364 : f32 to vector<256x2048xf32>
    %select_n3A_366 = arith.select %eq3A_363, %broadcast_in_dim3A_365, %select_n3A_350 : vector<256x2048xi1>, vector<256x2048xf32>
    %reduce_min3A_367 = arith.constant dense<0x7F800000> : vector<256xf32>
    %reduce_min3A_368 = vector.multi_reduction <minimumf>, %select_n3A_366, %reduce_min3A_367 [1] : vector<256x2048xf32> to vector<256xf32>
    %broadcast_in_dim3A_369 = vector.shape_cast %reduce_min3A_368 : vector<256xf32> to vector<256x1xf32>
    %eq3A_370 = vector.broadcast %broadcast_in_dim3A_369 : vector<256x1xf32> to vector<256x2048xf32>
    %eq3A_371 = arith.cmpf oeq, %select_n3A_366, %eq3A_370 : vector<256x2048xf32>
    %jit3A_372 = arith.constant 2.048000e+03 : f32
    %broadcast_in_dim3A_373 = vector.broadcast %jit3A_372 : f32 to vector<256x2048xf32>
    %select_n3A_374 = arith.select %eq3A_371, %convert_element_type3A_51, %broadcast_in_dim3A_373 : vector<256x2048xi1>, vector<256x2048xf32>
    %reduce_min3A_375 = arith.constant dense<0x7F800000> : vector<256xf32>
    %reduce_min3A_376 = vector.multi_reduction <minimumf>, %select_n3A_374, %reduce_min3A_375 [1] : vector<256x2048xf32> to vector<256xf32>
    %broadcast_in_dim3A_377 = vector.shape_cast %reduce_min3A_376 : vector<256xf32> to vector<256x1xf32>
    %concatenate3A = tpu.concatenate %broadcast_in_dim3A_57, %broadcast_in_dim3A_73, %broadcast_in_dim3A_89, %broadcast_in_dim3A_105, %broadcast_in_dim3A_121, %broadcast_in_dim3A_137, %broadcast_in_dim3A_153, %broadcast_in_dim3A_169, %broadcast_in_dim3A_185, %broadcast_in_dim3A_201, %broadcast_in_dim3A_217, %broadcast_in_dim3A_233, %broadcast_in_dim3A_249, %broadcast_in_dim3A_265, %broadcast_in_dim3A_281, %broadcast_in_dim3A_297, %broadcast_in_dim3A_313, %broadcast_in_dim3A_329, %broadcast_in_dim3A_345, %broadcast_in_dim3A_361, %broadcast_in_dim3A_377 in 1 : vector<256x1xf32>, vector<256x1xf32>, vector<256x1xf32>, vector<256x1xf32>, vector<256x1xf32>, vector<256x1xf32>, vector<256x1xf32>, vector<256x1xf32>, vector<256x1xf32>, vector<256x1xf32>, vector<256x1xf32>, vector<256x1xf32>, vector<256x1xf32>, vector<256x1xf32>, vector<256x1xf32>, vector<256x1xf32>, vector<256x1xf32>, vector<256x1xf32>, vector<256x1xf32>, vector<256x1xf32>, vector<256x1xf32> -> vector<256x21xf32>
    %convert_element_type3A_378 = arith.fptosi %concatenate3A : vector<256x21xf32> to vector<256x21xi32>
    %broadcast_in_dim3A_379 = arith.constant 0 : i32
    %broadcast_in_dim3A_380 = vector.broadcast %broadcast_in_dim3A_379 : i32 to vector<256x11xi32>
    %concatenate3A_381 = tpu.concatenate %convert_element_type3A_378, %broadcast_in_dim3A_380 in 1 : vector<256x21xi32>, vector<256x11xi32> -> vector<256x32xi32>
    %mul3A_382 = arith.constant 2048 : i32
    %mul3A_383 = arith.muli %arg0, %mul3A_382 : i32
    %add3A_384 = vector.broadcast %mul3A_383 : i32 to vector<256x32xi32>
    %add3A_385 = arith.addi %concatenate3A_381, %add3A_384 : vector<256x32xi32>
    %swap3A = arith.constant 0 : index
    %swap3A_386 = arith.constant 0 : index
    %swap3A_387 = arith.constant 0 : index
    %swap3A_388 = vector.load %arg4[%swap3A, %swap3A_386, %swap3A_387] : memref<1x256x32xi32, #tpu.memory_space<vmem>>, vector<1x256x32xi32>
    %swap3A_389 = vector.shape_cast %swap3A_388 : vector<1x256x32xi32> to vector<256x32xi32>
    %swap3A_390 = vector.shape_cast %add3A_385 : vector<256x32xi32> to vector<1x256x32xi32>
    tpu.vector_store %arg4[%swap3A, %swap3A_386, %swap3A_387], %swap3A_390 {strides = array<i32>} : memref<1x256x32xi32, #tpu.memory_space<vmem>>, vector<1x256x32xi32>,
    return
  }
  func.func @transform_0(%arg0: i32, %arg1: i32) -> (i32, i32, i32) {
    %c0_i32 = arith.constant 0 : i32
    %c0_i32_0 = arith.constant 0 : i32
    %c0_i32_1 = arith.constant 0 : i32
    return %arg0, %c0_i32, %c0_i32_0 : i32, i32, i32
  }
  func.func @transform_1(%arg0: i32, %arg1: i32) -> (i32, i32, i32) {
    %c0_i32 = arith.constant 0 : i32
    %c0_i32_0 = arith.constant 0 : i32
    return %arg0, %arg1, %c0_i32 : i32, i32, i32
  }
  func.func @transform_2(%arg0: i32, %arg1: i32) -> (i32, i32, i32) {
    %c0_i32 = arith.constant 0 : i32
    %c0_i32_0 = arith.constant 0 : i32
    return %arg0, %arg1, %c0_i32 : i32, i32, i32
  }
}

module attributes {stable_mosaic.version = 14 : i64} {
  func.func @_conv1_body(%arg0: i32, %arg1: i32, %arg2: memref<21x1x256x128xf32, #tpu.memory_space<vmem>>, %arg3: memref<1x256x128xf32, #tpu.memory_space<vmem>>, %arg4: memref<3x128xf32, #tpu.memory_space<vmem>>, %arg5: memref<128x256xbf16, #tpu.memory_space<vmem>>, %arg6: memref<1x256xf32, #tpu.memory_space<vmem>>, %arg7: memref<1x256x128xf32, #tpu.memory_space<vmem>>, %arg8: memref<1x256x128xf32, #tpu.memory_space<vmem>>, %arg9: memref<20x1x256x16xf32, #tpu.memory_space<vmem>>) attributes {dimension_semantics = [#tpu.dimension_semantics<arbitrary>, #tpu.dimension_semantics<arbitrary>], iteration_bounds = array<i64: 2, 8>, scalar_prefetch = 0 : i64, scratch_operands = 0 : i64, tpu.core_type = #tpu.core_type<tc>, window_params = [{transform_indices = @transform_0, window_bounds = array<i64: 21, 1, 256, 128>}, {transform_indices = @transform_1, window_bounds = array<i64: 1, 256, 128>}, {pipeline_mode = #tpu.pipeline_mode<synchronous>, transform_indices = @transform_2, window_bounds = array<i64: 3, 128>}, {pipeline_mode = #tpu.pipeline_mode<synchronous>, transform_indices = @transform_3, window_bounds = array<i64: 128, 256>}, {pipeline_mode = #tpu.pipeline_mode<synchronous>, transform_indices = @transform_4, window_bounds = array<i64: 1, 256>}, {transform_indices = @transform_5, window_bounds = array<i64: 1, 256, 128>}, {transform_indices = @transform_6, window_bounds = array<i64: 1, 256, 128>}, {transform_indices = @transform_7, window_bounds = array<i64: 20, 1, 256, 16>}]} {
    %get3A = arith.constant 0 : index
    %get3A_0 = arith.constant 0 : index
    %get3A_1 = arith.constant 0 : index
    %get3A_2 = vector.load %arg3[%get3A, %get3A_0, %get3A_1] : memref<1x256x128xf32, #tpu.memory_space<vmem>>, vector<1x256x128xf32>
    %get3A_3 = vector.shape_cast %get3A_2 : vector<1x256x128xf32> to vector<256x128xf32>
    %get3A_4 = arith.constant 0 : index
    %get3A_5 = arith.constant 0 : index
    %get3A_6 = vector.load %arg4[%get3A_4, %get3A_5] : memref<3x128xf32, #tpu.memory_space<vmem>>, vector<3x128xf32>
    %mul3A = arith.mulf %get3A_6, %get3A_6 : vector<3x128xf32>
    %reduce_sum3A = arith.constant dense<0.000000e+00> : vector<128xf32>
    %reduce_sum3A_7 = vector.multi_reduction <add>, %mul3A, %reduce_sum3A [0] : vector<3x128xf32> to vector<128xf32>
    %broadcast_in_dim3A = vector.shape_cast %reduce_sum3A_7 : vector<128xf32> to vector<1x128xf32>
    %sqrt3A = math.sqrt %broadcast_in_dim3A : vector<1x128xf32>
    %max3A = arith.constant 9.99999996E-13 : f32
    %max3A_8 = vector.broadcast %max3A : f32 to vector<1x128xf32>
    %max3A_9 = arith.maximumf %sqrt3A, %max3A_8 : vector<1x128xf32>
    %div3A = vector.broadcast %max3A_9 : vector<1x128xf32> to vector<3x128xf32>
    %div3A_10 = arith.divf %get3A_6, %div3A : vector<3x128xf32>
    %broadcast_in_dim3A_11 = arith.constant 0.000000e+00 : f32
    %broadcast_in_dim3A_12 = vector.broadcast %broadcast_in_dim3A_11 : f32 to vector<125x128xf32>
    %concatenate3A = tpu.concatenate %div3A_10, %broadcast_in_dim3A_12 in 0 : vector<3x128xf32>, vector<125x128xf32> -> vector<128x128xf32>
    %get3A_13 = arith.constant 1 : index
    %get3A_14 = arith.constant 0 : index
    %get3A_15 = arith.constant 0 : index
    %get3A_16 = arith.constant 0 : index
    %get3A_17 = vector.load %arg2[%get3A_13, %get3A_14, %get3A_15, %get3A_16] : memref<21x1x256x128xf32, #tpu.memory_space<vmem>>, vector<20x1x256x128xf32>
    %reshape3A = vector.shape_cast %get3A_17 : vector<20x1x256x128xf32> to vector<20x256x128xf32>
    %reshape3A_18 = vector.shape_cast %reshape3A : vector<20x256x128xf32> to vector<5120x128xf32>
    %broadcast_in_dim3A_19 = vector.shape_cast %get3A_3 : vector<256x128xf32> to vector<1x256x128xf32>
    %broadcast_in_dim3A_20 = vector.shape_cast %broadcast_in_dim3A_19 : vector<1x256x128xf32> to vector<1x256x128xf32>
    %broadcast_in_dim3A_21 = vector.broadcast %broadcast_in_dim3A_20 : vector<1x256x128xf32> to vector<20x256x128xf32>
    %reshape3A_22 = vector.shape_cast %broadcast_in_dim3A_21 : vector<20x256x128xf32> to vector<5120x128xf32>
    %sub3A = arith.subf %reshape3A_18, %reshape3A_22 : vector<5120x128xf32>
    %mul3A_23 = arith.mulf %sub3A, %sub3A : vector<5120x128xf32>
    %reduce_sum3A_24 = arith.constant dense<0.000000e+00> : vector<5120xf32>
    %reduce_sum3A_25 = vector.multi_reduction <add>, %mul3A_23, %reduce_sum3A_24 [1] : vector<5120x128xf32> to vector<5120xf32>
    %broadcast_in_dim3A_26 = vector.shape_cast %reduce_sum3A_25 : vector<5120xf32> to vector<5120x1xf32>
    %sqrt3A_27 = math.sqrt %broadcast_in_dim3A_26 : vector<5120x1xf32>
    %max3A_28 = arith.constant 9.99999996E-13 : f32
    %max3A_29 = vector.broadcast %max3A_28 : f32 to vector<5120x1xf32>
    %max3A_30 = arith.maximumf %sqrt3A_27, %max3A_29 : vector<5120x1xf32>
    %div3A_31 = vector.broadcast %max3A_30 : vector<5120x1xf32> to vector<5120x128xf32>
    %div3A_32 = arith.divf %sub3A, %div3A_31 : vector<5120x128xf32>
    %slice3A = vector.extract_strided_slice %div3A_32 {offsets = [0, 0], sizes = [5120, 16], strides = [1, 1]} : vector<5120x128xf32> to vector<5120x16xf32>
    %reshape3A_33 = vector.shape_cast %slice3A : vector<5120x16xf32> to vector<20x1x256x16xf32>
    %swap3A = arith.constant 0 : index
    %swap3A_34 = arith.constant 0 : index
    %swap3A_35 = arith.constant 0 : index
    %swap3A_36 = arith.constant 0 : index
    %swap3A_37 = vector.load %arg9[%swap3A, %swap3A_34, %swap3A_35, %swap3A_36] : memref<20x1x256x16xf32, #tpu.memory_space<vmem>>, vector<20x1x256x16xf32>
    tpu.vector_store %arg9[%swap3A, %swap3A_34, %swap3A_35, %swap3A_36], %reshape3A_33 {strides = array<i32>} : memref<20x1x256x16xf32, #tpu.memory_space<vmem>>, vector<20x1x256x16xf32>,
    %convert_element_type3A = arith.truncf %div3A_32 : vector<5120x128xf32> to vector<5120x128xbf16>
    %convert_element_type3A_38 = arith.truncf %concatenate3A : vector<128x128xf32> to vector<128x128xbf16>
    %dot_general3A = arith.constant dense<0.000000e+00> : vector<5120x128xf32>
    %dot_general3A_39 = tpu.matmul %convert_element_type3A, %convert_element_type3A_38, %dot_general3A {dimension_numbers = #tpu.dot_dimension_numbers<[1], [0], [0], [1], [0, 0, 1, 1], [], []>, transpose_lhs_hint = false} : vector<5120x128xbf16>, vector<128x128xbf16>, vector<5120x128xf32> -> vector<5120x128xf32>
    %max3A_40 = arith.constant 0.000000e+00 : f32
    %max3A_41 = vector.broadcast %max3A_40 : f32 to vector<5120x128xf32>
    %max3A_42 = arith.maximumf %dot_general3A_39, %max3A_41 : vector<5120x128xf32>
    %slice3A_43 = vector.extract_strided_slice %max3A_42 {offsets = [0, 0], sizes = [256, 128], strides = [1, 1]} : vector<5120x128xf32> to vector<256x128xf32>
    %slice3A_44 = vector.extract_strided_slice %max3A_42 {offsets = [256, 0], sizes = [256, 128], strides = [1, 1]} : vector<5120x128xf32> to vector<256x128xf32>
    %max3A_45 = arith.maximumf %slice3A_43, %slice3A_44 : vector<256x128xf32>
    %slice3A_46 = vector.extract_strided_slice %max3A_42 {offsets = [512, 0], sizes = [256, 128], strides = [1, 1]} : vector<5120x128xf32> to vector<256x128xf32>
    %max3A_47 = arith.maximumf %max3A_45, %slice3A_46 : vector<256x128xf32>
    %slice3A_48 = vector.extract_strided_slice %max3A_42 {offsets = [768, 0], sizes = [256, 128], strides = [1, 1]} : vector<5120x128xf32> to vector<256x128xf32>
    %max3A_49 = arith.maximumf %max3A_47, %slice3A_48 : vector<256x128xf32>
    %slice3A_50 = vector.extract_strided_slice %max3A_42 {offsets = [1024, 0], sizes = [256, 128], strides = [1, 1]} : vector<5120x128xf32> to vector<256x128xf32>
    %max3A_51 = arith.maximumf %max3A_49, %slice3A_50 : vector<256x128xf32>
    %slice3A_52 = vector.extract_strided_slice %max3A_42 {offsets = [1280, 0], sizes = [256, 128], strides = [1, 1]} : vector<5120x128xf32> to vector<256x128xf32>
    %max3A_53 = arith.maximumf %max3A_51, %slice3A_52 : vector<256x128xf32>
    %slice3A_54 = vector.extract_strided_slice %max3A_42 {offsets = [1536, 0], sizes = [256, 128], strides = [1, 1]} : vector<5120x128xf32> to vector<256x128xf32>
    %max3A_55 = arith.maximumf %max3A_53, %slice3A_54 : vector<256x128xf32>
    %slice3A_56 = vector.extract_strided_slice %max3A_42 {offsets = [1792, 0], sizes = [256, 128], strides = [1, 1]} : vector<5120x128xf32> to vector<256x128xf32>
    %max3A_57 = arith.maximumf %max3A_55, %slice3A_56 : vector<256x128xf32>
    %slice3A_58 = vector.extract_strided_slice %max3A_42 {offsets = [2048, 0], sizes = [256, 128], strides = [1, 1]} : vector<5120x128xf32> to vector<256x128xf32>
    %max3A_59 = arith.maximumf %max3A_57, %slice3A_58 : vector<256x128xf32>
    %slice3A_60 = vector.extract_strided_slice %max3A_42 {offsets = [2304, 0], sizes = [256, 128], strides = [1, 1]} : vector<5120x128xf32> to vector<256x128xf32>
    %max3A_61 = arith.maximumf %max3A_59, %slice3A_60 : vector<256x128xf32>
    %slice3A_62 = vector.extract_strided_slice %max3A_42 {offsets = [2560, 0], sizes = [256, 128], strides = [1, 1]} : vector<5120x128xf32> to vector<256x128xf32>
    %max3A_63 = arith.maximumf %max3A_61, %slice3A_62 : vector<256x128xf32>
    %slice3A_64 = vector.extract_strided_slice %max3A_42 {offsets = [2816, 0], sizes = [256, 128], strides = [1, 1]} : vector<5120x128xf32> to vector<256x128xf32>
    %max3A_65 = arith.maximumf %max3A_63, %slice3A_64 : vector<256x128xf32>
    %slice3A_66 = vector.extract_strided_slice %max3A_42 {offsets = [3072, 0], sizes = [256, 128], strides = [1, 1]} : vector<5120x128xf32> to vector<256x128xf32>
    %max3A_67 = arith.maximumf %max3A_65, %slice3A_66 : vector<256x128xf32>
    %slice3A_68 = vector.extract_strided_slice %max3A_42 {offsets = [3328, 0], sizes = [256, 128], strides = [1, 1]} : vector<5120x128xf32> to vector<256x128xf32>
    %max3A_69 = arith.maximumf %max3A_67, %slice3A_68 : vector<256x128xf32>
    %slice3A_70 = vector.extract_strided_slice %max3A_42 {offsets = [3584, 0], sizes = [256, 128], strides = [1, 1]} : vector<5120x128xf32> to vector<256x128xf32>
    %max3A_71 = arith.maximumf %max3A_69, %slice3A_70 : vector<256x128xf32>
    %slice3A_72 = vector.extract_strided_slice %max3A_42 {offsets = [3840, 0], sizes = [256, 128], strides = [1, 1]} : vector<5120x128xf32> to vector<256x128xf32>
    %max3A_73 = arith.maximumf %max3A_71, %slice3A_72 : vector<256x128xf32>
    %slice3A_74 = vector.extract_strided_slice %max3A_42 {offsets = [4096, 0], sizes = [256, 128], strides = [1, 1]} : vector<5120x128xf32> to vector<256x128xf32>
    %max3A_75 = arith.maximumf %max3A_73, %slice3A_74 : vector<256x128xf32>
    %slice3A_76 = vector.extract_strided_slice %max3A_42 {offsets = [4352, 0], sizes = [256, 128], strides = [1, 1]} : vector<5120x128xf32> to vector<256x128xf32>
    %max3A_77 = arith.maximumf %max3A_75, %slice3A_76 : vector<256x128xf32>
    %slice3A_78 = vector.extract_strided_slice %max3A_42 {offsets = [4608, 0], sizes = [256, 128], strides = [1, 1]} : vector<5120x128xf32> to vector<256x128xf32>
    %max3A_79 = arith.maximumf %max3A_77, %slice3A_78 : vector<256x128xf32>
    %slice3A_80 = vector.extract_strided_slice %max3A_42 {offsets = [4864, 0], sizes = [256, 128], strides = [1, 1]} : vector<5120x128xf32> to vector<256x128xf32>
    %max3A_81 = arith.maximumf %max3A_79, %slice3A_80 : vector<256x128xf32>
    %max3A_82 = arith.constant 0.000000e+00 : f32
    %max3A_83 = vector.broadcast %max3A_82 : f32 to vector<256x128xf32>
    %max3A_84 = arith.maximumf %max3A_81, %max3A_83 : vector<256x128xf32>
    %get3A_85 = arith.constant 0 : index
    %get3A_86 = arith.constant 0 : index
    %get3A_87 = vector.load %arg5[%get3A_85, %get3A_86] : memref<128x256xbf16, #tpu.memory_space<vmem>>, vector<128x256xbf16>
    %convert_element_type3A_88 = arith.truncf %max3A_84 : vector<256x128xf32> to vector<256x128xbf16>
    %dot_general3A_89 = arith.constant dense<0.000000e+00> : vector<256x256xf32>
    %dot_general3A_90 = tpu.matmul %convert_element_type3A_88, %get3A_87, %dot_general3A_89 {dimension_numbers = #tpu.dot_dimension_numbers<[1], [0], [0], [1], [0, 0, 1, 1], [], []>, transpose_lhs_hint = false} : vector<256x128xbf16>, vector<128x256xbf16>, vector<256x256xf32> -> vector<256x256xf32>
    %get3A_91 = arith.constant 0 : index
    %get3A_92 = arith.constant 0 : index
    %get3A_93 = vector.load %arg6[%get3A_91, %get3A_92] : memref<1x256xf32, #tpu.memory_space<vmem>>, vector<1x256xf32>
    %add3A = vector.broadcast %get3A_93 : vector<1x256xf32> to vector<256x256xf32>
    %add3A_94 = arith.addf %dot_general3A_90, %add3A : vector<256x256xf32>
    %slice3A_95 = vector.extract_strided_slice %add3A_94 {offsets = [0, 0], sizes = [256, 128], strides = [1, 1]} : vector<256x256xf32> to vector<256x128xf32>
    %swap3A_96 = arith.constant 0 : index
    %swap3A_97 = arith.constant 0 : index
    %swap3A_98 = arith.constant 0 : index
    %swap3A_99 = vector.load %arg7[%swap3A_96, %swap3A_97, %swap3A_98] : memref<1x256x128xf32, #tpu.memory_space<vmem>>, vector<1x256x128xf32>
    %swap3A_100 = vector.shape_cast %swap3A_99 : vector<1x256x128xf32> to vector<256x128xf32>
    %swap3A_101 = vector.shape_cast %slice3A_95 : vector<256x128xf32> to vector<1x256x128xf32>
    tpu.vector_store %arg7[%swap3A_96, %swap3A_97, %swap3A_98], %swap3A_101 {strides = array<i32>} : memref<1x256x128xf32, #tpu.memory_space<vmem>>, vector<1x256x128xf32>,
    %slice3A_102 = vector.extract_strided_slice %add3A_94 {offsets = [0, 128], sizes = [256, 128], strides = [1, 1]} : vector<256x256xf32> to vector<256x128xf32>
    %swap3A_103 = arith.constant 0 : index
    %swap3A_104 = arith.constant 0 : index
    %swap3A_105 = arith.constant 0 : index
    %swap3A_106 = vector.load %arg8[%swap3A_103, %swap3A_104, %swap3A_105] : memref<1x256x128xf32, #tpu.memory_space<vmem>>, vector<1x256x128xf32>
    %swap3A_107 = vector.shape_cast %swap3A_106 : vector<1x256x128xf32> to vector<256x128xf32>
    %swap3A_108 = vector.shape_cast %slice3A_102 : vector<256x128xf32> to vector<1x256x128xf32>
    tpu.vector_store %arg8[%swap3A_103, %swap3A_104, %swap3A_105], %swap3A_108 {strides = array<i32>} : memref<1x256x128xf32, #tpu.memory_space<vmem>>, vector<1x256x128xf32>,
    return
  }
  func.func @transform_0(%arg0: i32, %arg1: i32) -> (i32, i32, i32, i32) {
    %c0_i32 = arith.constant 0 : i32
    %c0_i32_0 = arith.constant 0 : i32
    %c0_i32_1 = arith.constant 0 : i32
    return %c0_i32, %arg0, %arg1, %c0_i32_0 : i32, i32, i32, i32
  }
  func.func @transform_1(%arg0: i32, %arg1: i32) -> (i32, i32, i32) {
    %c0_i32 = arith.constant 0 : i32
    %c0_i32_0 = arith.constant 0 : i32
    return %arg0, %arg1, %c0_i32 : i32, i32, i32
  }
  func.func @transform_2(%arg0: i32, %arg1: i32) -> (i32, i32) {
    %c0_i32 = arith.constant 0 : i32
    %c0_i32_0 = arith.constant 0 : i32
    %c0_i32_1 = arith.constant 0 : i32
    return %c0_i32, %c0_i32_0 : i32, i32
  }
  func.func @transform_3(%arg0: i32, %arg1: i32) -> (i32, i32) {
    %c0_i32 = arith.constant 0 : i32
    %c0_i32_0 = arith.constant 0 : i32
    %c0_i32_1 = arith.constant 0 : i32
    return %c0_i32, %c0_i32_0 : i32, i32
  }
  func.func @transform_4(%arg0: i32, %arg1: i32) -> (i32, i32) {
    %c0_i32 = arith.constant 0 : i32
    %c0_i32_0 = arith.constant 0 : i32
    %c0_i32_1 = arith.constant 0 : i32
    return %c0_i32, %c0_i32_0 : i32, i32
  }
  func.func @transform_5(%arg0: i32, %arg1: i32) -> (i32, i32, i32) {
    %c0_i32 = arith.constant 0 : i32
    %c0_i32_0 = arith.constant 0 : i32
    return %arg0, %arg1, %c0_i32 : i32, i32, i32
  }
  func.func @transform_6(%arg0: i32, %arg1: i32) -> (i32, i32, i32) {
    %c0_i32 = arith.constant 0 : i32
    %c0_i32_0 = arith.constant 0 : i32
    return %arg0, %arg1, %c0_i32 : i32, i32, i32
  }
  func.func @transform_7(%arg0: i32, %arg1: i32) -> (i32, i32, i32, i32) {
    %c0_i32 = arith.constant 0 : i32
    %c0_i32_0 = arith.constant 0 : i32
    %c0_i32_1 = arith.constant 0 : i32
    return %c0_i32, %arg0, %arg1, %c0_i32_0 : i32, i32, i32, i32
  }
}

module attributes {stable_mosaic.version = 14 : i64} {
  func.func @_conv2_body(%arg0: i32, %arg1: i32, %arg2: memref<20x1x256x16xf32, #tpu.memory_space<vmem>>, %arg3: memref<20x1x256x128xf32, #tpu.memory_space<vmem>>, %arg4: memref<1x256x128xf32, #tpu.memory_space<vmem>>, %arg5: memref<3x128xf32, #tpu.memory_space<vmem>>, %arg6: memref<128x128xbf16, #tpu.memory_space<vmem>>, %arg7: memref<1x128xf32, #tpu.memory_space<vmem>>, %arg8: memref<128x128xbf16, #tpu.memory_space<vmem>>, %arg9: memref<128x128xbf16, #tpu.memory_space<vmem>>, %arg10: memref<128x128xbf16, #tpu.memory_space<vmem>>, %arg11: memref<1x256x128xf32, #tpu.memory_space<vmem>>, %arg12: memref<1x256x256xf32, #tpu.memory_space<vmem>>, %arg13: memref<1x256x128xf32, #tpu.memory_space<vmem>>) attributes {dimension_semantics = [#tpu.dimension_semantics<arbitrary>, #tpu.dimension_semantics<arbitrary>], iteration_bounds = array<i64: 2, 8>, scalar_prefetch = 0 : i64, scratch_operands = 0 : i64, tpu.core_type = #tpu.core_type<tc>, window_params = [{transform_indices = @transform_0, window_bounds = array<i64: 20, 1, 256, 16>}, {transform_indices = @transform_1, window_bounds = array<i64: 20, 1, 256, 128>}, {transform_indices = @transform_2, window_bounds = array<i64: 1, 256, 128>}, {pipeline_mode = #tpu.pipeline_mode<synchronous>, transform_indices = @transform_3, window_bounds = array<i64: 3, 128>}, {pipeline_mode = #tpu.pipeline_mode<synchronous>, transform_indices = @transform_4, window_bounds = array<i64: 128, 128>}, {pipeline_mode = #tpu.pipeline_mode<synchronous>, transform_indices = @transform_5, window_bounds = array<i64: 1, 128>}, {pipeline_mode = #tpu.pipeline_mode<synchronous>, transform_indices = @transform_6, window_bounds = array<i64: 128, 128>}, {pipeline_mode = #tpu.pipeline_mode<synchronous>, transform_indices = @transform_7, window_bounds = array<i64: 128, 128>}, {pipeline_mode = #tpu.pipeline_mode<synchronous>, transform_indices = @transform_8, window_bounds = array<i64: 128, 128>}, {transform_indices = @transform_9, window_bounds = array<i64: 1, 256, 128>}, {transform_indices = @transform_10, window_bounds = array<i64: 1, 256, 256>}, {transform_indices = @transform_11, window_bounds = array<i64: 1, 256, 128>}]} {
    %get3A = arith.constant 0 : index
    %get3A_0 = arith.constant 0 : index
    %get3A_1 = vector.load %arg5[%get3A, %get3A_0] : memref<3x128xf32, #tpu.memory_space<vmem>>, vector<3x128xf32>
    %mul3A = arith.mulf %get3A_1, %get3A_1 : vector<3x128xf32>
    %reduce_sum3A = arith.constant dense<0.000000e+00> : vector<128xf32>
    %reduce_sum3A_2 = vector.multi_reduction <add>, %mul3A, %reduce_sum3A [0] : vector<3x128xf32> to vector<128xf32>
    %broadcast_in_dim3A = vector.shape_cast %reduce_sum3A_2 : vector<128xf32> to vector<1x128xf32>
    %sqrt3A = math.sqrt %broadcast_in_dim3A : vector<1x128xf32>
    %max3A = arith.constant 9.99999996E-13 : f32
    %max3A_3 = vector.broadcast %max3A : f32 to vector<1x128xf32>
    %max3A_4 = arith.maximumf %sqrt3A, %max3A_3 : vector<1x128xf32>
    %div3A = vector.broadcast %max3A_4 : vector<1x128xf32> to vector<3x128xf32>
    %div3A_5 = arith.divf %get3A_1, %div3A : vector<3x128xf32>
    %broadcast_in_dim3A_6 = arith.constant 0.000000e+00 : f32
    %broadcast_in_dim3A_7 = vector.broadcast %broadcast_in_dim3A_6 : f32 to vector<13x128xf32>
    %concatenate3A = tpu.concatenate %div3A_5, %broadcast_in_dim3A_7 in 0 : vector<3x128xf32>, vector<13x128xf32> -> vector<16x128xf32>
    %get3A_8 = arith.constant 0 : index
    %get3A_9 = arith.constant 0 : index
    %get3A_10 = arith.constant 0 : index
    %get3A_11 = arith.constant 0 : index
    %get3A_12 = vector.load %arg2[%get3A_8, %get3A_9, %get3A_10, %get3A_11] : memref<20x1x256x16xf32, #tpu.memory_space<vmem>>, vector<20x1x256x16xf32>
    %reshape3A = vector.shape_cast %get3A_12 : vector<20x1x256x16xf32> to vector<20x256x16xf32>
    %reshape3A_13 = vector.shape_cast %reshape3A : vector<20x256x16xf32> to vector<5120x16xf32>
    %get3A_14 = arith.constant 0 : index
    %get3A_15 = arith.constant 0 : index
    %get3A_16 = arith.constant 0 : index
    %get3A_17 = arith.constant 0 : index
    %get3A_18 = vector.load %arg3[%get3A_14, %get3A_15, %get3A_16, %get3A_17] : memref<20x1x256x128xf32, #tpu.memory_space<vmem>>, vector<20x1x256x128xf32>
    %reshape3A_19 = vector.shape_cast %get3A_18 : vector<20x1x256x128xf32> to vector<20x256x128xf32>
    %reshape3A_20 = vector.shape_cast %reshape3A_19 : vector<20x256x128xf32> to vector<5120x128xf32>
    %convert_element_type3A = arith.truncf %reshape3A_13 : vector<5120x16xf32> to vector<5120x16xbf16>
    %convert_element_type3A_21 = arith.truncf %concatenate3A : vector<16x128xf32> to vector<16x128xbf16>
    %dot_general3A = arith.constant dense<0.000000e+00> : vector<5120x128xf32>
    %dot_general3A_22 = tpu.matmul %convert_element_type3A, %convert_element_type3A_21, %dot_general3A {dimension_numbers = #tpu.dot_dimension_numbers<[1], [0], [0], [1], [0, 0, 1, 1], [], []>, transpose_lhs_hint = false} : vector<5120x16xbf16>, vector<16x128xbf16>, vector<5120x128xf32> -> vector<5120x128xf32>
    %max3A_23 = arith.constant 0.000000e+00 : f32
    %max3A_24 = vector.broadcast %max3A_23 : f32 to vector<5120x128xf32>
    %max3A_25 = arith.maximumf %dot_general3A_22, %max3A_24 : vector<5120x128xf32>
    %mul3A_26 = arith.mulf %max3A_25, %reshape3A_20 : vector<5120x128xf32>
    %slice3A = vector.extract_strided_slice %mul3A_26 {offsets = [0, 0], sizes = [256, 128], strides = [1, 1]} : vector<5120x128xf32> to vector<256x128xf32>
    %slice3A_27 = vector.extract_strided_slice %mul3A_26 {offsets = [256, 0], sizes = [256, 128], strides = [1, 1]} : vector<5120x128xf32> to vector<256x128xf32>
    %max3A_28 = arith.maximumf %slice3A, %slice3A_27 : vector<256x128xf32>
    %slice3A_29 = vector.extract_strided_slice %mul3A_26 {offsets = [512, 0], sizes = [256, 128], strides = [1, 1]} : vector<5120x128xf32> to vector<256x128xf32>
    %max3A_30 = arith.maximumf %max3A_28, %slice3A_29 : vector<256x128xf32>
    %slice3A_31 = vector.extract_strided_slice %mul3A_26 {offsets = [768, 0], sizes = [256, 128], strides = [1, 1]} : vector<5120x128xf32> to vector<256x128xf32>
    %max3A_32 = arith.maximumf %max3A_30, %slice3A_31 : vector<256x128xf32>
    %slice3A_33 = vector.extract_strided_slice %mul3A_26 {offsets = [1024, 0], sizes = [256, 128], strides = [1, 1]} : vector<5120x128xf32> to vector<256x128xf32>
    %max3A_34 = arith.maximumf %max3A_32, %slice3A_33 : vector<256x128xf32>
    %slice3A_35 = vector.extract_strided_slice %mul3A_26 {offsets = [1280, 0], sizes = [256, 128], strides = [1, 1]} : vector<5120x128xf32> to vector<256x128xf32>
    %max3A_36 = arith.maximumf %max3A_34, %slice3A_35 : vector<256x128xf32>
    %slice3A_37 = vector.extract_strided_slice %mul3A_26 {offsets = [1536, 0], sizes = [256, 128], strides = [1, 1]} : vector<5120x128xf32> to vector<256x128xf32>
    %max3A_38 = arith.maximumf %max3A_36, %slice3A_37 : vector<256x128xf32>
    %slice3A_39 = vector.extract_strided_slice %mul3A_26 {offsets = [1792, 0], sizes = [256, 128], strides = [1, 1]} : vector<5120x128xf32> to vector<256x128xf32>
    %max3A_40 = arith.maximumf %max3A_38, %slice3A_39 : vector<256x128xf32>
    %slice3A_41 = vector.extract_strided_slice %mul3A_26 {offsets = [2048, 0], sizes = [256, 128], strides = [1, 1]} : vector<5120x128xf32> to vector<256x128xf32>
    %max3A_42 = arith.maximumf %max3A_40, %slice3A_41 : vector<256x128xf32>
    %slice3A_43 = vector.extract_strided_slice %mul3A_26 {offsets = [2304, 0], sizes = [256, 128], strides = [1, 1]} : vector<5120x128xf32> to vector<256x128xf32>
    %max3A_44 = arith.maximumf %max3A_42, %slice3A_43 : vector<256x128xf32>
    %slice3A_45 = vector.extract_strided_slice %mul3A_26 {offsets = [2560, 0], sizes = [256, 128], strides = [1, 1]} : vector<5120x128xf32> to vector<256x128xf32>
    %max3A_46 = arith.maximumf %max3A_44, %slice3A_45 : vector<256x128xf32>
    %slice3A_47 = vector.extract_strided_slice %mul3A_26 {offsets = [2816, 0], sizes = [256, 128], strides = [1, 1]} : vector<5120x128xf32> to vector<256x128xf32>
    %max3A_48 = arith.maximumf %max3A_46, %slice3A_47 : vector<256x128xf32>
    %slice3A_49 = vector.extract_strided_slice %mul3A_26 {offsets = [3072, 0], sizes = [256, 128], strides = [1, 1]} : vector<5120x128xf32> to vector<256x128xf32>
    %max3A_50 = arith.maximumf %max3A_48, %slice3A_49 : vector<256x128xf32>
    %slice3A_51 = vector.extract_strided_slice %mul3A_26 {offsets = [3328, 0], sizes = [256, 128], strides = [1, 1]} : vector<5120x128xf32> to vector<256x128xf32>
    %max3A_52 = arith.maximumf %max3A_50, %slice3A_51 : vector<256x128xf32>
    %slice3A_53 = vector.extract_strided_slice %mul3A_26 {offsets = [3584, 0], sizes = [256, 128], strides = [1, 1]} : vector<5120x128xf32> to vector<256x128xf32>
    %max3A_54 = arith.maximumf %max3A_52, %slice3A_53 : vector<256x128xf32>
    %slice3A_55 = vector.extract_strided_slice %mul3A_26 {offsets = [3840, 0], sizes = [256, 128], strides = [1, 1]} : vector<5120x128xf32> to vector<256x128xf32>
    %max3A_56 = arith.maximumf %max3A_54, %slice3A_55 : vector<256x128xf32>
    %slice3A_57 = vector.extract_strided_slice %mul3A_26 {offsets = [4096, 0], sizes = [256, 128], strides = [1, 1]} : vector<5120x128xf32> to vector<256x128xf32>
    %max3A_58 = arith.maximumf %max3A_56, %slice3A_57 : vector<256x128xf32>
    %slice3A_59 = vector.extract_strided_slice %mul3A_26 {offsets = [4352, 0], sizes = [256, 128], strides = [1, 1]} : vector<5120x128xf32> to vector<256x128xf32>
    %max3A_60 = arith.maximumf %max3A_58, %slice3A_59 : vector<256x128xf32>
    %slice3A_61 = vector.extract_strided_slice %mul3A_26 {offsets = [4608, 0], sizes = [256, 128], strides = [1, 1]} : vector<5120x128xf32> to vector<256x128xf32>
    %max3A_62 = arith.maximumf %max3A_60, %slice3A_61 : vector<256x128xf32>
    %slice3A_63 = vector.extract_strided_slice %mul3A_26 {offsets = [4864, 0], sizes = [256, 128], strides = [1, 1]} : vector<5120x128xf32> to vector<256x128xf32>
    %max3A_64 = arith.maximumf %max3A_62, %slice3A_63 : vector<256x128xf32>
    %get3A_65 = arith.constant 0 : index
    %get3A_66 = arith.constant 0 : index
    %get3A_67 = arith.constant 0 : index
    %get3A_68 = vector.load %arg4[%get3A_65, %get3A_66, %get3A_67] : memref<1x256x128xf32, #tpu.memory_space<vmem>>, vector<1x256x128xf32>
    %get3A_69 = vector.shape_cast %get3A_68 : vector<1x256x128xf32> to vector<256x128xf32>
    %add3A = arith.addf %get3A_69, %max3A_64 : vector<256x128xf32>
    %max3A_70 = arith.constant 0.000000e+00 : f32
    %max3A_71 = vector.broadcast %max3A_70 : f32 to vector<256x128xf32>
    %max3A_72 = arith.maximumf %add3A, %max3A_71 : vector<256x128xf32>
    %get3A_73 = arith.constant 0 : index
    %get3A_74 = arith.constant 0 : index
    %get3A_75 = vector.load %arg6[%get3A_73, %get3A_74] : memref<128x128xbf16, #tpu.memory_space<vmem>>, vector<128x128xbf16>
    %convert_element_type3A_76 = arith.truncf %max3A_72 : vector<256x128xf32> to vector<256x128xbf16>
    %dot_general3A_77 = arith.constant dense<0.000000e+00> : vector<256x128xf32>
    %dot_general3A_78 = tpu.matmul %convert_element_type3A_76, %get3A_75, %dot_general3A_77 {dimension_numbers = #tpu.dot_dimension_numbers<[1], [0], [0], [1], [0, 0, 1, 1], [], []>, transpose_lhs_hint = false} : vector<256x128xbf16>, vector<128x128xbf16>, vector<256x128xf32> -> vector<256x128xf32>
    %get3A_79 = arith.constant 0 : index
    %get3A_80 = arith.constant 0 : index
    %get3A_81 = vector.load %arg7[%get3A_79, %get3A_80] : memref<1x128xf32, #tpu.memory_space<vmem>>, vector<1x128xf32>
    %add3A_82 = vector.broadcast %get3A_81 : vector<1x128xf32> to vector<256x128xf32>
    %add3A_83 = arith.addf %dot_general3A_78, %add3A_82 : vector<256x128xf32>
    %get3A_84 = arith.constant 0 : index
    %get3A_85 = arith.constant 0 : index
    %get3A_86 = vector.load %arg8[%get3A_84, %get3A_85] : memref<128x128xbf16, #tpu.memory_space<vmem>>, vector<128x128xbf16>
    %convert_element_type3A_87 = arith.truncf %add3A_83 : vector<256x128xf32> to vector<256x128xbf16>
    %dot_general3A_88 = arith.constant dense<0.000000e+00> : vector<256x128xf32>
    %dot_general3A_89 = tpu.matmul %convert_element_type3A_87, %get3A_86, %dot_general3A_88 {dimension_numbers = #tpu.dot_dimension_numbers<[1], [0], [0], [1], [0, 0, 1, 1], [], []>, transpose_lhs_hint = false} : vector<256x128xbf16>, vector<128x128xbf16>, vector<256x128xf32> -> vector<256x128xf32>
    %swap3A = arith.constant 0 : index
    %swap3A_90 = arith.constant 0 : index
    %swap3A_91 = arith.constant 0 : index
    %swap3A_92 = vector.load %arg11[%swap3A, %swap3A_90, %swap3A_91] : memref<1x256x128xf32, #tpu.memory_space<vmem>>, vector<1x256x128xf32>
    %swap3A_93 = vector.shape_cast %swap3A_92 : vector<1x256x128xf32> to vector<256x128xf32>
    %swap3A_94 = vector.shape_cast %dot_general3A_89 : vector<256x128xf32> to vector<1x256x128xf32>
    tpu.vector_store %arg11[%swap3A, %swap3A_90, %swap3A_91], %swap3A_94 {strides = array<i32>} : memref<1x256x128xf32, #tpu.memory_space<vmem>>, vector<1x256x128xf32>,
    %get3A_95 = arith.constant 0 : index
    %get3A_96 = arith.constant 0 : index
    %get3A_97 = vector.load %arg9[%get3A_95, %get3A_96] : memref<128x128xbf16, #tpu.memory_space<vmem>>, vector<128x128xbf16>
    %convert_element_type3A_98 = arith.truncf %add3A_83 : vector<256x128xf32> to vector<256x128xbf16>
    %dot_general3A_99 = arith.constant dense<0.000000e+00> : vector<256x128xf32>
    %dot_general3A_100 = tpu.matmul %convert_element_type3A_98, %get3A_97, %dot_general3A_99 {dimension_numbers = #tpu.dot_dimension_numbers<[1], [0], [0], [1], [0, 0, 1, 1], [], []>, transpose_lhs_hint = false} : vector<256x128xbf16>, vector<128x128xbf16>, vector<256x128xf32> -> vector<256x128xf32>
    %get3A_101 = arith.constant 0 : index
    %get3A_102 = arith.constant 0 : index
    %get3A_103 = vector.load %arg10[%get3A_101, %get3A_102] : memref<128x128xbf16, #tpu.memory_space<vmem>>, vector<128x128xbf16>
    %convert_element_type3A_104 = arith.truncf %add3A_83 : vector<256x128xf32> to vector<256x128xbf16>
    %dot_general3A_105 = arith.constant dense<0.000000e+00> : vector<256x128xf32>
    %dot_general3A_106 = tpu.matmul %convert_element_type3A_104, %get3A_103, %dot_general3A_105 {dimension_numbers = #tpu.dot_dimension_numbers<[1], [0], [0], [1], [0, 0, 1, 1], [], []>, transpose_lhs_hint = false} : vector<256x128xbf16>, vector<128x128xbf16>, vector<256x128xf32> -> vector<256x128xf32>
    %concatenate3A_107 = tpu.concatenate %dot_general3A_100, %dot_general3A_106 in 1 : vector<256x128xf32>, vector<256x128xf32> -> vector<256x256xf32>
    %swap3A_108 = arith.constant 0 : index
    %swap3A_109 = arith.constant 0 : index
    %swap3A_110 = arith.constant 0 : index
    %swap3A_111 = vector.load %arg12[%swap3A_108, %swap3A_109, %swap3A_110] : memref<1x256x256xf32, #tpu.memory_space<vmem>>, vector<1x256x256xf32>
    %swap3A_112 = vector.shape_cast %swap3A_111 : vector<1x256x256xf32> to vector<256x256xf32>
    %swap3A_113 = vector.shape_cast %concatenate3A_107 : vector<256x256xf32> to vector<1x256x256xf32>
    tpu.vector_store %arg12[%swap3A_108, %swap3A_109, %swap3A_110], %swap3A_113 {strides = array<i32>} : memref<1x256x256xf32, #tpu.memory_space<vmem>>, vector<1x256x256xf32>,
    %swap3A_114 = arith.constant 0 : index
    %swap3A_115 = arith.constant 0 : index
    %swap3A_116 = arith.constant 0 : index
    %swap3A_117 = vector.load %arg13[%swap3A_114, %swap3A_115, %swap3A_116] : memref<1x256x128xf32, #tpu.memory_space<vmem>>, vector<1x256x128xf32>
    %swap3A_118 = vector.shape_cast %swap3A_117 : vector<1x256x128xf32> to vector<256x128xf32>
    %swap3A_119 = vector.shape_cast %max3A_72 : vector<256x128xf32> to vector<1x256x128xf32>
    tpu.vector_store %arg13[%swap3A_114, %swap3A_115, %swap3A_116], %swap3A_119 {strides = array<i32>} : memref<1x256x128xf32, #tpu.memory_space<vmem>>, vector<1x256x128xf32>,
    return
  }
  func.func @transform_0(%arg0: i32, %arg1: i32) -> (i32, i32, i32, i32) {
    %c0_i32 = arith.constant 0 : i32
    %c0_i32_0 = arith.constant 0 : i32
    %c0_i32_1 = arith.constant 0 : i32
    return %c0_i32, %arg0, %arg1, %c0_i32_0 : i32, i32, i32, i32
  }
  func.func @transform_1(%arg0: i32, %arg1: i32) -> (i32, i32, i32, i32) {
    %c0_i32 = arith.constant 0 : i32
    %c0_i32_0 = arith.constant 0 : i32
    %c0_i32_1 = arith.constant 0 : i32
    return %c0_i32, %arg0, %arg1, %c0_i32_0 : i32, i32, i32, i32
  }
  func.func @transform_2(%arg0: i32, %arg1: i32) -> (i32, i32, i32) {
    %c0_i32 = arith.constant 0 : i32
    %c0_i32_0 = arith.constant 0 : i32
    return %arg0, %arg1, %c0_i32 : i32, i32, i32
  }
  func.func @transform_3(%arg0: i32, %arg1: i32) -> (i32, i32) {
    %c0_i32 = arith.constant 0 : i32
    %c0_i32_0 = arith.constant 0 : i32
    %c0_i32_1 = arith.constant 0 : i32
    return %c0_i32, %c0_i32_0 : i32, i32
  }
  func.func @transform_4(%arg0: i32, %arg1: i32) -> (i32, i32) {
    %c0_i32 = arith.constant 0 : i32
    %c0_i32_0 = arith.constant 0 : i32
    %c0_i32_1 = arith.constant 0 : i32
    return %c0_i32, %c0_i32_0 : i32, i32
  }
  func.func @transform_5(%arg0: i32, %arg1: i32) -> (i32, i32) {
    %c0_i32 = arith.constant 0 : i32
    %c0_i32_0 = arith.constant 0 : i32
    %c0_i32_1 = arith.constant 0 : i32
    return %c0_i32, %c0_i32_0 : i32, i32
  }
  func.func @transform_6(%arg0: i32, %arg1: i32) -> (i32, i32) {
    %c0_i32 = arith.constant 0 : i32
    %c0_i32_0 = arith.constant 0 : i32
    %c0_i32_1 = arith.constant 0 : i32
    return %c0_i32, %c0_i32_0 : i32, i32
  }
  func.func @transform_7(%arg0: i32, %arg1: i32) -> (i32, i32) {
    %c0_i32 = arith.constant 0 : i32
    %c0_i32_0 = arith.constant 0 : i32
    %c0_i32_1 = arith.constant 0 : i32
    return %c0_i32, %c0_i32_0 : i32, i32
  }
  func.func @transform_8(%arg0: i32, %arg1: i32) -> (i32, i32) {
    %c0_i32 = arith.constant 0 : i32
    %c0_i32_0 = arith.constant 0 : i32
    %c0_i32_1 = arith.constant 0 : i32
    return %c0_i32, %c0_i32_0 : i32, i32
  }
  func.func @transform_9(%arg0: i32, %arg1: i32) -> (i32, i32, i32) {
    %c0_i32 = arith.constant 0 : i32
    %c0_i32_0 = arith.constant 0 : i32
    return %arg0, %arg1, %c0_i32 : i32, i32, i32
  }
  func.func @transform_10(%arg0: i32, %arg1: i32) -> (i32, i32, i32) {
    %c0_i32 = arith.constant 0 : i32
    %c0_i32_0 = arith.constant 0 : i32
    return %arg0, %arg1, %c0_i32 : i32, i32, i32
  }
  func.func @transform_11(%arg0: i32, %arg1: i32) -> (i32, i32, i32) {
    %c0_i32 = arith.constant 0 : i32
    %c0_i32_0 = arith.constant 0 : i32
    return %arg0, %arg1, %c0_i32 : i32, i32, i32
  }
}

module attributes {stable_mosaic.version = 14 : i64} {
  func.func @_attn_body(%arg0: i32, %arg1: i32, %arg2: memref<21x1x256x128xf32, #tpu.memory_space<vmem>>, %arg3: memref<1x256x128xf32, #tpu.memory_space<vmem>>, %arg4: memref<1x256x128xf32, #tpu.memory_space<vmem>>, %arg5: memref<16x1x256x256xf32, #tpu.memory_space<vmem>>, %arg6: memref<1x256x128xf32, #tpu.memory_space<vmem>>, %arg7: memref<3x128xf32, #tpu.memory_space<vmem>>, %arg8: memref<1x128xf32, #tpu.memory_space<vmem>>, %arg9: memref<128x128xbf16, #tpu.memory_space<vmem>>, %arg10: memref<1x128xf32, #tpu.memory_space<vmem>>, %arg11: memref<128x128xbf16, #tpu.memory_space<vmem>>, %arg12: memref<1x128xf32, #tpu.memory_space<vmem>>, %arg13: memref<128x128xbf16, #tpu.memory_space<vmem>>, %arg14: memref<1x128xf32, #tpu.memory_space<vmem>>, %arg15: memref<128x128xbf16, #tpu.memory_space<vmem>>, %arg16: memref<1x128xf32, #tpu.memory_space<vmem>>, %arg17: memref<1x256x128xf32, #tpu.memory_space<vmem>>) attributes {dimension_semantics = [#tpu.dimension_semantics<arbitrary>, #tpu.dimension_semantics<arbitrary>], iteration_bounds = array<i64: 2, 8>, scalar_prefetch = 0 : i64, scratch_operands = 0 : i64, tpu.core_type = #tpu.core_type<tc>, window_params = [{transform_indices = @transform_0, window_bounds = array<i64: 21, 1, 256, 128>}, {transform_indices = @transform_1, window_bounds = array<i64: 1, 256, 128>}, {transform_indices = @transform_2, window_bounds = array<i64: 1, 256, 128>}, {transform_indices = @transform_3, window_bounds = array<i64: 16, 1, 256, 256>}, {transform_indices = @transform_4, window_bounds = array<i64: 1, 256, 128>}, {pipeline_mode = #tpu.pipeline_mode<synchronous>, transform_indices = @transform_5, window_bounds = array<i64: 3, 128>}, {pipeline_mode = #tpu.pipeline_mode<synchronous>, transform_indices = @transform_6, window_bounds = array<i64: 1, 128>}, {pipeline_mode = #tpu.pipeline_mode<synchronous>, transform_indices = @transform_7, window_bounds = array<i64: 128, 128>}, {pipeline_mode = #tpu.pipeline_mode<synchronous>, transform_indices = @transform_8, window_bounds = array<i64: 1, 128>}, {pipeline_mode = #tpu.pipeline_mode<synchronous>, transform_indices = @transform_9, window_bounds = array<i64: 128, 128>}, {pipeline_mode = #tpu.pipeline_mode<synchronous>, transform_indices = @transform_10, window_bounds = array<i64: 1, 128>}, {pipeline_mode = #tpu.pipeline_mode<synchronous>, transform_indices = @transform_11, window_bounds = array<i64: 128, 128>}, {pipeline_mode = #tpu.pipeline_mode<synchronous>, transform_indices = @transform_12, window_bounds = array<i64: 1, 128>}, {pipeline_mode = #tpu.pipeline_mode<synchronous>, transform_indices = @transform_13, window_bounds = array<i64: 128, 128>}, {pipeline_mode = #tpu.pipeline_mode<synchronous>, transform_indices = @transform_14, window_bounds = array<i64: 1, 128>}, {transform_indices = @transform_15, window_bounds = array<i64: 1, 256, 128>}]} {
    %get3A = arith.constant 0 : index
    %get3A_0 = arith.constant 0 : index
    %get3A_1 = arith.constant 0 : index
    %get3A_2 = vector.load %arg3[%get3A, %get3A_0, %get3A_1] : memref<1x256x128xf32, #tpu.memory_space<vmem>>, vector<1x256x128xf32>
    %get3A_3 = vector.shape_cast %get3A_2 : vector<1x256x128xf32> to vector<256x128xf32>
    %get3A_4 = arith.constant 0 : index
    %get3A_5 = arith.constant 0 : index
    %get3A_6 = vector.load %arg7[%get3A_4, %get3A_5] : memref<3x128xf32, #tpu.memory_space<vmem>>, vector<3x128xf32>
    %broadcast_in_dim3A = arith.constant 0.000000e+00 : f32
    %broadcast_in_dim3A_7 = vector.broadcast %broadcast_in_dim3A : f32 to vector<125x128xf32>
    %concatenate3A = tpu.concatenate %get3A_6, %broadcast_in_dim3A_7 in 0 : vector<3x128xf32>, vector<125x128xf32> -> vector<128x128xf32>
    %get3A_8 = arith.constant 0 : index
    %get3A_9 = arith.constant 0 : index
    %get3A_10 = arith.constant 0 : index
    %get3A_11 = vector.load %arg4[%get3A_8, %get3A_9, %get3A_10] : memref<1x256x128xf32, #tpu.memory_space<vmem>>, vector<1x256x128xf32>
    %get3A_12 = vector.shape_cast %get3A_11 : vector<1x256x128xf32> to vector<256x128xf32>
    %get3A_13 = arith.constant 0 : index
    %get3A_14 = arith.constant 0 : index
    %get3A_15 = arith.constant 0 : index
    %get3A_16 = arith.constant 0 : index
    %get3A_17 = vector.load %arg2[%get3A_13, %get3A_14, %get3A_15, %get3A_16] : memref<21x1x256x128xf32, #tpu.memory_space<vmem>>, vector<16x1x256x128xf32>
    %reshape3A = vector.shape_cast %get3A_17 : vector<16x1x256x128xf32> to vector<16x256x128xf32>
    %reshape3A_18 = vector.shape_cast %reshape3A : vector<16x256x128xf32> to vector<4096x128xf32>
    %broadcast_in_dim3A_19 = vector.shape_cast %get3A_3 : vector<256x128xf32> to vector<1x256x128xf32>
    %broadcast_in_dim3A_20 = vector.shape_cast %broadcast_in_dim3A_19 : vector<1x256x128xf32> to vector<1x256x128xf32>
    %broadcast_in_dim3A_21 = vector.broadcast %broadcast_in_dim3A_20 : vector<1x256x128xf32> to vector<16x256x128xf32>
    %reshape3A_22 = vector.shape_cast %broadcast_in_dim3A_21 : vector<16x256x128xf32> to vector<4096x128xf32>
    %broadcast_in_dim3A_23 = vector.shape_cast %get3A_12 : vector<256x128xf32> to vector<1x256x128xf32>
    %broadcast_in_dim3A_24 = vector.shape_cast %broadcast_in_dim3A_23 : vector<1x256x128xf32> to vector<1x256x128xf32>
    %broadcast_in_dim3A_25 = vector.broadcast %broadcast_in_dim3A_24 : vector<1x256x128xf32> to vector<16x256x128xf32>
    %reshape3A_26 = vector.shape_cast %broadcast_in_dim3A_25 : vector<16x256x128xf32> to vector<4096x128xf32>
    %get3A_27 = arith.constant 0 : index
    %get3A_28 = arith.constant 0 : index
    %get3A_29 = arith.constant 0 : index
    %get3A_30 = arith.constant 0 : index
    %get3A_31 = vector.load %arg5[%get3A_27, %get3A_28, %get3A_29, %get3A_30] : memref<16x1x256x256xf32, #tpu.memory_space<vmem>>, vector<16x1x256x256xf32>
    %reshape3A_32 = vector.shape_cast %get3A_31 : vector<16x1x256x256xf32> to vector<16x256x256xf32>
    %reshape3A_33 = vector.shape_cast %reshape3A_32 : vector<16x256x256xf32> to vector<4096x256xf32>
    %slice3A = vector.extract_strided_slice %reshape3A_33 {offsets = [0, 0], sizes = [4096, 128], strides = [1, 1]} : vector<4096x256xf32> to vector<4096x128xf32>
    %slice3A_34 = vector.extract_strided_slice %reshape3A_33 {offsets = [0, 128], sizes = [4096, 128], strides = [1, 1]} : vector<4096x256xf32> to vector<4096x128xf32>
    %sub3A = arith.subf %reshape3A_22, %reshape3A_18 : vector<4096x128xf32>
    %convert_element_type3A = arith.truncf %sub3A : vector<4096x128xf32> to vector<4096x128xbf16>
    %convert_element_type3A_35 = arith.truncf %concatenate3A : vector<128x128xf32> to vector<128x128xbf16>
    %dot_general3A = arith.constant dense<0.000000e+00> : vector<4096x128xf32>
    %dot_general3A_36 = tpu.matmul %convert_element_type3A, %convert_element_type3A_35, %dot_general3A {dimension_numbers = #tpu.dot_dimension_numbers<[1], [0], [0], [1], [0, 0, 1, 1], [], []>, transpose_lhs_hint = false} : vector<4096x128xbf16>, vector<128x128xbf16>, vector<4096x128xf32> -> vector<4096x128xf32>
    %get3A_37 = arith.constant 0 : index
    %get3A_38 = arith.constant 0 : index
    %get3A_39 = vector.load %arg8[%get3A_37, %get3A_38] : memref<1x128xf32, #tpu.memory_space<vmem>>, vector<1x128xf32>
    %add3A = vector.broadcast %get3A_39 : vector<1x128xf32> to vector<4096x128xf32>
    %add3A_40 = arith.addf %dot_general3A_36, %add3A : vector<4096x128xf32>
    %max3A = arith.constant 0.000000e+00 : f32
    %max3A_41 = vector.broadcast %max3A : f32 to vector<4096x128xf32>
    %max3A_42 = arith.maximumf %add3A_40, %max3A_41 : vector<4096x128xf32>
    %get3A_43 = arith.constant 0 : index
    %get3A_44 = arith.constant 0 : index
    %get3A_45 = vector.load %arg9[%get3A_43, %get3A_44] : memref<128x128xbf16, #tpu.memory_space<vmem>>, vector<128x128xbf16>
    %convert_element_type3A_46 = arith.truncf %max3A_42 : vector<4096x128xf32> to vector<4096x128xbf16>
    %dot_general3A_47 = arith.constant dense<0.000000e+00> : vector<4096x128xf32>
    %dot_general3A_48 = tpu.matmul %convert_element_type3A_46, %get3A_45, %dot_general3A_47 {dimension_numbers = #tpu.dot_dimension_numbers<[1], [0], [0], [1], [0, 0, 1, 1], [], []>, transpose_lhs_hint = false} : vector<4096x128xbf16>, vector<128x128xbf16>, vector<4096x128xf32> -> vector<4096x128xf32>
    %get3A_49 = arith.constant 0 : index
    %get3A_50 = arith.constant 0 : index
    %get3A_51 = vector.load %arg10[%get3A_49, %get3A_50] : memref<1x128xf32, #tpu.memory_space<vmem>>, vector<1x128xf32>
    %add3A_52 = vector.broadcast %get3A_51 : vector<1x128xf32> to vector<4096x128xf32>
    %add3A_53 = arith.addf %dot_general3A_48, %add3A_52 : vector<4096x128xf32>
    %sub3A_54 = arith.subf %reshape3A_26, %slice3A : vector<4096x128xf32>
    %add3A_55 = arith.addf %sub3A_54, %add3A_53 : vector<4096x128xf32>
    %get3A_56 = arith.constant 0 : index
    %get3A_57 = arith.constant 0 : index
    %get3A_58 = vector.load %arg11[%get3A_56, %get3A_57] : memref<128x128xbf16, #tpu.memory_space<vmem>>, vector<128x128xbf16>
    %convert_element_type3A_59 = arith.truncf %add3A_55 : vector<4096x128xf32> to vector<4096x128xbf16>
    %dot_general3A_60 = arith.constant dense<0.000000e+00> : vector<4096x128xf32>
    %dot_general3A_61 = tpu.matmul %convert_element_type3A_59, %get3A_58, %dot_general3A_60 {dimension_numbers = #tpu.dot_dimension_numbers<[1], [0], [0], [1], [0, 0, 1, 1], [], []>, transpose_lhs_hint = false} : vector<4096x128xbf16>, vector<128x128xbf16>, vector<4096x128xf32> -> vector<4096x128xf32>
    %get3A_62 = arith.constant 0 : index
    %get3A_63 = arith.constant 0 : index
    %get3A_64 = vector.load %arg12[%get3A_62, %get3A_63] : memref<1x128xf32, #tpu.memory_space<vmem>>, vector<1x128xf32>
    %add3A_65 = vector.broadcast %get3A_64 : vector<1x128xf32> to vector<4096x128xf32>
    %add3A_66 = arith.addf %dot_general3A_61, %add3A_65 : vector<4096x128xf32>
    %max3A_67 = arith.constant 0.000000e+00 : f32
    %max3A_68 = vector.broadcast %max3A_67 : f32 to vector<4096x128xf32>
    %max3A_69 = arith.maximumf %add3A_66, %max3A_68 : vector<4096x128xf32>
    %get3A_70 = arith.constant 0 : index
    %get3A_71 = arith.constant 0 : index
    %get3A_72 = vector.load %arg13[%get3A_70, %get3A_71] : memref<128x128xbf16, #tpu.memory_space<vmem>>, vector<128x128xbf16>
    %convert_element_type3A_73 = arith.truncf %max3A_69 : vector<4096x128xf32> to vector<4096x128xbf16>
    %dot_general3A_74 = arith.constant dense<0.000000e+00> : vector<4096x128xf32>
    %dot_general3A_75 = tpu.matmul %convert_element_type3A_73, %get3A_72, %dot_general3A_74 {dimension_numbers = #tpu.dot_dimension_numbers<[1], [0], [0], [1], [0, 0, 1, 1], [], []>, transpose_lhs_hint = false} : vector<4096x128xbf16>, vector<128x128xbf16>, vector<4096x128xf32> -> vector<4096x128xf32>
    %get3A_76 = arith.constant 0 : index
    %get3A_77 = arith.constant 0 : index
    %get3A_78 = vector.load %arg14[%get3A_76, %get3A_77] : memref<1x128xf32, #tpu.memory_space<vmem>>, vector<1x128xf32>
    %add3A_79 = vector.broadcast %get3A_78 : vector<1x128xf32> to vector<4096x128xf32>
    %add3A_80 = arith.addf %dot_general3A_75, %add3A_79 : vector<4096x128xf32>
    %mul3A = arith.constant 0.0883883461 : f32
    %mul3A_81 = vector.broadcast %mul3A : f32 to vector<4096x128xf32>
    %mul3A_82 = arith.mulf %add3A_80, %mul3A_81 : vector<4096x128xf32>
    %add3A_83 = arith.addf %slice3A_34, %add3A_53 : vector<4096x128xf32>
    %slice3A_84 = vector.extract_strided_slice %mul3A_82 {offsets = [0, 0], sizes = [256, 128], strides = [1, 1]} : vector<4096x128xf32> to vector<256x128xf32>
    %slice3A_85 = vector.extract_strided_slice %mul3A_82 {offsets = [256, 0], sizes = [256, 128], strides = [1, 1]} : vector<4096x128xf32> to vector<256x128xf32>
    %slice3A_86 = vector.extract_strided_slice %mul3A_82 {offsets = [512, 0], sizes = [256, 128], strides = [1, 1]} : vector<4096x128xf32> to vector<256x128xf32>
    %slice3A_87 = vector.extract_strided_slice %mul3A_82 {offsets = [768, 0], sizes = [256, 128], strides = [1, 1]} : vector<4096x128xf32> to vector<256x128xf32>
    %slice3A_88 = vector.extract_strided_slice %mul3A_82 {offsets = [1024, 0], sizes = [256, 128], strides = [1, 1]} : vector<4096x128xf32> to vector<256x128xf32>
    %slice3A_89 = vector.extract_strided_slice %mul3A_82 {offsets = [1280, 0], sizes = [256, 128], strides = [1, 1]} : vector<4096x128xf32> to vector<256x128xf32>
    %slice3A_90 = vector.extract_strided_slice %mul3A_82 {offsets = [1536, 0], sizes = [256, 128], strides = [1, 1]} : vector<4096x128xf32> to vector<256x128xf32>
    %slice3A_91 = vector.extract_strided_slice %mul3A_82 {offsets = [1792, 0], sizes = [256, 128], strides = [1, 1]} : vector<4096x128xf32> to vector<256x128xf32>
    %slice3A_92 = vector.extract_strided_slice %mul3A_82 {offsets = [2048, 0], sizes = [256, 128], strides = [1, 1]} : vector<4096x128xf32> to vector<256x128xf32>
    %slice3A_93 = vector.extract_strided_slice %mul3A_82 {offsets = [2304, 0], sizes = [256, 128], strides = [1, 1]} : vector<4096x128xf32> to vector<256x128xf32>
    %slice3A_94 = vector.extract_strided_slice %mul3A_82 {offsets = [2560, 0], sizes = [256, 128], strides = [1, 1]} : vector<4096x128xf32> to vector<256x128xf32>
    %slice3A_95 = vector.extract_strided_slice %mul3A_82 {offsets = [2816, 0], sizes = [256, 128], strides = [1, 1]} : vector<4096x128xf32> to vector<256x128xf32>
    %slice3A_96 = vector.extract_strided_slice %mul3A_82 {offsets = [3072, 0], sizes = [256, 128], strides = [1, 1]} : vector<4096x128xf32> to vector<256x128xf32>
    %slice3A_97 = vector.extract_strided_slice %mul3A_82 {offsets = [3328, 0], sizes = [256, 128], strides = [1, 1]} : vector<4096x128xf32> to vector<256x128xf32>
    %slice3A_98 = vector.extract_strided_slice %mul3A_82 {offsets = [3584, 0], sizes = [256, 128], strides = [1, 1]} : vector<4096x128xf32> to vector<256x128xf32>
    %slice3A_99 = vector.extract_strided_slice %mul3A_82 {offsets = [3840, 0], sizes = [256, 128], strides = [1, 1]} : vector<4096x128xf32> to vector<256x128xf32>
    %max3A_100 = arith.maximumf %slice3A_84, %slice3A_85 : vector<256x128xf32>
    %max3A_101 = arith.maximumf %max3A_100, %slice3A_86 : vector<256x128xf32>
    %max3A_102 = arith.maximumf %max3A_101, %slice3A_87 : vector<256x128xf32>
    %max3A_103 = arith.maximumf %max3A_102, %slice3A_88 : vector<256x128xf32>
    %max3A_104 = arith.maximumf %max3A_103, %slice3A_89 : vector<256x128xf32>
    %max3A_105 = arith.maximumf %max3A_104, %slice3A_90 : vector<256x128xf32>
    %max3A_106 = arith.maximumf %max3A_105, %slice3A_91 : vector<256x128xf32>
    %max3A_107 = arith.maximumf %max3A_106, %slice3A_92 : vector<256x128xf32>
    %max3A_108 = arith.maximumf %max3A_107, %slice3A_93 : vector<256x128xf32>
    %max3A_109 = arith.maximumf %max3A_108, %slice3A_94 : vector<256x128xf32>
    %max3A_110 = arith.maximumf %max3A_109, %slice3A_95 : vector<256x128xf32>
    %max3A_111 = arith.maximumf %max3A_110, %slice3A_96 : vector<256x128xf32>
    %max3A_112 = arith.maximumf %max3A_111, %slice3A_97 : vector<256x128xf32>
    %max3A_113 = arith.maximumf %max3A_112, %slice3A_98 : vector<256x128xf32>
    %max3A_114 = arith.maximumf %max3A_113, %slice3A_99 : vector<256x128xf32>
    %sub3A_115 = arith.subf %slice3A_84, %max3A_114 : vector<256x128xf32>
    %exp3A = math.exp %sub3A_115 : vector<256x128xf32>
    %sub3A_116 = arith.subf %slice3A_85, %max3A_114 : vector<256x128xf32>
    %exp3A_117 = math.exp %sub3A_116 : vector<256x128xf32>
    %add3A_118 = arith.addf %exp3A, %exp3A_117 : vector<256x128xf32>
    %sub3A_119 = arith.subf %slice3A_86, %max3A_114 : vector<256x128xf32>
    %exp3A_120 = math.exp %sub3A_119 : vector<256x128xf32>
    %add3A_121 = arith.addf %add3A_118, %exp3A_120 : vector<256x128xf32>
    %sub3A_122 = arith.subf %slice3A_87, %max3A_114 : vector<256x128xf32>
    %exp3A_123 = math.exp %sub3A_122 : vector<256x128xf32>
    %add3A_124 = arith.addf %add3A_121, %exp3A_123 : vector<256x128xf32>
    %sub3A_125 = arith.subf %slice3A_88, %max3A_114 : vector<256x128xf32>
    %exp3A_126 = math.exp %sub3A_125 : vector<256x128xf32>
    %add3A_127 = arith.addf %add3A_124, %exp3A_126 : vector<256x128xf32>
    %sub3A_128 = arith.subf %slice3A_89, %max3A_114 : vector<256x128xf32>
    %exp3A_129 = math.exp %sub3A_128 : vector<256x128xf32>
    %add3A_130 = arith.addf %add3A_127, %exp3A_129 : vector<256x128xf32>
    %sub3A_131 = arith.subf %slice3A_90, %max3A_114 : vector<256x128xf32>
    %exp3A_132 = math.exp %sub3A_131 : vector<256x128xf32>
    %add3A_133 = arith.addf %add3A_130, %exp3A_132 : vector<256x128xf32>
    %sub3A_134 = arith.subf %slice3A_91, %max3A_114 : vector<256x128xf32>
    %exp3A_135 = math.exp %sub3A_134 : vector<256x128xf32>
    %add3A_136 = arith.addf %add3A_133, %exp3A_135 : vector<256x128xf32>
    %sub3A_137 = arith.subf %slice3A_92, %max3A_114 : vector<256x128xf32>
    %exp3A_138 = math.exp %sub3A_137 : vector<256x128xf32>
    %add3A_139 = arith.addf %add3A_136, %exp3A_138 : vector<256x128xf32>
    %sub3A_140 = arith.subf %slice3A_93, %max3A_114 : vector<256x128xf32>
    %exp3A_141 = math.exp %sub3A_140 : vector<256x128xf32>
    %add3A_142 = arith.addf %add3A_139, %exp3A_141 : vector<256x128xf32>
    %sub3A_143 = arith.subf %slice3A_94, %max3A_114 : vector<256x128xf32>
    %exp3A_144 = math.exp %sub3A_143 : vector<256x128xf32>
    %add3A_145 = arith.addf %add3A_142, %exp3A_144 : vector<256x128xf32>
    %sub3A_146 = arith.subf %slice3A_95, %max3A_114 : vector<256x128xf32>
    %exp3A_147 = math.exp %sub3A_146 : vector<256x128xf32>
    %add3A_148 = arith.addf %add3A_145, %exp3A_147 : vector<256x128xf32>
    %sub3A_149 = arith.subf %slice3A_96, %max3A_114 : vector<256x128xf32>
    %exp3A_150 = math.exp %sub3A_149 : vector<256x128xf32>
    %add3A_151 = arith.addf %add3A_148, %exp3A_150 : vector<256x128xf32>
    %sub3A_152 = arith.subf %slice3A_97, %max3A_114 : vector<256x128xf32>
    %exp3A_153 = math.exp %sub3A_152 : vector<256x128xf32>
    %add3A_154 = arith.addf %add3A_151, %exp3A_153 : vector<256x128xf32>
    %sub3A_155 = arith.subf %slice3A_98, %max3A_114 : vector<256x128xf32>
    %exp3A_156 = math.exp %sub3A_155 : vector<256x128xf32>
    %add3A_157 = arith.addf %add3A_154, %exp3A_156 : vector<256x128xf32>
    %sub3A_158 = arith.subf %slice3A_99, %max3A_114 : vector<256x128xf32>
    %exp3A_159 = math.exp %sub3A_158 : vector<256x128xf32>
    %add3A_160 = arith.addf %add3A_157, %exp3A_159 : vector<256x128xf32>
    %div3A = arith.divf %exp3A, %add3A_160 : vector<256x128xf32>
    %slice3A_161 = vector.extract_strided_slice %add3A_83 {offsets = [0, 0], sizes = [256, 128], strides = [1, 1]} : vector<4096x128xf32> to vector<256x128xf32>
    %mul3A_162 = arith.mulf %div3A, %slice3A_161 : vector<256x128xf32>
    %div3A_163 = arith.divf %exp3A_117, %add3A_160 : vector<256x128xf32>
    %slice3A_164 = vector.extract_strided_slice %add3A_83 {offsets = [256, 0], sizes = [256, 128], strides = [1, 1]} : vector<4096x128xf32> to vector<256x128xf32>
    %mul3A_165 = arith.mulf %div3A_163, %slice3A_164 : vector<256x128xf32>
    %add3A_166 = arith.addf %mul3A_162, %mul3A_165 : vector<256x128xf32>
    %div3A_167 = arith.divf %exp3A_120, %add3A_160 : vector<256x128xf32>
    %slice3A_168 = vector.extract_strided_slice %add3A_83 {offsets = [512, 0], sizes = [256, 128], strides = [1, 1]} : vector<4096x128xf32> to vector<256x128xf32>
    %mul3A_169 = arith.mulf %div3A_167, %slice3A_168 : vector<256x128xf32>
    %add3A_170 = arith.addf %add3A_166, %mul3A_169 : vector<256x128xf32>
    %div3A_171 = arith.divf %exp3A_123, %add3A_160 : vector<256x128xf32>
    %slice3A_172 = vector.extract_strided_slice %add3A_83 {offsets = [768, 0], sizes = [256, 128], strides = [1, 1]} : vector<4096x128xf32> to vector<256x128xf32>
    %mul3A_173 = arith.mulf %div3A_171, %slice3A_172 : vector<256x128xf32>
    %add3A_174 = arith.addf %add3A_170, %mul3A_173 : vector<256x128xf32>
    %div3A_175 = arith.divf %exp3A_126, %add3A_160 : vector<256x128xf32>
    %slice3A_176 = vector.extract_strided_slice %add3A_83 {offsets = [1024, 0], sizes = [256, 128], strides = [1, 1]} : vector<4096x128xf32> to vector<256x128xf32>
    %mul3A_177 = arith.mulf %div3A_175, %slice3A_176 : vector<256x128xf32>
    %add3A_178 = arith.addf %add3A_174, %mul3A_177 : vector<256x128xf32>
    %div3A_179 = arith.divf %exp3A_129, %add3A_160 : vector<256x128xf32>
    %slice3A_180 = vector.extract_strided_slice %add3A_83 {offsets = [1280, 0], sizes = [256, 128], strides = [1, 1]} : vector<4096x128xf32> to vector<256x128xf32>
    %mul3A_181 = arith.mulf %div3A_179, %slice3A_180 : vector<256x128xf32>
    %add3A_182 = arith.addf %add3A_178, %mul3A_181 : vector<256x128xf32>
    %div3A_183 = arith.divf %exp3A_132, %add3A_160 : vector<256x128xf32>
    %slice3A_184 = vector.extract_strided_slice %add3A_83 {offsets = [1536, 0], sizes = [256, 128], strides = [1, 1]} : vector<4096x128xf32> to vector<256x128xf32>
    %mul3A_185 = arith.mulf %div3A_183, %slice3A_184 : vector<256x128xf32>
    %add3A_186 = arith.addf %add3A_182, %mul3A_185 : vector<256x128xf32>
    %div3A_187 = arith.divf %exp3A_135, %add3A_160 : vector<256x128xf32>
    %slice3A_188 = vector.extract_strided_slice %add3A_83 {offsets = [1792, 0], sizes = [256, 128], strides = [1, 1]} : vector<4096x128xf32> to vector<256x128xf32>
    %mul3A_189 = arith.mulf %div3A_187, %slice3A_188 : vector<256x128xf32>
    %add3A_190 = arith.addf %add3A_186, %mul3A_189 : vector<256x128xf32>
    %div3A_191 = arith.divf %exp3A_138, %add3A_160 : vector<256x128xf32>
    %slice3A_192 = vector.extract_strided_slice %add3A_83 {offsets = [2048, 0], sizes = [256, 128], strides = [1, 1]} : vector<4096x128xf32> to vector<256x128xf32>
    %mul3A_193 = arith.mulf %div3A_191, %slice3A_192 : vector<256x128xf32>
    %add3A_194 = arith.addf %add3A_190, %mul3A_193 : vector<256x128xf32>
    %div3A_195 = arith.divf %exp3A_141, %add3A_160 : vector<256x128xf32>
    %slice3A_196 = vector.extract_strided_slice %add3A_83 {offsets = [2304, 0], sizes = [256, 128], strides = [1, 1]} : vector<4096x128xf32> to vector<256x128xf32>
    %mul3A_197 = arith.mulf %div3A_195, %slice3A_196 : vector<256x128xf32>
    %add3A_198 = arith.addf %add3A_194, %mul3A_197 : vector<256x128xf32>
    %div3A_199 = arith.divf %exp3A_144, %add3A_160 : vector<256x128xf32>
    %slice3A_200 = vector.extract_strided_slice %add3A_83 {offsets = [2560, 0], sizes = [256, 128], strides = [1, 1]} : vector<4096x128xf32> to vector<256x128xf32>
    %mul3A_201 = arith.mulf %div3A_199, %slice3A_200 : vector<256x128xf32>
    %add3A_202 = arith.addf %add3A_198, %mul3A_201 : vector<256x128xf32>
    %div3A_203 = arith.divf %exp3A_147, %add3A_160 : vector<256x128xf32>
    %slice3A_204 = vector.extract_strided_slice %add3A_83 {offsets = [2816, 0], sizes = [256, 128], strides = [1, 1]} : vector<4096x128xf32> to vector<256x128xf32>
    %mul3A_205 = arith.mulf %div3A_203, %slice3A_204 : vector<256x128xf32>
    %add3A_206 = arith.addf %add3A_202, %mul3A_205 : vector<256x128xf32>
    %div3A_207 = arith.divf %exp3A_150, %add3A_160 : vector<256x128xf32>
    %slice3A_208 = vector.extract_strided_slice %add3A_83 {offsets = [3072, 0], sizes = [256, 128], strides = [1, 1]} : vector<4096x128xf32> to vector<256x128xf32>
    %mul3A_209 = arith.mulf %div3A_207, %slice3A_208 : vector<256x128xf32>
    %add3A_210 = arith.addf %add3A_206, %mul3A_209 : vector<256x128xf32>
    %div3A_211 = arith.divf %exp3A_153, %add3A_160 : vector<256x128xf32>
    %slice3A_212 = vector.extract_strided_slice %add3A_83 {offsets = [3328, 0], sizes = [256, 128], strides = [1, 1]} : vector<4096x128xf32> to vector<256x128xf32>
    %mul3A_213 = arith.mulf %div3A_211, %slice3A_212 : vector<256x128xf32>
    %add3A_214 = arith.addf %add3A_210, %mul3A_213 : vector<256x128xf32>
    %div3A_215 = arith.divf %exp3A_156, %add3A_160 : vector<256x128xf32>
    %slice3A_216 = vector.extract_strided_slice %add3A_83 {offsets = [3584, 0], sizes = [256, 128], strides = [1, 1]} : vector<4096x128xf32> to vector<256x128xf32>
    %mul3A_217 = arith.mulf %div3A_215, %slice3A_216 : vector<256x128xf32>
    %add3A_218 = arith.addf %add3A_214, %mul3A_217 : vector<256x128xf32>
    %div3A_219 = arith.divf %exp3A_159, %add3A_160 : vector<256x128xf32>
    %slice3A_220 = vector.extract_strided_slice %add3A_83 {offsets = [3840, 0], sizes = [256, 128], strides = [1, 1]} : vector<4096x128xf32> to vector<256x128xf32>
    %mul3A_221 = arith.mulf %div3A_219, %slice3A_220 : vector<256x128xf32>
    %add3A_222 = arith.addf %add3A_218, %mul3A_221 : vector<256x128xf32>
    %get3A_223 = arith.constant 0 : index
    %get3A_224 = arith.constant 0 : index
    %get3A_225 = vector.load %arg15[%get3A_223, %get3A_224] : memref<128x128xbf16, #tpu.memory_space<vmem>>, vector<128x128xbf16>
    %convert_element_type3A_226 = arith.truncf %add3A_222 : vector<256x128xf32> to vector<256x128xbf16>
    %dot_general3A_227 = arith.constant dense<0.000000e+00> : vector<256x128xf32>
    %dot_general3A_228 = tpu.matmul %convert_element_type3A_226, %get3A_225, %dot_general3A_227 {dimension_numbers = #tpu.dot_dimension_numbers<[1], [0], [0], [1], [0, 0, 1, 1], [], []>, transpose_lhs_hint = false} : vector<256x128xbf16>, vector<128x128xbf16>, vector<256x128xf32> -> vector<256x128xf32>
    %get3A_229 = arith.constant 0 : index
    %get3A_230 = arith.constant 0 : index
    %get3A_231 = vector.load %arg16[%get3A_229, %get3A_230] : memref<1x128xf32, #tpu.memory_space<vmem>>, vector<1x128xf32>
    %add3A_232 = vector.broadcast %get3A_231 : vector<1x128xf32> to vector<256x128xf32>
    %add3A_233 = arith.addf %dot_general3A_228, %add3A_232 : vector<256x128xf32>
    %get3A_234 = arith.constant 0 : index
    %get3A_235 = arith.constant 0 : index
    %get3A_236 = arith.constant 0 : index
    %get3A_237 = vector.load %arg6[%get3A_234, %get3A_235, %get3A_236] : memref<1x256x128xf32, #tpu.memory_space<vmem>>, vector<1x256x128xf32>
    %get3A_238 = vector.shape_cast %get3A_237 : vector<1x256x128xf32> to vector<256x128xf32>
    %add3A_239 = arith.addf %add3A_233, %get3A_238 : vector<256x128xf32>
    %swap3A = arith.constant 0 : index
    %swap3A_240 = arith.constant 0 : index
    %swap3A_241 = arith.constant 0 : index
    %swap3A_242 = vector.load %arg17[%swap3A, %swap3A_240, %swap3A_241] : memref<1x256x128xf32, #tpu.memory_space<vmem>>, vector<1x256x128xf32>
    %swap3A_243 = vector.shape_cast %swap3A_242 : vector<1x256x128xf32> to vector<256x128xf32>
    %swap3A_244 = vector.shape_cast %add3A_239 : vector<256x128xf32> to vector<1x256x128xf32>
    tpu.vector_store %arg17[%swap3A, %swap3A_240, %swap3A_241], %swap3A_244 {strides = array<i32>} : memref<1x256x128xf32, #tpu.memory_space<vmem>>, vector<1x256x128xf32>,
    return
  }
  func.func @transform_0(%arg0: i32, %arg1: i32) -> (i32, i32, i32, i32) {
    %c0_i32 = arith.constant 0 : i32
    %c0_i32_0 = arith.constant 0 : i32
    %c0_i32_1 = arith.constant 0 : i32
    return %c0_i32, %arg0, %arg1, %c0_i32_0 : i32, i32, i32, i32
  }
  func.func @transform_1(%arg0: i32, %arg1: i32) -> (i32, i32, i32) {
    %c0_i32 = arith.constant 0 : i32
    %c0_i32_0 = arith.constant 0 : i32
    return %arg0, %arg1, %c0_i32 : i32, i32, i32
  }
  func.func @transform_2(%arg0: i32, %arg1: i32) -> (i32, i32, i32) {
    %c0_i32 = arith.constant 0 : i32
    %c0_i32_0 = arith.constant 0 : i32
    return %arg0, %arg1, %c0_i32 : i32, i32, i32
  }
  func.func @transform_3(%arg0: i32, %arg1: i32) -> (i32, i32, i32, i32) {
    %c0_i32 = arith.constant 0 : i32
    %c0_i32_0 = arith.constant 0 : i32
    %c0_i32_1 = arith.constant 0 : i32
    return %c0_i32, %arg0, %arg1, %c0_i32_0 : i32, i32, i32, i32
  }
  func.func @transform_4(%arg0: i32, %arg1: i32) -> (i32, i32, i32) {
    %c0_i32 = arith.constant 0 : i32
    %c0_i32_0 = arith.constant 0 : i32
    return %arg0, %arg1, %c0_i32 : i32, i32, i32
  }
  func.func @transform_5(%arg0: i32, %arg1: i32) -> (i32, i32) {
    %c0_i32 = arith.constant 0 : i32
    %c0_i32_0 = arith.constant 0 : i32
    %c0_i32_1 = arith.constant 0 : i32
    return %c0_i32, %c0_i32_0 : i32, i32
  }
  func.func @transform_6(%arg0: i32, %arg1: i32) -> (i32, i32) {
    %c0_i32 = arith.constant 0 : i32
    %c0_i32_0 = arith.constant 0 : i32
    %c0_i32_1 = arith.constant 0 : i32
    return %c0_i32, %c0_i32_0 : i32, i32
  }
  func.func @transform_7(%arg0: i32, %arg1: i32) -> (i32, i32) {
    %c0_i32 = arith.constant 0 : i32
    %c0_i32_0 = arith.constant 0 : i32
    %c0_i32_1 = arith.constant 0 : i32
    return %c0_i32, %c0_i32_0 : i32, i32
  }
  func.func @transform_8(%arg0: i32, %arg1: i32) -> (i32, i32) {
    %c0_i32 = arith.constant 0 : i32
    %c0_i32_0 = arith.constant 0 : i32
    %c0_i32_1 = arith.constant 0 : i32
    return %c0_i32, %c0_i32_0 : i32, i32
  }
  func.func @transform_9(%arg0: i32, %arg1: i32) -> (i32, i32) {
    %c0_i32 = arith.constant 0 : i32
    %c0_i32_0 = arith.constant 0 : i32
    %c0_i32_1 = arith.constant 0 : i32
    return %c0_i32, %c0_i32_0 : i32, i32
  }
  func.func @transform_10(%arg0: i32, %arg1: i32) -> (i32, i32) {
    %c0_i32 = arith.constant 0 : i32
    %c0_i32_0 = arith.constant 0 : i32
    %c0_i32_1 = arith.constant 0 : i32
    return %c0_i32, %c0_i32_0 : i32, i32
  }
  func.func @transform_11(%arg0: i32, %arg1: i32) -> (i32, i32) {
    %c0_i32 = arith.constant 0 : i32
    %c0_i32_0 = arith.constant 0 : i32
    %c0_i32_1 = arith.constant 0 : i32
    return %c0_i32, %c0_i32_0 : i32, i32
  }
  func.func @transform_12(%arg0: i32, %arg1: i32) -> (i32, i32) {
    %c0_i32 = arith.constant 0 : i32
    %c0_i32_0 = arith.constant 0 : i32
    %c0_i32_1 = arith.constant 0 : i32
    return %c0_i32, %c0_i32_0 : i32, i32
  }
  func.func @transform_13(%arg0: i32, %arg1: i32) -> (i32, i32) {
    %c0_i32 = arith.constant 0 : i32
    %c0_i32_0 = arith.constant 0 : i32
    %c0_i32_1 = arith.constant 0 : i32
    return %c0_i32, %c0_i32_0 : i32, i32
  }
  func.func @transform_14(%arg0: i32, %arg1: i32) -> (i32, i32) {
    %c0_i32 = arith.constant 0 : i32
    %c0_i32_0 = arith.constant 0 : i32
    %c0_i32_1 = arith.constant 0 : i32
    return %c0_i32, %c0_i32_0 : i32, i32
  }
  func.func @transform_15(%arg0: i32, %arg1: i32) -> (i32, i32, i32) {
    %c0_i32 = arith.constant 0 : i32
    %c0_i32_0 = arith.constant 0 : i32
    return %arg0, %arg1, %c0_i32 : i32, i32, i32
  }
}

</mosaic_0001>

<sc_bundles>
// kernel: kernel.16.cloned.1.call-start
scs
__scs_entry_jumppad:
0x0: {  	(pc) =	sbr.rel $0x88, $3  }
0x1: {  	(tag) =	ssettag $0x0;
	lr =	simm.s32 $0x1  }
0x2: {  	[smem:$0x3F8D] =	sst lr;
	_ =	strace $0xD0000000  }
0x3: {  	_ = 	snop  }
0x4: {  	_ = 	snop  }
0x5: {  	_ = 	snop  }
0x6: {  	_ = 	snop  }
0x7: {  	_ = 	snop  }
__scs_overlays_trampoline_lowered:
0x8: {  	[smem:$0x3F9C] =	sst s0  }
0x9: {  	[smem:$0x3F9D] =	sst s1  }
0xa: {  	[smem:$0x3F9E] =	sst s2  }
0xb: {  	[smem:$0x3F9F] =	sst s3  }
0xc: {  	[smem:$0x3FA0] =	sst s4  }
0xd: {  	[smem:$0x3FA1] =	sst s5  }
0xe: {  	[smem:$0x3FA2] =	sst s6  }
0xf: {  	[smem:$0x3FA3] =	sst s7  }
0x10: {  	[smem:$0x3FA4] =	sst s8  }
0x11: {  	[smem:$0x3FA5] =	sst s9;
	s0 =	simm.s32 @!p0 $0x0  }
0x12: {  	s1 =	sld [smem:$0x3F8B];
	s0 =	simm.s32 @p0 $0x1  }
0x13: {  	[smem:$0x3FA6] =	sst s0;
	s0 =	simm.s32 @!p1 $0x0  }
0x14: {  	s2 =	sld [smem:$0x3F8A];
	s0 =	simm.s32 @p1 $0x1  }
0x15: {  	[smem:$0x3FA7] =	sst s0;
	s0 =	simm.s32 @!p2 $0x0  }
0x16: {  	s3 =	sld [smem:$0x3FDB];
	s0 =	simm.s32 @p2 $0x1  }
0x17: {  	s4 =	simm.s32 $0x1BF5;
	[smem:$0x3FA9] =	sst s0  }
0x18: {  	s0 =	sld [smem:$0x3F8C];
	_ =	swait.ge [sflag:s4], $0x0  }
0x19: {  	s7 =	sld [smem:$0x3F8D]  }
0x1a: {  	s8 =	sadd.s32 $0xFFFFE003, lr  }
0x1b: {  	s9 =	sadd.s32 $0xFFFFFEF7, lr;
	s5 =	simm.s32 $0xFFFFFFFF;
	p2 =	slt.u32 s8, $0xFFFFF086  }
0x1c: {  	p1 =	slt.u32 s9, $0xF7A;
	s5 =	simm.s32 @!p2 $0x0  }
0x1d: {  	s5 =	simm.s32 @p1 $0x1;
	p0 =	seq.s32 s7, s2  }
0x1e: {  	s7 =	smul.u32 @!p0 $0xF7A, s2;
	p2 =	seq.s32 @!p0 s5, $0x0  }
0x1f: {  	s9 =	smul.u32 $0xF7A, s1;
	s8 =	simm.s32 @!p0 $0x1BF5;
	p2 =	por !p2, p0  }
0x20: {  	[sflag:s8] =	ssyncset.s32 @!p0 $0xFFFFF086;
	s6 =	sadd.s32 @!p0 s3, s7;
	s7 =	simm.s32 @!p0 $0x108  }
0x21: {  	s3 =	sadd.s32 s3, s9;
	s6 =	sadd.s32 @!p0 $0x88, s6;
	s7 =	simm.s32 @p2 $0x1082  }
0x22: {  	[simem:s7], [sflag:s8] =	dma.local @!p0 [hbm:s6], $0xF7A  }
0x23: {  	s9 =	sor.u32 $0xD0000000, s2;
	s6 =	simm.s32 $0x108;
	_ =	swait.ge @!p0 [sflag:s8], $0x0  }
0x24: {  	s3 =	sadd.s32 $0x88, s3;
	s6 =	simm.s32 @!p1 $0x1082;
	[sflag:s4] =	ssyncset.s32 $0xFFFFF086  }
0x25: {  	[simem:s6], [sflag:s4] =	dma.local [hbm:s3], $0xF7A  }
0x26: {  	[smem:$0x3F8D] =	sst s1;
	(tag) =	ssettag s2;
	_ =	strace s9  }
0x27: {  	s1 =	sld [smem:$0x3F9D]  }
0x28: {  	s2 =	sld [smem:$0x3F9E]  }
0x29: {  	s4 =	sld [smem:$0x3FA0]  }
0x2a: {  	p0 =	seq.s32 s5, $0x0;
	s5 =	sld [smem:$0x3FA1]  }
0x2b: {  	s6 =	sld [smem:$0x3FA2]  }
0x2c: {  	s7 =	sld [smem:$0x3FA3]  }
0x2d: {  	s3 =	simm.s32 $0x108;
	s8 =	sld [smem:$0x3FA4]  }
0x2e: {  	s3 =	simm.s32 @!p0 $0x1082;
	s9 =	sld [smem:$0x3FA5]  }
0x2f: {  	lr =	sadd.s32 s0, s3;
	s0 =	sld [smem:$0x3F9C]  }
0x30: {  	s3 =	sld [smem:$0x3F9F]  }
0x31: {  	[smem:$0x3FA8] =	sst s10  }
0x32: {  	s10 =	sld [smem:$0x3FA6];
	_ =	sdelay $0x3  }
0x33: {  	p0 =	seq.s32 s10, $0x1;
	s10 =	sld [smem:$0x3FA8];
	_ =	sdelay $0x3  }
0x34: {  	[smem:$0x3FA8] =	sst s10  }
0x35: {  	s10 =	sld [smem:$0x3FA7];
	_ =	sdelay $0x3  }
0x36: {  	p1 =	seq.s32 s10, $0x1;
	s10 =	sld [smem:$0x3FA8];
	_ =	sdelay $0x3  }
0x37: {  	[smem:$0x3FA8] =	sst s10  }
0x38: {  	s10 =	sld [smem:$0x3FA9]  }
0x39: {  	_ = 	snop;
	(pc) =	sbr.ind lr, $3  }
0x3a: {  	_ = 	snop  }
0x3b: {  	_ = 	snop  }
0x3c: {  	p2 =	seq.s32 s10, $0x1;
	s10 =	sld [smem:$0x3FA8]  }
0x3d: {  	_ =	shalt  }
0x3e: {  	_ =	shalt  }
0x3f: {  	_ =	shalt  }
0x40: {  	_ =	shalt  }
0x41: {  	_ =	shalt  }
0x42: {  	_ =	shalt  }
0x43: {  	_ =	shalt  }
0x44: {  	_ =	shalt  }
0x45: {  	_ =	shalt  }
0x46: {  	_ =	shalt  }
0x47: {  	_ =	shalt  }
0x48: {  	_ =	shalt  }
0x49: {  	_ =	shalt  }
0x4a: {  	_ =	shalt  }
0x4b: {  	_ =	shalt  }
0x4c: {  	_ =	shalt  }
0x4d: {  	_ =	shalt  }
0x4e: {  	_ =	shalt  }
0x4f: {  	_ =	shalt  }
0x50: {  	_ =	shalt  }
0x51: {  	_ =	shalt  }
0x52: {  	_ =	shalt  }
0x53: {  	_ =	shalt  }
0x54: {  	_ =	shalt  }
0x55: {  	_ =	shalt  }
0x56: {  	_ =	shalt  }
0x57: {  	_ =	shalt  }
0x58: {  	_ =	shalt  }
0x59: {  	_ =	shalt  }
0x5a: {  	_ =	shalt  }
0x5b: {  	_ =	shalt  }
0x5c: {  	_ =	shalt  }
0x5d: {  	_ =	shalt  }
0x5e: {  	_ =	shalt  }
0x5f: {  	_ =	shalt  }
0x60: {  	_ =	shalt  }
0x61: {  	_ =	shalt  }
0x62: {  	_ =	shalt  }
0x63: {  	_ =	shalt  }
0x64: {  	_ =	shalt  }
0x65: {  	_ =	shalt  }
0x66: {  	_ =	shalt  }
0x67: {  	_ =	shalt  }
0x68: {  	_ =	shalt  }
0x69: {  	_ =	shalt  }
0x6a: {  	_ =	shalt  }
0x6b: {  	_ =	shalt  }
0x6c: {  	_ =	shalt  }
0x6d: {  	_ =	shalt  }
0x6e: {  	_ =	shalt  }
0x6f: {  	_ =	shalt  }
0x70: {  	_ =	shalt  }
0x71: {  	_ =	shalt  }
0x72: {  	_ =	shalt  }
0x73: {  	_ =	shalt  }
0x74: {  	_ =	shalt  }
0x75: {  	_ =	shalt  }
0x76: {  	_ =	shalt  }
0x77: {  	_ =	shalt  }
0x78: {  	_ =	shalt  }
0x79: {  	_ =	shalt  }
0x7a: {  	_ =	shalt  }
0x7b: {  	_ =	shalt  }
0x7c: {  	_ =	shalt  }
0x7d: {  	_ =	shalt  }
0x7e: {  	_ =	shalt  }
0x7f: {  	_ =	shalt  }
0x80: {  	_ =	shalt  }
0x81: {  	_ =	shalt  }
0x82: {  	_ =	shalt  }
0x83: {  	_ =	shalt  }
0x84: {  	_ =	shalt  }
0x85: {  	_ =	shalt  }
0x86: {  	_ =	shalt  }
0x87: {  	_ =	shalt  }
.Lfunc_end0:
.L_simem_size_0:
called_computation_lowered:
.L_overlay_start_0:
0x88: {  	s2 =	sld [smem:$0x3FD9]  }
0x89: {  	s3 =	sld [smem:$0x3FFE];
	_ =	sdelay $0x1  }
0x8a: {  	s1 =	srdreg.scid  }
0x8b: {  	s0 =	sand.u32 $0x1, s1  }
0x8c: {  	s16 =	sshll.u32 s0, $0xA;
	s2 =	sadd.s32 s3, s2  }
0x8d: {  	s2 =	sadd.s32 s2, s16  }
0x8e: {  	[smem:$0x3FB4] =	sst s2  }
0x8f: {  	_ = 	snop  }
0x90: {  	(tm) =	ssettm $0x1  }
0x91: {  	s17 =	sld [smem:$0x3FFB];
	_ =	sdelay $0x3  }
0x92: {  	_ =	strace s17  }
0x93: {  	s2 =	sld [smem:$0x3FFC];
	_ =	sdelay $0x3  }
0x94: {  	_ =	strace s2  }
0x95: {  	s2 =	sld [smem:$0x3FFD];
	_ =	sdelay $0x3  }
0x96: {  	_ =	strace s2  }
0x97: {  	_ =	strace $0x8FFFFFFF  }
0x98: {  	s18 =	sld [smem:$0x3FDB];
	_ =	sdelay $0x1  }
0x99: {  	s19 =	simm.s32 $_scs_section_size  }
0x9a: {  	s4 =	simm.s32 $_size__tile_overlayer_lowered;
	s5 =	simm.s32 $_tile_overlayer_lowered  }
0x9b: {  	s22 =	simm.s32 $0x1BFF;
	s21 =	sshll.u32 s5, $0x1;
	s2 =	sadd.s32 s19, s18  }
0x9c: {  	s6 =	simm.s32 $0x0;
	s20 =	sshll.u32 s4, $0x1;
	s4 =	sadd.s32 s21, s2  }
0x9d: {  	[timem:s6], [sflag:s22] =	dma.local [hbm:s4], s20  }
0x9e: {  	_ =	swait.ge [sflag:s22], s20  }
0x9f: {  	s3 =	ssub.s32 $0x0, s20;
	[sflag:s22] =	ssyncset.done $0x0  }
0xa0: {  	[sflag:s22] =	ssyncadd.s32 s3;
	_ =	sdelay $0x1  }
0xa1: {  	s23 =	simm.s32 $0x1B8B  }
0xa2: {  	_ =	swait.ge [sflag:s23], $0x1  }
0xa3: {  	[sflag:s23] =	ssyncset.done $0x0  }
0xa4: {  	s25 =	simm.s32 $0x1B8E;
	s24 =	sld [smem:$0x3FFE];
	[sflag:s23] =	ssyncadd.s32 $0xFFFFFFFF  }
0xa5: {  	s26 =	simm.s32 $execute0_lowered;
	[smem:$0x3FD2] =	sst s25  }
0xa6: {  	s4 =	sshll.u32 s26, $0x1;
	_ =	strace $0x80000046;
	[dreg:$0x1] =	wrdreg $0xFFFFFFFF  }
0xa7: {  	s28 =	simm.s32 $_size_execute0_lowered;
	s2 =	sadd.s32 s2, s4;
	[dreg:$0x0] =	wrdreg $0x0  }
0xa8: {  	s4 =	sshll.u32 s28, $0x1;
	[dreg:$0x2] =	wrdreg s2  }
0xa9: {  	[dreg:$0x3] =	wrdreg s4  }
0xaa: {  	[dreg:$0x4] =	wrdreg $0xC0  }
0xab: {  	_ =	task [dreg:s6], $0x5FFFF  }
0xac: {  	[dreg:$0x1] =	wrdreg $0xFFFFFFFF  }
0xad: {  	[dreg:$0x0] =	wrdreg $0x60  }
0xae: {  	[dreg:$0x2] =	wrdreg s24  }
0xaf: {  	[dreg:$0x3] =	wrdreg $0x9  }
0xb0: {  	_ =	task.clear_ibuf [dreg:s6], $0x4FFFF;
	_ =	strace $0x90000046  }
0xb1: {  	s29 =	simm.s32 $0x9;
	_ =	strace $0x80000048  }
0xb2: {  	_ =	swait.ge [sflag:s29], $0x1  }
0xb3: {  	[sflag:s29] =	ssyncadd.s32 $0xFFFFFFFF  }
0xb4: {  	_ =	strace $0x90000048  }
0xb5: {  	_ =	sfence  }
0xb6: {  	s30 =	sld [smem:$0x0];
	_ =	sdelay $0x2  }
0xb7: {  	s31 =	sshll.u32 s1, $0xD;
	s1 =	sshrl.u32 s1, $0x2  }
0xb8: {  	s3 =	sand.u32 $0x4000, s31;
	s1 =	sadd.s32 s1, s30  }
0xb9: {  	s0 =	sor.u32 s3, s0;
	s1 =	sshll.u32 s1, $0x11  }
0xba: {  	s0 =	sor.u32 s1, s0  }
0xbb: {  	s0 =	sadd.s32 $0x8F2B, s0  }
0xbc: {  	[sflag:s0] =	ssyncadd.remote.s32 $0x1  }
0xbd: {  	_ =	sfence.sel $0xFFFF  }
0xbe: {  	[dreg:$0x0] =	wrdreg $0xFFFFFFFF;
	(pc) =	sbr.abs _section_cstart, $3  }
0xbf: {  	[dreg:$0x1] =	wrdreg $0xFFFFFFFF  }
0xc0: {  	_ =	task.clear_ibuf [dreg:s6], $0x2FFFF;
	_ =	strace $0x9FFFFFFF  }
0xc1: {  	(tm) =	ssettm $0x7FFFFFFF  }
tec
execute0_lowered:
.L_overlay_start_1:
0x0: {  	(tag) =	ssettag $0x1  }
0x1: {  	s1 =	srdreg.scid  }
0x2: {  	s0 =	stileid.u32;
	s3 =	rddreg [dreg:$0x0]  }
0x3: {  	s2 =	simm.s32 $0x0;
	s9 =	simm.s32 $0xA80;
	s10 =	simm.s32 $0x4A80  }
0x4: {  	s11 =	simm.s32 $0x8A80;
	s12 =	simm.s32 $0x1;
	s13 =	simm.s32 $0x2  }
0x5: {  	s14 =	simm.s32 $0x3;
	s15 =	simm.s32 $0x4;
	s16 =	simm.s32 $0x5  }
0x6: {  	s17 =	simm.s32 $0x6;
	s18 =	simm.s32 $0x0;
	s4 =	sand.u32 $0x1, s1  }
0x7: {  	s5 =	sshll.u32 s0, $0x1;
	s1 =	rddreg [dreg:$0x1];
	s6 =	smul.u32 $0x15000, s0  }
0x8: {  	s5 =	sor.u32 s4, s5;
	s7 =	ssub.s32 $0x2, s4;
	s4 =	smul.u32 $0xA800, s4  }
0x9: {  	[smem:$0x7FF] =	sst s2;
	s5 =	smul.u32 $0xA80, s5;
	s8 =	sshrl.u32 s7, $0x1  }
0xa: {  	_ =	strace $0x80000047;
	s6 =	sadd.s32 s6, s3;
	s7 =	ssub.s32 s7, s8  }
0xb: {  	s6 =	sadd.s32 s4, s6;
	s8 =	simm.s32 $0x80;
	s5 =	sshrl.u32 s5, $0x3  }
0xc: {  	s6 =	sadd.s32 $0x2A800, s6;
	s5 =	sadd.s32 s5, s3;
	s3 =	sadd.s32 $0x6E00, s3  }
0xd: {  	s4 =	sadd.s32 $0x26E00, s5;
	s5 =	smax.u32 s7, $0x1;
	s7 =	simm.s32 $0x7  }
.LBB2_1:
0xe: {  	[tilespmem:s2], [sflag:$0x7] =	stream.linear.gather [hbm4b:s4+s2], $0xA80, $0x38;
	[tilespmem:$0xCA80] =	vst v63  }
0xf: {  	_ =	swait.ge [sflag:s7], $0xA80  }
0x10: {  	[sflag:s7] =	ssyncset.done $0x0  }
0x11: {  	s19 =	simm.s32 $0x0;
	[sflag:s7] =	ssyncadd.s32 $0xFFFFF580  }
0x12: {  	[tilespmem:s9], [sflag:$0x1] =	stream.indirect.gather [hbm4b:s3+s8], $0x80, s19, s8, $0xb8;
	[tilespmem:$0xCA80] =	vst v63  }
0x13: {  	s28 =	simm.s32 $0x80  }
0x14: {  	[tilespmem:s10], [sflag:$0x2] =	stream.indirect.gather [hbm4b:s3+s8], $0x80, s28, s8, $0xb8;
	[tilespmem:$0xCA80] =	vst v63  }
0x15: {  	s29 =	simm.s32 $0x100  }
0x16: {  	[tilespmem:s11], [sflag:$0x3] =	stream.indirect.gather [hbm4b:s3+s8], $0x80, s29, s8, $0xb8;
	[tilespmem:$0xCA80] =	vst v63  }
0x17: {  	_ =	swait.ge [sflag:s12], $0x4000  }
0x18: {  	[sflag:s12] =	ssyncset.done $0x0  }
0x19: {  	s30 =	sadd.s32 $0xFFFFF000, s6;
	[sflag:s12] =	ssyncadd.s32 $0xFFFFC000  }
0x1a: {  	[hbm4b:s30+s2] =	stream.linear.scatter [tilespmem:s9], [sflag:$0x4], $0x4000, $0x38;
	[tilespmem:$0xCA80] =	vst v63  }
0x1b: {  	_ =	swait.ge [sflag:s13], $0x4000  }
0x1c: {  	[sflag:s13] =	ssyncset.done $0x0  }
0x1d: {  	s31 =	sadd.s32 $0xFFFFF800, s6;
	[sflag:s13] =	ssyncadd.s32 $0xFFFFC000  }
0x1e: {  	[hbm4b:s31+s2] =	stream.linear.scatter [tilespmem:s10], [sflag:$0x5], $0x4000, $0x38;
	[tilespmem:$0xCA80] =	vst v63  }
0x1f: {  	_ =	swait.ge [sflag:s14], $0x4000  }
0x20: {  	[sflag:s14] =	ssyncset.done $0x0  }
0x21: {  	[sflag:s14] =	ssyncadd.s32 $0xFFFFC000  }
0x22: {  	[hbm4b:s6+s2] =	stream.linear.scatter [tilespmem:s11], [sflag:$0x6], $0x4000, $0x38;
	[tilespmem:$0xCA80] =	vst v63  }
0x23: {  	_ =	swait.ge [sflag:s15], $0x4000  }
0x24: {  	[sflag:s15] =	ssyncset.done $0x0  }
0x25: {  	[sflag:s15] =	ssyncadd.s32 $0xFFFFC000  }
0x26: {  	_ =	swait.ge [sflag:s16], $0x4000  }
0x27: {  	[sflag:s16] =	ssyncset.done $0x0  }
0x28: {  	[sflag:s16] =	ssyncadd.s32 $0xFFFFC000  }
0x29: {  	s20 =	simm.s32 $0x600;
	_ =	swait.ge [sflag:s17], $0x4000  }
0x2a: {  	s21 =	simm.s32 $0xC00;
	s19 =	sadd.s32 $0x1800, s6;
	[sflag:s17] =	ssyncset.done $0x0  }
.LBB2_2:
0x2b: {  	s22 =	sshra.s32 s20, $0x2  }
0x2c: {  	[sflag:s17] =	ssyncadd.s32 $0xFFFFC000;
	s20 =	smov.u32 s21;
	s23 =	sadd.s32 $0x600, s21  }
0x2d: {  	[tilespmem:s9], [sflag:$0x1] =	stream.indirect.gather [hbm4b:s3+s8], $0x80, s22, s8, $0xb8;
	[tilespmem:$0xCA80] =	vst v63  }
0x2e: {  	p0 =	sne.s32 s21, $0x2400;
	s21 =	sadd.s32 $0x80, s22  }
0x2f: {  	[tilespmem:s10], [sflag:$0x2] =	stream.indirect.gather [hbm4b:s3+s8], $0x80, s21, s8, $0xb8;
	[tilespmem:$0xCA80] =	vst v63  }
0x30: {  	s21 =	sadd.s32 $0x100, s22  }
0x31: {  	[tilespmem:s11], [sflag:$0x3] =	stream.indirect.gather [hbm4b:s3+s8], $0x80, s21, s8, $0xb8;
	[tilespmem:$0xCA80] =	vst v63  }
0x32: {  	_ =	swait.ge [sflag:s12], $0x4000  }
0x33: {  	[sflag:s12] =	ssyncset.done $0x0  }
0x34: {  	s21 =	sadd.s32 $0xFFFFF000, s19;
	[sflag:s12] =	ssyncadd.s32 $0xFFFFC000  }
0x35: {  	[hbm4b:s21+s2] =	stream.linear.scatter [tilespmem:s9], [sflag:$0x4], $0x4000, $0x38;
	[tilespmem:$0xCA80] =	vst v63  }
0x36: {  	_ =	swait.ge [sflag:s13], $0x4000  }
0x37: {  	[sflag:s13] =	ssyncset.done $0x0  }
0x38: {  	s21 =	sadd.s32 $0xFFFFF800, s19;
	[sflag:s13] =	ssyncadd.s32 $0xFFFFC000  }
0x39: {  	[hbm4b:s21+s2] =	stream.linear.scatter [tilespmem:s10], [sflag:$0x5], $0x4000, $0x38;
	[tilespmem:$0xCA80] =	vst v63  }
0x3a: {  	_ =	swait.ge [sflag:s14], $0x4000  }
0x3b: {  	[sflag:s14] =	ssyncset.done $0x0  }
0x3c: {  	[sflag:s14] =	ssyncadd.s32 $0xFFFFC000  }
0x3d: {  	[hbm4b:s19+s2] =	stream.linear.scatter [tilespmem:s11], [sflag:$0x6], $0x4000, $0x38;
	[tilespmem:$0xCA80] =	vst v63  }
0x3e: {  	_ =	swait.ge [sflag:s15], $0x4000  }
0x3f: {  	[sflag:s15] =	ssyncset.done $0x0  }
0x40: {  	[sflag:s15] =	ssyncadd.s32 $0xFFFFC000  }
.Ltmp0:
0x41: {  	_ =	swait.ge [sflag:s16], $0x4000;
	(pc) =	sbr.rel @p0 .LBB2_2-.Ltmp0, $4  }
0x42: {  	[sflag:s16] =	ssyncset.done $0x0  }
0x43: {  	[sflag:s16] =	ssyncadd.s32 $0xFFFFC000  }
0x44: {  	_ =	swait.ge [sflag:s17], $0x4000  }
0x45: {  	s21 =	smov.u32 s23;
	s19 =	sadd.s32 $0x1800, s19;
	[sflag:s17] =	ssyncset.done $0x0  }
0x46: {  	s20 =	sshra.s32 s20, $0x2;
	[sflag:s17] =	ssyncadd.s32 $0xFFFFC000  }
0x47: {  	[tilespmem:s9], [sflag:$0x1] =	stream.indirect.gather [hbm4b:s3+s8], $0x80, s20, s8, $0xb8;
	[tilespmem:$0xCA80] =	vst v63  }
0x48: {  	s21 =	sadd.s32 $0x80, s20  }
0x49: {  	[tilespmem:s10], [sflag:$0x2] =	stream.indirect.gather [hbm4b:s3+s8], $0x80, s21, s8, $0xb8;
	[tilespmem:$0xCA80] =	vst v63  }
0x4a: {  	s20 =	sadd.s32 $0x100, s20  }
0x4b: {  	[tilespmem:s11], [sflag:$0x3] =	stream.indirect.gather [hbm4b:s3+s8], $0x80, s20, s8, $0xb8;
	[tilespmem:$0xCA80] =	vst v63  }
0x4c: {  	_ =	swait.ge [sflag:s12], $0x4000  }
0x4d: {  	[sflag:s12] =	ssyncset.done $0x0  }
0x4e: {  	s30 =	sadd.s32 $0xFFFFF000, s19;
	[sflag:s12] =	ssyncadd.s32 $0xFFFFC000  }
0x4f: {  	[hbm4b:s30+s2] =	stream.linear.scatter [tilespmem:s9], [sflag:$0x4], $0x4000, $0x38;
	[tilespmem:$0xCA80] =	vst v63  }
0x50: {  	_ =	swait.ge [sflag:s13], $0x4000  }
0x51: {  	[sflag:s13] =	ssyncset.done $0x0  }
0x52: {  	s31 =	sadd.s32 $0xFFFFF800, s19;
	[sflag:s13] =	ssyncadd.s32 $0xFFFFC000  }
0x53: {  	[hbm4b:s31+s2] =	stream.linear.scatter [tilespmem:s10], [sflag:$0x5], $0x4000, $0x38;
	[tilespmem:$0xCA80] =	vst v63  }
0x54: {  	_ =	swait.ge [sflag:s14], $0x4000  }
0x55: {  	[sflag:s14] =	ssyncset.done $0x0  }
0x56: {  	[sflag:s14] =	ssyncadd.s32 $0xFFFFC000  }
0x57: {  	[hbm4b:s19+s2] =	stream.linear.scatter [tilespmem:s11], [sflag:$0x6], $0x4000, $0x38;
	[tilespmem:$0xCA80] =	vst v63  }
0x58: {  	_ =	swait.ge [sflag:s15], $0x4000  }
0x59: {  	[sflag:s15] =	ssyncset.done $0x0  }
0x5a: {  	s18 =	sadd.s32 $0x1, s18;
	[sflag:s15] =	ssyncadd.s32 $0xFFFFC000  }
0x5b: {  	p0 =	sne.s32 s18, s5;
	_ =	swait.ge [sflag:s16], $0x4000  }
.Ltmp1:
0x5c: {  	[sflag:s16] =	ssyncset.done $0x0;
	(pc) =	sbr.rel @p0 .LBB2_1-.Ltmp1, $4  }
0x5d: {  	[sflag:s16] =	ssyncadd.s32 $0xFFFFC000  }
0x5e: {  	_ =	swait.ge [sflag:s17], $0x4000  }
0x5f: {  	[sflag:s17] =	ssyncset.done $0x0  }
0x60: {  	[sflag:s17] =	ssyncadd.s32 $0xFFFFC000  }
0x61: {  	_ =	sfence.sel $0x180000  }
0x62: {  	[bflag:$0x0] =	sbarrier.arrive $0xFFFF  }
0x63: {  	p0 =	sne.s32 s0, $0x0;
	_ =	strace $0x90000047  }
0x64: {  	s0 =	sadd.s32 @!p0 $0x100000, s1;
	[bflag:$0x2] =	sbarrier.arrive $0xFFFF  }
0x65: {  	[sflag:s0] =	ssyncadd.tile.s32 @!p0 $0x1;
	_ =	shalt  }
.Lfunc_end2:
_tile_overlayer_lowered:
.L_overlay_start_2:
0x66: {  	(tag) =	ssettag $0x2  }
0x67: {  	s0 =	rddreg [dreg:$0x0];
	s2 =	stileid.u32  }
0x68: {  	s1 =	rddreg [dreg:$0x1];
	p0 =	sne.s32 s2, $0x0  }
0x69: {  	s3 =	rddreg [dreg:$0x2];
	[bflag:$0x3] =	sbarrier.arrive $0xFFFF;
	s2 =	simm.s32 @!p0 $0x1C07  }
0x6a: {  	[timem:s3], [sflag:s2] =	dma.local @!p0 [hbm:s0], s1  }
0x6b: {  	s0 =	simm.s32 @!p0 $0x7  }
0x6c: {  	_ =	swait.ge @!p0 [sflag:s0], s1  }
0x6d: {  	s1 =	ssub.s32 @!p0 $0x0, s1;
	[sflag:s0] =	ssyncset.done @!p0 $0x0  }
0x6e: {  	[sflag:s0] =	ssyncadd.s32 @!p0 s1  }
0x6f: {  	[bflag:$0x3] =	sbarrier.arrive $0xFFFF  }
0x70: {  	_ =	shalt  }

// kernel: kernel.19.cloned.1.call-start
scs
__scs_entry_jumppad:
0x0: {  	(pc) =	sbr.rel $0x88, $3  }
0x1: {  	(tag) =	ssettag $0x0;
	lr =	simm.s32 $0x1  }
0x2: {  	[smem:$0x3F8D] =	sst lr;
	_ =	strace $0xD0000000  }
0x3: {  	_ = 	snop  }
0x4: {  	_ = 	snop  }
0x5: {  	_ = 	snop  }
0x6: {  	_ = 	snop  }
0x7: {  	_ = 	snop  }
__scs_overlays_trampoline_lowered:
0x8: {  	[smem:$0x3F9C] =	sst s0  }
0x9: {  	[smem:$0x3F9D] =	sst s1  }
0xa: {  	[smem:$0x3F9E] =	sst s2  }
0xb: {  	[smem:$0x3F9F] =	sst s3  }
0xc: {  	[smem:$0x3FA0] =	sst s4  }
0xd: {  	[smem:$0x3FA1] =	sst s5  }
0xe: {  	[smem:$0x3FA2] =	sst s6  }
0xf: {  	[smem:$0x3FA3] =	sst s7  }
0x10: {  	[smem:$0x3FA4] =	sst s8  }
0x11: {  	[smem:$0x3FA5] =	sst s9;
	s0 =	simm.s32 @!p0 $0x0  }
0x12: {  	s1 =	sld [smem:$0x3F8B];
	s0 =	simm.s32 @p0 $0x1  }
0x13: {  	[smem:$0x3FA6] =	sst s0;
	s0 =	simm.s32 @!p1 $0x0  }
0x14: {  	s2 =	sld [smem:$0x3F8A];
	s0 =	simm.s32 @p1 $0x1  }
0x15: {  	[smem:$0x3FA7] =	sst s0;
	s0 =	simm.s32 @!p2 $0x0  }
0x16: {  	s3 =	sld [smem:$0x3FDB];
	s0 =	simm.s32 @p2 $0x1  }
0x17: {  	s4 =	simm.s32 $0x1BF5;
	[smem:$0x3FA9] =	sst s0  }
0x18: {  	s0 =	sld [smem:$0x3F8C];
	_ =	swait.ge [sflag:s4], $0x0  }
0x19: {  	s7 =	sld [smem:$0x3F8D]  }
0x1a: {  	s8 =	sadd.s32 $0xFFFFE003, lr  }
0x1b: {  	s9 =	sadd.s32 $0xFFFFFEF7, lr;
	s5 =	simm.s32 $0xFFFFFFFF;
	p2 =	slt.u32 s8, $0xFFFFF086  }
0x1c: {  	p1 =	slt.u32 s9, $0xF7A;
	s5 =	simm.s32 @!p2 $0x0  }
0x1d: {  	s5 =	simm.s32 @p1 $0x1;
	p0 =	seq.s32 s7, s2  }
0x1e: {  	s7 =	smul.u32 @!p0 $0xF7A, s2;
	p2 =	seq.s32 @!p0 s5, $0x0  }
0x1f: {  	s9 =	smul.u32 $0xF7A, s1;
	s8 =	simm.s32 @!p0 $0x1BF5;
	p2 =	por !p2, p0  }
0x20: {  	[sflag:s8] =	ssyncset.s32 @!p0 $0xFFFFF086;
	s6 =	sadd.s32 @!p0 s3, s7;
	s7 =	simm.s32 @!p0 $0x108  }
0x21: {  	s3 =	sadd.s32 s3, s9;
	s6 =	sadd.s32 @!p0 $0x88, s6;
	s7 =	simm.s32 @p2 $0x1082  }
0x22: {  	[simem:s7], [sflag:s8] =	dma.local @!p0 [hbm:s6], $0xF7A  }
0x23: {  	s9 =	sor.u32 $0xD0000000, s2;
	s6 =	simm.s32 $0x108;
	_ =	swait.ge @!p0 [sflag:s8], $0x0  }
0x24: {  	s3 =	sadd.s32 $0x88, s3;
	s6 =	simm.s32 @!p1 $0x1082;
	[sflag:s4] =	ssyncset.s32 $0xFFFFF086  }
0x25: {  	[simem:s6], [sflag:s4] =	dma.local [hbm:s3], $0xF7A  }
0x26: {  	[smem:$0x3F8D] =	sst s1;
	(tag) =	ssettag s2;
	_ =	strace s9  }
0x27: {  	s1 =	sld [smem:$0x3F9D]  }
0x28: {  	s2 =	sld [smem:$0x3F9E]  }
0x29: {  	s4 =	sld [smem:$0x3FA0]  }
0x2a: {  	p0 =	seq.s32 s5, $0x0;
	s5 =	sld [smem:$0x3FA1]  }
0x2b: {  	s6 =	sld [smem:$0x3FA2]  }
0x2c: {  	s7 =	sld [smem:$0x3FA3]  }
0x2d: {  	s3 =	simm.s32 $0x108;
	s8 =	sld [smem:$0x3FA4]  }
0x2e: {  	s3 =	simm.s32 @!p0 $0x1082;
	s9 =	sld [smem:$0x3FA5]  }
0x2f: {  	lr =	sadd.s32 s0, s3;
	s0 =	sld [smem:$0x3F9C]  }
0x30: {  	s3 =	sld [smem:$0x3F9F]  }
0x31: {  	[smem:$0x3FA8] =	sst s10  }
0x32: {  	s10 =	sld [smem:$0x3FA6];
	_ =	sdelay $0x3  }
0x33: {  	p0 =	seq.s32 s10, $0x1;
	s10 =	sld [smem:$0x3FA8];
	_ =	sdelay $0x3  }
0x34: {  	[smem:$0x3FA8] =	sst s10  }
0x35: {  	s10 =	sld [smem:$0x3FA7];
	_ =	sdelay $0x3  }
0x36: {  	p1 =	seq.s32 s10, $0x1;
	s10 =	sld [smem:$0x3FA8];
	_ =	sdelay $0x3  }
0x37: {  	[smem:$0x3FA8] =	sst s10  }
0x38: {  	s10 =	sld [smem:$0x3FA9]  }
0x39: {  	_ = 	snop;
	(pc) =	sbr.ind lr, $3  }
0x3a: {  	_ = 	snop  }
0x3b: {  	_ = 	snop  }
0x3c: {  	p2 =	seq.s32 s10, $0x1;
	s10 =	sld [smem:$0x3FA8]  }
0x3d: {  	_ =	shalt  }
0x3e: {  	_ =	shalt  }
0x3f: {  	_ =	shalt  }
0x40: {  	_ =	shalt  }
0x41: {  	_ =	shalt  }
0x42: {  	_ =	shalt  }
0x43: {  	_ =	shalt  }
0x44: {  	_ =	shalt  }
0x45: {  	_ =	shalt  }
0x46: {  	_ =	shalt  }
0x47: {  	_ =	shalt  }
0x48: {  	_ =	shalt  }
0x49: {  	_ =	shalt  }
0x4a: {  	_ =	shalt  }
0x4b: {  	_ =	shalt  }
0x4c: {  	_ =	shalt  }
0x4d: {  	_ =	shalt  }
0x4e: {  	_ =	shalt  }
0x4f: {  	_ =	shalt  }
0x50: {  	_ =	shalt  }
0x51: {  	_ =	shalt  }
0x52: {  	_ =	shalt  }
0x53: {  	_ =	shalt  }
0x54: {  	_ =	shalt  }
0x55: {  	_ =	shalt  }
0x56: {  	_ =	shalt  }
0x57: {  	_ =	shalt  }
0x58: {  	_ =	shalt  }
0x59: {  	_ =	shalt  }
0x5a: {  	_ =	shalt  }
0x5b: {  	_ =	shalt  }
0x5c: {  	_ =	shalt  }
0x5d: {  	_ =	shalt  }
0x5e: {  	_ =	shalt  }
0x5f: {  	_ =	shalt  }
0x60: {  	_ =	shalt  }
0x61: {  	_ =	shalt  }
0x62: {  	_ =	shalt  }
0x63: {  	_ =	shalt  }
0x64: {  	_ =	shalt  }
0x65: {  	_ =	shalt  }
0x66: {  	_ =	shalt  }
0x67: {  	_ =	shalt  }
0x68: {  	_ =	shalt  }
0x69: {  	_ =	shalt  }
0x6a: {  	_ =	shalt  }
0x6b: {  	_ =	shalt  }
0x6c: {  	_ =	shalt  }
0x6d: {  	_ =	shalt  }
0x6e: {  	_ =	shalt  }
0x6f: {  	_ =	shalt  }
0x70: {  	_ =	shalt  }
0x71: {  	_ =	shalt  }
0x72: {  	_ =	shalt  }
0x73: {  	_ =	shalt  }
0x74: {  	_ =	shalt  }
0x75: {  	_ =	shalt  }
0x76: {  	_ =	shalt  }
0x77: {  	_ =	shalt  }
0x78: {  	_ =	shalt  }
0x79: {  	_ =	shalt  }
0x7a: {  	_ =	shalt  }
0x7b: {  	_ =	shalt  }
0x7c: {  	_ =	shalt  }
0x7d: {  	_ =	shalt  }
0x7e: {  	_ =	shalt  }
0x7f: {  	_ =	shalt  }
0x80: {  	_ =	shalt  }
0x81: {  	_ =	shalt  }
0x82: {  	_ =	shalt  }
0x83: {  	_ =	shalt  }
0x84: {  	_ =	shalt  }
0x85: {  	_ =	shalt  }
0x86: {  	_ =	shalt  }
0x87: {  	_ =	shalt  }
.Lfunc_end0:
.L_simem_size_0:
called_computation.1_lowered:
.L_overlay_start_0:
0x88: {  	s2 =	sld [smem:$0x3FD9]  }
0x89: {  	s3 =	sld [smem:$0x3FFE];
	_ =	sdelay $0x1  }
0x8a: {  	s1 =	srdreg.scid  }
0x8b: {  	s0 =	sand.u32 $0x1, s1  }
0x8c: {  	s17 =	sshll.u32 s0, $0xA;
	s2 =	sadd.s32 s3, s2  }
0x8d: {  	s2 =	sadd.s32 s2, s17  }
0x8e: {  	[smem:$0x3FB4] =	sst s2  }
0x8f: {  	_ = 	snop  }
0x90: {  	(tm) =	ssettm $0x1  }
0x91: {  	s18 =	sld [smem:$0x3FFB];
	_ =	sdelay $0x3  }
0x92: {  	_ =	strace s18  }
0x93: {  	s2 =	sld [smem:$0x3FFC];
	_ =	sdelay $0x3  }
0x94: {  	_ =	strace s2  }
0x95: {  	s2 =	sld [smem:$0x3FFD];
	_ =	sdelay $0x3  }
0x96: {  	_ =	strace s2  }
0x97: {  	_ =	strace $0x8FFFFFFF  }
0x98: {  	s19 =	sld [smem:$0x3FDB];
	_ =	sdelay $0x1  }
0x99: {  	s20 =	simm.s32 $_scs_section_size  }
0x9a: {  	s4 =	simm.s32 $_size__tile_overlayer_lowered;
	s5 =	simm.s32 $_tile_overlayer_lowered  }
0x9b: {  	s6 =	simm.s32 $0x1BFF;
	s21 =	sshll.u32 s5, $0x1;
	s3 =	sadd.s32 s20, s19  }
0x9c: {  	s22 =	simm.s32 $0x0;
	s4 =	sshll.u32 s4, $0x1;
	s5 =	sadd.s32 s21, s3  }
0x9d: {  	[timem:s22], [sflag:s6] =	dma.local [hbm:s5], s4  }
0x9e: {  	_ =	swait.ge [sflag:s6], s4  }
0x9f: {  	s4 =	ssub.s32 $0x0, s4;
	[sflag:s6] =	ssyncset.done $0x0  }
0xa0: {  	[sflag:s6] =	ssyncadd.s32 s4;
	_ =	sdelay $0x1  }
0xa1: {  	s23 =	simm.s32 $0x1B8B  }
0xa2: {  	_ =	swait.ge [sflag:s23], $0x1  }
0xa3: {  	[sflag:s23] =	ssyncset.done $0x0  }
0xa4: {  	[sflag:s23] =	ssyncadd.s32 $0xFFFFFFFF  }
0xa5: {  	s4 =	sld [smem:$0x0]  }
0xa6: {  	s5 =	sand.u32 $0xFFFFFFFE, s1  }
0xa7: {  	p0 =	sne.s32 s1, s5  }
0xa8: {  	s5 =	sshll.u32 @p0 s5, $0xE  }
0xa9: {  	s5 =	sadd.s32 @p0 $0x11B8D, s5;
	s6 =	sshll.u32 @p0 s4, $0x11  }
0xaa: {  	s5 =	sor.u32 @p0 s6, s5  }
0xab: {  	[sflag:s5] =	ssyncadd.remote.s32 @p0 $0x1;
	_ =	sdelay $0x1  }
0xac: {  	s5 =	simm.s32 @p0 $0x1B8D  }
0xad: {  	_ =	swait.eq @p0 [sflag:s5], $0x1  }
0xae: {  	[sflag:s5] =	ssyncadd.s32 @p0 $0xFFFFFFFF  }
0xaf: {  	s6 =	sshll.u32 @!p0 s1, $0xE  }
0xb0: {  	s6 =	sor.u32 @!p0 $0x4000, s6;
	s5 =	simm.s32 @!p0 $0x1B8D  }
0xb1: {  	s4 =	sshll.u32 @!p0 s4, $0x11;
	s6 =	sadd.s32 @!p0 $0x11B8D, s6;
	_ =	swait.eq @!p0 [sflag:s5], $0x1  }
0xb2: {  	s4 =	sor.u32 @!p0 s4, s6;
	[sflag:s5] =	ssyncadd.s32 @!p0 $0xFFFFFFFF  }
0xb3: {  	s25 =	simm.s32 $0x1B8E;
	s24 =	sld [smem:$0x3FFE];
	[sflag:s4] =	ssyncadd.remote.s32 @!p0 $0x1  }
0xb4: {  	s26 =	simm.s32 $execute0_lowered;
	[smem:$0x3FD2] =	sst s25  }
0xb5: {  	s5 =	sshll.u32 s26, $0x1;
	_ =	strace $0x8000004C;
	[dreg:$0x1] =	wrdreg $0xFFFFFFFF  }
0xb6: {  	s28 =	simm.s32 $_size_execute0_lowered;
	s3 =	sadd.s32 s3, s5;
	[dreg:$0x0] =	wrdreg $0x0  }
0xb7: {  	s5 =	sshll.u32 s28, $0x1;
	[dreg:$0x2] =	wrdreg s3  }
0xb8: {  	[dreg:$0x3] =	wrdreg s5  }
0xb9: {  	[dreg:$0x4] =	wrdreg $0xC0  }
0xba: {  	_ =	task [dreg:s22], $0x5FFFF  }
0xbb: {  	[dreg:$0x1] =	wrdreg $0xFFFFFFFF  }
0xbc: {  	[dreg:$0x0] =	wrdreg $0x60  }
0xbd: {  	[dreg:$0x2] =	wrdreg s24  }
0xbe: {  	[dreg:$0x3] =	wrdreg $0x9  }
0xbf: {  	_ =	task.clear_ibuf [dreg:s22], $0x4FFFF;
	_ =	strace $0x9000004C  }
0xc0: {  	s29 =	simm.s32 $0x9;
	_ =	strace $0x8000004E  }
0xc1: {  	_ =	swait.ge [sflag:s29], $0x1  }
0xc2: {  	[sflag:s29] =	ssyncadd.s32 $0xFFFFFFFF  }
0xc3: {  	_ =	strace $0x9000004E  }
0xc4: {  	_ =	sfence  }
0xc5: {  	s30 =	sld [smem:$0x0];
	_ =	sdelay $0x2  }
0xc6: {  	s31 =	sshll.u32 s1, $0xD;
	s1 =	sshrl.u32 s1, $0x2  }
0xc7: {  	s4 =	sand.u32 $0x4000, s31;
	s1 =	sadd.s32 s1, s30  }
0xc8: {  	s0 =	sor.u32 s4, s0;
	s1 =	sshll.u32 s1, $0x11  }
0xc9: {  	s0 =	sor.u32 s1, s0  }
0xca: {  	s0 =	sadd.s32 $0x8F2B, s0  }
0xcb: {  	[sflag:s0] =	ssyncadd.remote.s32 $0x1  }
0xcc: {  	_ =	sfence.sel $0xFFFF  }
0xcd: {  	[dreg:$0x0] =	wrdreg $0xFFFFFFFF;
	(pc) =	sbr.abs _section_cstart, $3  }
0xce: {  	[dreg:$0x1] =	wrdreg $0xFFFFFFFF  }
0xcf: {  	_ =	task.clear_ibuf [dreg:s22], $0x2FFFF;
	_ =	strace $0x9FFFFFFF  }
0xd0: {  	(tm) =	ssettm $0x7FFFFFFF  }
0xd1: {  	_ =	shalt  }
tec
execute0_lowered:
.L_overlay_start_1:
0x0: {  	(tag) =	ssettag $0x1  }
0x1: {  	s1 =	srdreg.scid  }
0x2: {  	s0 =	stileid.u32;
	s3 =	rddreg [dreg:$0x0]  }
0x3: {  	s2 =	simm.s32 $0x0;
	s9 =	simm.s32 $0xA00;
	s10 =	simm.s32 $0x4A00  }
0x4: {  	s11 =	simm.s32 $0x8A00;
	s12 =	simm.s32 $0xCA00;
	s13 =	simm.s32 $0x1  }
0x5: {  	s14 =	simm.s32 $0x2;
	s15 =	simm.s32 $0x3;
	s16 =	simm.s32 $0x4  }
0x6: {  	s17 =	simm.s32 $0x5;
	s18 =	simm.s32 $0x6;
	s19 =	simm.s32 $0x7  }
0x7: {  	s20 =	simm.s32 $0x8;
	s21 =	simm.s32 $0x0;
	s4 =	sand.u32 $0x1, s1  }
0x8: {  	s5 =	sshll.u32 s0, $0x1;
	s1 =	rddreg [dreg:$0x1];
	s6 =	smul.u32 $0x14000, s0  }
0x9: {  	s5 =	sor.u32 s4, s5;
	s7 =	ssub.s32 $0x2, s4;
	s4 =	smul.u32 $0xA000, s4  }
0xa: {  	[smem:$0x7FF] =	sst s2;
	s5 =	smul.u32 $0xA00, s5;
	s8 =	sshrl.u32 s7, $0x1  }
0xb: {  	_ =	strace $0x8000004D;
	s6 =	sadd.s32 s6, s3;
	s7 =	ssub.s32 s7, s8  }
0xc: {  	s6 =	sadd.s32 s4, s6;
	s8 =	simm.s32 $0x80;
	s5 =	sshrl.u32 s5, $0x3  }
0xd: {  	s6 =	sadd.s32 $0x42D000, s6;
	s5 =	sadd.s32 s5, s3;
	s3 =	sadd.s32 $0x41C000, s3  }
0xe: {  	s4 =	sadd.s32 $0x2D9800, s5;
	s5 =	smax.u32 s7, $0x1;
	s7 =	simm.s32 $0x9  }
.LBB2_1:
0xf: {  	[tilespmem:s2], [sflag:$0x9] =	stream.linear.gather [hbm4b:s4+s2], $0xA00, $0x38;
	[tilespmem:$0x10A00] =	vst v63  }
0x10: {  	_ =	swait.ge [sflag:s7], $0xA00  }
0x11: {  	[sflag:s7] =	ssyncset.done $0x0  }
0x12: {  	s22 =	simm.s32 $0x0;
	[sflag:s7] =	ssyncadd.s32 $0xFFFFF600  }
0x13: {  	[tilespmem:s9], [sflag:$0x1] =	stream.indirect.gather [hbm4b:s3+s8], $0x80, s22, s8, $0xb8;
	[tilespmem:$0x10A00] =	vst v63  }
0x14: {  	s25 =	simm.s32 $0x80  }
0x15: {  	[tilespmem:s10], [sflag:$0x2] =	stream.indirect.gather [hbm4b:s3+s8], $0x80, s25, s8, $0xb8;
	[tilespmem:$0x10A00] =	vst v63  }
0x16: {  	s26 =	simm.s32 $0x100  }
0x17: {  	[tilespmem:s11], [sflag:$0x3] =	stream.indirect.gather [hbm4b:s3+s8], $0x80, s26, s8, $0xb8;
	[tilespmem:$0x10A00] =	vst v63  }
0x18: {  	s28 =	simm.s32 $0x180  }
0x19: {  	[tilespmem:s12], [sflag:$0x4] =	stream.indirect.gather [hbm4b:s3+s8], $0x80, s28, s8, $0xb8;
	[tilespmem:$0x10A00] =	vst v63  }
0x1a: {  	_ =	swait.ge [sflag:s13], $0x4000  }
0x1b: {  	[sflag:s13] =	ssyncset.done $0x0  }
0x1c: {  	s29 =	sadd.s32 $0xFFFFF000, s6;
	[sflag:s13] =	ssyncadd.s32 $0xFFFFC000  }
0x1d: {  	[hbm4b:s29+s2] =	stream.linear.scatter [tilespmem:s9], [sflag:$0x5], $0x4000, $0x38;
	[tilespmem:$0x10A00] =	vst v63  }
0x1e: {  	_ =	swait.ge [sflag:s14], $0x4000  }
0x1f: {  	[sflag:s14] =	ssyncset.done $0x0  }
0x20: {  	s30 =	sadd.s32 $0xFFFFF800, s6;
	[sflag:s14] =	ssyncadd.s32 $0xFFFFC000  }
0x21: {  	[hbm4b:s30+s2] =	stream.linear.scatter [tilespmem:s10], [sflag:$0x6], $0x4000, $0x38;
	[tilespmem:$0x10A00] =	vst v63  }
0x22: {  	_ =	swait.ge [sflag:s15], $0x4000  }
0x23: {  	[sflag:s15] =	ssyncset.done $0x0  }
0x24: {  	[sflag:s15] =	ssyncadd.s32 $0xFFFFC000  }
0x25: {  	[hbm4b:s6+s2] =	stream.linear.scatter [tilespmem:s11], [sflag:$0x7], $0x4000, $0x38;
	[tilespmem:$0x10A00] =	vst v63  }
0x26: {  	_ =	swait.ge [sflag:s16], $0x4000  }
0x27: {  	[sflag:s16] =	ssyncset.done $0x0  }
0x28: {  	s31 =	sadd.s32 $0x800, s6;
	[sflag:s16] =	ssyncadd.s32 $0xFFFFC000  }
0x29: {  	[hbm4b:s31+s2] =	stream.linear.scatter [tilespmem:s12], [sflag:$0x8], $0x4000, $0x38;
	[tilespmem:$0x10A00] =	vst v63  }
0x2a: {  	_ =	swait.ge [sflag:s17], $0x4000  }
0x2b: {  	[sflag:s17] =	ssyncset.done $0x0  }
0x2c: {  	[sflag:s17] =	ssyncadd.s32 $0xFFFFC000  }
0x2d: {  	_ =	swait.ge [sflag:s18], $0x4000  }
0x2e: {  	[sflag:s18] =	ssyncset.done $0x0  }
0x2f: {  	[sflag:s18] =	ssyncadd.s32 $0xFFFFC000  }
0x30: {  	_ =	swait.ge [sflag:s19], $0x4000  }
0x31: {  	[sflag:s19] =	ssyncset.done $0x0  }
0x32: {  	[sflag:s19] =	ssyncadd.s32 $0xFFFFC000  }
0x33: {  	s23 =	simm.s32 $0x800;
	_ =	swait.ge [sflag:s20], $0x4000  }
0x34: {  	s22 =	sadd.s32 $0x2000, s6;
	s25 =	simm.s32 $0x1000;
	[sflag:s20] =	ssyncset.done $0x0  }
.LBB2_2:
0x35: {  	s26 =	sshra.s32 s23, $0x2  }
0x36: {  	[sflag:s20] =	ssyncadd.s32 $0xFFFFC000;
	s23 =	smov.u32 s25;
	s24 =	sadd.s32 $0x800, s25  }
0x37: {  	[tilespmem:s9], [sflag:$0x1] =	stream.indirect.gather [hbm4b:s3+s8], $0x80, s26, s8, $0xb8;
	[tilespmem:$0x10A00] =	vst v63  }
0x38: {  	p0 =	sne.s32 s25, $0x2000;
	s25 =	sadd.s32 $0x80, s26  }
0x39: {  	[tilespmem:s10], [sflag:$0x2] =	stream.indirect.gather [hbm4b:s3+s8], $0x80, s25, s8, $0xb8;
	[tilespmem:$0x10A00] =	vst v63  }
0x3a: {  	s25 =	sadd.s32 $0x100, s26  }
0x3b: {  	[tilespmem:s11], [sflag:$0x3] =	stream.indirect.gather [hbm4b:s3+s8], $0x80, s25, s8, $0xb8;
	[tilespmem:$0x10A00] =	vst v63  }
0x3c: {  	s25 =	sadd.s32 $0x180, s26  }
0x3d: {  	[tilespmem:s12], [sflag:$0x4] =	stream.indirect.gather [hbm4b:s3+s8], $0x80, s25, s8, $0xb8;
	[tilespmem:$0x10A00] =	vst v63  }
0x3e: {  	_ =	swait.ge [sflag:s13], $0x4000  }
0x3f: {  	[sflag:s13] =	ssyncset.done $0x0  }
0x40: {  	s25 =	sadd.s32 $0xFFFFF000, s22;
	[sflag:s13] =	ssyncadd.s32 $0xFFFFC000  }
0x41: {  	[hbm4b:s25+s2] =	stream.linear.scatter [tilespmem:s9], [sflag:$0x5], $0x4000, $0x38;
	[tilespmem:$0x10A00] =	vst v63  }
0x42: {  	_ =	swait.ge [sflag:s14], $0x4000  }
0x43: {  	[sflag:s14] =	ssyncset.done $0x0  }
0x44: {  	s25 =	sadd.s32 $0xFFFFF800, s22;
	[sflag:s14] =	ssyncadd.s32 $0xFFFFC000  }
0x45: {  	[hbm4b:s25+s2] =	stream.linear.scatter [tilespmem:s10], [sflag:$0x6], $0x4000, $0x38;
	[tilespmem:$0x10A00] =	vst v63  }
0x46: {  	_ =	swait.ge [sflag:s15], $0x4000  }
0x47: {  	[sflag:s15] =	ssyncset.done $0x0  }
0x48: {  	[sflag:s15] =	ssyncadd.s32 $0xFFFFC000  }
0x49: {  	[hbm4b:s22+s2] =	stream.linear.scatter [tilespmem:s11], [sflag:$0x7], $0x4000, $0x38;
	[tilespmem:$0x10A00] =	vst v63  }
0x4a: {  	_ =	swait.ge [sflag:s16], $0x4000  }
0x4b: {  	[sflag:s16] =	ssyncset.done $0x0  }
0x4c: {  	s25 =	sadd.s32 $0x800, s22;
	[sflag:s16] =	ssyncadd.s32 $0xFFFFC000  }
0x4d: {  	[hbm4b:s25+s2] =	stream.linear.scatter [tilespmem:s12], [sflag:$0x8], $0x4000, $0x38;
	[tilespmem:$0x10A00] =	vst v63  }
0x4e: {  	_ =	swait.ge [sflag:s17], $0x4000  }
0x4f: {  	[sflag:s17] =	ssyncset.done $0x0  }
0x50: {  	[sflag:s17] =	ssyncadd.s32 $0xFFFFC000  }
0x51: {  	_ =	swait.ge [sflag:s18], $0x4000  }
0x52: {  	[sflag:s18] =	ssyncset.done $0x0  }
0x53: {  	[sflag:s18] =	ssyncadd.s32 $0xFFFFC000  }
.Ltmp0:
0x54: {  	_ =	swait.ge [sflag:s19], $0x4000;
	(pc) =	sbr.rel @p0 .LBB2_2-.Ltmp0, $4  }
0x55: {  	[sflag:s19] =	ssyncset.done $0x0  }
0x56: {  	[sflag:s19] =	ssyncadd.s32 $0xFFFFC000  }
0x57: {  	_ =	swait.ge [sflag:s20], $0x4000  }
0x58: {  	s22 =	sadd.s32 $0x2000, s22;
	s25 =	smov.u32 s24;
	[sflag:s20] =	ssyncset.done $0x0  }
0x59: {  	s23 =	sshra.s32 s23, $0x2;
	[sflag:s20] =	ssyncadd.s32 $0xFFFFC000  }
0x5a: {  	[tilespmem:s9], [sflag:$0x1] =	stream.indirect.gather [hbm4b:s3+s8], $0x80, s23, s8, $0xb8;
	[tilespmem:$0x10A00] =	vst v63  }
0x5b: {  	s24 =	sadd.s32 $0x80, s23  }
0x5c: {  	[tilespmem:s10], [sflag:$0x2] =	stream.indirect.gather [hbm4b:s3+s8], $0x80, s24, s8, $0xb8;
	[tilespmem:$0x10A00] =	vst v63  }
0x5d: {  	s28 =	sadd.s32 $0x100, s23  }
0x5e: {  	[tilespmem:s11], [sflag:$0x3] =	stream.indirect.gather [hbm4b:s3+s8], $0x80, s28, s8, $0xb8;
	[tilespmem:$0x10A00] =	vst v63  }
0x5f: {  	s23 =	sadd.s32 $0x180, s23  }
0x60: {  	[tilespmem:s12], [sflag:$0x4] =	stream.indirect.gather [hbm4b:s3+s8], $0x80, s23, s8, $0xb8;
	[tilespmem:$0x10A00] =	vst v63  }
0x61: {  	_ =	swait.ge [sflag:s13], $0x4000  }
0x62: {  	[sflag:s13] =	ssyncset.done $0x0  }
0x63: {  	s29 =	sadd.s32 $0xFFFFF000, s22;
	[sflag:s13] =	ssyncadd.s32 $0xFFFFC000  }
0x64: {  	[hbm4b:s29+s2] =	stream.linear.scatter [tilespmem:s9], [sflag:$0x5], $0x4000, $0x38;
	[tilespmem:$0x10A00] =	vst v63  }
0x65: {  	_ =	swait.ge [sflag:s14], $0x4000  }
0x66: {  	[sflag:s14] =	ssyncset.done $0x0  }
0x67: {  	s30 =	sadd.s32 $0xFFFFF800, s22;
	[sflag:s14] =	ssyncadd.s32 $0xFFFFC000  }
0x68: {  	[hbm4b:s30+s2] =	stream.linear.scatter [tilespmem:s10], [sflag:$0x6], $0x4000, $0x38;
	[tilespmem:$0x10A00] =	vst v63  }
0x69: {  	_ =	swait.ge [sflag:s15], $0x4000  }
0x6a: {  	[sflag:s15] =	ssyncset.done $0x0  }
0x6b: {  	[sflag:s15] =	ssyncadd.s32 $0xFFFFC000  }
0x6c: {  	[hbm4b:s22+s2] =	stream.linear.scatter [tilespmem:s11], [sflag:$0x7], $0x4000, $0x38;
	[tilespmem:$0x10A00] =	vst v63  }
0x6d: {  	_ =	swait.ge [sflag:s16], $0x4000  }
0x6e: {  	[sflag:s16] =	ssyncset.done $0x0  }
0x6f: {  	s31 =	sadd.s32 $0x800, s22;
	[sflag:s16] =	ssyncadd.s32 $0xFFFFC000  }
0x70: {  	[hbm4b:s31+s2] =	stream.linear.scatter [tilespmem:s12], [sflag:$0x8], $0x4000, $0x38;
	[tilespmem:$0x10A00] =	vst v63  }
0x71: {  	_ =	swait.ge [sflag:s17], $0x4000  }
0x72: {  	[sflag:s17] =	ssyncset.done $0x0  }
0x73: {  	[sflag:s17] =	ssyncadd.s32 $0xFFFFC000  }
0x74: {  	_ =	swait.ge [sflag:s18], $0x4000  }
0x75: {  	[sflag:s18] =	ssyncset.done $0x0  }
0x76: {  	s21 =	sadd.s32 $0x1, s21;
	[sflag:s18] =	ssyncadd.s32 $0xFFFFC000  }
0x77: {  	p0 =	sne.s32 s21, s5;
	_ =	swait.ge [sflag:s19], $0x4000  }
.Ltmp1:
0x78: {  	[sflag:s19] =	ssyncset.done $0x0;
	(pc) =	sbr.rel @p0 .LBB2_1-.Ltmp1, $4  }
0x79: {  	[sflag:s19] =	ssyncadd.s32 $0xFFFFC000  }
0x7a: {  	_ =	swait.ge [sflag:s20], $0x4000  }
0x7b: {  	[sflag:s20] =	ssyncset.done $0x0  }
0x7c: {  	[sflag:s20] =	ssyncadd.s32 $0xFFFFC000  }
0x7d: {  	_ =	sfence.sel $0x180000  }
0x7e: {  	[bflag:$0x0] =	sbarrier.arrive $0xFFFF  }
0x7f: {  	p0 =	sne.s32 s0, $0x0;
	_ =	strace $0x9000004D  }
0x80: {  	s0 =	sadd.s32 @!p0 $0x100000, s1;
	[bflag:$0x2] =	sbarrier.arrive $0xFFFF  }
0x81: {  	[sflag:s0] =	ssyncadd.tile.s32 @!p0 $0x1;
	_ =	shalt  }
.Lfunc_end2:
_tile_overlayer_lowered:
.L_overlay_start_2:
0x82: {  	(tag) =	ssettag $0x2  }
0x83: {  	s0 =	rddreg [dreg:$0x0];
	s2 =	stileid.u32  }
0x84: {  	s1 =	rddreg [dreg:$0x1];
	p0 =	sne.s32 s2, $0x0  }
0x85: {  	s3 =	rddreg [dreg:$0x2];
	[bflag:$0x3] =	sbarrier.arrive $0xFFFF;
	s2 =	simm.s32 @!p0 $0x1C09  }
0x86: {  	[timem:s3], [sflag:s2] =	dma.local @!p0 [hbm:s0], s1  }
0x87: {  	s0 =	simm.s32 @!p0 $0x9  }
0x88: {  	_ =	swait.ge @!p0 [sflag:s0], s1  }
0x89: {  	s1 =	ssub.s32 @!p0 $0x0, s1;
	[sflag:s0] =	ssyncset.done @!p0 $0x0  }
0x8a: {  	[sflag:s0] =	ssyncadd.s32 @!p0 s1  }
0x8b: {  	[bflag:$0x3] =	sbarrier.arrive $0xFFFF  }
0x8c: {  	_ =	shalt  }

// kernel: kernel.22.cloned.1.call-start
scs
__scs_entry_jumppad:
0x0: {  	(pc) =	sbr.rel $0x88, $3  }
0x1: {  	(tag) =	ssettag $0x0;
	lr =	simm.s32 $0x1  }
0x2: {  	[smem:$0x3F8D] =	sst lr;
	_ =	strace $0xD0000000  }
0x3: {  	_ = 	snop  }
0x4: {  	_ = 	snop  }
0x5: {  	_ = 	snop  }
0x6: {  	_ = 	snop  }
0x7: {  	_ = 	snop  }
__scs_overlays_trampoline_lowered:
0x8: {  	[smem:$0x3F9C] =	sst s0  }
0x9: {  	[smem:$0x3F9D] =	sst s1  }
0xa: {  	[smem:$0x3F9E] =	sst s2  }
0xb: {  	[smem:$0x3F9F] =	sst s3  }
0xc: {  	[smem:$0x3FA0] =	sst s4  }
0xd: {  	[smem:$0x3FA1] =	sst s5  }
0xe: {  	[smem:$0x3FA2] =	sst s6  }
0xf: {  	[smem:$0x3FA3] =	sst s7  }
0x10: {  	[smem:$0x3FA4] =	sst s8  }
0x11: {  	[smem:$0x3FA5] =	sst s9;
	s0 =	simm.s32 @!p0 $0x0  }
0x12: {  	s1 =	sld [smem:$0x3F8B];
	s0 =	simm.s32 @p0 $0x1  }
0x13: {  	[smem:$0x3FA6] =	sst s0;
	s0 =	simm.s32 @!p1 $0x0  }
0x14: {  	s2 =	sld [smem:$0x3F8A];
	s0 =	simm.s32 @p1 $0x1  }
0x15: {  	[smem:$0x3FA7] =	sst s0;
	s0 =	simm.s32 @!p2 $0x0  }
0x16: {  	s3 =	sld [smem:$0x3FDB];
	s0 =	simm.s32 @p2 $0x1  }
0x17: {  	s4 =	simm.s32 $0x1BF5;
	[smem:$0x3FA9] =	sst s0  }
0x18: {  	s0 =	sld [smem:$0x3F8C];
	_ =	swait.ge [sflag:s4], $0x0  }
0x19: {  	s7 =	sld [smem:$0x3F8D]  }
0x1a: {  	s8 =	sadd.s32 $0xFFFFE003, lr  }
0x1b: {  	s9 =	sadd.s32 $0xFFFFFEF7, lr;
	s5 =	simm.s32 $0xFFFFFFFF;
	p2 =	slt.u32 s8, $0xFFFFF086  }
0x1c: {  	p1 =	slt.u32 s9, $0xF7A;
	s5 =	simm.s32 @!p2 $0x0  }
0x1d: {  	s5 =	simm.s32 @p1 $0x1;
	p0 =	seq.s32 s7, s2  }
0x1e: {  	s7 =	smul.u32 @!p0 $0xF7A, s2;
	p2 =	seq.s32 @!p0 s5, $0x0  }
0x1f: {  	s9 =	smul.u32 $0xF7A, s1;
	s8 =	simm.s32 @!p0 $0x1BF5;
	p2 =	por !p2, p0  }
0x20: {  	[sflag:s8] =	ssyncset.s32 @!p0 $0xFFFFF086;
	s6 =	sadd.s32 @!p0 s3, s7;
	s7 =	simm.s32 @!p0 $0x108  }
0x21: {  	s3 =	sadd.s32 s3, s9;
	s6 =	sadd.s32 @!p0 $0x88, s6;
	s7 =	simm.s32 @p2 $0x1082  }
0x22: {  	[simem:s7], [sflag:s8] =	dma.local @!p0 [hbm:s6], $0xF7A  }
0x23: {  	s9 =	sor.u32 $0xD0000000, s2;
	s6 =	simm.s32 $0x108;
	_ =	swait.ge @!p0 [sflag:s8], $0x0  }
0x24: {  	s3 =	sadd.s32 $0x88, s3;
	s6 =	simm.s32 @!p1 $0x1082;
	[sflag:s4] =	ssyncset.s32 $0xFFFFF086  }
0x25: {  	[simem:s6], [sflag:s4] =	dma.local [hbm:s3], $0xF7A  }
0x26: {  	[smem:$0x3F8D] =	sst s1;
	(tag) =	ssettag s2;
	_ =	strace s9  }
0x27: {  	s1 =	sld [smem:$0x3F9D]  }
0x28: {  	s2 =	sld [smem:$0x3F9E]  }
0x29: {  	s4 =	sld [smem:$0x3FA0]  }
0x2a: {  	p0 =	seq.s32 s5, $0x0;
	s5 =	sld [smem:$0x3FA1]  }
0x2b: {  	s6 =	sld [smem:$0x3FA2]  }
0x2c: {  	s7 =	sld [smem:$0x3FA3]  }
0x2d: {  	s3 =	simm.s32 $0x108;
	s8 =	sld [smem:$0x3FA4]  }
0x2e: {  	s3 =	simm.s32 @!p0 $0x1082;
	s9 =	sld [smem:$0x3FA5]  }
0x2f: {  	lr =	sadd.s32 s0, s3;
	s0 =	sld [smem:$0x3F9C]  }
0x30: {  	s3 =	sld [smem:$0x3F9F]  }
0x31: {  	[smem:$0x3FA8] =	sst s10  }
0x32: {  	s10 =	sld [smem:$0x3FA6];
	_ =	sdelay $0x3  }
0x33: {  	p0 =	seq.s32 s10, $0x1;
	s10 =	sld [smem:$0x3FA8];
	_ =	sdelay $0x3  }
0x34: {  	[smem:$0x3FA8] =	sst s10  }
0x35: {  	s10 =	sld [smem:$0x3FA7];
	_ =	sdelay $0x3  }
0x36: {  	p1 =	seq.s32 s10, $0x1;
	s10 =	sld [smem:$0x3FA8];
	_ =	sdelay $0x3  }
0x37: {  	[smem:$0x3FA8] =	sst s10  }
0x38: {  	s10 =	sld [smem:$0x3FA9]  }
0x39: {  	_ = 	snop;
	(pc) =	sbr.ind lr, $3  }
0x3a: {  	_ = 	snop  }
0x3b: {  	_ = 	snop  }
0x3c: {  	p2 =	seq.s32 s10, $0x1;
	s10 =	sld [smem:$0x3FA8]  }
0x3d: {  	_ =	shalt  }
0x3e: {  	_ =	shalt  }
0x3f: {  	_ =	shalt  }
0x40: {  	_ =	shalt  }
0x41: {  	_ =	shalt  }
0x42: {  	_ =	shalt  }
0x43: {  	_ =	shalt  }
0x44: {  	_ =	shalt  }
0x45: {  	_ =	shalt  }
0x46: {  	_ =	shalt  }
0x47: {  	_ =	shalt  }
0x48: {  	_ =	shalt  }
0x49: {  	_ =	shalt  }
0x4a: {  	_ =	shalt  }
0x4b: {  	_ =	shalt  }
0x4c: {  	_ =	shalt  }
0x4d: {  	_ =	shalt  }
0x4e: {  	_ =	shalt  }
0x4f: {  	_ =	shalt  }
0x50: {  	_ =	shalt  }
0x51: {  	_ =	shalt  }
0x52: {  	_ =	shalt  }
0x53: {  	_ =	shalt  }
0x54: {  	_ =	shalt  }
0x55: {  	_ =	shalt  }
0x56: {  	_ =	shalt  }
0x57: {  	_ =	shalt  }
0x58: {  	_ =	shalt  }
0x59: {  	_ =	shalt  }
0x5a: {  	_ =	shalt  }
0x5b: {  	_ =	shalt  }
0x5c: {  	_ =	shalt  }
0x5d: {  	_ =	shalt  }
0x5e: {  	_ =	shalt  }
0x5f: {  	_ =	shalt  }
0x60: {  	_ =	shalt  }
0x61: {  	_ =	shalt  }
0x62: {  	_ =	shalt  }
0x63: {  	_ =	shalt  }
0x64: {  	_ =	shalt  }
0x65: {  	_ =	shalt  }
0x66: {  	_ =	shalt  }
0x67: {  	_ =	shalt  }
0x68: {  	_ =	shalt  }
0x69: {  	_ =	shalt  }
0x6a: {  	_ =	shalt  }
0x6b: {  	_ =	shalt  }
0x6c: {  	_ =	shalt  }
0x6d: {  	_ =	shalt  }
0x6e: {  	_ =	shalt  }
0x6f: {  	_ =	shalt  }
0x70: {  	_ =	shalt  }
0x71: {  	_ =	shalt  }
0x72: {  	_ =	shalt  }
0x73: {  	_ =	shalt  }
0x74: {  	_ =	shalt  }
0x75: {  	_ =	shalt  }
0x76: {  	_ =	shalt  }
0x77: {  	_ =	shalt  }
0x78: {  	_ =	shalt  }
0x79: {  	_ =	shalt  }
0x7a: {  	_ =	shalt  }
0x7b: {  	_ =	shalt  }
0x7c: {  	_ =	shalt  }
0x7d: {  	_ =	shalt  }
0x7e: {  	_ =	shalt  }
0x7f: {  	_ =	shalt  }
0x80: {  	_ =	shalt  }
0x81: {  	_ =	shalt  }
0x82: {  	_ =	shalt  }
0x83: {  	_ =	shalt  }
0x84: {  	_ =	shalt  }
0x85: {  	_ =	shalt  }
0x86: {  	_ =	shalt  }
0x87: {  	_ =	shalt  }
.Lfunc_end0:
.L_simem_size_0:
called_computation.2_lowered:
.L_overlay_start_0:
0x88: {  	s2 =	sld [smem:$0x3FD9]  }
0x89: {  	s3 =	sld [smem:$0x3FFE];
	_ =	sdelay $0x1  }
0x8a: {  	s1 =	srdreg.scid  }
0x8b: {  	s0 =	sand.u32 $0x1, s1  }
0x8c: {  	s17 =	sshll.u32 s0, $0xA;
	s2 =	sadd.s32 s3, s2  }
0x8d: {  	s2 =	sadd.s32 s2, s17  }
0x8e: {  	[smem:$0x3FB4] =	sst s2  }
0x8f: {  	_ = 	snop  }
0x90: {  	(tm) =	ssettm $0x1  }
0x91: {  	s18 =	sld [smem:$0x3FFB];
	_ =	sdelay $0x3  }
0x92: {  	_ =	strace s18  }
0x93: {  	s2 =	sld [smem:$0x3FFC];
	_ =	sdelay $0x3  }
0x94: {  	_ =	strace s2  }
0x95: {  	s2 =	sld [smem:$0x3FFD];
	_ =	sdelay $0x3  }
0x96: {  	_ =	strace s2  }
0x97: {  	_ =	strace $0x8FFFFFFF  }
0x98: {  	s19 =	sld [smem:$0x3FDB];
	_ =	sdelay $0x1  }
0x99: {  	s20 =	simm.s32 $_scs_section_size  }
0x9a: {  	s4 =	simm.s32 $_size__tile_overlayer_lowered;
	s5 =	simm.s32 $_tile_overlayer_lowered  }
0x9b: {  	s6 =	simm.s32 $0x1BFF;
	s21 =	sshll.u32 s5, $0x1;
	s3 =	sadd.s32 s20, s19  }
0x9c: {  	s22 =	simm.s32 $0x0;
	s4 =	sshll.u32 s4, $0x1;
	s5 =	sadd.s32 s21, s3  }
0x9d: {  	[timem:s22], [sflag:s6] =	dma.local [hbm:s5], s4  }
0x9e: {  	_ =	swait.ge [sflag:s6], s4  }
0x9f: {  	s4 =	ssub.s32 $0x0, s4;
	[sflag:s6] =	ssyncset.done $0x0  }
0xa0: {  	[sflag:s6] =	ssyncadd.s32 s4;
	_ =	sdelay $0x1  }
0xa1: {  	s23 =	simm.s32 $0x1B8B  }
0xa2: {  	_ =	swait.ge [sflag:s23], $0x1  }
0xa3: {  	[sflag:s23] =	ssyncset.done $0x0  }
0xa4: {  	[sflag:s23] =	ssyncadd.s32 $0xFFFFFFFF  }
0xa5: {  	s4 =	sld [smem:$0x0]  }
0xa6: {  	s5 =	sand.u32 $0xFFFFFFFE, s1  }
0xa7: {  	p0 =	sne.s32 s1, s5  }
0xa8: {  	s5 =	sshll.u32 @p0 s5, $0xE  }
0xa9: {  	s5 =	sadd.s32 @p0 $0x11B8D, s5;
	s6 =	sshll.u32 @p0 s4, $0x11  }
0xaa: {  	s5 =	sor.u32 @p0 s6, s5  }
0xab: {  	[sflag:s5] =	ssyncadd.remote.s32 @p0 $0x1;
	_ =	sdelay $0x1  }
0xac: {  	s5 =	simm.s32 @p0 $0x1B8D  }
0xad: {  	_ =	swait.eq @p0 [sflag:s5], $0x1  }
0xae: {  	[sflag:s5] =	ssyncadd.s32 @p0 $0xFFFFFFFF  }
0xaf: {  	s6 =	sshll.u32 @!p0 s1, $0xE  }
0xb0: {  	s6 =	sor.u32 @!p0 $0x4000, s6;
	s5 =	simm.s32 @!p0 $0x1B8D  }
0xb1: {  	s4 =	sshll.u32 @!p0 s4, $0x11;
	s6 =	sadd.s32 @!p0 $0x11B8D, s6;
	_ =	swait.eq @!p0 [sflag:s5], $0x1  }
0xb2: {  	s4 =	sor.u32 @!p0 s4, s6;
	[sflag:s5] =	ssyncadd.s32 @!p0 $0xFFFFFFFF  }
0xb3: {  	s25 =	simm.s32 $0x1B8E;
	s24 =	sld [smem:$0x3FFE];
	[sflag:s4] =	ssyncadd.remote.s32 @!p0 $0x1  }
0xb4: {  	s26 =	simm.s32 $execute0_lowered;
	[smem:$0x3FD2] =	sst s25  }
0xb5: {  	s5 =	sshll.u32 s26, $0x1;
	_ =	strace $0x80000052;
	[dreg:$0x1] =	wrdreg $0xFFFFFFFF  }
0xb6: {  	s28 =	simm.s32 $_size_execute0_lowered;
	s3 =	sadd.s32 s3, s5;
	[dreg:$0x0] =	wrdreg $0x0  }
0xb7: {  	s5 =	sshll.u32 s28, $0x1;
	[dreg:$0x2] =	wrdreg s3  }
0xb8: {  	[dreg:$0x3] =	wrdreg s5  }
0xb9: {  	[dreg:$0x4] =	wrdreg $0xC0  }
0xba: {  	_ =	task [dreg:s22], $0x5FFFF  }
0xbb: {  	[dreg:$0x1] =	wrdreg $0xFFFFFFFF  }
0xbc: {  	[dreg:$0x0] =	wrdreg $0x60  }
0xbd: {  	[dreg:$0x2] =	wrdreg s24  }
0xbe: {  	[dreg:$0x3] =	wrdreg $0x9  }
0xbf: {  	_ =	task.clear_ibuf [dreg:s22], $0x4FFFF;
	_ =	strace $0x90000052  }
0xc0: {  	s29 =	simm.s32 $0x9;
	_ =	strace $0x80000054  }
0xc1: {  	_ =	swait.ge [sflag:s29], $0x1  }
0xc2: {  	[sflag:s29] =	ssyncadd.s32 $0xFFFFFFFF  }
0xc3: {  	_ =	strace $0x90000054  }
0xc4: {  	_ =	sfence  }
0xc5: {  	s30 =	sld [smem:$0x0];
	_ =	sdelay $0x2  }
0xc6: {  	s31 =	sshll.u32 s1, $0xD;
	s1 =	sshrl.u32 s1, $0x2  }
0xc7: {  	s4 =	sand.u32 $0x4000, s31;
	s1 =	sadd.s32 s1, s30  }
0xc8: {  	s0 =	sor.u32 s4, s0;
	s1 =	sshll.u32 s1, $0x11  }
0xc9: {  	s0 =	sor.u32 s1, s0  }
0xca: {  	s0 =	sadd.s32 $0x8F2B, s0  }
0xcb: {  	[sflag:s0] =	ssyncadd.remote.s32 $0x1  }
0xcc: {  	_ =	sfence.sel $0xFFFF  }
0xcd: {  	[dreg:$0x0] =	wrdreg $0xFFFFFFFF;
	(pc) =	sbr.abs _section_cstart, $3  }
0xce: {  	[dreg:$0x1] =	wrdreg $0xFFFFFFFF  }
0xcf: {  	_ =	task.clear_ibuf [dreg:s22], $0x2FFFF;
	_ =	strace $0x9FFFFFFF  }
0xd0: {  	(tm) =	ssettm $0x7FFFFFFF  }
0xd1: {  	_ =	shalt  }
tec
execute0_lowered:
.L_overlay_start_1:
0x0: {  	(tag) =	ssettag $0x1  }
0x1: {  	s0 =	rddreg [dreg:$0x0];
	s1 =	srdreg.scid  }
0x2: {  	s5 =	stileid.u32;
	s2 =	simm.s32 $0x0;
	s12 =	simm.s32 $0x1000  }
0x3: {  	s14 =	simm.s32 $0x1800;
	s15 =	simm.s32 $0x2000;
	s16 =	simm.s32 $0x2800  }
0x4: {  	s17 =	simm.s32 $0x3000;
	s18 =	simm.s32 $0x3800;
	[smem:$0x7FF] =	sst s2  }
0x5: {  	s19 =	simm.s32 $0x4000;
	_ =	strace $0x80000053;
	[dreg:$0x3] =	wrdreg s12  }
0x6: {  	s21 =	simm.s32 $0x4800;
	s22 =	simm.s32 $0x5000;
	[dreg:$0x4] =	wrdreg s14  }
0x7: {  	s23 =	simm.s32 $0x5800;
	s24 =	simm.s32 $0x6000;
	[dreg:$0x5] =	wrdreg s15  }
0x8: {  	s6 =	simm.s32 $0x5;
	s25 =	simm.s32 $0x6800;
	[dreg:$0x6] =	wrdreg s16  }
0x9: {  	s7 =	simm.s32 $0x800;
	s26 =	simm.s32 $0x7000;
	[dreg:$0x7] =	wrdreg s17  }
0xa: {  	s8 =	simm.s32 $0x7800;
	s9 =	simm.s32 $0x8000;
	[dreg:$0x8] =	wrdreg s18  }
0xb: {  	s10 =	simm.s32 $0x8800;
	s28 =	simm.s32 $0x2;
	[dreg:$0x9] =	wrdreg s19  }
0xc: {  	s29 =	simm.s32 $0x3;
	s30 =	simm.s32 $0x4;
	[dreg:$0xa] =	wrdreg s21  }
0xd: {  	s31 =	simm.s32 $0x0;
	s1 =	sand.u32 $0x1, s1;
	[dreg:$0xb] =	wrdreg s22  }
0xe: {  	s3 =	sshll.u32 s5, $0x11;
	s11 =	sshll.u32 s5, $0xC;
	[dreg:$0xc] =	wrdreg s23  }
0xf: {  	s3 =	sadd.s32 s3, s0;
	s4 =	sshll.u32 s1, $0x10;
	[dreg:$0xd] =	wrdreg s24  }
0x10: {  	s13 =	sshll.u32 s1, $0xB;
	s1 =	ssub.s32 $0x2, s1;
	[dreg:$0xe] =	wrdreg s25  }
0x11: {  	[dreg:$0xf] =	wrdreg s26;
	s12 =	simm.s32 $0x9800;
	s14 =	simm.s32 $0xA800  }
0x12: {  	s15 =	simm.s32 $0xB000;
	s16 =	simm.s32 $0xB800;
	s17 =	simm.s32 $0xC000  }
0x13: {  	s18 =	simm.s32 $0xC800;
	s19 =	simm.s32 $0xD000;
	s21 =	simm.s32 $0xE000  }
0x14: {  	s22 =	simm.s32 $0xE800;
	s23 =	simm.s32 $0xF000;
	s24 =	simm.s32 $0xF800  }
0x15: {  	s25 =	simm.s32 $0x10000;
	s26 =	simm.s32 $0x1;
	s3 =	sadd.s32 s4, s3  }
0x16: {  	s4 =	sor.u32 s13, s11;
	s20 =	sshrl.u32 s1, $0x1;
	s11 =	simm.s32 $0x9000  }
0x17: {  	s3 =	sadd.s32 $0x319800, s3;
	s4 =	sshrl.u32 s4, $0x3;
	s1 =	ssub.s32 s1, s20  }
0x18: {  	v2 =	vlaneseq.u32;
	[dreg:$0x2] =	wrdreg s3;
	s4 =	sadd.s32 s4, s0;
	s1 =	smax.u32 s1, $0x1  }
0x19: {  	vm0 =	vmmov $0xffff;
	v1 =	vshrl.u32 v2, $0x3;
	s13 =	simm.s32 $0xA000;
	s4 =	sadd.s32 $0x7FC000, s4;
	[dreg:$0x11] =	wrdreg s1  }
0x1a: {  	v0 =	vand.u32 $0x7, v2;
	v2 =	vor.u32 $0x8, v2;
	v1 =	vmul.u32 $0x8, v1;
	s20 =	simm.s32 $0xD800;
	s3 =	sadd.s32 $0x2D9800, s0;
	[dreg:$0x10] =	wrdreg s4  }
.LBB2_1:
0x1b: {  	s0 =	rddreg [dreg:$0x10]  }
0x1c: {  	[tilespmem:s2], [sflag:$0x5] =	stream.linear.gather [hbm4b:s0+s2], $0x800, $0x38;
	[tilespmem:$0x10800] =	vst v63  }
0x1d: {  	_ =	swait.ge [sflag:s6], $0x800  }
0x1e: {  	[sflag:s6] =	ssyncset.done $0x0  }
0x1f: {  	s1 =	simm.s32 $0x0;
	s0 =	simm.s32 $0x80;
	[sflag:s6] =	ssyncadd.s32 $0xFFFFF800  }
.LBB2_2:
0x20: {  	v3 =	vld [tilespmem:s0+$0xFFFFFF80];
	_ =	sdelay $0x4  }
0x21: {  	v4 =	vshll.u32 v3, $0x1  }
0x22: {  	v3 =	vand.u32 $0x7, v3;
	v4 =	vand.u32 $0xFFFFFFF0, v4  }
0x23: {  	v3 =	vor.u32 v3, v4  }
0x24: {  	v4 =	vperm.xlane v3, v0;
	_ =	sdelay $0x1  }
0x25: {  	v3 =	vperm.xlane v3, v2;
	v4 =	vadd.s32 v1, v4;
	_ =	sdelay $0x1  }
0x26: {  	v3 =	vadd.s32 v1, v3;
	_ =	sdelay $0x2  }
0x27: {  	[tilespmem:s7], [sflag:$0x1] =	stream.indirect_vreg.gather [hbm4b:s3+s2], $0x80, v4, vm0, $0xb8;
	[tilespmem:$0x10800] =	vst v63  }
0x28: {  	s4 =	rddreg [dreg:$0x3]  }
0x29: {  	[tilespmem:s4], [sflag:$0x1] =	stream.indirect_vreg.gather [hbm4b:s3+s2], $0x80, v3, vm0, $0xb8;
	[tilespmem:$0x10800] =	vst v63  }
0x2a: {  	v3 =	vld [tilespmem:s0+$0xFFFFFF90];
	_ =	sdelay $0x4  }
0x2b: {  	v49 =	vshll.u32 v3, $0x1  }
0x2c: {  	v3 =	vand.u32 $0x7, v3;
	v4 =	vand.u32 $0xFFFFFFF0, v49  }
0x2d: {  	v3 =	vor.u32 v3, v4  }
0x2e: {  	v4 =	vperm.xlane v3, v0;
	_ =	sdelay $0x1  }
0x2f: {  	v3 =	vperm.xlane v3, v2;
	v4 =	vadd.s32 v1, v4;
	_ =	sdelay $0x1  }
0x30: {  	v3 =	vadd.s32 v1, v3;
	_ =	sdelay $0x1  }
0x31: {  	s4 =	rddreg [dreg:$0x4]  }
0x32: {  	[tilespmem:s4], [sflag:$0x1] =	stream.indirect_vreg.gather [hbm4b:s3+s2], $0x80, v4, vm0, $0xb8;
	[tilespmem:$0x10800] =	vst v63  }
0x33: {  	s5 =	rddreg [dreg:$0x5]  }
0x34: {  	[tilespmem:s5], [sflag:$0x1] =	stream.indirect_vreg.gather [hbm4b:s3+s2], $0x80, v3, vm0, $0xb8;
	[tilespmem:$0x10800] =	vst v63  }
0x35: {  	v3 =	vld [tilespmem:s0+$0xFFFFFFA0];
	_ =	sdelay $0x4  }
0x36: {  	v50 =	vshll.u32 v3, $0x1  }
0x37: {  	v3 =	vand.u32 $0x7, v3;
	v4 =	vand.u32 $0xFFFFFFF0, v50  }
0x38: {  	v3 =	vor.u32 v3, v4  }
0x39: {  	v4 =	vperm.xlane v3, v0;
	_ =	sdelay $0x1  }
0x3a: {  	v3 =	vperm.xlane v3, v2;
	v4 =	vadd.s32 v1, v4;
	_ =	sdelay $0x1  }
0x3b: {  	v3 =	vadd.s32 v1, v3;
	_ =	sdelay $0x1  }
0x3c: {  	s4 =	rddreg [dreg:$0x6]  }
0x3d: {  	[tilespmem:s4], [sflag:$0x1] =	stream.indirect_vreg.gather [hbm4b:s3+s2], $0x80, v4, vm0, $0xb8;
	[tilespmem:$0x10800] =	vst v63  }
0x3e: {  	s5 =	rddreg [dreg:$0x7]  }
0x3f: {  	[tilespmem:s5], [sflag:$0x1] =	stream.indirect_vreg.gather [hbm4b:s3+s2], $0x80, v3, vm0, $0xb8;
	[tilespmem:$0x10800] =	vst v63  }
0x40: {  	v3 =	vld [tilespmem:s0+$0xFFFFFFB0];
	_ =	sdelay $0x4  }
0x41: {  	v51 =	vshll.u32 v3, $0x1  }
0x42: {  	v3 =	vand.u32 $0x7, v3;
	v4 =	vand.u32 $0xFFFFFFF0, v51  }
0x43: {  	v3 =	vor.u32 v3, v4  }
0x44: {  	v4 =	vperm.xlane v3, v0;
	_ =	sdelay $0x1  }
0x45: {  	v3 =	vperm.xlane v3, v2;
	v4 =	vadd.s32 v1, v4;
	_ =	sdelay $0x1  }
0x46: {  	v3 =	vadd.s32 v1, v3;
	_ =	sdelay $0x1  }
0x47: {  	s4 =	rddreg [dreg:$0x8]  }
0x48: {  	[tilespmem:s4], [sflag:$0x1] =	stream.indirect_vreg.gather [hbm4b:s3+s2], $0x80, v4, vm0, $0xb8;
	[tilespmem:$0x10800] =	vst v63  }
0x49: {  	s5 =	rddreg [dreg:$0x9]  }
0x4a: {  	[tilespmem:s5], [sflag:$0x1] =	stream.indirect_vreg.gather [hbm4b:s3+s2], $0x80, v3, vm0, $0xb8;
	[tilespmem:$0x10800] =	vst v63  }
0x4b: {  	v3 =	vld [tilespmem:s0+$0xFFFFFFC0];
	_ =	sdelay $0x4  }
0x4c: {  	v52 =	vshll.u32 v3, $0x1  }
0x4d: {  	v3 =	vand.u32 $0x7, v3;
	v4 =	vand.u32 $0xFFFFFFF0, v52  }
0x4e: {  	v3 =	vor.u32 v3, v4  }
0x4f: {  	v4 =	vperm.xlane v3, v0;
	_ =	sdelay $0x1  }
0x50: {  	v3 =	vperm.xlane v3, v2;
	v4 =	vadd.s32 v1, v4;
	_ =	sdelay $0x1  }
0x51: {  	v3 =	vadd.s32 v1, v3;
	_ =	sdelay $0x1  }
0x52: {  	s4 =	rddreg [dreg:$0xa]  }
0x53: {  	[tilespmem:s4], [sflag:$0x1] =	stream.indirect_vreg.gather [hbm4b:s3+s2], $0x80, v4, vm0, $0xb8;
	[tilespmem:$0x10800] =	vst v63  }
0x54: {  	s5 =	rddreg [dreg:$0xb]  }
0x55: {  	[tilespmem:s5], [sflag:$0x1] =	stream.indirect_vreg.gather [hbm4b:s3+s2], $0x80, v3, vm0, $0xb8;
	[tilespmem:$0x10800] =	vst v63  }
0x56: {  	v3 =	vld [tilespmem:s0+$0xFFFFFFD0];
	_ =	sdelay $0x4  }
0x57: {  	v53 =	vshll.u32 v3, $0x1  }
0x58: {  	v3 =	vand.u32 $0x7, v3;
	v4 =	vand.u32 $0xFFFFFFF0, v53  }
0x59: {  	v3 =	vor.u32 v3, v4  }
0x5a: {  	v4 =	vperm.xlane v3, v0;
	_ =	sdelay $0x1  }
0x5b: {  	v3 =	vperm.xlane v3, v2;
	v4 =	vadd.s32 v1, v4;
	_ =	sdelay $0x1  }
0x5c: {  	v3 =	vadd.s32 v1, v3;
	_ =	sdelay $0x1  }
0x5d: {  	s4 =	rddreg [dreg:$0xc]  }
0x5e: {  	[tilespmem:s4], [sflag:$0x1] =	stream.indirect_vreg.gather [hbm4b:s3+s2], $0x80, v4, vm0, $0xb8;
	[tilespmem:$0x10800] =	vst v63  }
0x5f: {  	s5 =	rddreg [dreg:$0xd]  }
0x60: {  	[tilespmem:s5], [sflag:$0x1] =	stream.indirect_vreg.gather [hbm4b:s3+s2], $0x80, v3, vm0, $0xb8;
	[tilespmem:$0x10800] =	vst v63  }
0x61: {  	v3 =	vld [tilespmem:s0+$0xFFFFFFE0];
	_ =	sdelay $0x4  }
0x62: {  	v54 =	vshll.u32 v3, $0x1  }
0x63: {  	v3 =	vand.u32 $0x7, v3;
	v4 =	vand.u32 $0xFFFFFFF0, v54  }
0x64: {  	v3 =	vor.u32 v3, v4  }
0x65: {  	v4 =	vperm.xlane v3, v0;
	_ =	sdelay $0x1  }
0x66: {  	v3 =	vperm.xlane v3, v2;
	v4 =	vadd.s32 v1, v4;
	_ =	sdelay $0x1  }
0x67: {  	v3 =	vadd.s32 v1, v3;
	_ =	sdelay $0x1  }
0x68: {  	s4 =	rddreg [dreg:$0xe]  }
0x69: {  	[tilespmem:s4], [sflag:$0x1] =	stream.indirect_vreg.gather [hbm4b:s3+s2], $0x80, v4, vm0, $0xb8;
	[tilespmem:$0x10800] =	vst v63  }
0x6a: {  	s5 =	rddreg [dreg:$0xf]  }
0x6b: {  	[tilespmem:s5], [sflag:$0x1] =	stream.indirect_vreg.gather [hbm4b:s3+s2], $0x80, v3, vm0, $0xb8;
	[tilespmem:$0x10800] =	vst v63  }
0x6c: {  	v3 =	vld [tilespmem:s0+$0xFFFFFFF0];
	_ =	sdelay $0x4  }
0x6d: {  	v55 =	vshll.u32 v3, $0x1  }
0x6e: {  	v3 =	vand.u32 $0x7, v3;
	v4 =	vand.u32 $0xFFFFFFF0, v55  }
0x6f: {  	v3 =	vor.u32 v3, v4  }
0x70: {  	v4 =	vperm.xlane v3, v0;
	_ =	sdelay $0x1  }
0x71: {  	v3 =	vperm.xlane v3, v2;
	v4 =	vadd.s32 v1, v4;
	_ =	sdelay $0x1  }
0x72: {  	v3 =	vadd.s32 v1, v3;
	_ =	sdelay $0x2  }
0x73: {  	[tilespmem:s8], [sflag:$0x1] =	stream.indirect_vreg.gather [hbm4b:s3+s2], $0x80, v4, vm0, $0xb8;
	[tilespmem:$0x10800] =	vst v63  }
0x74: {  	_ = 	snop  }
0x75: {  	[tilespmem:s9], [sflag:$0x1] =	stream.indirect_vreg.gather [hbm4b:s3+s2], $0x80, v3, vm0, $0xb8;
	[tilespmem:$0x10800] =	vst v63  }
0x76: {  	v3 =	vld [tilespmem:s0+$0x0];
	_ =	sdelay $0x4  }
0x77: {  	v56 =	vshll.u32 v3, $0x1  }
0x78: {  	v3 =	vand.u32 $0x7, v3;
	v4 =	vand.u32 $0xFFFFFFF0, v56  }
0x79: {  	v3 =	vor.u32 v3, v4  }
0x7a: {  	v4 =	vperm.xlane v3, v0;
	_ =	sdelay $0x1  }
0x7b: {  	v3 =	vperm.xlane v3, v2;
	v4 =	vadd.s32 v1, v4;
	_ =	sdelay $0x1  }
0x7c: {  	v3 =	vadd.s32 v1, v3;
	_ =	sdelay $0x2  }
0x7d: {  	[tilespmem:s10], [sflag:$0x2] =	stream.indirect_vreg.gather [hbm4b:s3+s2], $0x80, v4, vm0, $0xb8;
	[tilespmem:$0x10800] =	vst v63  }
0x7e: {  	_ = 	snop  }
0x7f: {  	[tilespmem:s11], [sflag:$0x2] =	stream.indirect_vreg.gather [hbm4b:s3+s2], $0x80, v3, vm0, $0xb8;
	[tilespmem:$0x10800] =	vst v63  }
0x80: {  	v3 =	vld [tilespmem:s0+$0x10];
	_ =	sdelay $0x4  }
0x81: {  	v57 =	vshll.u32 v3, $0x1  }
0x82: {  	v3 =	vand.u32 $0x7, v3;
	v4 =	vand.u32 $0xFFFFFFF0, v57  }
0x83: {  	v3 =	vor.u32 v3, v4  }
0x84: {  	v4 =	vperm.xlane v3, v0;
	_ =	sdelay $0x1  }
0x85: {  	v3 =	vperm.xlane v3, v2;
	v4 =	vadd.s32 v1, v4;
	_ =	sdelay $0x1  }
0x86: {  	v3 =	vadd.s32 v1, v3;
	_ =	sdelay $0x2  }
0x87: {  	[tilespmem:s12], [sflag:$0x2] =	stream.indirect_vreg.gather [hbm4b:s3+s2], $0x80, v4, vm0, $0xb8;
	[tilespmem:$0x10800] =	vst v63  }
0x88: {  	_ = 	snop  }
0x89: {  	[tilespmem:s13], [sflag:$0x2] =	stream.indirect_vreg.gather [hbm4b:s3+s2], $0x80, v3, vm0, $0xb8;
	[tilespmem:$0x10800] =	vst v63  }
0x8a: {  	v3 =	vld [tilespmem:s0+$0x20];
	_ =	sdelay $0x4  }
0x8b: {  	v58 =	vshll.u32 v3, $0x1  }
0x8c: {  	v3 =	vand.u32 $0x7, v3;
	v4 =	vand.u32 $0xFFFFFFF0, v58  }
0x8d: {  	v3 =	vor.u32 v3, v4  }
0x8e: {  	v4 =	vperm.xlane v3, v0;
	_ =	sdelay $0x1  }
0x8f: {  	v3 =	vperm.xlane v3, v2;
	v4 =	vadd.s32 v1, v4;
	_ =	sdelay $0x1  }
0x90: {  	v3 =	vadd.s32 v1, v3;
	_ =	sdelay $0x2  }
0x91: {  	[tilespmem:s14], [sflag:$0x2] =	stream.indirect_vreg.gather [hbm4b:s3+s2], $0x80, v4, vm0, $0xb8;
	[tilespmem:$0x10800] =	vst v63  }
0x92: {  	_ = 	snop  }
0x93: {  	[tilespmem:s15], [sflag:$0x2] =	stream.indirect_vreg.gather [hbm4b:s3+s2], $0x80, v3, vm0, $0xb8;
	[tilespmem:$0x10800] =	vst v63  }
0x94: {  	v3 =	vld [tilespmem:s0+$0x30];
	_ =	sdelay $0x4  }
0x95: {  	v59 =	vshll.u32 v3, $0x1  }
0x96: {  	v3 =	vand.u32 $0x7, v3;
	v4 =	vand.u32 $0xFFFFFFF0, v59  }
0x97: {  	v3 =	vor.u32 v3, v4  }
0x98: {  	v4 =	vperm.xlane v3, v0;
	_ =	sdelay $0x1  }
0x99: {  	v3 =	vperm.xlane v3, v2;
	v4 =	vadd.s32 v1, v4;
	_ =	sdelay $0x1  }
0x9a: {  	v3 =	vadd.s32 v1, v3;
	_ =	sdelay $0x2  }
0x9b: {  	[tilespmem:s16], [sflag:$0x2] =	stream.indirect_vreg.gather [hbm4b:s3+s2], $0x80, v4, vm0, $0xb8;
	[tilespmem:$0x10800] =	vst v63  }
0x9c: {  	_ = 	snop  }
0x9d: {  	[tilespmem:s17], [sflag:$0x2] =	stream.indirect_vreg.gather [hbm4b:s3+s2], $0x80, v3, vm0, $0xb8;
	[tilespmem:$0x10800] =	vst v63  }
0x9e: {  	v3 =	vld [tilespmem:s0+$0x40];
	_ =	sdelay $0x4  }
0x9f: {  	v60 =	vshll.u32 v3, $0x1  }
0xa0: {  	v3 =	vand.u32 $0x7, v3;
	v4 =	vand.u32 $0xFFFFFFF0, v60  }
0xa1: {  	v3 =	vor.u32 v3, v4  }
0xa2: {  	v4 =	vperm.xlane v3, v0;
	_ =	sdelay $0x1  }
0xa3: {  	v3 =	vperm.xlane v3, v2;
	v4 =	vadd.s32 v1, v4;
	_ =	sdelay $0x1  }
0xa4: {  	v3 =	vadd.s32 v1, v3;
	_ =	sdelay $0x2  }
0xa5: {  	[tilespmem:s18], [sflag:$0x2] =	stream.indirect_vreg.gather [hbm4b:s3+s2], $0x80, v4, vm0, $0xb8;
	[tilespmem:$0x10800] =	vst v63  }
0xa6: {  	_ = 	snop  }
0xa7: {  	[tilespmem:s19], [sflag:$0x2] =	stream.indirect_vreg.gather [hbm4b:s3+s2], $0x80, v3, vm0, $0xb8;
	[tilespmem:$0x10800] =	vst v63  }
0xa8: {  	v3 =	vld [tilespmem:s0+$0x50];
	_ =	sdelay $0x4  }
0xa9: {  	v61 =	vshll.u32 v3, $0x1  }
0xaa: {  	v3 =	vand.u32 $0x7, v3;
	v4 =	vand.u32 $0xFFFFFFF0, v61  }
0xab: {  	v3 =	vor.u32 v3, v4  }
0xac: {  	v4 =	vperm.xlane v3, v0;
	_ =	sdelay $0x1  }
0xad: {  	v3 =	vperm.xlane v3, v2;
	v4 =	vadd.s32 v1, v4;
	_ =	sdelay $0x1  }
0xae: {  	v3 =	vadd.s32 v1, v3;
	_ =	sdelay $0x2  }
0xaf: {  	[tilespmem:s20], [sflag:$0x2] =	stream.indirect_vreg.gather [hbm4b:s3+s2], $0x80, v4, vm0, $0xb8;
	[tilespmem:$0x10800] =	vst v63  }
0xb0: {  	_ = 	snop  }
0xb1: {  	[tilespmem:s21], [sflag:$0x2] =	stream.indirect_vreg.gather [hbm4b:s3+s2], $0x80, v3, vm0, $0xb8;
	[tilespmem:$0x10800] =	vst v63  }
0xb2: {  	v3 =	vld [tilespmem:s0+$0x60];
	_ =	sdelay $0x4  }
0xb3: {  	v62 =	vshll.u32 v3, $0x1  }
0xb4: {  	v3 =	vand.u32 $0x7, v3;
	v4 =	vand.u32 $0xFFFFFFF0, v62  }
0xb5: {  	v3 =	vor.u32 v3, v4  }
0xb6: {  	v4 =	vperm.xlane v3, v0;
	_ =	sdelay $0x1  }
0xb7: {  	v3 =	vperm.xlane v3, v2;
	v4 =	vadd.s32 v1, v4;
	_ =	sdelay $0x1  }
0xb8: {  	v3 =	vadd.s32 v1, v3;
	_ =	sdelay $0x2  }
0xb9: {  	[tilespmem:s22], [sflag:$0x2] =	stream.indirect_vreg.gather [hbm4b:s3+s2], $0x80, v4, vm0, $0xb8;
	[tilespmem:$0x10800] =	vst v63  }
0xba: {  	_ = 	snop  }
0xbb: {  	[tilespmem:s23], [sflag:$0x2] =	stream.indirect_vreg.gather [hbm4b:s3+s2], $0x80, v3, vm0, $0xb8;
	[tilespmem:$0x10800] =	vst v63  }
0xbc: {  	v3 =	vld [tilespmem:s0+$0x70];
	_ =	sdelay $0x4  }
0xbd: {  	v63 =	vshll.u32 v3, $0x1  }
0xbe: {  	v3 =	vand.u32 $0x7, v3;
	v4 =	vand.u32 $0xFFFFFFF0, v63  }
0xbf: {  	v3 =	vor.u32 v3, v4  }
0xc0: {  	v4 =	vperm.xlane v3, v0;
	_ =	sdelay $0x1  }
0xc1: {  	v3 =	vperm.xlane v3, v2;
	v4 =	vadd.s32 v1, v4;
	_ =	sdelay $0x1  }
0xc2: {  	v3 =	vadd.s32 v1, v3;
	_ =	sdelay $0x2  }
0xc3: {  	[tilespmem:s24], [sflag:$0x2] =	stream.indirect_vreg.gather [hbm4b:s3+s2], $0x80, v4, vm0, $0xb8;
	[tilespmem:$0x10800] =	vst v63  }
0xc4: {  	_ = 	snop  }
0xc5: {  	[tilespmem:s25], [sflag:$0x2] =	stream.indirect_vreg.gather [hbm4b:s3+s2], $0x80, v3, vm0, $0xb8;
	[tilespmem:$0x10800] =	vst v63  }
0xc6: {  	_ =	swait.ge [sflag:s26], $0x8000  }
0xc7: {  	s5 =	rddreg [dreg:$0x2];
	[sflag:s26] =	ssyncset.done $0x0  }
0xc8: {  	[sflag:s26] =	ssyncadd.s32 $0xFFFF8000;
	s4 =	sadd.s32 s1, s5  }
0xc9: {  	[hbm4b:s4+s2] =	stream.linear.scatter [tilespmem:s7], [sflag:$0x3], $0x8000, $0x38;
	[tilespmem:$0x10800] =	vst v63  }
0xca: {  	_ =	swait.ge [sflag:s28], $0x8000  }
0xcb: {  	[sflag:s28] =	ssyncset.done $0x0  }
0xcc: {  	s4 =	sadd.s32 $0x1000, s4;
	[sflag:s28] =	ssyncadd.s32 $0xFFFF8000  }
0xcd: {  	[hbm4b:s4+s2] =	stream.linear.scatter [tilespmem:s10], [sflag:$0x4], $0x8000, $0x38;
	[tilespmem:$0x10800] =	vst v63  }
0xce: {  	p0 =	sne.s32 s1, $0xE000;
	_ =	swait.ge [sflag:s29], $0x8000  }
.Ltmp0:
0xcf: {  	[sflag:s29] =	ssyncset.done $0x0;
	(pc) =	sbr.rel @p0 .LBB2_2-.Ltmp0, $4  }
0xd0: {  	[sflag:s29] =	ssyncadd.s32 $0xFFFF8000  }
0xd1: {  	_ =	swait.ge [sflag:s30], $0x8000  }
0xd2: {  	[sflag:s30] =	ssyncset.done $0x0  }
0xd3: {  	s0 =	sadd.s32 $0x100, s0;
	s1 =	sadd.s32 $0x2000, s1;
	[sflag:s30] =	ssyncadd.s32 $0xFFFF8000  }
0xd4: {  	s31 =	sadd.s32 $0x1, s31;
	s0 =	rddreg [dreg:$0x11]  }
0xd5: {  	p0 =	sne.s32 s31, s0  }
.Ltmp1:
0xd6: {  	_ = 	snop;
	(pc) =	sbr.rel @p0 .LBB2_1-.Ltmp1, $1  }
0xd7: {  	_ =	sdelay $0x3  }
0xd8: {  	_ =	sfence.sel $0x180000  }
0xd9: {  	[bflag:$0x0] =	sbarrier.arrive $0xFFFF  }
0xda: {  	_ =	strace $0x90000053  }
0xdb: {  	s0 =	stileid.u32;
	[bflag:$0x2] =	sbarrier.arrive $0xFFFF  }
0xdc: {  	p0 =	sne.s32 s0, $0x0;
	s0 =	rddreg [dreg:$0x1]  }
0xdd: {  	s0 =	sadd.s32 @!p0 $0x100000, s0  }
0xde: {  	[sflag:s0] =	ssyncadd.tile.s32 @!p0 $0x1;
	_ =	shalt  }
.Lfunc_end2:
_tile_overlayer_lowered:
.L_overlay_start_2:
0xdf: {  	(tag) =	ssettag $0x2  }
0xe0: {  	s0 =	rddreg [dreg:$0x0];
	s2 =	stileid.u32  }
0xe1: {  	s1 =	rddreg [dreg:$0x1];
	p0 =	sne.s32 s2, $0x0  }
0xe2: {  	s3 =	rddreg [dreg:$0x2];
	[bflag:$0x3] =	sbarrier.arrive $0xFFFF;
	s2 =	simm.s32 @!p0 $0x1C05  }
0xe3: {  	[timem:s3], [sflag:s2] =	dma.local @!p0 [hbm:s0], s1  }
0xe4: {  	s0 =	simm.s32 @!p0 $0x5  }
0xe5: {  	_ =	swait.ge @!p0 [sflag:s0], s1  }
0xe6: {  	s1 =	ssub.s32 @!p0 $0x0, s1;
	[sflag:s0] =	ssyncset.done @!p0 $0x0  }
0xe7: {  	[sflag:s0] =	ssyncadd.s32 @!p0 s1  }
0xe8: {  	[bflag:$0x3] =	sbarrier.arrive $0xFFFF  }
0xe9: {  	_ =	shalt  }

// kernel: kernel.25.cloned.1.call-start
scs
__scs_entry_jumppad:
0x0: {  	(pc) =	sbr.rel $0x88, $3  }
0x1: {  	(tag) =	ssettag $0x0;
	lr =	simm.s32 $0x1  }
0x2: {  	[smem:$0x3F8D] =	sst lr;
	_ =	strace $0xD0000000  }
0x3: {  	_ = 	snop  }
0x4: {  	_ = 	snop  }
0x5: {  	_ = 	snop  }
0x6: {  	_ = 	snop  }
0x7: {  	_ = 	snop  }
__scs_overlays_trampoline_lowered:
0x8: {  	[smem:$0x3F9C] =	sst s0  }
0x9: {  	[smem:$0x3F9D] =	sst s1  }
0xa: {  	[smem:$0x3F9E] =	sst s2  }
0xb: {  	[smem:$0x3F9F] =	sst s3  }
0xc: {  	[smem:$0x3FA0] =	sst s4  }
0xd: {  	[smem:$0x3FA1] =	sst s5  }
0xe: {  	[smem:$0x3FA2] =	sst s6  }
0xf: {  	[smem:$0x3FA3] =	sst s7  }
0x10: {  	[smem:$0x3FA4] =	sst s8  }
0x11: {  	[smem:$0x3FA5] =	sst s9;
	s0 =	simm.s32 @!p0 $0x0  }
0x12: {  	s1 =	sld [smem:$0x3F8B];
	s0 =	simm.s32 @p0 $0x1  }
0x13: {  	[smem:$0x3FA6] =	sst s0;
	s0 =	simm.s32 @!p1 $0x0  }
0x14: {  	s2 =	sld [smem:$0x3F8A];
	s0 =	simm.s32 @p1 $0x1  }
0x15: {  	[smem:$0x3FA7] =	sst s0;
	s0 =	simm.s32 @!p2 $0x0  }
0x16: {  	s3 =	sld [smem:$0x3FDB];
	s0 =	simm.s32 @p2 $0x1  }
0x17: {  	s4 =	simm.s32 $0x1BF5;
	[smem:$0x3FA9] =	sst s0  }
0x18: {  	s0 =	sld [smem:$0x3F8C];
	_ =	swait.ge [sflag:s4], $0x0  }
0x19: {  	s7 =	sld [smem:$0x3F8D]  }
0x1a: {  	s8 =	sadd.s32 $0xFFFFE003, lr  }
0x1b: {  	s9 =	sadd.s32 $0xFFFFFEF7, lr;
	s5 =	simm.s32 $0xFFFFFFFF;
	p2 =	slt.u32 s8, $0xFFFFF086  }
0x1c: {  	p1 =	slt.u32 s9, $0xF7A;
	s5 =	simm.s32 @!p2 $0x0  }
0x1d: {  	s5 =	simm.s32 @p1 $0x1;
	p0 =	seq.s32 s7, s2  }
0x1e: {  	s7 =	smul.u32 @!p0 $0xF7A, s2;
	p2 =	seq.s32 @!p0 s5, $0x0  }
0x1f: {  	s9 =	smul.u32 $0xF7A, s1;
	s8 =	simm.s32 @!p0 $0x1BF5;
	p2 =	por !p2, p0  }
0x20: {  	[sflag:s8] =	ssyncset.s32 @!p0 $0xFFFFF086;
	s6 =	sadd.s32 @!p0 s3, s7;
	s7 =	simm.s32 @!p0 $0x108  }
0x21: {  	s3 =	sadd.s32 s3, s9;
	s6 =	sadd.s32 @!p0 $0x88, s6;
	s7 =	simm.s32 @p2 $0x1082  }
0x22: {  	[simem:s7], [sflag:s8] =	dma.local @!p0 [hbm:s6], $0xF7A  }
0x23: {  	s9 =	sor.u32 $0xD0000000, s2;
	s6 =	simm.s32 $0x108;
	_ =	swait.ge @!p0 [sflag:s8], $0x0  }
0x24: {  	s3 =	sadd.s32 $0x88, s3;
	s6 =	simm.s32 @!p1 $0x1082;
	[sflag:s4] =	ssyncset.s32 $0xFFFFF086  }
0x25: {  	[simem:s6], [sflag:s4] =	dma.local [hbm:s3], $0xF7A  }
0x26: {  	[smem:$0x3F8D] =	sst s1;
	(tag) =	ssettag s2;
	_ =	strace s9  }
0x27: {  	s1 =	sld [smem:$0x3F9D]  }
0x28: {  	s2 =	sld [smem:$0x3F9E]  }
0x29: {  	s4 =	sld [smem:$0x3FA0]  }
0x2a: {  	p0 =	seq.s32 s5, $0x0;
	s5 =	sld [smem:$0x3FA1]  }
0x2b: {  	s6 =	sld [smem:$0x3FA2]  }
0x2c: {  	s7 =	sld [smem:$0x3FA3]  }
0x2d: {  	s3 =	simm.s32 $0x108;
	s8 =	sld [smem:$0x3FA4]  }
0x2e: {  	s3 =	simm.s32 @!p0 $0x1082;
	s9 =	sld [smem:$0x3FA5]  }
0x2f: {  	lr =	sadd.s32 s0, s3;
	s0 =	sld [smem:$0x3F9C]  }
0x30: {  	s3 =	sld [smem:$0x3F9F]  }
0x31: {  	[smem:$0x3FA8] =	sst s10  }
0x32: {  	s10 =	sld [smem:$0x3FA6];
	_ =	sdelay $0x3  }
0x33: {  	p0 =	seq.s32 s10, $0x1;
	s10 =	sld [smem:$0x3FA8];
	_ =	sdelay $0x3  }
0x34: {  	[smem:$0x3FA8] =	sst s10  }
0x35: {  	s10 =	sld [smem:$0x3FA7];
	_ =	sdelay $0x3  }
0x36: {  	p1 =	seq.s32 s10, $0x1;
	s10 =	sld [smem:$0x3FA8];
	_ =	sdelay $0x3  }
0x37: {  	[smem:$0x3FA8] =	sst s10  }
0x38: {  	s10 =	sld [smem:$0x3FA9]  }
0x39: {  	_ = 	snop;
	(pc) =	sbr.ind lr, $3  }
0x3a: {  	_ = 	snop  }
0x3b: {  	_ = 	snop  }
0x3c: {  	p2 =	seq.s32 s10, $0x1;
	s10 =	sld [smem:$0x3FA8]  }
0x3d: {  	_ =	shalt  }
0x3e: {  	_ =	shalt  }
0x3f: {  	_ =	shalt  }
0x40: {  	_ =	shalt  }
0x41: {  	_ =	shalt  }
0x42: {  	_ =	shalt  }
0x43: {  	_ =	shalt  }
0x44: {  	_ =	shalt  }
0x45: {  	_ =	shalt  }
0x46: {  	_ =	shalt  }
0x47: {  	_ =	shalt  }
0x48: {  	_ =	shalt  }
0x49: {  	_ =	shalt  }
0x4a: {  	_ =	shalt  }
0x4b: {  	_ =	shalt  }
0x4c: {  	_ =	shalt  }
0x4d: {  	_ =	shalt  }
0x4e: {  	_ =	shalt  }
0x4f: {  	_ =	shalt  }
0x50: {  	_ =	shalt  }
0x51: {  	_ =	shalt  }
0x52: {  	_ =	shalt  }
0x53: {  	_ =	shalt  }
0x54: {  	_ =	shalt  }
0x55: {  	_ =	shalt  }
0x56: {  	_ =	shalt  }
0x57: {  	_ =	shalt  }
0x58: {  	_ =	shalt  }
0x59: {  	_ =	shalt  }
0x5a: {  	_ =	shalt  }
0x5b: {  	_ =	shalt  }
0x5c: {  	_ =	shalt  }
0x5d: {  	_ =	shalt  }
0x5e: {  	_ =	shalt  }
0x5f: {  	_ =	shalt  }
0x60: {  	_ =	shalt  }
0x61: {  	_ =	shalt  }
0x62: {  	_ =	shalt  }
0x63: {  	_ =	shalt  }
0x64: {  	_ =	shalt  }
0x65: {  	_ =	shalt  }
0x66: {  	_ =	shalt  }
0x67: {  	_ =	shalt  }
0x68: {  	_ =	shalt  }
0x69: {  	_ =	shalt  }
0x6a: {  	_ =	shalt  }
0x6b: {  	_ =	shalt  }
0x6c: {  	_ =	shalt  }
0x6d: {  	_ =	shalt  }
0x6e: {  	_ =	shalt  }
0x6f: {  	_ =	shalt  }
0x70: {  	_ =	shalt  }
0x71: {  	_ =	shalt  }
0x72: {  	_ =	shalt  }
0x73: {  	_ =	shalt  }
0x74: {  	_ =	shalt  }
0x75: {  	_ =	shalt  }
0x76: {  	_ =	shalt  }
0x77: {  	_ =	shalt  }
0x78: {  	_ =	shalt  }
0x79: {  	_ =	shalt  }
0x7a: {  	_ =	shalt  }
0x7b: {  	_ =	shalt  }
0x7c: {  	_ =	shalt  }
0x7d: {  	_ =	shalt  }
0x7e: {  	_ =	shalt  }
0x7f: {  	_ =	shalt  }
0x80: {  	_ =	shalt  }
0x81: {  	_ =	shalt  }
0x82: {  	_ =	shalt  }
0x83: {  	_ =	shalt  }
0x84: {  	_ =	shalt  }
0x85: {  	_ =	shalt  }
0x86: {  	_ =	shalt  }
0x87: {  	_ =	shalt  }
.Lfunc_end0:
.L_simem_size_0:
called_computation.3_lowered:
.L_overlay_start_0:
0x88: {  	s2 =	sld [smem:$0x3FD9]  }
0x89: {  	s3 =	sld [smem:$0x3FFE];
	_ =	sdelay $0x1  }
0x8a: {  	s1 =	srdreg.scid  }
0x8b: {  	s0 =	sand.u32 $0x1, s1  }
0x8c: {  	s17 =	sshll.u32 s0, $0xA;
	s2 =	sadd.s32 s3, s2  }
0x8d: {  	s2 =	sadd.s32 s2, s17  }
0x8e: {  	[smem:$0x3FB4] =	sst s2  }
0x8f: {  	_ = 	snop  }
0x90: {  	s18 =	sld [smem:$0x3FD0];
	(tm) =	ssettm $0x1  }
0x91: {  	s19 =	sld [smem:$0x3FFB];
	_ =	sdelay $0x3  }
0x92: {  	_ =	strace s19  }
0x93: {  	s2 =	sld [smem:$0x3FFC];
	_ =	sdelay $0x3  }
0x94: {  	_ =	strace s2  }
0x95: {  	s2 =	sld [smem:$0x3FFD];
	_ =	sdelay $0x3  }
0x96: {  	_ =	strace s2  }
0x97: {  	_ =	strace $0x8FFFFFFF  }
0x98: {  	s20 =	sld [smem:$0x3FDB];
	_ =	sdelay $0x1  }
0x99: {  	s4 =	simm.s32 $_scs_section_size  }
0x9a: {  	s5 =	simm.s32 $_size__tile_overlayer_lowered;
	s6 =	simm.s32 $_tile_overlayer_lowered  }
0x9b: {  	s7 =	simm.s32 $0x1BFF;
	s21 =	sshll.u32 s6, $0x1;
	s4 =	sadd.s32 s4, s20  }
0x9c: {  	s22 =	simm.s32 $0x0;
	s5 =	sshll.u32 s5, $0x1;
	s6 =	sadd.s32 s21, s4  }
0x9d: {  	[timem:s22], [sflag:s7] =	dma.local [hbm:s6], s5  }
0x9e: {  	_ =	swait.ge [sflag:s7], s5  }
0x9f: {  	s5 =	ssub.s32 $0x0, s5;
	[sflag:s7] =	ssyncset.done $0x0  }
0xa0: {  	[sflag:s7] =	ssyncadd.s32 s5;
	_ =	sdelay $0x1  }
0xa1: {  	s23 =	simm.s32 $0x1B8B  }
0xa2: {  	_ =	swait.ge [sflag:s23], $0x1  }
0xa3: {  	[sflag:s23] =	ssyncset.done $0x0  }
0xa4: {  	[sflag:s23] =	ssyncadd.s32 $0xFFFFFFFF  }
0xa5: {  	s5 =	sld [smem:$0x0]  }
0xa6: {  	s6 =	sand.u32 $0xFFFFFFFE, s1  }
0xa7: {  	p0 =	sne.s32 s1, s6  }
0xa8: {  	s6 =	sshll.u32 @p0 s6, $0xE  }
0xa9: {  	s6 =	sadd.s32 @p0 $0x11B8D, s6;
	s7 =	sshll.u32 @p0 s5, $0x11  }
0xaa: {  	s6 =	sor.u32 @p0 s7, s6  }
0xab: {  	[sflag:s6] =	ssyncadd.remote.s32 @p0 $0x1;
	_ =	sdelay $0x1  }
0xac: {  	s6 =	simm.s32 @p0 $0x1B8D  }
0xad: {  	_ =	swait.eq @p0 [sflag:s6], $0x1  }
0xae: {  	[sflag:s6] =	ssyncadd.s32 @p0 $0xFFFFFFFF  }
0xaf: {  	s7 =	sshll.u32 @!p0 s1, $0xE  }
0xb0: {  	s7 =	sor.u32 @!p0 $0x4000, s7;
	s6 =	simm.s32 @!p0 $0x1B8D  }
0xb1: {  	s5 =	sshll.u32 @!p0 s5, $0x11;
	s7 =	sadd.s32 @!p0 $0x11B8D, s7;
	_ =	swait.eq @!p0 [sflag:s6], $0x1  }
0xb2: {  	s5 =	sor.u32 @!p0 s5, s7;
	[sflag:s6] =	ssyncadd.s32 @!p0 $0xFFFFFFFF  }
0xb3: {  	s25 =	simm.s32 $0x1B8E;
	s24 =	sld [smem:$0x3FFE];
	[sflag:s5] =	ssyncadd.remote.s32 @!p0 $0x1  }
0xb4: {  	s26 =	simm.s32 $execute0_lowered;
	[smem:$0x3FD2] =	sst s25  }
0xb5: {  	s6 =	sshll.u32 s26, $0x1;
	_ =	strace $0x80000049;
	[dreg:$0x1] =	wrdreg $0xFFFFFFFF  }
0xb6: {  	s28 =	simm.s32 $_size_execute0_lowered;
	s4 =	sadd.s32 s4, s6;
	[dreg:$0x0] =	wrdreg $0x0  }
0xb7: {  	s6 =	sshll.u32 s28, $0x1;
	[dreg:$0x2] =	wrdreg s4  }
0xb8: {  	[dreg:$0x3] =	wrdreg s6  }
0xb9: {  	[dreg:$0x4] =	wrdreg $0xC0  }
0xba: {  	_ =	task [dreg:s22], $0x5FFFF  }
0xbb: {  	[dreg:$0x1] =	wrdreg $0xFFFFFFFF  }
0xbc: {  	[dreg:$0x0] =	wrdreg $0x60  }
0xbd: {  	[dreg:$0x2] =	wrdreg s18  }
0xbe: {  	[dreg:$0x3] =	wrdreg s24  }
0xbf: {  	[dreg:$0x4] =	wrdreg $0xA  }
0xc0: {  	_ =	task.clear_ibuf [dreg:s22], $0x5FFFF;
	_ =	strace $0x90000049  }
0xc1: {  	s29 =	simm.s32 $0xA;
	_ =	strace $0x8000004B  }
0xc2: {  	_ =	swait.ge [sflag:s29], $0x1  }
0xc3: {  	[sflag:s29] =	ssyncadd.s32 $0xFFFFFFFF  }
0xc4: {  	_ =	strace $0x9000004B  }
0xc5: {  	_ =	sfence  }
0xc6: {  	s30 =	sld [smem:$0x0];
	_ =	sdelay $0x2  }
0xc7: {  	s31 =	sshll.u32 s1, $0xD;
	s1 =	sshrl.u32 s1, $0x2  }
0xc8: {  	s4 =	sand.u32 $0x4000, s31;
	s1 =	sadd.s32 s1, s30  }
0xc9: {  	s0 =	sor.u32 s4, s0;
	s1 =	sshll.u32 s1, $0x11  }
0xca: {  	s0 =	sor.u32 s1, s0  }
0xcb: {  	s0 =	sadd.s32 $0x8F2B, s0  }
0xcc: {  	[sflag:s0] =	ssyncadd.remote.s32 $0x1  }
0xcd: {  	_ =	sfence.sel $0xFFFF  }
0xce: {  	[dreg:$0x0] =	wrdreg $0xFFFFFFFF;
	(pc) =	sbr.abs _section_cstart, $3  }
0xcf: {  	[dreg:$0x1] =	wrdreg $0xFFFFFFFF  }
0xd0: {  	_ =	task.clear_ibuf [dreg:s22], $0x2FFFF;
	_ =	strace $0x9FFFFFFF  }
0xd1: {  	(tm) =	ssettm $0x7FFFFFFF  }
tec
execute0_lowered:
.L_overlay_start_1:
0x0: {  	(tag) =	ssettag $0x1  }
0x1: {  	s4 =	rddreg [dreg:$0x0]  }
0x2: {  	s5 =	rddreg [dreg:$0x1];
	s1 =	stileid.u32  }
0x3: {  	s2 =	srdreg.scid;
	s0 =	rddreg [dreg:$0x2];
	s10 =	simm.s32 $0x4A80  }
0x4: {  	s11 =	simm.s32 $0x8A80;
	s12 =	simm.s32 $0x1;
	s13 =	simm.s32 $0x2  }
0x5: {  	s14 =	simm.s32 $0x3;
	s15 =	simm.s32 $0x4;
	s16 =	simm.s32 $0x5  }
0x6: {  	s17 =	simm.s32 $0x6;
	s18 =	simm.s32 $0x0;
	s3 =	sand.u32 $0x1, s2  }
0x7: {  	s6 =	sshll.u32 s1, $0x1;
	s2 =	simm.s32 $0x0;
	s7 =	smul.u32 $0x15000, s1  }
0x8: {  	s6 =	sor.u32 s3, s6;
	[smem:$0x7FF] =	sst s2;
	s9 =	smul.u32 $0xA800, s3  }
0x9: {  	s8 =	ssub.s32 $0x2, s3;
	s3 =	sadd.s32 $0x16E00, s5;
	s6 =	smul.u32 $0xA80, s6  }
0xa: {  	_ =	strace $0x8000004A;
	s5 =	sadd.s32 s7, s5;
	s30 =	sshrl.u32 s8, $0x1  }
0xb: {  	s7 =	ssub.s32 s8, s30;
	s31 =	sadd.s32 s9, s5;
	s8 =	simm.s32 $0x80  }
0xc: {  	s9 =	simm.s32 $0xA80;
	s6 =	sshrl.u32 s6, $0x3;
	s5 =	smax.u32 s7, $0x1  }
0xd: {  	s7 =	simm.s32 $0x7;
	s4 =	sadd.s32 s4, s6;
	s6 =	sadd.s32 $0x18A800, s31  }
.LBB2_1:
0xe: {  	[tilespmem:s2], [sflag:$0x7] =	stream.linear.gather [hbm4b:s4+s2], $0xA80, $0x38;
	[tilespmem:$0xCA80] =	vst v63  }
0xf: {  	_ =	swait.ge [sflag:s7], $0xA80  }
0x10: {  	[sflag:s7] =	ssyncset.done $0x0  }
0x11: {  	s19 =	simm.s32 $0x0;
	[sflag:s7] =	ssyncadd.s32 $0xFFFFF580  }
0x12: {  	[tilespmem:s9], [sflag:$0x1] =	stream.indirect.gather [hbm4b:s3+s8], $0x80, s19, s8, $0xb8;
	[tilespmem:$0xCA80] =	vst v63  }
0x13: {  	s28 =	simm.s32 $0x80  }
0x14: {  	[tilespmem:s10], [sflag:$0x2] =	stream.indirect.gather [hbm4b:s3+s8], $0x80, s28, s8, $0xb8;
	[tilespmem:$0xCA80] =	vst v63  }
0x15: {  	s29 =	simm.s32 $0x100  }
0x16: {  	[tilespmem:s11], [sflag:$0x3] =	stream.indirect.gather [hbm4b:s3+s8], $0x80, s29, s8, $0xb8;
	[tilespmem:$0xCA80] =	vst v63  }
0x17: {  	_ =	swait.ge [sflag:s12], $0x4000  }
0x18: {  	[sflag:s12] =	ssyncset.done $0x0  }
0x19: {  	s30 =	sadd.s32 $0xFFFFF000, s6;
	[sflag:s12] =	ssyncadd.s32 $0xFFFFC000  }
0x1a: {  	[hbm4b:s30+s2] =	stream.linear.scatter [tilespmem:s9], [sflag:$0x4], $0x4000, $0x38;
	[tilespmem:$0xCA80] =	vst v63  }
0x1b: {  	_ =	swait.ge [sflag:s13], $0x4000  }
0x1c: {  	[sflag:s13] =	ssyncset.done $0x0  }
0x1d: {  	s31 =	sadd.s32 $0xFFFFF800, s6;
	[sflag:s13] =	ssyncadd.s32 $0xFFFFC000  }
0x1e: {  	[hbm4b:s31+s2] =	stream.linear.scatter [tilespmem:s10], [sflag:$0x5], $0x4000, $0x38;
	[tilespmem:$0xCA80] =	vst v63  }
0x1f: {  	_ =	swait.ge [sflag:s14], $0x4000  }
0x20: {  	[sflag:s14] =	ssyncset.done $0x0  }
0x21: {  	[sflag:s14] =	ssyncadd.s32 $0xFFFFC000  }
0x22: {  	[hbm4b:s6+s2] =	stream.linear.scatter [tilespmem:s11], [sflag:$0x6], $0x4000, $0x38;
	[tilespmem:$0xCA80] =	vst v63  }
0x23: {  	_ =	swait.ge [sflag:s15], $0x4000  }
0x24: {  	[sflag:s15] =	ssyncset.done $0x0  }
0x25: {  	[sflag:s15] =	ssyncadd.s32 $0xFFFFC000  }
0x26: {  	_ =	swait.ge [sflag:s16], $0x4000  }
0x27: {  	[sflag:s16] =	ssyncset.done $0x0  }
0x28: {  	[sflag:s16] =	ssyncadd.s32 $0xFFFFC000  }
0x29: {  	s20 =	simm.s32 $0x600;
	_ =	swait.ge [sflag:s17], $0x4000  }
0x2a: {  	s21 =	simm.s32 $0xC00;
	s19 =	sadd.s32 $0x1800, s6;
	[sflag:s17] =	ssyncset.done $0x0  }
.LBB2_2:
0x2b: {  	s22 =	sshra.s32 s20, $0x2  }
0x2c: {  	[sflag:s17] =	ssyncadd.s32 $0xFFFFC000;
	s20 =	smov.u32 s21;
	s23 =	sadd.s32 $0x600, s21  }
0x2d: {  	[tilespmem:s9], [sflag:$0x1] =	stream.indirect.gather [hbm4b:s3+s8], $0x80, s22, s8, $0xb8;
	[tilespmem:$0xCA80] =	vst v63  }
0x2e: {  	p0 =	sne.s32 s21, $0x2400;
	s21 =	sadd.s32 $0x80, s22  }
0x2f: {  	[tilespmem:s10], [sflag:$0x2] =	stream.indirect.gather [hbm4b:s3+s8], $0x80, s21, s8, $0xb8;
	[tilespmem:$0xCA80] =	vst v63  }
0x30: {  	s21 =	sadd.s32 $0x100, s22  }
0x31: {  	[tilespmem:s11], [sflag:$0x3] =	stream.indirect.gather [hbm4b:s3+s8], $0x80, s21, s8, $0xb8;
	[tilespmem:$0xCA80] =	vst v63  }
0x32: {  	_ =	swait.ge [sflag:s12], $0x4000  }
0x33: {  	[sflag:s12] =	ssyncset.done $0x0  }
0x34: {  	s21 =	sadd.s32 $0xFFFFF000, s19;
	[sflag:s12] =	ssyncadd.s32 $0xFFFFC000  }
0x35: {  	[hbm4b:s21+s2] =	stream.linear.scatter [tilespmem:s9], [sflag:$0x4], $0x4000, $0x38;
	[tilespmem:$0xCA80] =	vst v63  }
0x36: {  	_ =	swait.ge [sflag:s13], $0x4000  }
0x37: {  	[sflag:s13] =	ssyncset.done $0x0  }
0x38: {  	s21 =	sadd.s32 $0xFFFFF800, s19;
	[sflag:s13] =	ssyncadd.s32 $0xFFFFC000  }
0x39: {  	[hbm4b:s21+s2] =	stream.linear.scatter [tilespmem:s10], [sflag:$0x5], $0x4000, $0x38;
	[tilespmem:$0xCA80] =	vst v63  }
0x3a: {  	_ =	swait.ge [sflag:s14], $0x4000  }
0x3b: {  	[sflag:s14] =	ssyncset.done $0x0  }
0x3c: {  	[sflag:s14] =	ssyncadd.s32 $0xFFFFC000  }
0x3d: {  	[hbm4b:s19+s2] =	stream.linear.scatter [tilespmem:s11], [sflag:$0x6], $0x4000, $0x38;
	[tilespmem:$0xCA80] =	vst v63  }
0x3e: {  	_ =	swait.ge [sflag:s15], $0x4000  }
0x3f: {  	[sflag:s15] =	ssyncset.done $0x0  }
0x40: {  	[sflag:s15] =	ssyncadd.s32 $0xFFFFC000  }
.Ltmp0:
0x41: {  	_ =	swait.ge [sflag:s16], $0x4000;
	(pc) =	sbr.rel @p0 .LBB2_2-.Ltmp0, $4  }
0x42: {  	[sflag:s16] =	ssyncset.done $0x0  }
0x43: {  	[sflag:s16] =	ssyncadd.s32 $0xFFFFC000  }
0x44: {  	_ =	swait.ge [sflag:s17], $0x4000  }
0x45: {  	s21 =	smov.u32 s23;
	s19 =	sadd.s32 $0x1800, s19;
	[sflag:s17] =	ssyncset.done $0x0  }
0x46: {  	s20 =	sshra.s32 s20, $0x2;
	[sflag:s17] =	ssyncadd.s32 $0xFFFFC000  }
0x47: {  	[tilespmem:s9], [sflag:$0x1] =	stream.indirect.gather [hbm4b:s3+s8], $0x80, s20, s8, $0xb8;
	[tilespmem:$0xCA80] =	vst v63  }
0x48: {  	s21 =	sadd.s32 $0x80, s20  }
0x49: {  	[tilespmem:s10], [sflag:$0x2] =	stream.indirect.gather [hbm4b:s3+s8], $0x80, s21, s8, $0xb8;
	[tilespmem:$0xCA80] =	vst v63  }
0x4a: {  	s20 =	sadd.s32 $0x100, s20  }
0x4b: {  	[tilespmem:s11], [sflag:$0x3] =	stream.indirect.gather [hbm4b:s3+s8], $0x80, s20, s8, $0xb8;
	[tilespmem:$0xCA80] =	vst v63  }
0x4c: {  	_ =	swait.ge [sflag:s12], $0x4000  }
0x4d: {  	[sflag:s12] =	ssyncset.done $0x0  }
0x4e: {  	s30 =	sadd.s32 $0xFFFFF000, s19;
	[sflag:s12] =	ssyncadd.s32 $0xFFFFC000  }
0x4f: {  	[hbm4b:s30+s2] =	stream.linear.scatter [tilespmem:s9], [sflag:$0x4], $0x4000, $0x38;
	[tilespmem:$0xCA80] =	vst v63  }
0x50: {  	_ =	swait.ge [sflag:s13], $0x4000  }
0x51: {  	[sflag:s13] =	ssyncset.done $0x0  }
0x52: {  	s31 =	sadd.s32 $0xFFFFF800, s19;
	[sflag:s13] =	ssyncadd.s32 $0xFFFFC000  }
0x53: {  	[hbm4b:s31+s2] =	stream.linear.scatter [tilespmem:s10], [sflag:$0x5], $0x4000, $0x38;
	[tilespmem:$0xCA80] =	vst v63  }
0x54: {  	_ =	swait.ge [sflag:s14], $0x4000  }
0x55: {  	[sflag:s14] =	ssyncset.done $0x0  }
0x56: {  	[sflag:s14] =	ssyncadd.s32 $0xFFFFC000  }
0x57: {  	[hbm4b:s19+s2] =	stream.linear.scatter [tilespmem:s11], [sflag:$0x6], $0x4000, $0x38;
	[tilespmem:$0xCA80] =	vst v63  }
0x58: {  	_ =	swait.ge [sflag:s15], $0x4000  }
0x59: {  	[sflag:s15] =	ssyncset.done $0x0  }
0x5a: {  	s18 =	sadd.s32 $0x1, s18;
	[sflag:s15] =	ssyncadd.s32 $0xFFFFC000  }
0x5b: {  	p0 =	sne.s32 s18, s5;
	_ =	swait.ge [sflag:s16], $0x4000  }
.Ltmp1:
0x5c: {  	[sflag:s16] =	ssyncset.done $0x0;
	(pc) =	sbr.rel @p0 .LBB2_1-.Ltmp1, $4  }
0x5d: {  	[sflag:s16] =	ssyncadd.s32 $0xFFFFC000  }
0x5e: {  	_ =	swait.ge [sflag:s17], $0x4000  }
0x5f: {  	[sflag:s17] =	ssyncset.done $0x0  }
0x60: {  	[sflag:s17] =	ssyncadd.s32 $0xFFFFC000  }
0x61: {  	_ =	sfence.sel $0x180000  }
0x62: {  	[bflag:$0x0] =	sbarrier.arrive $0xFFFF  }
0x63: {  	p0 =	sne.s32 s1, $0x0;
	_ =	strace $0x9000004A  }
0x64: {  	s0 =	sadd.s32 @!p0 $0x100000, s0;
	[bflag:$0x2] =	sbarrier.arrive $0xFFFF  }
0x65: {  	[sflag:s0] =	ssyncadd.tile.s32 @!p0 $0x1;
	_ =	shalt  }
.Lfunc_end2:
_tile_overlayer_lowered:
.L_overlay_start_2:
0x66: {  	(tag) =	ssettag $0x2  }
0x67: {  	s0 =	rddreg [dreg:$0x0];
	s2 =	stileid.u32  }
0x68: {  	s1 =	rddreg [dreg:$0x1];
	p0 =	sne.s32 s2, $0x0  }
0x69: {  	s3 =	rddreg [dreg:$0x2];
	[bflag:$0x3] =	sbarrier.arrive $0xFFFF;
	s2 =	simm.s32 @!p0 $0x1C07  }
0x6a: {  	[timem:s3], [sflag:s2] =	dma.local @!p0 [hbm:s0], s1  }
0x6b: {  	s0 =	simm.s32 @!p0 $0x7  }
0x6c: {  	_ =	swait.ge @!p0 [sflag:s0], s1  }
0x6d: {  	s1 =	ssub.s32 @!p0 $0x0, s1;
	[sflag:s0] =	ssyncset.done @!p0 $0x0  }
0x6e: {  	[sflag:s0] =	ssyncadd.s32 @!p0 s1  }
0x6f: {  	[bflag:$0x3] =	sbarrier.arrive $0xFFFF  }
0x70: {  	_ =	shalt  }

// kernel: kernel.28.cloned.1.call-start
scs
__scs_entry_jumppad:
0x0: {  	(pc) =	sbr.rel $0x88, $3  }
0x1: {  	(tag) =	ssettag $0x0;
	lr =	simm.s32 $0x1  }
0x2: {  	[smem:$0x3F8D] =	sst lr;
	_ =	strace $0xD0000000  }
0x3: {  	_ = 	snop  }
0x4: {  	_ = 	snop  }
0x5: {  	_ = 	snop  }
0x6: {  	_ = 	snop  }
0x7: {  	_ = 	snop  }
__scs_overlays_trampoline_lowered:
0x8: {  	[smem:$0x3F9C] =	sst s0  }
0x9: {  	[smem:$0x3F9D] =	sst s1  }
0xa: {  	[smem:$0x3F9E] =	sst s2  }
0xb: {  	[smem:$0x3F9F] =	sst s3  }
0xc: {  	[smem:$0x3FA0] =	sst s4  }
0xd: {  	[smem:$0x3FA1] =	sst s5  }
0xe: {  	[smem:$0x3FA2] =	sst s6  }
0xf: {  	[smem:$0x3FA3] =	sst s7  }
0x10: {  	[smem:$0x3FA4] =	sst s8  }
0x11: {  	[smem:$0x3FA5] =	sst s9;
	s0 =	simm.s32 @!p0 $0x0  }
0x12: {  	s1 =	sld [smem:$0x3F8B];
	s0 =	simm.s32 @p0 $0x1  }
0x13: {  	[smem:$0x3FA6] =	sst s0;
	s0 =	simm.s32 @!p1 $0x0  }
0x14: {  	s2 =	sld [smem:$0x3F8A];
	s0 =	simm.s32 @p1 $0x1  }
0x15: {  	[smem:$0x3FA7] =	sst s0;
	s0 =	simm.s32 @!p2 $0x0  }
0x16: {  	s3 =	sld [smem:$0x3FDB];
	s0 =	simm.s32 @p2 $0x1  }
0x17: {  	s4 =	simm.s32 $0x1BF5;
	[smem:$0x3FA9] =	sst s0  }
0x18: {  	s0 =	sld [smem:$0x3F8C];
	_ =	swait.ge [sflag:s4], $0x0  }
0x19: {  	s7 =	sld [smem:$0x3F8D]  }
0x1a: {  	s8 =	sadd.s32 $0xFFFFE003, lr  }
0x1b: {  	s9 =	sadd.s32 $0xFFFFFEF7, lr;
	s5 =	simm.s32 $0xFFFFFFFF;
	p2 =	slt.u32 s8, $0xFFFFF086  }
0x1c: {  	p1 =	slt.u32 s9, $0xF7A;
	s5 =	simm.s32 @!p2 $0x0  }
0x1d: {  	s5 =	simm.s32 @p1 $0x1;
	p0 =	seq.s32 s7, s2  }
0x1e: {  	s7 =	smul.u32 @!p0 $0xF7A, s2;
	p2 =	seq.s32 @!p0 s5, $0x0  }
0x1f: {  	s9 =	smul.u32 $0xF7A, s1;
	s8 =	simm.s32 @!p0 $0x1BF5;
	p2 =	por !p2, p0  }
0x20: {  	[sflag:s8] =	ssyncset.s32 @!p0 $0xFFFFF086;
	s6 =	sadd.s32 @!p0 s3, s7;
	s7 =	simm.s32 @!p0 $0x108  }
0x21: {  	s3 =	sadd.s32 s3, s9;
	s6 =	sadd.s32 @!p0 $0x88, s6;
	s7 =	simm.s32 @p2 $0x1082  }
0x22: {  	[simem:s7], [sflag:s8] =	dma.local @!p0 [hbm:s6], $0xF7A  }
0x23: {  	s9 =	sor.u32 $0xD0000000, s2;
	s6 =	simm.s32 $0x108;
	_ =	swait.ge @!p0 [sflag:s8], $0x0  }
0x24: {  	s3 =	sadd.s32 $0x88, s3;
	s6 =	simm.s32 @!p1 $0x1082;
	[sflag:s4] =	ssyncset.s32 $0xFFFFF086  }
0x25: {  	[simem:s6], [sflag:s4] =	dma.local [hbm:s3], $0xF7A  }
0x26: {  	[smem:$0x3F8D] =	sst s1;
	(tag) =	ssettag s2;
	_ =	strace s9  }
0x27: {  	s1 =	sld [smem:$0x3F9D]  }
0x28: {  	s2 =	sld [smem:$0x3F9E]  }
0x29: {  	s4 =	sld [smem:$0x3FA0]  }
0x2a: {  	p0 =	seq.s32 s5, $0x0;
	s5 =	sld [smem:$0x3FA1]  }
0x2b: {  	s6 =	sld [smem:$0x3FA2]  }
0x2c: {  	s7 =	sld [smem:$0x3FA3]  }
0x2d: {  	s3 =	simm.s32 $0x108;
	s8 =	sld [smem:$0x3FA4]  }
0x2e: {  	s3 =	simm.s32 @!p0 $0x1082;
	s9 =	sld [smem:$0x3FA5]  }
0x2f: {  	lr =	sadd.s32 s0, s3;
	s0 =	sld [smem:$0x3F9C]  }
0x30: {  	s3 =	sld [smem:$0x3F9F]  }
0x31: {  	[smem:$0x3FA8] =	sst s10  }
0x32: {  	s10 =	sld [smem:$0x3FA6];
	_ =	sdelay $0x3  }
0x33: {  	p0 =	seq.s32 s10, $0x1;
	s10 =	sld [smem:$0x3FA8];
	_ =	sdelay $0x3  }
0x34: {  	[smem:$0x3FA8] =	sst s10  }
0x35: {  	s10 =	sld [smem:$0x3FA7];
	_ =	sdelay $0x3  }
0x36: {  	p1 =	seq.s32 s10, $0x1;
	s10 =	sld [smem:$0x3FA8];
	_ =	sdelay $0x3  }
0x37: {  	[smem:$0x3FA8] =	sst s10  }
0x38: {  	s10 =	sld [smem:$0x3FA9]  }
0x39: {  	_ = 	snop;
	(pc) =	sbr.ind lr, $3  }
0x3a: {  	_ = 	snop  }
0x3b: {  	_ = 	snop  }
0x3c: {  	p2 =	seq.s32 s10, $0x1;
	s10 =	sld [smem:$0x3FA8]  }
0x3d: {  	_ =	shalt  }
0x3e: {  	_ =	shalt  }
0x3f: {  	_ =	shalt  }
0x40: {  	_ =	shalt  }
0x41: {  	_ =	shalt  }
0x42: {  	_ =	shalt  }
0x43: {  	_ =	shalt  }
0x44: {  	_ =	shalt  }
0x45: {  	_ =	shalt  }
0x46: {  	_ =	shalt  }
0x47: {  	_ =	shalt  }
0x48: {  	_ =	shalt  }
0x49: {  	_ =	shalt  }
0x4a: {  	_ =	shalt  }
0x4b: {  	_ =	shalt  }
0x4c: {  	_ =	shalt  }
0x4d: {  	_ =	shalt  }
0x4e: {  	_ =	shalt  }
0x4f: {  	_ =	shalt  }
0x50: {  	_ =	shalt  }
0x51: {  	_ =	shalt  }
0x52: {  	_ =	shalt  }
0x53: {  	_ =	shalt  }
0x54: {  	_ =	shalt  }
0x55: {  	_ =	shalt  }
0x56: {  	_ =	shalt  }
0x57: {  	_ =	shalt  }
0x58: {  	_ =	shalt  }
0x59: {  	_ =	shalt  }
0x5a: {  	_ =	shalt  }
0x5b: {  	_ =	shalt  }
0x5c: {  	_ =	shalt  }
0x5d: {  	_ =	shalt  }
0x5e: {  	_ =	shalt  }
0x5f: {  	_ =	shalt  }
0x60: {  	_ =	shalt  }
0x61: {  	_ =	shalt  }
0x62: {  	_ =	shalt  }
0x63: {  	_ =	shalt  }
0x64: {  	_ =	shalt  }
0x65: {  	_ =	shalt  }
0x66: {  	_ =	shalt  }
0x67: {  	_ =	shalt  }
0x68: {  	_ =	shalt  }
0x69: {  	_ =	shalt  }
0x6a: {  	_ =	shalt  }
0x6b: {  	_ =	shalt  }
0x6c: {  	_ =	shalt  }
0x6d: {  	_ =	shalt  }
0x6e: {  	_ =	shalt  }
0x6f: {  	_ =	shalt  }
0x70: {  	_ =	shalt  }
0x71: {  	_ =	shalt  }
0x72: {  	_ =	shalt  }
0x73: {  	_ =	shalt  }
0x74: {  	_ =	shalt  }
0x75: {  	_ =	shalt  }
0x76: {  	_ =	shalt  }
0x77: {  	_ =	shalt  }
0x78: {  	_ =	shalt  }
0x79: {  	_ =	shalt  }
0x7a: {  	_ =	shalt  }
0x7b: {  	_ =	shalt  }
0x7c: {  	_ =	shalt  }
0x7d: {  	_ =	shalt  }
0x7e: {  	_ =	shalt  }
0x7f: {  	_ =	shalt  }
0x80: {  	_ =	shalt  }
0x81: {  	_ =	shalt  }
0x82: {  	_ =	shalt  }
0x83: {  	_ =	shalt  }
0x84: {  	_ =	shalt  }
0x85: {  	_ =	shalt  }
0x86: {  	_ =	shalt  }
0x87: {  	_ =	shalt  }
.Lfunc_end0:
.L_simem_size_0:
called_computation.4_lowered:
.L_overlay_start_0:
0x88: {  	s2 =	sld [smem:$0x3FD9]  }
0x89: {  	s3 =	sld [smem:$0x3FFE];
	_ =	sdelay $0x1  }
0x8a: {  	s1 =	srdreg.scid  }
0x8b: {  	s0 =	sand.u32 $0x1, s1  }
0x8c: {  	s17 =	sshll.u32 s0, $0xA;
	s2 =	sadd.s32 s3, s2  }
0x8d: {  	s2 =	sadd.s32 s2, s17  }
0x8e: {  	[smem:$0x3FB4] =	sst s2  }
0x8f: {  	_ = 	snop  }
0x90: {  	s18 =	sld [smem:$0x3FD0];
	(tm) =	ssettm $0x1  }
0x91: {  	s19 =	sld [smem:$0x3FFB];
	_ =	sdelay $0x3  }
0x92: {  	_ =	strace s19  }
0x93: {  	s2 =	sld [smem:$0x3FFC];
	_ =	sdelay $0x3  }
0x94: {  	_ =	strace s2  }
0x95: {  	s2 =	sld [smem:$0x3FFD];
	_ =	sdelay $0x3  }
0x96: {  	_ =	strace s2  }
0x97: {  	_ =	strace $0x8FFFFFFF  }
0x98: {  	s20 =	sld [smem:$0x3FDB];
	_ =	sdelay $0x1  }
0x99: {  	s4 =	simm.s32 $_scs_section_size  }
0x9a: {  	s5 =	simm.s32 $_size__tile_overlayer_lowered;
	s6 =	simm.s32 $_tile_overlayer_lowered  }
0x9b: {  	s7 =	simm.s32 $0x1BFF;
	s21 =	sshll.u32 s6, $0x1;
	s4 =	sadd.s32 s4, s20  }
0x9c: {  	s22 =	simm.s32 $0x0;
	s5 =	sshll.u32 s5, $0x1;
	s6 =	sadd.s32 s21, s4  }
0x9d: {  	[timem:s22], [sflag:s7] =	dma.local [hbm:s6], s5  }
0x9e: {  	_ =	swait.ge [sflag:s7], s5  }
0x9f: {  	s5 =	ssub.s32 $0x0, s5;
	[sflag:s7] =	ssyncset.done $0x0  }
0xa0: {  	[sflag:s7] =	ssyncadd.s32 s5;
	_ =	sdelay $0x1  }
0xa1: {  	s23 =	simm.s32 $0x1B8B  }
0xa2: {  	_ =	swait.ge [sflag:s23], $0x1  }
0xa3: {  	[sflag:s23] =	ssyncset.done $0x0  }
0xa4: {  	[sflag:s23] =	ssyncadd.s32 $0xFFFFFFFF  }
0xa5: {  	s5 =	sld [smem:$0x0]  }
0xa6: {  	s6 =	sand.u32 $0xFFFFFFFE, s1  }
0xa7: {  	p0 =	sne.s32 s1, s6  }
0xa8: {  	s6 =	sshll.u32 @p0 s6, $0xE  }
0xa9: {  	s6 =	sadd.s32 @p0 $0x11B8D, s6;
	s7 =	sshll.u32 @p0 s5, $0x11  }
0xaa: {  	s6 =	sor.u32 @p0 s7, s6  }
0xab: {  	[sflag:s6] =	ssyncadd.remote.s32 @p0 $0x1;
	_ =	sdelay $0x1  }
0xac: {  	s6 =	simm.s32 @p0 $0x1B8D  }
0xad: {  	_ =	swait.eq @p0 [sflag:s6], $0x1  }
0xae: {  	[sflag:s6] =	ssyncadd.s32 @p0 $0xFFFFFFFF  }
0xaf: {  	s7 =	sshll.u32 @!p0 s1, $0xE  }
0xb0: {  	s7 =	sor.u32 @!p0 $0x4000, s7;
	s6 =	simm.s32 @!p0 $0x1B8D  }
0xb1: {  	s5 =	sshll.u32 @!p0 s5, $0x11;
	s7 =	sadd.s32 @!p0 $0x11B8D, s7;
	_ =	swait.eq @!p0 [sflag:s6], $0x1  }
0xb2: {  	s5 =	sor.u32 @!p0 s5, s7;
	[sflag:s6] =	ssyncadd.s32 @!p0 $0xFFFFFFFF  }
0xb3: {  	s25 =	simm.s32 $0x1B8E;
	s24 =	sld [smem:$0x3FFE];
	[sflag:s5] =	ssyncadd.remote.s32 @!p0 $0x1  }
0xb4: {  	s26 =	simm.s32 $execute0_lowered;
	[smem:$0x3FD2] =	sst s25  }
0xb5: {  	s6 =	sshll.u32 s26, $0x1;
	_ =	strace $0x8000004F;
	[dreg:$0x1] =	wrdreg $0xFFFFFFFF  }
0xb6: {  	s28 =	simm.s32 $_size_execute0_lowered;
	s4 =	sadd.s32 s4, s6;
	[dreg:$0x0] =	wrdreg $0x0  }
0xb7: {  	s6 =	sshll.u32 s28, $0x1;
	[dreg:$0x2] =	wrdreg s4  }
0xb8: {  	[dreg:$0x3] =	wrdreg s6  }
0xb9: {  	[dreg:$0x4] =	wrdreg $0xC0  }
0xba: {  	_ =	task [dreg:s22], $0x5FFFF  }
0xbb: {  	[dreg:$0x1] =	wrdreg $0xFFFFFFFF  }
0xbc: {  	[dreg:$0x0] =	wrdreg $0x60  }
0xbd: {  	[dreg:$0x2] =	wrdreg s24  }
0xbe: {  	[dreg:$0x3] =	wrdreg s18  }
0xbf: {  	[dreg:$0x4] =	wrdreg $0xA  }
0xc0: {  	_ =	task.clear_ibuf [dreg:s22], $0x5FFFF;
	_ =	strace $0x9000004F  }
0xc1: {  	s29 =	simm.s32 $0xA;
	_ =	strace $0x80000051  }
0xc2: {  	_ =	swait.ge [sflag:s29], $0x1  }
0xc3: {  	[sflag:s29] =	ssyncadd.s32 $0xFFFFFFFF  }
0xc4: {  	_ =	strace $0x90000051  }
0xc5: {  	_ =	sfence  }
0xc6: {  	s30 =	sld [smem:$0x0];
	_ =	sdelay $0x2  }
0xc7: {  	s31 =	sshll.u32 s1, $0xD;
	s1 =	sshrl.u32 s1, $0x2  }
0xc8: {  	s4 =	sand.u32 $0x4000, s31;
	s1 =	sadd.s32 s1, s30  }
0xc9: {  	s0 =	sor.u32 s4, s0;
	s1 =	sshll.u32 s1, $0x11  }
0xca: {  	s0 =	sor.u32 s1, s0  }
0xcb: {  	s0 =	sadd.s32 $0x8F2B, s0  }
0xcc: {  	[sflag:s0] =	ssyncadd.remote.s32 $0x1  }
0xcd: {  	_ =	sfence.sel $0xFFFF  }
0xce: {  	[dreg:$0x0] =	wrdreg $0xFFFFFFFF;
	(pc) =	sbr.abs _section_cstart, $3  }
0xcf: {  	[dreg:$0x1] =	wrdreg $0xFFFFFFFF  }
0xd0: {  	_ =	task.clear_ibuf [dreg:s22], $0x2FFFF;
	_ =	strace $0x9FFFFFFF  }
0xd1: {  	(tm) =	ssettm $0x7FFFFFFF  }
tec
execute0_lowered:
.L_overlay_start_1:
0x0: {  	(tag) =	ssettag $0x1  }
0x1: {  	s1 =	srdreg.scid  }
0x2: {  	s0 =	stileid.u32;
	s4 =	rddreg [dreg:$0x0]  }
0x3: {  	s2 =	rddreg [dreg:$0x1];
	s3 =	simm.s32 $0x0;
	s10 =	simm.s32 $0x4A00  }
0x4: {  	s11 =	simm.s32 $0x8A00;
	s12 =	simm.s32 $0xCA00;
	s13 =	simm.s32 $0x1  }
0x5: {  	s14 =	simm.s32 $0x2;
	s15 =	simm.s32 $0x3;
	s16 =	simm.s32 $0x4  }
0x6: {  	s17 =	simm.s32 $0x5;
	s18 =	simm.s32 $0x6;
	s19 =	simm.s32 $0x7  }
0x7: {  	s20 =	simm.s32 $0x8;
	s21 =	simm.s32 $0x0;
	s5 =	sand.u32 $0x1, s1  }
0x8: {  	s30 =	sshll.u32 s0, $0x1;
	s1 =	rddreg [dreg:$0x2];
	s7 =	smul.u32 $0x14000, s0  }
0x9: {  	s6 =	sor.u32 s5, s30;
	s8 =	ssub.s32 $0x2, s5;
	s5 =	smul.u32 $0xA000, s5  }
0xa: {  	[smem:$0x7FF] =	sst s3;
	s6 =	smul.u32 $0xA00, s6;
	s9 =	sshrl.u32 s8, $0x1  }
0xb: {  	_ =	strace $0x80000050;
	s7 =	sadd.s32 s7, s4;
	s31 =	ssub.s32 s8, s9  }
0xc: {  	s7 =	sadd.s32 s5, s7;
	s8 =	simm.s32 $0x80;
	s6 =	sshrl.u32 s6, $0x3  }
0xd: {  	s9 =	simm.s32 $0xA00;
	s5 =	smax.u32 s31, $0x1;
	s4 =	sadd.s32 s6, s4  }
0xe: {  	s6 =	sadd.s32 $0x6BD000, s7;
	s7 =	simm.s32 $0x9;
	s4 =	sadd.s32 $0x26E00, s4  }
.LBB2_1:
0xf: {  	[tilespmem:s3], [sflag:$0x9] =	stream.linear.gather [hbm4b:s4+s3], $0xA00, $0x38;
	[tilespmem:$0x10A00] =	vst v63  }
0x10: {  	_ =	swait.ge [sflag:s7], $0xA00  }
0x11: {  	[sflag:s7] =	ssyncset.done $0x0  }
0x12: {  	s22 =	simm.s32 $0x0;
	[sflag:s7] =	ssyncadd.s32 $0xFFFFF600  }
0x13: {  	[tilespmem:s9], [sflag:$0x1] =	stream.indirect.gather [hbm4b:s2+s8], $0x80, s22, s8, $0xb8;
	[tilespmem:$0x10A00] =	vst v63  }
0x14: {  	s25 =	simm.s32 $0x80  }
0x15: {  	[tilespmem:s10], [sflag:$0x2] =	stream.indirect.gather [hbm4b:s2+s8], $0x80, s25, s8, $0xb8;
	[tilespmem:$0x10A00] =	vst v63  }
0x16: {  	s26 =	simm.s32 $0x100  }
0x17: {  	[tilespmem:s11], [sflag:$0x3] =	stream.indirect.gather [hbm4b:s2+s8], $0x80, s26, s8, $0xb8;
	[tilespmem:$0x10A00] =	vst v63  }
0x18: {  	s28 =	simm.s32 $0x180  }
0x19: {  	[tilespmem:s12], [sflag:$0x4] =	stream.indirect.gather [hbm4b:s2+s8], $0x80, s28, s8, $0xb8;
	[tilespmem:$0x10A00] =	vst v63  }
0x1a: {  	_ =	swait.ge [sflag:s13], $0x4000  }
0x1b: {  	[sflag:s13] =	ssyncset.done $0x0  }
0x1c: {  	s29 =	sadd.s32 $0xFFFFF000, s6;
	[sflag:s13] =	ssyncadd.s32 $0xFFFFC000  }
0x1d: {  	[hbm4b:s29+s3] =	stream.linear.scatter [tilespmem:s9], [sflag:$0x5], $0x4000, $0x38;
	[tilespmem:$0x10A00] =	vst v63  }
0x1e: {  	_ =	swait.ge [sflag:s14], $0x4000  }
0x1f: {  	[sflag:s14] =	ssyncset.done $0x0  }
0x20: {  	s30 =	sadd.s32 $0xFFFFF800, s6;
	[sflag:s14] =	ssyncadd.s32 $0xFFFFC000  }
0x21: {  	[hbm4b:s30+s3] =	stream.linear.scatter [tilespmem:s10], [sflag:$0x6], $0x4000, $0x38;
	[tilespmem:$0x10A00] =	vst v63  }
0x22: {  	_ =	swait.ge [sflag:s15], $0x4000  }
0x23: {  	[sflag:s15] =	ssyncset.done $0x0  }
0x24: {  	[sflag:s15] =	ssyncadd.s32 $0xFFFFC000  }
0x25: {  	[hbm4b:s6+s3] =	stream.linear.scatter [tilespmem:s11], [sflag:$0x7], $0x4000, $0x38;
	[tilespmem:$0x10A00] =	vst v63  }
0x26: {  	_ =	swait.ge [sflag:s16], $0x4000  }
0x27: {  	[sflag:s16] =	ssyncset.done $0x0  }
0x28: {  	s31 =	sadd.s32 $0x800, s6;
	[sflag:s16] =	ssyncadd.s32 $0xFFFFC000  }
0x29: {  	[hbm4b:s31+s3] =	stream.linear.scatter [tilespmem:s12], [sflag:$0x8], $0x4000, $0x38;
	[tilespmem:$0x10A00] =	vst v63  }
0x2a: {  	_ =	swait.ge [sflag:s17], $0x4000  }
0x2b: {  	[sflag:s17] =	ssyncset.done $0x0  }
0x2c: {  	[sflag:s17] =	ssyncadd.s32 $0xFFFFC000  }
0x2d: {  	_ =	swait.ge [sflag:s18], $0x4000  }
0x2e: {  	[sflag:s18] =	ssyncset.done $0x0  }
0x2f: {  	[sflag:s18] =	ssyncadd.s32 $0xFFFFC000  }
0x30: {  	_ =	swait.ge [sflag:s19], $0x4000  }
0x31: {  	[sflag:s19] =	ssyncset.done $0x0  }
0x32: {  	[sflag:s19] =	ssyncadd.s32 $0xFFFFC000  }
0x33: {  	s23 =	simm.s32 $0x800;
	_ =	swait.ge [sflag:s20], $0x4000  }
0x34: {  	s22 =	sadd.s32 $0x2000, s6;
	s25 =	simm.s32 $0x1000;
	[sflag:s20] =	ssyncset.done $0x0  }
.LBB2_2:
0x35: {  	s26 =	sshra.s32 s23, $0x2  }
0x36: {  	[sflag:s20] =	ssyncadd.s32 $0xFFFFC000;
	s23 =	smov.u32 s25;
	s24 =	sadd.s32 $0x800, s25  }
0x37: {  	[tilespmem:s9], [sflag:$0x1] =	stream.indirect.gather [hbm4b:s2+s8], $0x80, s26, s8, $0xb8;
	[tilespmem:$0x10A00] =	vst v63  }
0x38: {  	p0 =	sne.s32 s25, $0x2000;
	s25 =	sadd.s32 $0x80, s26  }
0x39: {  	[tilespmem:s10], [sflag:$0x2] =	stream.indirect.gather [hbm4b:s2+s8], $0x80, s25, s8, $0xb8;
	[tilespmem:$0x10A00] =	vst v63  }
0x3a: {  	s25 =	sadd.s32 $0x100, s26  }
0x3b: {  	[tilespmem:s11], [sflag:$0x3] =	stream.indirect.gather [hbm4b:s2+s8], $0x80, s25, s8, $0xb8;
	[tilespmem:$0x10A00] =	vst v63  }
0x3c: {  	s25 =	sadd.s32 $0x180, s26  }
0x3d: {  	[tilespmem:s12], [sflag:$0x4] =	stream.indirect.gather [hbm4b:s2+s8], $0x80, s25, s8, $0xb8;
	[tilespmem:$0x10A00] =	vst v63  }
0x3e: {  	_ =	swait.ge [sflag:s13], $0x4000  }
0x3f: {  	[sflag:s13] =	ssyncset.done $0x0  }
0x40: {  	s25 =	sadd.s32 $0xFFFFF000, s22;
	[sflag:s13] =	ssyncadd.s32 $0xFFFFC000  }
0x41: {  	[hbm4b:s25+s3] =	stream.linear.scatter [tilespmem:s9], [sflag:$0x5], $0x4000, $0x38;
	[tilespmem:$0x10A00] =	vst v63  }
0x42: {  	_ =	swait.ge [sflag:s14], $0x4000  }
0x43: {  	[sflag:s14] =	ssyncset.done $0x0  }
0x44: {  	s25 =	sadd.s32 $0xFFFFF800, s22;
	[sflag:s14] =	ssyncadd.s32 $0xFFFFC000  }
0x45: {  	[hbm4b:s25+s3] =	stream.linear.scatter [tilespmem:s10], [sflag:$0x6], $0x4000, $0x38;
	[tilespmem:$0x10A00] =	vst v63  }
0x46: {  	_ =	swait.ge [sflag:s15], $0x4000  }
0x47: {  	[sflag:s15] =	ssyncset.done $0x0  }
0x48: {  	[sflag:s15] =	ssyncadd.s32 $0xFFFFC000  }
0x49: {  	[hbm4b:s22+s3] =	stream.linear.scatter [tilespmem:s11], [sflag:$0x7], $0x4000, $0x38;
	[tilespmem:$0x10A00] =	vst v63  }
0x4a: {  	_ =	swait.ge [sflag:s16], $0x4000  }
0x4b: {  	[sflag:s16] =	ssyncset.done $0x0  }
0x4c: {  	s25 =	sadd.s32 $0x800, s22;
	[sflag:s16] =	ssyncadd.s32 $0xFFFFC000  }
0x4d: {  	[hbm4b:s25+s3] =	stream.linear.scatter [tilespmem:s12], [sflag:$0x8], $0x4000, $0x38;
	[tilespmem:$0x10A00] =	vst v63  }
0x4e: {  	_ =	swait.ge [sflag:s17], $0x4000  }
0x4f: {  	[sflag:s17] =	ssyncset.done $0x0  }
0x50: {  	[sflag:s17] =	ssyncadd.s32 $0xFFFFC000  }
0x51: {  	_ =	swait.ge [sflag:s18], $0x4000  }
0x52: {  	[sflag:s18] =	ssyncset.done $0x0  }
0x53: {  	[sflag:s18] =	ssyncadd.s32 $0xFFFFC000  }
.Ltmp0:
0x54: {  	_ =	swait.ge [sflag:s19], $0x4000;
	(pc) =	sbr.rel @p0 .LBB2_2-.Ltmp0, $4  }
0x55: {  	[sflag:s19] =	ssyncset.done $0x0  }
0x56: {  	[sflag:s19] =	ssyncadd.s32 $0xFFFFC000  }
0x57: {  	_ =	swait.ge [sflag:s20], $0x4000  }
0x58: {  	s22 =	sadd.s32 $0x2000, s22;
	s25 =	smov.u32 s24;
	[sflag:s20] =	ssyncset.done $0x0  }
0x59: {  	s23 =	sshra.s32 s23, $0x2;
	[sflag:s20] =	ssyncadd.s32 $0xFFFFC000  }
0x5a: {  	[tilespmem:s9], [sflag:$0x1] =	stream.indirect.gather [hbm4b:s2+s8], $0x80, s23, s8, $0xb8;
	[tilespmem:$0x10A00] =	vst v63  }
0x5b: {  	s24 =	sadd.s32 $0x80, s23  }
0x5c: {  	[tilespmem:s10], [sflag:$0x2] =	stream.indirect.gather [hbm4b:s2+s8], $0x80, s24, s8, $0xb8;
	[tilespmem:$0x10A00] =	vst v63  }
0x5d: {  	s28 =	sadd.s32 $0x100, s23  }
0x5e: {  	[tilespmem:s11], [sflag:$0x3] =	stream.indirect.gather [hbm4b:s2+s8], $0x80, s28, s8, $0xb8;
	[tilespmem:$0x10A00] =	vst v63  }
0x5f: {  	s23 =	sadd.s32 $0x180, s23  }
0x60: {  	[tilespmem:s12], [sflag:$0x4] =	stream.indirect.gather [hbm4b:s2+s8], $0x80, s23, s8, $0xb8;
	[tilespmem:$0x10A00] =	vst v63  }
0x61: {  	_ =	swait.ge [sflag:s13], $0x4000  }
0x62: {  	[sflag:s13] =	ssyncset.done $0x0  }
0x63: {  	s29 =	sadd.s32 $0xFFFFF000, s22;
	[sflag:s13] =	ssyncadd.s32 $0xFFFFC000  }
0x64: {  	[hbm4b:s29+s3] =	stream.linear.scatter [tilespmem:s9], [sflag:$0x5], $0x4000, $0x38;
	[tilespmem:$0x10A00] =	vst v63  }
0x65: {  	_ =	swait.ge [sflag:s14], $0x4000  }
0x66: {  	[sflag:s14] =	ssyncset.done $0x0  }
0x67: {  	s30 =	sadd.s32 $0xFFFFF800, s22;
	[sflag:s14] =	ssyncadd.s32 $0xFFFFC000  }
0x68: {  	[hbm4b:s30+s3] =	stream.linear.scatter [tilespmem:s10], [sflag:$0x6], $0x4000, $0x38;
	[tilespmem:$0x10A00] =	vst v63  }
0x69: {  	_ =	swait.ge [sflag:s15], $0x4000  }
0x6a: {  	[sflag:s15] =	ssyncset.done $0x0  }
0x6b: {  	[sflag:s15] =	ssyncadd.s32 $0xFFFFC000  }
0x6c: {  	[hbm4b:s22+s3] =	stream.linear.scatter [tilespmem:s11], [sflag:$0x7], $0x4000, $0x38;
	[tilespmem:$0x10A00] =	vst v63  }
0x6d: {  	_ =	swait.ge [sflag:s16], $0x4000  }
0x6e: {  	[sflag:s16] =	ssyncset.done $0x0  }
0x6f: {  	s31 =	sadd.s32 $0x800, s22;
	[sflag:s16] =	ssyncadd.s32 $0xFFFFC000  }
0x70: {  	[hbm4b:s31+s3] =	stream.linear.scatter [tilespmem:s12], [sflag:$0x8], $0x4000, $0x38;
	[tilespmem:$0x10A00] =	vst v63  }
0x71: {  	_ =	swait.ge [sflag:s17], $0x4000  }
0x72: {  	[sflag:s17] =	ssyncset.done $0x0  }
0x73: {  	[sflag:s17] =	ssyncadd.s32 $0xFFFFC000  }
0x74: {  	_ =	swait.ge [sflag:s18], $0x4000  }
0x75: {  	[sflag:s18] =	ssyncset.done $0x0  }
0x76: {  	s21 =	sadd.s32 $0x1, s21;
	[sflag:s18] =	ssyncadd.s32 $0xFFFFC000  }
0x77: {  	p0 =	sne.s32 s21, s5;
	_ =	swait.ge [sflag:s19], $0x4000  }
.Ltmp1:
0x78: {  	[sflag:s19] =	ssyncset.done $0x0;
	(pc) =	sbr.rel @p0 .LBB2_1-.Ltmp1, $4  }
0x79: {  	[sflag:s19] =	ssyncadd.s32 $0xFFFFC000  }
0x7a: {  	_ =	swait.ge [sflag:s20], $0x4000  }
0x7b: {  	[sflag:s20] =	ssyncset.done $0x0  }
0x7c: {  	[sflag:s20] =	ssyncadd.s32 $0xFFFFC000  }
0x7d: {  	_ =	sfence.sel $0x180000  }
0x7e: {  	[bflag:$0x0] =	sbarrier.arrive $0xFFFF  }
0x7f: {  	p0 =	sne.s32 s0, $0x0;
	_ =	strace $0x90000050  }
0x80: {  	s0 =	sadd.s32 @!p0 $0x100000, s1;
	[bflag:$0x2] =	sbarrier.arrive $0xFFFF  }
0x81: {  	[sflag:s0] =	ssyncadd.tile.s32 @!p0 $0x1;
	_ =	shalt  }
.Lfunc_end2:
_tile_overlayer_lowered:
.L_overlay_start_2:
0x82: {  	(tag) =	ssettag $0x2  }
0x83: {  	s0 =	rddreg [dreg:$0x0];
	s2 =	stileid.u32  }
0x84: {  	s1 =	rddreg [dreg:$0x1];
	p0 =	sne.s32 s2, $0x0  }
0x85: {  	s3 =	rddreg [dreg:$0x2];
	[bflag:$0x3] =	sbarrier.arrive $0xFFFF;
	s2 =	simm.s32 @!p0 $0x1C09  }
0x86: {  	[timem:s3], [sflag:s2] =	dma.local @!p0 [hbm:s0], s1  }
0x87: {  	s0 =	simm.s32 @!p0 $0x9  }
0x88: {  	_ =	swait.ge @!p0 [sflag:s0], s1  }
0x89: {  	s1 =	ssub.s32 @!p0 $0x0, s1;
	[sflag:s0] =	ssyncset.done @!p0 $0x0  }
0x8a: {  	[sflag:s0] =	ssyncadd.s32 @!p0 s1  }
0x8b: {  	[bflag:$0x3] =	sbarrier.arrive $0xFFFF  }
0x8c: {  	_ =	shalt  }

// kernel: kernel.31.cloned.1.call-start
scs
__scs_entry_jumppad:
0x0: {  	(pc) =	sbr.rel $0x88, $3  }
0x1: {  	(tag) =	ssettag $0x0;
	lr =	simm.s32 $0x1  }
0x2: {  	[smem:$0x3F8D] =	sst lr;
	_ =	strace $0xD0000000  }
0x3: {  	_ = 	snop  }
0x4: {  	_ = 	snop  }
0x5: {  	_ = 	snop  }
0x6: {  	_ = 	snop  }
0x7: {  	_ = 	snop  }
__scs_overlays_trampoline_lowered:
0x8: {  	[smem:$0x3F9C] =	sst s0  }
0x9: {  	[smem:$0x3F9D] =	sst s1  }
0xa: {  	[smem:$0x3F9E] =	sst s2  }
0xb: {  	[smem:$0x3F9F] =	sst s3  }
0xc: {  	[smem:$0x3FA0] =	sst s4  }
0xd: {  	[smem:$0x3FA1] =	sst s5  }
0xe: {  	[smem:$0x3FA2] =	sst s6  }
0xf: {  	[smem:$0x3FA3] =	sst s7  }
0x10: {  	[smem:$0x3FA4] =	sst s8  }
0x11: {  	[smem:$0x3FA5] =	sst s9;
	s0 =	simm.s32 @!p0 $0x0  }
0x12: {  	s1 =	sld [smem:$0x3F8B];
	s0 =	simm.s32 @p0 $0x1  }
0x13: {  	[smem:$0x3FA6] =	sst s0;
	s0 =	simm.s32 @!p1 $0x0  }
0x14: {  	s2 =	sld [smem:$0x3F8A];
	s0 =	simm.s32 @p1 $0x1  }
0x15: {  	[smem:$0x3FA7] =	sst s0;
	s0 =	simm.s32 @!p2 $0x0  }
0x16: {  	s3 =	sld [smem:$0x3FDB];
	s0 =	simm.s32 @p2 $0x1  }
0x17: {  	s4 =	simm.s32 $0x1BF5;
	[smem:$0x3FA9] =	sst s0  }
0x18: {  	s0 =	sld [smem:$0x3F8C];
	_ =	swait.ge [sflag:s4], $0x0  }
0x19: {  	s7 =	sld [smem:$0x3F8D]  }
0x1a: {  	s8 =	sadd.s32 $0xFFFFE003, lr  }
0x1b: {  	s9 =	sadd.s32 $0xFFFFFEF7, lr;
	s5 =	simm.s32 $0xFFFFFFFF;
	p2 =	slt.u32 s8, $0xFFFFF086  }
0x1c: {  	p1 =	slt.u32 s9, $0xF7A;
	s5 =	simm.s32 @!p2 $0x0  }
0x1d: {  	s5 =	simm.s32 @p1 $0x1;
	p0 =	seq.s32 s7, s2  }
0x1e: {  	s7 =	smul.u32 @!p0 $0xF7A, s2;
	p2 =	seq.s32 @!p0 s5, $0x0  }
0x1f: {  	s9 =	smul.u32 $0xF7A, s1;
	s8 =	simm.s32 @!p0 $0x1BF5;
	p2 =	por !p2, p0  }
0x20: {  	[sflag:s8] =	ssyncset.s32 @!p0 $0xFFFFF086;
	s6 =	sadd.s32 @!p0 s3, s7;
	s7 =	simm.s32 @!p0 $0x108  }
0x21: {  	s3 =	sadd.s32 s3, s9;
	s6 =	sadd.s32 @!p0 $0x88, s6;
	s7 =	simm.s32 @p2 $0x1082  }
0x22: {  	[simem:s7], [sflag:s8] =	dma.local @!p0 [hbm:s6], $0xF7A  }
0x23: {  	s9 =	sor.u32 $0xD0000000, s2;
	s6 =	simm.s32 $0x108;
	_ =	swait.ge @!p0 [sflag:s8], $0x0  }
0x24: {  	s3 =	sadd.s32 $0x88, s3;
	s6 =	simm.s32 @!p1 $0x1082;
	[sflag:s4] =	ssyncset.s32 $0xFFFFF086  }
0x25: {  	[simem:s6], [sflag:s4] =	dma.local [hbm:s3], $0xF7A  }
0x26: {  	[smem:$0x3F8D] =	sst s1;
	(tag) =	ssettag s2;
	_ =	strace s9  }
0x27: {  	s1 =	sld [smem:$0x3F9D]  }
0x28: {  	s2 =	sld [smem:$0x3F9E]  }
0x29: {  	s4 =	sld [smem:$0x3FA0]  }
0x2a: {  	p0 =	seq.s32 s5, $0x0;
	s5 =	sld [smem:$0x3FA1]  }
0x2b: {  	s6 =	sld [smem:$0x3FA2]  }
0x2c: {  	s7 =	sld [smem:$0x3FA3]  }
0x2d: {  	s3 =	simm.s32 $0x108;
	s8 =	sld [smem:$0x3FA4]  }
0x2e: {  	s3 =	simm.s32 @!p0 $0x1082;
	s9 =	sld [smem:$0x3FA5]  }
0x2f: {  	lr =	sadd.s32 s0, s3;
	s0 =	sld [smem:$0x3F9C]  }
0x30: {  	s3 =	sld [smem:$0x3F9F]  }
0x31: {  	[smem:$0x3FA8] =	sst s10  }
0x32: {  	s10 =	sld [smem:$0x3FA6];
	_ =	sdelay $0x3  }
0x33: {  	p0 =	seq.s32 s10, $0x1;
	s10 =	sld [smem:$0x3FA8];
	_ =	sdelay $0x3  }
0x34: {  	[smem:$0x3FA8] =	sst s10  }
0x35: {  	s10 =	sld [smem:$0x3FA7];
	_ =	sdelay $0x3  }
0x36: {  	p1 =	seq.s32 s10, $0x1;
	s10 =	sld [smem:$0x3FA8];
	_ =	sdelay $0x3  }
0x37: {  	[smem:$0x3FA8] =	sst s10  }
0x38: {  	s10 =	sld [smem:$0x3FA9]  }
0x39: {  	_ = 	snop;
	(pc) =	sbr.ind lr, $3  }
0x3a: {  	_ = 	snop  }
0x3b: {  	_ = 	snop  }
0x3c: {  	p2 =	seq.s32 s10, $0x1;
	s10 =	sld [smem:$0x3FA8]  }
0x3d: {  	_ =	shalt  }
0x3e: {  	_ =	shalt  }
0x3f: {  	_ =	shalt  }
0x40: {  	_ =	shalt  }
0x41: {  	_ =	shalt  }
0x42: {  	_ =	shalt  }
0x43: {  	_ =	shalt  }
0x44: {  	_ =	shalt  }
0x45: {  	_ =	shalt  }
0x46: {  	_ =	shalt  }
0x47: {  	_ =	shalt  }
0x48: {  	_ =	shalt  }
0x49: {  	_ =	shalt  }
0x4a: {  	_ =	shalt  }
0x4b: {  	_ =	shalt  }
0x4c: {  	_ =	shalt  }
0x4d: {  	_ =	shalt  }
0x4e: {  	_ =	shalt  }
0x4f: {  	_ =	shalt  }
0x50: {  	_ =	shalt  }
0x51: {  	_ =	shalt  }
0x52: {  	_ =	shalt  }
0x53: {  	_ =	shalt  }
0x54: {  	_ =	shalt  }
0x55: {  	_ =	shalt  }
0x56: {  	_ =	shalt  }
0x57: {  	_ =	shalt  }
0x58: {  	_ =	shalt  }
0x59: {  	_ =	shalt  }
0x5a: {  	_ =	shalt  }
0x5b: {  	_ =	shalt  }
0x5c: {  	_ =	shalt  }
0x5d: {  	_ =	shalt  }
0x5e: {  	_ =	shalt  }
0x5f: {  	_ =	shalt  }
0x60: {  	_ =	shalt  }
0x61: {  	_ =	shalt  }
0x62: {  	_ =	shalt  }
0x63: {  	_ =	shalt  }
0x64: {  	_ =	shalt  }
0x65: {  	_ =	shalt  }
0x66: {  	_ =	shalt  }
0x67: {  	_ =	shalt  }
0x68: {  	_ =	shalt  }
0x69: {  	_ =	shalt  }
0x6a: {  	_ =	shalt  }
0x6b: {  	_ =	shalt  }
0x6c: {  	_ =	shalt  }
0x6d: {  	_ =	shalt  }
0x6e: {  	_ =	shalt  }
0x6f: {  	_ =	shalt  }
0x70: {  	_ =	shalt  }
0x71: {  	_ =	shalt  }
0x72: {  	_ =	shalt  }
0x73: {  	_ =	shalt  }
0x74: {  	_ =	shalt  }
0x75: {  	_ =	shalt  }
0x76: {  	_ =	shalt  }
0x77: {  	_ =	shalt  }
0x78: {  	_ =	shalt  }
0x79: {  	_ =	shalt  }
0x7a: {  	_ =	shalt  }
0x7b: {  	_ =	shalt  }
0x7c: {  	_ =	shalt  }
0x7d: {  	_ =	shalt  }
0x7e: {  	_ =	shalt  }
0x7f: {  	_ =	shalt  }
0x80: {  	_ =	shalt  }
0x81: {  	_ =	shalt  }
0x82: {  	_ =	shalt  }
0x83: {  	_ =	shalt  }
0x84: {  	_ =	shalt  }
0x85: {  	_ =	shalt  }
0x86: {  	_ =	shalt  }
0x87: {  	_ =	shalt  }
.Lfunc_end0:
.L_simem_size_0:
called_computation.5_lowered:
.L_overlay_start_0:
0x88: {  	s2 =	sld [smem:$0x3FD9]  }
0x89: {  	s3 =	sld [smem:$0x3FFE];
	_ =	sdelay $0x1  }
0x8a: {  	s1 =	srdreg.scid  }
0x8b: {  	s0 =	sand.u32 $0x1, s1  }
0x8c: {  	s17 =	sshll.u32 s0, $0xA;
	s2 =	sadd.s32 s3, s2  }
0x8d: {  	s2 =	sadd.s32 s2, s17  }
0x8e: {  	[smem:$0x3FB4] =	sst s2  }
0x8f: {  	_ = 	snop  }
0x90: {  	s18 =	sld [smem:$0x3FD0];
	(tm) =	ssettm $0x1  }
0x91: {  	s19 =	sld [smem:$0x3FFB];
	_ =	sdelay $0x3  }
0x92: {  	_ =	strace s19  }
0x93: {  	s2 =	sld [smem:$0x3FFC];
	_ =	sdelay $0x3  }
0x94: {  	_ =	strace s2  }
0x95: {  	s2 =	sld [smem:$0x3FFD];
	_ =	sdelay $0x3  }
0x96: {  	_ =	strace s2  }
0x97: {  	_ =	strace $0x8FFFFFFF  }
0x98: {  	s20 =	sld [smem:$0x3FDB];
	_ =	sdelay $0x1  }
0x99: {  	s4 =	simm.s32 $_scs_section_size  }
0x9a: {  	s5 =	simm.s32 $_size__tile_overlayer_lowered;
	s6 =	simm.s32 $_tile_overlayer_lowered  }
0x9b: {  	s7 =	simm.s32 $0x1BFF;
	s21 =	sshll.u32 s6, $0x1;
	s4 =	sadd.s32 s4, s20  }
0x9c: {  	s22 =	simm.s32 $0x0;
	s5 =	sshll.u32 s5, $0x1;
	s6 =	sadd.s32 s21, s4  }
0x9d: {  	[timem:s22], [sflag:s7] =	dma.local [hbm:s6], s5  }
0x9e: {  	_ =	swait.ge [sflag:s7], s5  }
0x9f: {  	s5 =	ssub.s32 $0x0, s5;
	[sflag:s7] =	ssyncset.done $0x0  }
0xa0: {  	[sflag:s7] =	ssyncadd.s32 s5;
	_ =	sdelay $0x1  }
0xa1: {  	s23 =	simm.s32 $0x1B8B  }
0xa2: {  	_ =	swait.ge [sflag:s23], $0x1  }
0xa3: {  	[sflag:s23] =	ssyncset.done $0x0  }
0xa4: {  	[sflag:s23] =	ssyncadd.s32 $0xFFFFFFFF  }
0xa5: {  	s5 =	sld [smem:$0x0]  }
0xa6: {  	s6 =	sand.u32 $0xFFFFFFFE, s1  }
0xa7: {  	p0 =	sne.s32 s1, s6  }
0xa8: {  	s6 =	sshll.u32 @p0 s6, $0xE  }
0xa9: {  	s6 =	sadd.s32 @p0 $0x11B8D, s6;
	s7 =	sshll.u32 @p0 s5, $0x11  }
0xaa: {  	s6 =	sor.u32 @p0 s7, s6  }
0xab: {  	[sflag:s6] =	ssyncadd.remote.s32 @p0 $0x1;
	_ =	sdelay $0x1  }
0xac: {  	s6 =	simm.s32 @p0 $0x1B8D  }
0xad: {  	_ =	swait.eq @p0 [sflag:s6], $0x1  }
0xae: {  	[sflag:s6] =	ssyncadd.s32 @p0 $0xFFFFFFFF  }
0xaf: {  	s7 =	sshll.u32 @!p0 s1, $0xE  }
0xb0: {  	s7 =	sor.u32 @!p0 $0x4000, s7;
	s6 =	simm.s32 @!p0 $0x1B8D  }
0xb1: {  	s5 =	sshll.u32 @!p0 s5, $0x11;
	s7 =	sadd.s32 @!p0 $0x11B8D, s7;
	_ =	swait.eq @!p0 [sflag:s6], $0x1  }
0xb2: {  	s5 =	sor.u32 @!p0 s5, s7;
	[sflag:s6] =	ssyncadd.s32 @!p0 $0xFFFFFFFF  }
0xb3: {  	s25 =	simm.s32 $0x1B8E;
	s24 =	sld [smem:$0x3FFE];
	[sflag:s5] =	ssyncadd.remote.s32 @!p0 $0x1  }
0xb4: {  	s26 =	simm.s32 $execute0_lowered;
	[smem:$0x3FD2] =	sst s25  }
0xb5: {  	s6 =	sshll.u32 s26, $0x1;
	_ =	strace $0x80000055;
	[dreg:$0x1] =	wrdreg $0xFFFFFFFF  }
0xb6: {  	s28 =	simm.s32 $_size_execute0_lowered;
	s4 =	sadd.s32 s4, s6;
	[dreg:$0x0] =	wrdreg $0x0  }
0xb7: {  	s6 =	sshll.u32 s28, $0x1;
	[dreg:$0x2] =	wrdreg s4  }
0xb8: {  	[dreg:$0x3] =	wrdreg s6  }
0xb9: {  	[dreg:$0x4] =	wrdreg $0xC0  }
0xba: {  	_ =	task [dreg:s22], $0x5FFFF  }
0xbb: {  	[dreg:$0x1] =	wrdreg $0xFFFFFFFF  }
0xbc: {  	[dreg:$0x0] =	wrdreg $0x60  }
0xbd: {  	[dreg:$0x2] =	wrdreg s24  }
0xbe: {  	[dreg:$0x3] =	wrdreg s18  }
0xbf: {  	[dreg:$0x4] =	wrdreg $0xA  }
0xc0: {  	_ =	task.clear_ibuf [dreg:s22], $0x5FFFF;
	_ =	strace $0x90000055  }
0xc1: {  	s29 =	simm.s32 $0xA;
	_ =	strace $0x80000057  }
0xc2: {  	_ =	swait.ge [sflag:s29], $0x1  }
0xc3: {  	[sflag:s29] =	ssyncadd.s32 $0xFFFFFFFF  }
0xc4: {  	_ =	strace $0x90000057  }
0xc5: {  	_ =	sfence  }
0xc6: {  	s30 =	sld [smem:$0x0];
	_ =	sdelay $0x2  }
0xc7: {  	s31 =	sshll.u32 s1, $0xD;
	s1 =	sshrl.u32 s1, $0x2  }
0xc8: {  	s4 =	sand.u32 $0x4000, s31;
	s1 =	sadd.s32 s1, s30  }
0xc9: {  	s0 =	sor.u32 s4, s0;
	s1 =	sshll.u32 s1, $0x11  }
0xca: {  	s0 =	sor.u32 s1, s0  }
0xcb: {  	s0 =	sadd.s32 $0x8F2B, s0  }
0xcc: {  	[sflag:s0] =	ssyncadd.remote.s32 $0x1  }
0xcd: {  	_ =	sfence.sel $0xFFFF  }
0xce: {  	[dreg:$0x0] =	wrdreg $0xFFFFFFFF;
	(pc) =	sbr.abs _section_cstart, $3  }
0xcf: {  	[dreg:$0x1] =	wrdreg $0xFFFFFFFF  }
0xd0: {  	_ =	task.clear_ibuf [dreg:s22], $0x2FFFF;
	_ =	strace $0x9FFFFFFF  }
0xd1: {  	(tm) =	ssettm $0x7FFFFFFF  }
tec
execute0_lowered:
.L_overlay_start_1:
0x0: {  	(tag) =	ssettag $0x1  }
0x1: {  	s0 =	rddreg [dreg:$0x0]  }
0x2: {  	s2 =	rddreg [dreg:$0x1]  }
0x3: {  	s1 =	srdreg.scid;
	s6 =	stileid.u32;
	s3 =	simm.s32 $0x0  }
0x4: {  	s11 =	simm.s32 $0x1000;
	s13 =	simm.s32 $0x1800;
	s15 =	simm.s32 $0x2000  }
0x5: {  	s16 =	simm.s32 $0x2800;
	s17 =	simm.s32 $0x3000;
	[smem:$0x7FF] =	sst s3  }
0x6: {  	s18 =	simm.s32 $0x3800;
	_ =	strace $0x80000056;
	[dreg:$0x4] =	wrdreg s11  }
0x7: {  	s19 =	simm.s32 $0x4000;
	s21 =	simm.s32 $0x4800;
	[dreg:$0x5] =	wrdreg s13  }
0x8: {  	s22 =	simm.s32 $0x5000;
	s23 =	simm.s32 $0x5800;
	[dreg:$0x6] =	wrdreg s15  }
0x9: {  	s24 =	simm.s32 $0x6000;
	s25 =	simm.s32 $0x6800;
	[dreg:$0x7] =	wrdreg s16  }
0xa: {  	s7 =	simm.s32 $0x800;
	s26 =	simm.s32 $0x7000;
	[dreg:$0x8] =	wrdreg s17  }
0xb: {  	s8 =	simm.s32 $0x7800;
	s9 =	simm.s32 $0x8000;
	[dreg:$0x9] =	wrdreg s18  }
0xc: {  	s10 =	simm.s32 $0x8800;
	s28 =	simm.s32 $0x2;
	[dreg:$0xa] =	wrdreg s19  }
0xd: {  	s29 =	simm.s32 $0x3;
	s30 =	simm.s32 $0x4;
	[dreg:$0xb] =	wrdreg s21  }
0xe: {  	s31 =	simm.s32 $0x0;
	s1 =	sand.u32 $0x1, s1;
	[dreg:$0xc] =	wrdreg s22  }
0xf: {  	s4 =	sshll.u32 s6, $0x11;
	s12 =	sshll.u32 s6, $0xC;
	[dreg:$0xd] =	wrdreg s23  }
0x10: {  	s6 =	simm.s32 $0x5;
	s4 =	sadd.s32 s4, s0;
	[dreg:$0xe] =	wrdreg s24  }
0x11: {  	s5 =	sshll.u32 s1, $0x10;
	s14 =	sshll.u32 s1, $0xB;
	[dreg:$0xf] =	wrdreg s25  }
0x12: {  	s1 =	ssub.s32 $0x2, s1;
	[dreg:$0x10] =	wrdreg s26;
	s11 =	simm.s32 $0x9000  }
0x13: {  	s13 =	simm.s32 $0xA000;
	s15 =	simm.s32 $0xB000;
	s16 =	simm.s32 $0xB800  }
0x14: {  	s17 =	simm.s32 $0xC000;
	s18 =	simm.s32 $0xC800;
	s19 =	simm.s32 $0xD000  }
0x15: {  	s21 =	simm.s32 $0xE000;
	s22 =	simm.s32 $0xE800;
	s23 =	simm.s32 $0xF000  }
0x16: {  	s24 =	simm.s32 $0xF800;
	s25 =	simm.s32 $0x10000;
	s26 =	simm.s32 $0x1  }
0x17: {  	s4 =	sadd.s32 s5, s4;
	s5 =	sor.u32 s14, s12;
	s20 =	sshrl.u32 s1, $0x1  }
0x18: {  	s4 =	sadd.s32 $0x519800, s4;
	s5 =	sshrl.u32 s5, $0x3;
	s1 =	ssub.s32 s1, s20  }
0x19: {  	v2 =	vlaneseq.u32;
	[dreg:$0x3] =	wrdreg s4;
	s0 =	sadd.s32 s5, s0;
	s1 =	smax.u32 s1, $0x1  }
0x1a: {  	vm0 =	vmmov $0xffff;
	v1 =	vshrl.u32 v2, $0x3;
	s12 =	simm.s32 $0x9800;
	s0 =	sadd.s32 $0x179800, s0;
	[dreg:$0x12] =	wrdreg s1  }
0x1b: {  	v0 =	vand.u32 $0x7, v2;
	v2 =	vor.u32 $0x8, v2;
	v1 =	vmul.u32 $0x8, v1;
	s14 =	simm.s32 $0xA800;
	s20 =	simm.s32 $0xD800;
	[dreg:$0x11] =	wrdreg s0  }
.LBB2_1:
0x1c: {  	s0 =	rddreg [dreg:$0x11]  }
0x1d: {  	[tilespmem:s3], [sflag:$0x5] =	stream.linear.gather [hbm4b:s0+s3], $0x800, $0x38;
	[tilespmem:$0x10800] =	vst v63  }
0x1e: {  	_ =	swait.ge [sflag:s6], $0x800  }
0x1f: {  	[sflag:s6] =	ssyncset.done $0x0  }
0x20: {  	s1 =	simm.s32 $0x0;
	s0 =	simm.s32 $0x80;
	[sflag:s6] =	ssyncadd.s32 $0xFFFFF800  }
.LBB2_2:
0x21: {  	v3 =	vld [tilespmem:s0+$0xFFFFFF80];
	_ =	sdelay $0x4  }
0x22: {  	v4 =	vshll.u32 v3, $0x1  }
0x23: {  	v3 =	vand.u32 $0x7, v3;
	v4 =	vand.u32 $0xFFFFFFF0, v4  }
0x24: {  	v3 =	vor.u32 v3, v4  }
0x25: {  	v4 =	vperm.xlane v3, v0;
	_ =	sdelay $0x1  }
0x26: {  	v3 =	vperm.xlane v3, v2;
	v4 =	vadd.s32 v1, v4;
	_ =	sdelay $0x1  }
0x27: {  	v3 =	vadd.s32 v1, v3;
	_ =	sdelay $0x2  }
0x28: {  	[tilespmem:s7], [sflag:$0x1] =	stream.indirect_vreg.gather [hbm4b:s2+s3], $0x80, v4, vm0, $0xb8;
	[tilespmem:$0x10800] =	vst v63  }
0x29: {  	s4 =	rddreg [dreg:$0x4]  }
0x2a: {  	[tilespmem:s4], [sflag:$0x1] =	stream.indirect_vreg.gather [hbm4b:s2+s3], $0x80, v3, vm0, $0xb8;
	[tilespmem:$0x10800] =	vst v63  }
0x2b: {  	v3 =	vld [tilespmem:s0+$0xFFFFFF90];
	_ =	sdelay $0x4  }
0x2c: {  	v49 =	vshll.u32 v3, $0x1  }
0x2d: {  	v3 =	vand.u32 $0x7, v3;
	v4 =	vand.u32 $0xFFFFFFF0, v49  }
0x2e: {  	v3 =	vor.u32 v3, v4  }
0x2f: {  	v4 =	vperm.xlane v3, v0;
	_ =	sdelay $0x1  }
0x30: {  	v3 =	vperm.xlane v3, v2;
	v4 =	vadd.s32 v1, v4;
	_ =	sdelay $0x1  }
0x31: {  	v3 =	vadd.s32 v1, v3;
	_ =	sdelay $0x1  }
0x32: {  	s4 =	rddreg [dreg:$0x5]  }
0x33: {  	[tilespmem:s4], [sflag:$0x1] =	stream.indirect_vreg.gather [hbm4b:s2+s3], $0x80, v4, vm0, $0xb8;
	[tilespmem:$0x10800] =	vst v63  }
0x34: {  	s5 =	rddreg [dreg:$0x6]  }
0x35: {  	[tilespmem:s5], [sflag:$0x1] =	stream.indirect_vreg.gather [hbm4b:s2+s3], $0x80, v3, vm0, $0xb8;
	[tilespmem:$0x10800] =	vst v63  }
0x36: {  	v3 =	vld [tilespmem:s0+$0xFFFFFFA0];
	_ =	sdelay $0x4  }
0x37: {  	v50 =	vshll.u32 v3, $0x1  }
0x38: {  	v3 =	vand.u32 $0x7, v3;
	v4 =	vand.u32 $0xFFFFFFF0, v50  }
0x39: {  	v3 =	vor.u32 v3, v4  }
0x3a: {  	v4 =	vperm.xlane v3, v0;
	_ =	sdelay $0x1  }
0x3b: {  	v3 =	vperm.xlane v3, v2;
	v4 =	vadd.s32 v1, v4;
	_ =	sdelay $0x1  }
0x3c: {  	v3 =	vadd.s32 v1, v3;
	_ =	sdelay $0x1  }
0x3d: {  	s4 =	rddreg [dreg:$0x7]  }
0x3e: {  	[tilespmem:s4], [sflag:$0x1] =	stream.indirect_vreg.gather [hbm4b:s2+s3], $0x80, v4, vm0, $0xb8;
	[tilespmem:$0x10800] =	vst v63  }
0x3f: {  	s5 =	rddreg [dreg:$0x8]  }
0x40: {  	[tilespmem:s5], [sflag:$0x1] =	stream.indirect_vreg.gather [hbm4b:s2+s3], $0x80, v3, vm0, $0xb8;
	[tilespmem:$0x10800] =	vst v63  }
0x41: {  	v3 =	vld [tilespmem:s0+$0xFFFFFFB0];
	_ =	sdelay $0x4  }
0x42: {  	v51 =	vshll.u32 v3, $0x1  }
0x43: {  	v3 =	vand.u32 $0x7, v3;
	v4 =	vand.u32 $0xFFFFFFF0, v51  }
0x44: {  	v3 =	vor.u32 v3, v4  }
0x45: {  	v4 =	vperm.xlane v3, v0;
	_ =	sdelay $0x1  }
0x46: {  	v3 =	vperm.xlane v3, v2;
	v4 =	vadd.s32 v1, v4;
	_ =	sdelay $0x1  }
0x47: {  	v3 =	vadd.s32 v1, v3;
	_ =	sdelay $0x1  }
0x48: {  	s4 =	rddreg [dreg:$0x9]  }
0x49: {  	[tilespmem:s4], [sflag:$0x1] =	stream.indirect_vreg.gather [hbm4b:s2+s3], $0x80, v4, vm0, $0xb8;
	[tilespmem:$0x10800] =	vst v63  }
0x4a: {  	s5 =	rddreg [dreg:$0xa]  }
0x4b: {  	[tilespmem:s5], [sflag:$0x1] =	stream.indirect_vreg.gather [hbm4b:s2+s3], $0x80, v3, vm0, $0xb8;
	[tilespmem:$0x10800] =	vst v63  }
0x4c: {  	v3 =	vld [tilespmem:s0+$0xFFFFFFC0];
	_ =	sdelay $0x4  }
0x4d: {  	v52 =	vshll.u32 v3, $0x1  }
0x4e: {  	v3 =	vand.u32 $0x7, v3;
	v4 =	vand.u32 $0xFFFFFFF0, v52  }
0x4f: {  	v3 =	vor.u32 v3, v4  }
0x50: {  	v4 =	vperm.xlane v3, v0;
	_ =	sdelay $0x1  }
0x51: {  	v3 =	vperm.xlane v3, v2;
	v4 =	vadd.s32 v1, v4;
	_ =	sdelay $0x1  }
0x52: {  	v3 =	vadd.s32 v1, v3;
	_ =	sdelay $0x1  }
0x53: {  	s4 =	rddreg [dreg:$0xb]  }
0x54: {  	[tilespmem:s4], [sflag:$0x1] =	stream.indirect_vreg.gather [hbm4b:s2+s3], $0x80, v4, vm0, $0xb8;
	[tilespmem:$0x10800] =	vst v63  }
0x55: {  	s5 =	rddreg [dreg:$0xc]  }
0x56: {  	[tilespmem:s5], [sflag:$0x1] =	stream.indirect_vreg.gather [hbm4b:s2+s3], $0x80, v3, vm0, $0xb8;
	[tilespmem:$0x10800] =	vst v63  }
0x57: {  	v3 =	vld [tilespmem:s0+$0xFFFFFFD0];
	_ =	sdelay $0x4  }
0x58: {  	v53 =	vshll.u32 v3, $0x1  }
0x59: {  	v3 =	vand.u32 $0x7, v3;
	v4 =	vand.u32 $0xFFFFFFF0, v53  }
0x5a: {  	v3 =	vor.u32 v3, v4  }
0x5b: {  	v4 =	vperm.xlane v3, v0;
	_ =	sdelay $0x1  }
0x5c: {  	v3 =	vperm.xlane v3, v2;
	v4 =	vadd.s32 v1, v4;
	_ =	sdelay $0x1  }
0x5d: {  	v3 =	vadd.s32 v1, v3;
	_ =	sdelay $0x1  }
0x5e: {  	s4 =	rddreg [dreg:$0xd]  }
0x5f: {  	[tilespmem:s4], [sflag:$0x1] =	stream.indirect_vreg.gather [hbm4b:s2+s3], $0x80, v4, vm0, $0xb8;
	[tilespmem:$0x10800] =	vst v63  }
0x60: {  	s5 =	rddreg [dreg:$0xe]  }
0x61: {  	[tilespmem:s5], [sflag:$0x1] =	stream.indirect_vreg.gather [hbm4b:s2+s3], $0x80, v3, vm0, $0xb8;
	[tilespmem:$0x10800] =	vst v63  }
0x62: {  	v3 =	vld [tilespmem:s0+$0xFFFFFFE0];
	_ =	sdelay $0x4  }
0x63: {  	v54 =	vshll.u32 v3, $0x1  }
0x64: {  	v3 =	vand.u32 $0x7, v3;
	v4 =	vand.u32 $0xFFFFFFF0, v54  }
0x65: {  	v3 =	vor.u32 v3, v4  }
0x66: {  	v4 =	vperm.xlane v3, v0;
	_ =	sdelay $0x1  }
0x67: {  	v3 =	vperm.xlane v3, v2;
	v4 =	vadd.s32 v1, v4;
	_ =	sdelay $0x1  }
0x68: {  	v3 =	vadd.s32 v1, v3;
	_ =	sdelay $0x1  }
0x69: {  	s4 =	rddreg [dreg:$0xf]  }
0x6a: {  	[tilespmem:s4], [sflag:$0x1] =	stream.indirect_vreg.gather [hbm4b:s2+s3], $0x80, v4, vm0, $0xb8;
	[tilespmem:$0x10800] =	vst v63  }
0x6b: {  	s5 =	rddreg [dreg:$0x10]  }
0x6c: {  	[tilespmem:s5], [sflag:$0x1] =	stream.indirect_vreg.gather [hbm4b:s2+s3], $0x80, v3, vm0, $0xb8;
	[tilespmem:$0x10800] =	vst v63  }
0x6d: {  	v3 =	vld [tilespmem:s0+$0xFFFFFFF0];
	_ =	sdelay $0x4  }
0x6e: {  	v55 =	vshll.u32 v3, $0x1  }
0x6f: {  	v3 =	vand.u32 $0x7, v3;
	v4 =	vand.u32 $0xFFFFFFF0, v55  }
0x70: {  	v3 =	vor.u32 v3, v4  }
0x71: {  	v4 =	vperm.xlane v3, v0;
	_ =	sdelay $0x1  }
0x72: {  	v3 =	vperm.xlane v3, v2;
	v4 =	vadd.s32 v1, v4;
	_ =	sdelay $0x1  }
0x73: {  	v3 =	vadd.s32 v1, v3;
	_ =	sdelay $0x2  }
0x74: {  	[tilespmem:s8], [sflag:$0x1] =	stream.indirect_vreg.gather [hbm4b:s2+s3], $0x80, v4, vm0, $0xb8;
	[tilespmem:$0x10800] =	vst v63  }
0x75: {  	_ = 	snop  }
0x76: {  	[tilespmem:s9], [sflag:$0x1] =	stream.indirect_vreg.gather [hbm4b:s2+s3], $0x80, v3, vm0, $0xb8;
	[tilespmem:$0x10800] =	vst v63  }
0x77: {  	v3 =	vld [tilespmem:s0+$0x0];
	_ =	sdelay $0x4  }
0x78: {  	v56 =	vshll.u32 v3, $0x1  }
0x79: {  	v3 =	vand.u32 $0x7, v3;
	v4 =	vand.u32 $0xFFFFFFF0, v56  }
0x7a: {  	v3 =	vor.u32 v3, v4  }
0x7b: {  	v4 =	vperm.xlane v3, v0;
	_ =	sdelay $0x1  }
0x7c: {  	v3 =	vperm.xlane v3, v2;
	v4 =	vadd.s32 v1, v4;
	_ =	sdelay $0x1  }
0x7d: {  	v3 =	vadd.s32 v1, v3;
	_ =	sdelay $0x2  }
0x7e: {  	[tilespmem:s10], [sflag:$0x2] =	stream.indirect_vreg.gather [hbm4b:s2+s3], $0x80, v4, vm0, $0xb8;
	[tilespmem:$0x10800] =	vst v63  }
0x7f: {  	_ = 	snop  }
0x80: {  	[tilespmem:s11], [sflag:$0x2] =	stream.indirect_vreg.gather [hbm4b:s2+s3], $0x80, v3, vm0, $0xb8;
	[tilespmem:$0x10800] =	vst v63  }
0x81: {  	v3 =	vld [tilespmem:s0+$0x10];
	_ =	sdelay $0x4  }
0x82: {  	v57 =	vshll.u32 v3, $0x1  }
0x83: {  	v3 =	vand.u32 $0x7, v3;
	v4 =	vand.u32 $0xFFFFFFF0, v57  }
0x84: {  	v3 =	vor.u32 v3, v4  }
0x85: {  	v4 =	vperm.xlane v3, v0;
	_ =	sdelay $0x1  }
0x86: {  	v3 =	vperm.xlane v3, v2;
	v4 =	vadd.s32 v1, v4;
	_ =	sdelay $0x1  }
0x87: {  	v3 =	vadd.s32 v1, v3;
	_ =	sdelay $0x2  }
0x88: {  	[tilespmem:s12], [sflag:$0x2] =	stream.indirect_vreg.gather [hbm4b:s2+s3], $0x80, v4, vm0, $0xb8;
	[tilespmem:$0x10800] =	vst v63  }
0x89: {  	_ = 	snop  }
0x8a: {  	[tilespmem:s13], [sflag:$0x2] =	stream.indirect_vreg.gather [hbm4b:s2+s3], $0x80, v3, vm0, $0xb8;
	[tilespmem:$0x10800] =	vst v63  }
0x8b: {  	v3 =	vld [tilespmem:s0+$0x20];
	_ =	sdelay $0x4  }
0x8c: {  	v58 =	vshll.u32 v3, $0x1  }
0x8d: {  	v3 =	vand.u32 $0x7, v3;
	v4 =	vand.u32 $0xFFFFFFF0, v58  }
0x8e: {  	v3 =	vor.u32 v3, v4  }
0x8f: {  	v4 =	vperm.xlane v3, v0;
	_ =	sdelay $0x1  }
0x90: {  	v3 =	vperm.xlane v3, v2;
	v4 =	vadd.s32 v1, v4;
	_ =	sdelay $0x1  }
0x91: {  	v3 =	vadd.s32 v1, v3;
	_ =	sdelay $0x2  }
0x92: {  	[tilespmem:s14], [sflag:$0x2] =	stream.indirect_vreg.gather [hbm4b:s2+s3], $0x80, v4, vm0, $0xb8;
	[tilespmem:$0x10800] =	vst v63  }
0x93: {  	_ = 	snop  }
0x94: {  	[tilespmem:s15], [sflag:$0x2] =	stream.indirect_vreg.gather [hbm4b:s2+s3], $0x80, v3, vm0, $0xb8;
	[tilespmem:$0x10800] =	vst v63  }
0x95: {  	v3 =	vld [tilespmem:s0+$0x30];
	_ =	sdelay $0x4  }
0x96: {  	v59 =	vshll.u32 v3, $0x1  }
0x97: {  	v3 =	vand.u32 $0x7, v3;
	v4 =	vand.u32 $0xFFFFFFF0, v59  }
0x98: {  	v3 =	vor.u32 v3, v4  }
0x99: {  	v4 =	vperm.xlane v3, v0;
	_ =	sdelay $0x1  }
0x9a: {  	v3 =	vperm.xlane v3, v2;
	v4 =	vadd.s32 v1, v4;
	_ =	sdelay $0x1  }
0x9b: {  	v3 =	vadd.s32 v1, v3;
	_ =	sdelay $0x2  }
0x9c: {  	[tilespmem:s16], [sflag:$0x2] =	stream.indirect_vreg.gather [hbm4b:s2+s3], $0x80, v4, vm0, $0xb8;
	[tilespmem:$0x10800] =	vst v63  }
0x9d: {  	_ = 	snop  }
0x9e: {  	[tilespmem:s17], [sflag:$0x2] =	stream.indirect_vreg.gather [hbm4b:s2+s3], $0x80, v3, vm0, $0xb8;
	[tilespmem:$0x10800] =	vst v63  }
0x9f: {  	v3 =	vld [tilespmem:s0+$0x40];
	_ =	sdelay $0x4  }
0xa0: {  	v60 =	vshll.u32 v3, $0x1  }
0xa1: {  	v3 =	vand.u32 $0x7, v3;
	v4 =	vand.u32 $0xFFFFFFF0, v60  }
0xa2: {  	v3 =	vor.u32 v3, v4  }
0xa3: {  	v4 =	vperm.xlane v3, v0;
	_ =	sdelay $0x1  }
0xa4: {  	v3 =	vperm.xlane v3, v2;
	v4 =	vadd.s32 v1, v4;
	_ =	sdelay $0x1  }
0xa5: {  	v3 =	vadd.s32 v1, v3;
	_ =	sdelay $0x2  }
0xa6: {  	[tilespmem:s18], [sflag:$0x2] =	stream.indirect_vreg.gather [hbm4b:s2+s3], $0x80, v4, vm0, $0xb8;
	[tilespmem:$0x10800] =	vst v63  }
0xa7: {  	_ = 	snop  }
0xa8: {  	[tilespmem:s19], [sflag:$0x2] =	stream.indirect_vreg.gather [hbm4b:s2+s3], $0x80, v3, vm0, $0xb8;
	[tilespmem:$0x10800] =	vst v63  }
0xa9: {  	v3 =	vld [tilespmem:s0+$0x50];
	_ =	sdelay $0x4  }
0xaa: {  	v61 =	vshll.u32 v3, $0x1  }
0xab: {  	v3 =	vand.u32 $0x7, v3;
	v4 =	vand.u32 $0xFFFFFFF0, v61  }
0xac: {  	v3 =	vor.u32 v3, v4  }
0xad: {  	v4 =	vperm.xlane v3, v0;
	_ =	sdelay $0x1  }
0xae: {  	v3 =	vperm.xlane v3, v2;
	v4 =	vadd.s32 v1, v4;
	_ =	sdelay $0x1  }
0xaf: {  	v3 =	vadd.s32 v1, v3;
	_ =	sdelay $0x2  }
0xb0: {  	[tilespmem:s20], [sflag:$0x2] =	stream.indirect_vreg.gather [hbm4b:s2+s3], $0x80, v4, vm0, $0xb8;
	[tilespmem:$0x10800] =	vst v63  }
0xb1: {  	_ = 	snop  }
0xb2: {  	[tilespmem:s21], [sflag:$0x2] =	stream.indirect_vreg.gather [hbm4b:s2+s3], $0x80, v3, vm0, $0xb8;
	[tilespmem:$0x10800] =	vst v63  }
0xb3: {  	v3 =	vld [tilespmem:s0+$0x60];
	_ =	sdelay $0x4  }
0xb4: {  	v62 =	vshll.u32 v3, $0x1  }
0xb5: {  	v3 =	vand.u32 $0x7, v3;
	v4 =	vand.u32 $0xFFFFFFF0, v62  }
0xb6: {  	v3 =	vor.u32 v3, v4  }
0xb7: {  	v4 =	vperm.xlane v3, v0;
	_ =	sdelay $0x1  }
0xb8: {  	v3 =	vperm.xlane v3, v2;
	v4 =	vadd.s32 v1, v4;
	_ =	sdelay $0x1  }
0xb9: {  	v3 =	vadd.s32 v1, v3;
	_ =	sdelay $0x2  }
0xba: {  	[tilespmem:s22], [sflag:$0x2] =	stream.indirect_vreg.gather [hbm4b:s2+s3], $0x80, v4, vm0, $0xb8;
	[tilespmem:$0x10800] =	vst v63  }
0xbb: {  	_ = 	snop  }
0xbc: {  	[tilespmem:s23], [sflag:$0x2] =	stream.indirect_vreg.gather [hbm4b:s2+s3], $0x80, v3, vm0, $0xb8;
	[tilespmem:$0x10800] =	vst v63  }
0xbd: {  	v3 =	vld [tilespmem:s0+$0x70];
	_ =	sdelay $0x4  }
0xbe: {  	v63 =	vshll.u32 v3, $0x1  }
0xbf: {  	v3 =	vand.u32 $0x7, v3;
	v4 =	vand.u32 $0xFFFFFFF0, v63  }
0xc0: {  	v3 =	vor.u32 v3, v4  }
0xc1: {  	v4 =	vperm.xlane v3, v0;
	_ =	sdelay $0x1  }
0xc2: {  	v3 =	vperm.xlane v3, v2;
	v4 =	vadd.s32 v1, v4;
	_ =	sdelay $0x1  }
0xc3: {  	v3 =	vadd.s32 v1, v3;
	_ =	sdelay $0x2  }
0xc4: {  	[tilespmem:s24], [sflag:$0x2] =	stream.indirect_vreg.gather [hbm4b:s2+s3], $0x80, v4, vm0, $0xb8;
	[tilespmem:$0x10800] =	vst v63  }
0xc5: {  	_ = 	snop  }
0xc6: {  	[tilespmem:s25], [sflag:$0x2] =	stream.indirect_vreg.gather [hbm4b:s2+s3], $0x80, v3, vm0, $0xb8;
	[tilespmem:$0x10800] =	vst v63  }
0xc7: {  	_ =	swait.ge [sflag:s26], $0x8000  }
0xc8: {  	s5 =	rddreg [dreg:$0x3];
	[sflag:s26] =	ssyncset.done $0x0  }
0xc9: {  	[sflag:s26] =	ssyncadd.s32 $0xFFFF8000;
	s4 =	sadd.s32 s1, s5  }
0xca: {  	[hbm4b:s4+s3] =	stream.linear.scatter [tilespmem:s7], [sflag:$0x3], $0x8000, $0x38;
	[tilespmem:$0x10800] =	vst v63  }
0xcb: {  	_ =	swait.ge [sflag:s28], $0x8000  }
0xcc: {  	[sflag:s28] =	ssyncset.done $0x0  }
0xcd: {  	s4 =	sadd.s32 $0x1000, s4;
	[sflag:s28] =	ssyncadd.s32 $0xFFFF8000  }
0xce: {  	[hbm4b:s4+s3] =	stream.linear.scatter [tilespmem:s10], [sflag:$0x4], $0x8000, $0x38;
	[tilespmem:$0x10800] =	vst v63  }
0xcf: {  	p0 =	sne.s32 s1, $0xE000;
	_ =	swait.ge [sflag:s29], $0x8000  }
.Ltmp0:
0xd0: {  	[sflag:s29] =	ssyncset.done $0x0;
	(pc) =	sbr.rel @p0 .LBB2_2-.Ltmp0, $4  }
0xd1: {  	[sflag:s29] =	ssyncadd.s32 $0xFFFF8000  }
0xd2: {  	_ =	swait.ge [sflag:s30], $0x8000  }
0xd3: {  	[sflag:s30] =	ssyncset.done $0x0  }
0xd4: {  	s0 =	sadd.s32 $0x100, s0;
	s1 =	sadd.s32 $0x2000, s1;
	[sflag:s30] =	ssyncadd.s32 $0xFFFF8000  }
0xd5: {  	s31 =	sadd.s32 $0x1, s31;
	s0 =	rddreg [dreg:$0x12]  }
0xd6: {  	p0 =	sne.s32 s31, s0  }
.Ltmp1:
0xd7: {  	_ = 	snop;
	(pc) =	sbr.rel @p0 .LBB2_1-.Ltmp1, $1  }
0xd8: {  	_ =	sdelay $0x3  }
0xd9: {  	_ =	sfence.sel $0x180000  }
0xda: {  	[bflag:$0x0] =	sbarrier.arrive $0xFFFF  }
0xdb: {  	_ =	strace $0x90000056  }
0xdc: {  	s0 =	stileid.u32;
	[bflag:$0x2] =	sbarrier.arrive $0xFFFF  }
0xdd: {  	p0 =	sne.s32 s0, $0x0;
	s0 =	rddreg [dreg:$0x2]  }
0xde: {  	s0 =	sadd.s32 @!p0 $0x100000, s0  }
0xdf: {  	[sflag:s0] =	ssyncadd.tile.s32 @!p0 $0x1;
	_ =	shalt  }
.Lfunc_end2:
_tile_overlayer_lowered:
.L_overlay_start_2:
0xe0: {  	(tag) =	ssettag $0x2  }
0xe1: {  	s0 =	rddreg [dreg:$0x0];
	s2 =	stileid.u32  }
0xe2: {  	s1 =	rddreg [dreg:$0x1];
	p0 =	sne.s32 s2, $0x0  }
0xe3: {  	s3 =	rddreg [dreg:$0x2];
	[bflag:$0x3] =	sbarrier.arrive $0xFFFF;
	s2 =	simm.s32 @!p0 $0x1C05  }
0xe4: {  	[timem:s3], [sflag:s2] =	dma.local @!p0 [hbm:s0], s1  }
0xe5: {  	s0 =	simm.s32 @!p0 $0x5  }
0xe6: {  	_ =	swait.ge @!p0 [sflag:s0], s1  }
0xe7: {  	s1 =	ssub.s32 @!p0 $0x0, s1;
	[sflag:s0] =	ssyncset.done @!p0 $0x0  }
0xe8: {  	[sflag:s0] =	ssyncadd.s32 @!p0 s1  }
0xe9: {  	[bflag:$0x3] =	sbarrier.arrive $0xFFFF  }
0xea: {  	_ =	shalt  }

</sc_bundles>
